<compile_context>
chip_gen: v7x
topology: tpu7x:2x2x1
jax: 0.10.2.dev20260603
libtpu: 0.0.44.dev20260713+nightly
codegen_flags: <defaults>
</compile_context>

<pallas_src>
import functools

import jax
import jax.numpy as jnp
from jax import lax
from jax.experimental import pallas as pl
from jax.experimental.pallas import tpu as pltpu
from jax.experimental.pallas import tpu_sc as plsc

D_TOKEN = 16
NCOLS = 26
BATCH = 16384
NBLK = BATCH // 128
UNITS = NCOLS * NBLK
NUM_CORES = 2
NUM_SUBCORES = 16
NW = NUM_CORES * NUM_SUBCORES
UNITS_W = UNITS // NW

VROWS = 2600000
LIN_ROWS = VROWS // 8
CH_LANES = 512
N_CHUNKS = VROWS // CH_LANES
TAIL = VROWS - N_CHUNKS * CH_LANES
CPW = -(-N_CHUNKS // NW)
NBUF = 4


def _make_retile():
    mesh = plsc.VectorSubcoreMesh(core_axis_name="c", subcore_axis_name="s")

    @functools.partial(
        pl.kernel,
        mesh=mesh,
        compiler_params=pltpu.CompilerParams(needs_layout_passes=False),
        out_type=jax.ShapeDtypeStruct((LIN_ROWS, 128), jnp.float32),
        scratch_types=(
            [pltpu.VMEM((D_TOKEN, CH_LANES), jnp.float32) for _ in range(NBUF)]
            + [pltpu.VMEM((CH_LANES // 8, 128), jnp.float32) for _ in range(NBUF)]
            + [
                pltpu.SemaphoreType.DMA,
                pltpu.SemaphoreType.DMA,
            ]
        ),
    )
    def retile(tt_hbm, tail_hbm, out_hbm, *bufs):
        slabs = bufs[:NBUF]
        trs = bufs[NBUF:2 * NBUF]
        sem_r, sem_w = bufs[2 * NBUF], bufs[2 * NBUF + 1]
        wid = lax.axis_index("s") * NUM_CORES + lax.axis_index("c")
        iota = lax.iota(jnp.int32, 16)

        def read_start(ch, p):
            base = ch * CH_LANES
            pltpu.async_copy(
                tt_hbm.at[pl.ds(0, 8), pl.ds(base, CH_LANES)],
                slabs[p].at[pl.ds(0, 8)], sem_r,
            )
            pltpu.async_copy(
                tt_hbm.at[pl.ds(8, 8), pl.ds(base, CH_LANES)],
                slabs[p].at[pl.ds(8, 8)], sem_r,
            )

        for q in range(NBUF - 1):

            @pl.when(wid + q * NW < N_CHUNKS)
            def _():
                read_start(wid + q * NW, q)

        c01 = lax.shift_right_logical(iota, 3)
        i7_16 = lax.bitwise_and(iota, 7) * 16

        def chunk_body(m, carry):
            ch = wid + m * NW
            for p in range(NBUF):

                @pl.when((lax.rem(m, NBUF) == p) & (ch < N_CHUNKS))
                def _():
                    slab = slabs[p]
                    tr = trs[p]

                    nxt = ch + (NBUF - 1) * NW

                    @pl.when(nxt < N_CHUNKS)
                    def _():
                        read_start(nxt, (p + NBUF - 1) % NBUF)

                    pltpu.make_async_copy(
                        tt_hbm.at[pl.ds(0, 8), pl.ds(0, CH_LANES)],
                        slab.at[pl.ds(0, 8)], sem_r,
                    ).wait()
                    pltpu.make_async_copy(
                        tt_hbm.at[pl.ds(0, 8), pl.ds(0, CH_LANES)],
                        slab.at[pl.ds(8, 8)], sem_r,
                    ).wait()

                    @pl.when(m >= NBUF)
                    def _():
                        pltpu.make_async_copy(
                            out_hbm.at[pl.ds(0, CH_LANES // 8)], tr, sem_w
                        ).wait()

                    def grp_body(k, c2):
                        idx0 = jnp.full((16,), 0, jnp.int32) + 2 * k + c01
                        for dm in range(D_TOKEN):
                            vals = slab[dm, pl.ds(k * 16, 16)]
                            plsc.store_scatter(tr, [idx0, i7_16 + dm], vals)
                        return c2

                    lax.fori_loop(0, CH_LANES // 16, grp_body, 0)

                    pltpu.async_copy(
                        tr, out_hbm.at[pl.ds(ch * (CH_LANES // 8), CH_LANES // 8)],
                        sem_w,
                    )

            return carry

        lax.fori_loop(0, CPW, chunk_body, 0)

        for p in range(NBUF):
            pltpu.make_async_copy(
                out_hbm.at[pl.ds(0, CH_LANES // 8)], trs[p], sem_w
            ).wait()

        @pl.when(wid == 0)
        def _():
            pltpu.sync_copy(tail_hbm, trs[0].at[pl.ds(0, TAIL // 8)])
            pltpu.sync_copy(
                trs[0].at[pl.ds(0, TAIL // 8)],
                out_hbm.at[pl.ds(N_CHUNKS * (CH_LANES // 8), TAIL // 8)],
            )

    return retile


def _make_sc_gather():
    mesh = plsc.VectorSubcoreMesh(core_axis_name="c", subcore_axis_name="s")

    @functools.partial(
        pl.kernel,
        mesh=mesh,
        compiler_params=pltpu.CompilerParams(needs_layout_passes=False),
        out_type=jax.ShapeDtypeStruct((NCOLS, 2, NBLK, 8, 128), jnp.float32),
        scratch_types=[
            pltpu.VMEM((UNITS_W, 128), jnp.int32),
            pltpu.VMEM((UNITS_W, 128), jnp.int32),
            pltpu.VMEM((32,), jnp.int32),
            pltpu.VMEM((128, 128), jnp.float32),
            pltpu.VMEM((128, 128), jnp.float32),
            pltpu.VMEM((D_TOKEN, 128), jnp.float32),
            pltpu.VMEM((D_TOKEN, 128), jnp.float32),
            pltpu.SemaphoreType.DMA,
            pltpu.SemaphoreType.DMA,
        ],
    )
    def sc_gather(
        x_hbm, offs_hbm, tlin_hbm, out_hbm,
        gidx_v, sub_v, offs_v, grp0, grp1, tr0, tr1, sem_g, sem_o,
    ):
        wid = lax.axis_index("s") * NUM_CORES + lax.axis_index("c")
        ubase = wid * UNITS_W

        pltpu.sync_copy(x_hbm.at[pl.ds(ubase, UNITS_W)], gidx_v)
        pltpu.sync_copy(offs_hbm, offs_v)

        def add_body(j, carry):
            col = lax.div(ubase + j, NBLK)
            off16 = plsc.load_gather(offs_v, [jnp.full((16,), 0, jnp.int32) + col])
            for k in range(128 // 16):
                sl = pl.ds(k * 16, 16)
                idx = gidx_v[j, sl] + off16
                gidx_v[j, sl] = lax.shift_right_logical(idx, 3)
                sub_v[j, sl] = lax.bitwise_and(idx, 7) * 16
            return carry

        lax.fori_loop(0, UNITS_W, add_body, 0)

        grp_bufs = (grp0, grp1)
        tr_bufs = (tr0, tr1)
        iota = lax.iota(jnp.int32, 16)

        def gather_start(j, p):
            pltpu.async_copy(tlin_hbm.at[gidx_v.at[j]], grp_bufs[p], sem_g)

        gather_start(0, 0)

        def unit_body(j, carry):
            u = ubase + j
            col = lax.div(u, NBLK)
            blk = lax.rem(u, NBLK)
            for p in range(2):

                @pl.when(lax.rem(j, 2) == p)
                def _():
                    grp_v = grp_bufs[p]
                    tr_v = tr_bufs[p]

                    @pl.when(j + 1 < UNITS_W)
                    def _():
                        gather_start(j + 1, 1 - p)

                    pltpu.make_async_copy(
                        tlin_hbm.at[pl.ds(0, 128)], grp_v, sem_g
                    ).wait()

                    for k in range(8):
                        sl = pl.ds(k * 16, 16)
                        sub16 = sub_v[j, sl]
                        rows16 = iota + k * 16
                        for dm in range(D_TOKEN):
                            vals = plsc.load_gather(
                                grp_v, [rows16, sub16 + dm]
                            )
                            tr_v[dm, sl] = vals

                    @pl.when(j >= 2)
                    def _():
                        pltpu.make_async_copy(
                            x_hbm.at[pl.ds(0, 16)], tr_v, sem_o
                        ).wait()

                    pltpu.async_copy(
                        tr_v.at[pl.ds(0, 8)], out_hbm.at[col, 0, blk], sem_o
                    )
                    pltpu.async_copy(
                        tr_v.at[pl.ds(8, 8)], out_hbm.at[col, 1, blk], sem_o
                    )

            return carry

        lax.fori_loop(0, UNITS_W, unit_body, 0)

        for p in range(2):
            pltpu.make_async_copy(x_hbm.at[pl.ds(0, 16)], tr_bufs[p], sem_o).wait()

    return sc_gather


_retile = _make_retile()
_sc_gather = _make_sc_gather()


@jax.jit
def kernel(x_cat, table, category_offsets):
    B, C = x_cat.shape
    tail2d = table[VROWS - TAIL:].reshape(TAIL // 8, 128)
    tlin = _retile(table.T, tail2d)
    xt2d = x_cat.T.reshape(UNITS, 128)
    offs_pad = jnp.pad(category_offsets, (0, 32 - NCOLS))
    out5 = _sc_gather(xt2d, offs_pad, tlin)
    return out5.transpose(2, 4, 0, 1, 3).reshape(B, C, D_TOKEN)

# --- scband reference (transcript-rebuilt; emitter-appended) ---
"""Pipeline reference for scband-simple-tokenizer-79070347919772 (READ-ONLY COPY).

The authoritative reference and input builder live on the scoring server;
editing this copy changes nothing except your own understanding.
"""

import jax, jax.numpy as jnp
import numpy as np

CATEGORIES = [100000] * 26
D_TOKEN = 16
BATCH = 16384


def setup_inputs(seed: int = 0) -> dict:
    key = jax.random.key(seed)
    k1, k2 = jax.random.split(key)
    x_cat = jax.random.randint(k1, (BATCH, len(CATEGORIES)), 0, 100000, dtype=jnp.int32)
    table = jax.random.normal(k2, (sum(CATEGORIES), D_TOKEN), dtype=jnp.float32)
    category_offsets = jnp.cumsum(jnp.array([0] + CATEGORIES[:-1], dtype=jnp.int32))
    return {"x_cat": x_cat, "table": table, "category_offsets": category_offsets}


def reference(x_cat, table, category_offsets):
    B, D = x_cat.shape
    idx = x_cat + category_offsets[None, :D]
    x = jnp.take(table, idx, axis=0)
    return x

if __name__ == "__main__":
    import jax
    _d = setup_inputs()
    print(jax.jit(kernel)(*tuple(_d.values())))

</pallas_src>

<mosaic_0001>
#map = affine_map<(d0, d1) -> (0, 0)>
module attributes {stable_mosaic.version = 14 : i64} {
  func.func @retile(%arg0: i32, %arg1: i32, %arg2: memref<16x2600000xf32, #tpu.memory_space<hbm>>, %arg3: memref<8x128xf32, #tpu.memory_space<hbm>>, %arg4: memref<325000x128xf32, #tpu.memory_space<hbm>>, %arg5: memref<16x512xf32, #tpu.memory_space<vmem>>, %arg6: memref<16x512xf32, #tpu.memory_space<vmem>>, %arg7: memref<16x512xf32, #tpu.memory_space<vmem>>, %arg8: memref<16x512xf32, #tpu.memory_space<vmem>>, %arg9: memref<64x128xf32, #tpu.memory_space<vmem>>, %arg10: memref<64x128xf32, #tpu.memory_space<vmem>>, %arg11: memref<64x128xf32, #tpu.memory_space<vmem>>, %arg12: memref<64x128xf32, #tpu.memory_space<vmem>>, %arg13: memref<!tpu.dma_semaphore, #tpu.memory_space<semaphore_mem>>, %arg14: memref<!tpu.dma_semaphore, #tpu.memory_space<semaphore_mem>>) attributes {dimension_semantics = [#tpu.dimension_semantics<core_parallel>, #tpu.dimension_semantics<subcore_parallel>], iteration_bounds = array<i64: 2, 16>, scalar_prefetch = 0 : i64, scratch_operands = 10 : i64, tpu.core_type = #tpu.core_type<sc_vector_subcore>, window_params = [{transform_indices = #map}, {transform_indices = #map}, {transform_indices = #map}]} {
    %mul3A = arith.constant 2 : i32
    %mul3A_0 = arith.muli %arg1, %mul3A : i32
    %add3A = arith.addi %mul3A_0, %arg0 : i32
    %iota3A = tpu.iota {dimensions = array<i32: 0>} : vector<16xi32>
    %add3A_1 = arith.constant 0 : i32
    %add3A_2 = arith.addi %add3A, %add3A_1 : i32
    %lt3A = arith.constant 5078 : i32
    %lt3A_3 = arith.cmpi slt, %add3A_2, %lt3A : i32
    %convert_element_type3A = arith.extui %lt3A_3 : i1 to i32
    %cond3A = arith.constant 0 : i32
    %cond3A_4 = arith.cmpi ne, %convert_element_type3A, %cond3A : i32
    scf.if %cond3A_4 {
      %add3A_58 = arith.constant 0 : i32
      %add3A_59 = arith.addi %add3A, %add3A_58 : i32
      %mul3A_60 = arith.constant 512 : i32
      %mul3A_61 = arith.muli %add3A_59, %mul3A_60 : i32
      %dma_start3A = arith.constant 0 : i32
      %dma_start3A_62 = arith.constant 0 : i32
      %dma_start3A_63 = tpu.memref_slice %arg5[%dma_start3A, %dma_start3A_62] : memref<16x512xf32, #tpu.memory_space<vmem>> -> memref<8x512xf32, #tpu.memory_space<vmem>>
      %dma_start3A_64 = arith.constant 0 : i32
      %dma_start3A_65 = tpu.memref_slice %arg2[%dma_start3A_64, %mul3A_61] : memref<16x2600000xf32, #tpu.memory_space<hbm>> -> memref<8x512xf32, #tpu.memory_space<hbm>>
      %dma_start3A_66 = arith.constant 0 : i32
      %dma_start3A_67 = arith.constant 0 : i32
      %dma_start3A_68 = tpu.memref_slice %arg5[%dma_start3A_66, %dma_start3A_67] : memref<16x512xf32, #tpu.memory_space<vmem>> -> memref<8x512xf32, #tpu.memory_space<vmem>>
      %dma_start3A_69 = arith.constant 0 : i32
      %dma_start3A_70 = tpu.memref_slice %arg2[%dma_start3A_69, %mul3A_61] : memref<16x2600000xf32, #tpu.memory_space<hbm>> -> memref<8x512xf32, #tpu.memory_space<hbm>>
      tpu.enqueue_dma source(%dma_start3A_70 : memref<8x512xf32, #tpu.memory_space<hbm>>) target(%dma_start3A_68 : memref<8x512xf32, #tpu.memory_space<vmem>>) target_semaphore(%arg13 : memref<!tpu.dma_semaphore, #tpu.memory_space<semaphore_mem>>)
      %dma_start3A_71 = arith.constant 8 : i32
      %dma_start3A_72 = arith.constant 0 : i32
      %dma_start3A_73 = tpu.memref_slice %arg5[%dma_start3A_71, %dma_start3A_72] : memref<16x512xf32, #tpu.memory_space<vmem>> -> memref<8x512xf32, #tpu.memory_space<vmem>>
      %dma_start3A_74 = arith.constant 8 : i32
      %dma_start3A_75 = tpu.memref_slice %arg2[%dma_start3A_74, %mul3A_61] : memref<16x2600000xf32, #tpu.memory_space<hbm>> -> memref<8x512xf32, #tpu.memory_space<hbm>>
      %dma_start3A_76 = arith.constant 8 : i32
      %dma_start3A_77 = arith.constant 0 : i32
      %dma_start3A_78 = tpu.memref_slice %arg5[%dma_start3A_76, %dma_start3A_77] : memref<16x512xf32, #tpu.memory_space<vmem>> -> memref<8x512xf32, #tpu.memory_space<vmem>>
      %dma_start3A_79 = arith.constant 8 : i32
      %dma_start3A_80 = tpu.memref_slice %arg2[%dma_start3A_79, %mul3A_61] : memref<16x2600000xf32, #tpu.memory_space<hbm>> -> memref<8x512xf32, #tpu.memory_space<hbm>>
      tpu.enqueue_dma source(%dma_start3A_80 : memref<8x512xf32, #tpu.memory_space<hbm>>) target(%dma_start3A_78 : memref<8x512xf32, #tpu.memory_space<vmem>>) target_semaphore(%arg13 : memref<!tpu.dma_semaphore, #tpu.memory_space<semaphore_mem>>)
    } else {
    }
    %add3A_5 = arith.constant 32 : i32
    %add3A_6 = arith.addi %add3A, %add3A_5 : i32
    %lt3A_7 = arith.constant 5078 : i32
    %lt3A_8 = arith.cmpi slt, %add3A_6, %lt3A_7 : i32
    %convert_element_type3A_9 = arith.extui %lt3A_8 : i1 to i32
    %cond3A_10 = arith.constant 0 : i32
    %cond3A_11 = arith.cmpi ne, %convert_element_type3A_9, %cond3A_10 : i32
    scf.if %cond3A_11 {
      %add3A_58 = arith.constant 32 : i32
      %add3A_59 = arith.addi %add3A, %add3A_58 : i32
      %mul3A_60 = arith.constant 512 : i32
      %mul3A_61 = arith.muli %add3A_59, %mul3A_60 : i32
      %dma_start3A = arith.constant 0 : i32
      %dma_start3A_62 = arith.constant 0 : i32
      %dma_start3A_63 = tpu.memref_slice %arg6[%dma_start3A, %dma_start3A_62] : memref<16x512xf32, #tpu.memory_space<vmem>> -> memref<8x512xf32, #tpu.memory_space<vmem>>
      %dma_start3A_64 = arith.constant 0 : i32
      %dma_start3A_65 = tpu.memref_slice %arg2[%dma_start3A_64, %mul3A_61] : memref<16x2600000xf32, #tpu.memory_space<hbm>> -> memref<8x512xf32, #tpu.memory_space<hbm>>
      %dma_start3A_66 = arith.constant 0 : i32
      %dma_start3A_67 = arith.constant 0 : i32
      %dma_start3A_68 = tpu.memref_slice %arg6[%dma_start3A_66, %dma_start3A_67] : memref<16x512xf32, #tpu.memory_space<vmem>> -> memref<8x512xf32, #tpu.memory_space<vmem>>
      %dma_start3A_69 = arith.constant 0 : i32
      %dma_start3A_70 = tpu.memref_slice %arg2[%dma_start3A_69, %mul3A_61] : memref<16x2600000xf32, #tpu.memory_space<hbm>> -> memref<8x512xf32, #tpu.memory_space<hbm>>
      tpu.enqueue_dma source(%dma_start3A_70 : memref<8x512xf32, #tpu.memory_space<hbm>>) target(%dma_start3A_68 : memref<8x512xf32, #tpu.memory_space<vmem>>) target_semaphore(%arg13 : memref<!tpu.dma_semaphore, #tpu.memory_space<semaphore_mem>>)
      %dma_start3A_71 = arith.constant 8 : i32
      %dma_start3A_72 = arith.constant 0 : i32
      %dma_start3A_73 = tpu.memref_slice %arg6[%dma_start3A_71, %dma_start3A_72] : memref<16x512xf32, #tpu.memory_space<vmem>> -> memref<8x512xf32, #tpu.memory_space<vmem>>
      %dma_start3A_74 = arith.constant 8 : i32
      %dma_start3A_75 = tpu.memref_slice %arg2[%dma_start3A_74, %mul3A_61] : memref<16x2600000xf32, #tpu.memory_space<hbm>> -> memref<8x512xf32, #tpu.memory_space<hbm>>
      %dma_start3A_76 = arith.constant 8 : i32
      %dma_start3A_77 = arith.constant 0 : i32
      %dma_start3A_78 = tpu.memref_slice %arg6[%dma_start3A_76, %dma_start3A_77] : memref<16x512xf32, #tpu.memory_space<vmem>> -> memref<8x512xf32, #tpu.memory_space<vmem>>
      %dma_start3A_79 = arith.constant 8 : i32
      %dma_start3A_80 = tpu.memref_slice %arg2[%dma_start3A_79, %mul3A_61] : memref<16x2600000xf32, #tpu.memory_space<hbm>> -> memref<8x512xf32, #tpu.memory_space<hbm>>
      tpu.enqueue_dma source(%dma_start3A_80 : memref<8x512xf32, #tpu.memory_space<hbm>>) target(%dma_start3A_78 : memref<8x512xf32, #tpu.memory_space<vmem>>) target_semaphore(%arg13 : memref<!tpu.dma_semaphore, #tpu.memory_space<semaphore_mem>>)
    } else {
    }
    %add3A_12 = arith.constant 64 : i32
    %add3A_13 = arith.addi %add3A, %add3A_12 : i32
    %lt3A_14 = arith.constant 5078 : i32
    %lt3A_15 = arith.cmpi slt, %add3A_13, %lt3A_14 : i32
    %convert_element_type3A_16 = arith.extui %lt3A_15 : i1 to i32
    %cond3A_17 = arith.constant 0 : i32
    %cond3A_18 = arith.cmpi ne, %convert_element_type3A_16, %cond3A_17 : i32
    scf.if %cond3A_18 {
      %add3A_58 = arith.constant 64 : i32
      %add3A_59 = arith.addi %add3A, %add3A_58 : i32
      %mul3A_60 = arith.constant 512 : i32
      %mul3A_61 = arith.muli %add3A_59, %mul3A_60 : i32
      %dma_start3A = arith.constant 0 : i32
      %dma_start3A_62 = arith.constant 0 : i32
      %dma_start3A_63 = tpu.memref_slice %arg7[%dma_start3A, %dma_start3A_62] : memref<16x512xf32, #tpu.memory_space<vmem>> -> memref<8x512xf32, #tpu.memory_space<vmem>>
      %dma_start3A_64 = arith.constant 0 : i32
      %dma_start3A_65 = tpu.memref_slice %arg2[%dma_start3A_64, %mul3A_61] : memref<16x2600000xf32, #tpu.memory_space<hbm>> -> memref<8x512xf32, #tpu.memory_space<hbm>>
      %dma_start3A_66 = arith.constant 0 : i32
      %dma_start3A_67 = arith.constant 0 : i32
      %dma_start3A_68 = tpu.memref_slice %arg7[%dma_start3A_66, %dma_start3A_67] : memref<16x512xf32, #tpu.memory_space<vmem>> -> memref<8x512xf32, #tpu.memory_space<vmem>>
      %dma_start3A_69 = arith.constant 0 : i32
      %dma_start3A_70 = tpu.memref_slice %arg2[%dma_start3A_69, %mul3A_61] : memref<16x2600000xf32, #tpu.memory_space<hbm>> -> memref<8x512xf32, #tpu.memory_space<hbm>>
      tpu.enqueue_dma source(%dma_start3A_70 : memref<8x512xf32, #tpu.memory_space<hbm>>) target(%dma_start3A_68 : memref<8x512xf32, #tpu.memory_space<vmem>>) target_semaphore(%arg13 : memref<!tpu.dma_semaphore, #tpu.memory_space<semaphore_mem>>)
      %dma_start3A_71 = arith.constant 8 : i32
      %dma_start3A_72 = arith.constant 0 : i32
      %dma_start3A_73 = tpu.memref_slice %arg7[%dma_start3A_71, %dma_start3A_72] : memref<16x512xf32, #tpu.memory_space<vmem>> -> memref<8x512xf32, #tpu.memory_space<vmem>>
      %dma_start3A_74 = arith.constant 8 : i32
      %dma_start3A_75 = tpu.memref_slice %arg2[%dma_start3A_74, %mul3A_61] : memref<16x2600000xf32, #tpu.memory_space<hbm>> -> memref<8x512xf32, #tpu.memory_space<hbm>>
      %dma_start3A_76 = arith.constant 8 : i32
      %dma_start3A_77 = arith.constant 0 : i32
      %dma_start3A_78 = tpu.memref_slice %arg7[%dma_start3A_76, %dma_start3A_77] : memref<16x512xf32, #tpu.memory_space<vmem>> -> memref<8x512xf32, #tpu.memory_space<vmem>>
      %dma_start3A_79 = arith.constant 8 : i32
      %dma_start3A_80 = tpu.memref_slice %arg2[%dma_start3A_79, %mul3A_61] : memref<16x2600000xf32, #tpu.memory_space<hbm>> -> memref<8x512xf32, #tpu.memory_space<hbm>>
      tpu.enqueue_dma source(%dma_start3A_80 : memref<8x512xf32, #tpu.memory_space<hbm>>) target(%dma_start3A_78 : memref<8x512xf32, #tpu.memory_space<vmem>>) target_semaphore(%arg13 : memref<!tpu.dma_semaphore, #tpu.memory_space<semaphore_mem>>)
    } else {
    }
    %shift_right_logical3A = arith.constant 3 : i32
    %shift_right_logical3A_19 = vector.broadcast %shift_right_logical3A : i32 to vector<16xi32>
    %shift_right_logical3A_20 = arith.shrui %iota3A, %shift_right_logical3A_19 : vector<16xi32>
    %and3A = arith.constant 7 : i32
    %and3A_21 = vector.broadcast %and3A : i32 to vector<16xi32>
    %and3A_22 = arith.andi %iota3A, %and3A_21 : vector<16xi32>
    %mul3A_23 = arith.constant 16 : i32
    %mul3A_24 = vector.broadcast %mul3A_23 : i32 to vector<16xi32>
    %mul3A_25 = arith.muli %and3A_22, %mul3A_24 : vector<16xi32>
    %scan3A = arith.constant 0 : i32
    %scan3A_26 = arith.constant 0 : i32
    %scan3A_27 = arith.constant 159 : i32
    %scan3A_28 = arith.addi %scan3A_26, %scan3A_27 : i32
    %scan3A_29 = arith.constant 1 : i32
    scf.for %scan3A_58 = %scan3A_26 to %scan3A_28 step %scan3A_29  : i32 {
      %mul3A_59 = arith.constant 32 : i32
      %mul3A_60 = arith.muli %scan3A_58, %mul3A_59 : i32
      %add3A_61 = arith.addi %add3A, %mul3A_60 : i32
      %rem3A = arith.constant 4 : i32
      %rem3A_62 = arith.remsi %scan3A_58, %rem3A : i32
      %eq3A_63 = arith.constant 0 : i32
      %eq3A_64 = arith.cmpi eq, %rem3A_62, %eq3A_63 : i32
      %lt3A_65 = arith.constant 5078 : i32
      %lt3A_66 = arith.cmpi slt, %add3A_61, %lt3A_65 : i32
      %and3A_67 = arith.andi %eq3A_64, %lt3A_66 : i1
      %convert_element_type3A_68 = arith.extui %and3A_67 : i1 to i32
      %cond3A_69 = arith.constant 0 : i32
      %cond3A_70 = arith.cmpi ne, %convert_element_type3A_68, %cond3A_69 : i32
      scf.if %cond3A_70 {
        %add3A_101 = arith.constant 96 : i32
        %add3A_102 = arith.addi %add3A_61, %add3A_101 : i32
        %lt3A_103 = arith.constant 5078 : i32
        %lt3A_104 = arith.cmpi slt, %add3A_102, %lt3A_103 : i32
        %convert_element_type3A_105 = arith.extui %lt3A_104 : i1 to i32
        %cond3A_106 = arith.constant 0 : i32
        %cond3A_107 = arith.cmpi ne, %convert_element_type3A_105, %cond3A_106 : i32
        scf.if %cond3A_107 {
          %mul3A_147 = arith.constant 512 : i32
          %mul3A_148 = arith.muli %add3A_102, %mul3A_147 : i32
          %dma_start3A_149 = arith.constant 0 : i32
          %dma_start3A_150 = arith.constant 0 : i32
          %dma_start3A_151 = tpu.memref_slice %arg8[%dma_start3A_149, %dma_start3A_150] : memref<16x512xf32, #tpu.memory_space<vmem>> -> memref<8x512xf32, #tpu.memory_space<vmem>>
          %dma_start3A_152 = arith.constant 0 : i32
          %dma_start3A_153 = tpu.memref_slice %arg2[%dma_start3A_152, %mul3A_148] : memref<16x2600000xf32, #tpu.memory_space<hbm>> -> memref<8x512xf32, #tpu.memory_space<hbm>>
          %dma_start3A_154 = arith.constant 0 : i32
          %dma_start3A_155 = arith.constant 0 : i32
          %dma_start3A_156 = tpu.memref_slice %arg8[%dma_start3A_154, %dma_start3A_155] : memref<16x512xf32, #tpu.memory_space<vmem>> -> memref<8x512xf32, #tpu.memory_space<vmem>>
          %dma_start3A_157 = arith.constant 0 : i32
          %dma_start3A_158 = tpu.memref_slice %arg2[%dma_start3A_157, %mul3A_148] : memref<16x2600000xf32, #tpu.memory_space<hbm>> -> memref<8x512xf32, #tpu.memory_space<hbm>>
          tpu.enqueue_dma source(%dma_start3A_158 : memref<8x512xf32, #tpu.memory_space<hbm>>) target(%dma_start3A_156 : memref<8x512xf32, #tpu.memory_space<vmem>>) target_semaphore(%arg13 : memref<!tpu.dma_semaphore, #tpu.memory_space<semaphore_mem>>)
          %dma_start3A_159 = arith.constant 8 : i32
          %dma_start3A_160 = arith.constant 0 : i32
          %dma_start3A_161 = tpu.memref_slice %arg8[%dma_start3A_159, %dma_start3A_160] : memref<16x512xf32, #tpu.memory_space<vmem>> -> memref<8x512xf32, #tpu.memory_space<vmem>>
          %dma_start3A_162 = arith.constant 8 : i32
          %dma_start3A_163 = tpu.memref_slice %arg2[%dma_start3A_162, %mul3A_148] : memref<16x2600000xf32, #tpu.memory_space<hbm>> -> memref<8x512xf32, #tpu.memory_space<hbm>>
          %dma_start3A_164 = arith.constant 8 : i32
          %dma_start3A_165 = arith.constant 0 : i32
          %dma_start3A_166 = tpu.memref_slice %arg8[%dma_start3A_164, %dma_start3A_165] : memref<16x512xf32, #tpu.memory_space<vmem>> -> memref<8x512xf32, #tpu.memory_space<vmem>>
          %dma_start3A_167 = arith.constant 8 : i32
          %dma_start3A_168 = tpu.memref_slice %arg2[%dma_start3A_167, %mul3A_148] : memref<16x2600000xf32, #tpu.memory_space<hbm>> -> memref<8x512xf32, #tpu.memory_space<hbm>>
          tpu.enqueue_dma source(%dma_start3A_168 : memref<8x512xf32, #tpu.memory_space<hbm>>) target(%dma_start3A_166 : memref<8x512xf32, #tpu.memory_space<vmem>>) target_semaphore(%arg13 : memref<!tpu.dma_semaphore, #tpu.memory_space<semaphore_mem>>)
        } else {
        }
        %dma_wait3A_108 = arith.constant 0 : i32
        %dma_wait3A_109 = arith.constant 0 : i32
        %dma_wait3A_110 = tpu.memref_slice %arg5[%dma_wait3A_108, %dma_wait3A_109] : memref<16x512xf32, #tpu.memory_space<vmem>> -> memref<8x512xf32, #tpu.memory_space<vmem>>
        %dma_wait3A_111 = arith.constant 0 : i32
        %dma_wait3A_112 = arith.constant 0 : i32
        %dma_wait3A_113 = tpu.memref_slice %arg2[%dma_wait3A_111, %dma_wait3A_112] : memref<16x2600000xf32, #tpu.memory_space<hbm>> -> memref<8x512xf32, #tpu.memory_space<hbm>>
        %dma_wait3A_114 = arith.constant 0 : i32
        %dma_wait3A_115 = arith.constant 0 : i32
        %dma_wait3A_116 = tpu.memref_slice %arg5[%dma_wait3A_114, %dma_wait3A_115] : memref<16x512xf32, #tpu.memory_space<vmem>> -> memref<8x512xf32, #tpu.memory_space<vmem>>
        %dma_wait3A_117 = arith.constant 0 : i32
        %dma_wait3A_118 = arith.constant 0 : i32
        %dma_wait3A_119 = tpu.memref_slice %arg2[%dma_wait3A_117, %dma_wait3A_118] : memref<16x2600000xf32, #tpu.memory_space<hbm>> -> memref<8x512xf32, #tpu.memory_space<hbm>>
        tpu.wait_dma2 semaphore(%arg13 : memref<!tpu.dma_semaphore, #tpu.memory_space<semaphore_mem>>) src(%dma_wait3A_119 : memref<8x512xf32, #tpu.memory_space<hbm>>) dst(%dma_wait3A_116 : memref<8x512xf32, #tpu.memory_space<vmem>>)
        %dma_wait3A_120 = arith.constant 8 : i32
        %dma_wait3A_121 = arith.constant 0 : i32
        %dma_wait3A_122 = tpu.memref_slice %arg5[%dma_wait3A_120, %dma_wait3A_121] : memref<16x512xf32, #tpu.memory_space<vmem>> -> memref<8x512xf32, #tpu.memory_space<vmem>>
        %dma_wait3A_123 = arith.constant 0 : i32
        %dma_wait3A_124 = arith.constant 0 : i32
        %dma_wait3A_125 = tpu.memref_slice %arg2[%dma_wait3A_123, %dma_wait3A_124] : memref<16x2600000xf32, #tpu.memory_space<hbm>> -> memref<8x512xf32, #tpu.memory_space<hbm>>
        %dma_wait3A_126 = arith.constant 8 : i32
        %dma_wait3A_127 = arith.constant 0 : i32
        %dma_wait3A_128 = tpu.memref_slice %arg5[%dma_wait3A_126, %dma_wait3A_127] : memref<16x512xf32, #tpu.memory_space<vmem>> -> memref<8x512xf32, #tpu.memory_space<vmem>>
        %dma_wait3A_129 = arith.constant 0 : i32
        %dma_wait3A_130 = arith.constant 0 : i32
        %dma_wait3A_131 = tpu.memref_slice %arg2[%dma_wait3A_129, %dma_wait3A_130] : memref<16x2600000xf32, #tpu.memory_space<hbm>> -> memref<8x512xf32, #tpu.memory_space<hbm>>
        tpu.wait_dma2 semaphore(%arg13 : memref<!tpu.dma_semaphore, #tpu.memory_space<semaphore_mem>>) src(%dma_wait3A_131 : memref<8x512xf32, #tpu.memory_space<hbm>>) dst(%dma_wait3A_128 : memref<8x512xf32, #tpu.memory_space<vmem>>)
        %ge3A = arith.constant 4 : i32
        %ge3A_132 = arith.cmpi sge, %scan3A_58, %ge3A : i32
        %convert_element_type3A_133 = arith.extui %ge3A_132 : i1 to i32
        %cond3A_134 = arith.constant 0 : i32
        %cond3A_135 = arith.cmpi ne, %convert_element_type3A_133, %cond3A_134 : i32
        scf.if %cond3A_135 {
          %dma_wait3A_147 = arith.constant 0 : i32
          %dma_wait3A_148 = arith.constant 0 : i32
          %dma_wait3A_149 = tpu.memref_slice %arg4[%dma_wait3A_147, %dma_wait3A_148] : memref<325000x128xf32, #tpu.memory_space<hbm>> -> memref<64x128xf32, #tpu.memory_space<hbm>>
          %dma_wait3A_150 = arith.constant 0 : i32
          %dma_wait3A_151 = arith.constant 0 : i32
          %dma_wait3A_152 = tpu.memref_slice %arg4[%dma_wait3A_150, %dma_wait3A_151] : memref<325000x128xf32, #tpu.memory_space<hbm>> -> memref<64x128xf32, #tpu.memory_space<hbm>>
          tpu.wait_dma2 semaphore(%arg14 : memref<!tpu.dma_semaphore, #tpu.memory_space<semaphore_mem>>) src(%dma_wait3A_152 : memref<64x128xf32, #tpu.memory_space<hbm>>) dst(%arg9 : memref<64x128xf32, #tpu.memory_space<vmem>>)
        } else {
        }
        %scan3A_136 = arith.constant 0 : i32
        %scan3A_137 = arith.constant 0 : i32
        %scan3A_138 = arith.constant 32 : i32
        %scan3A_139 = arith.addi %scan3A_137, %scan3A_138 : i32
        %scan3A_140 = arith.constant 1 : i32
        scf.for %scan3A_147 = %scan3A_137 to %scan3A_139 step %scan3A_140  : i32 {
          %broadcast_in_dim3A = arith.constant 0 : i32
          %broadcast_in_dim3A_148 = vector.broadcast %broadcast_in_dim3A : i32 to vector<16xi32>
          %mul3A_149 = arith.constant 2 : i32
          %mul3A_150 = arith.muli %mul3A_149, %scan3A_147 : i32
          %add3A_151 = vector.broadcast %mul3A_150 : i32 to vector<16xi32>
          %add3A_152 = arith.addi %broadcast_in_dim3A_148, %add3A_151 : vector<16xi32>
          %add3A_153 = arith.addi %add3A_152, %shift_right_logical3A_20 : vector<16xi32>
          %mul3A_154 = arith.constant 16 : i32
          %mul3A_155 = arith.muli %scan3A_147, %mul3A_154 : i32
          %get3A = arith.constant 0 : i32
          %get3A_156 = arith.index_cast %get3A : i32 to index
          %get3A_157 = arith.index_cast %mul3A_155 : i32 to index
          %get3A_158 = tpu.vector_load %arg5[%get3A_156, %get3A_157] {strides = array<i32>} : memref<16x512xf32, #tpu.memory_space<vmem>>, vector<16xf32>,
          %add3A_159 = arith.constant 0 : i32
          %add3A_160 = vector.broadcast %add3A_159 : i32 to vector<16xi32>
          %add3A_161 = arith.addi %mul3A_25, %add3A_160 : vector<16xi32>
          tpu.vector_store_idx %arg9[%add3A_153, %add3A_161], %get3A_158 : memref<64x128xf32, #tpu.memory_space<vmem>>[vector<16xi32>, vector<16xi32>], vector<16xf32>,
          %mul3A_162 = arith.constant 16 : i32
          %mul3A_163 = arith.muli %scan3A_147, %mul3A_162 : i32
          %get3A_164 = arith.constant 1 : i32
          %get3A_165 = arith.index_cast %get3A_164 : i32 to index
          %get3A_166 = arith.index_cast %mul3A_163 : i32 to index
          %get3A_167 = tpu.vector_load %arg5[%get3A_165, %get3A_166] {strides = array<i32>} : memref<16x512xf32, #tpu.memory_space<vmem>>, vector<16xf32>,
          %add3A_168 = arith.constant 1 : i32
          %add3A_169 = vector.broadcast %add3A_168 : i32 to vector<16xi32>
          %add3A_170 = arith.addi %mul3A_25, %add3A_169 : vector<16xi32>
          tpu.vector_store_idx %arg9[%add3A_153, %add3A_170], %get3A_167 : memref<64x128xf32, #tpu.memory_space<vmem>>[vector<16xi32>, vector<16xi32>], vector<16xf32>,
          %mul3A_171 = arith.constant 16 : i32
          %mul3A_172 = arith.muli %scan3A_147, %mul3A_171 : i32
          %get3A_173 = arith.constant 2 : i32
          %get3A_174 = arith.index_cast %get3A_173 : i32 to index
          %get3A_175 = arith.index_cast %mul3A_172 : i32 to index
          %get3A_176 = tpu.vector_load %arg5[%get3A_174, %get3A_175] {strides = array<i32>} : memref<16x512xf32, #tpu.memory_space<vmem>>, vector<16xf32>,
          %add3A_177 = arith.constant 2 : i32
          %add3A_178 = vector.broadcast %add3A_177 : i32 to vector<16xi32>
          %add3A_179 = arith.addi %mul3A_25, %add3A_178 : vector<16xi32>
          tpu.vector_store_idx %arg9[%add3A_153, %add3A_179], %get3A_176 : memref<64x128xf32, #tpu.memory_space<vmem>>[vector<16xi32>, vector<16xi32>], vector<16xf32>,
          %mul3A_180 = arith.constant 16 : i32
          %mul3A_181 = arith.muli %scan3A_147, %mul3A_180 : i32
          %get3A_182 = arith.constant 3 : i32
          %get3A_183 = arith.index_cast %get3A_182 : i32 to index
          %get3A_184 = arith.index_cast %mul3A_181 : i32 to index
          %get3A_185 = tpu.vector_load %arg5[%get3A_183, %get3A_184] {strides = array<i32>} : memref<16x512xf32, #tpu.memory_space<vmem>>, vector<16xf32>,
          %add3A_186 = arith.constant 3 : i32
          %add3A_187 = vector.broadcast %add3A_186 : i32 to vector<16xi32>
          %add3A_188 = arith.addi %mul3A_25, %add3A_187 : vector<16xi32>
          tpu.vector_store_idx %arg9[%add3A_153, %add3A_188], %get3A_185 : memref<64x128xf32, #tpu.memory_space<vmem>>[vector<16xi32>, vector<16xi32>], vector<16xf32>,
          %mul3A_189 = arith.constant 16 : i32
          %mul3A_190 = arith.muli %scan3A_147, %mul3A_189 : i32
          %get3A_191 = arith.constant 4 : i32
          %get3A_192 = arith.index_cast %get3A_191 : i32 to index
          %get3A_193 = arith.index_cast %mul3A_190 : i32 to index
          %get3A_194 = tpu.vector_load %arg5[%get3A_192, %get3A_193] {strides = array<i32>} : memref<16x512xf32, #tpu.memory_space<vmem>>, vector<16xf32>,
          %add3A_195 = arith.constant 4 : i32
          %add3A_196 = vector.broadcast %add3A_195 : i32 to vector<16xi32>
          %add3A_197 = arith.addi %mul3A_25, %add3A_196 : vector<16xi32>
          tpu.vector_store_idx %arg9[%add3A_153, %add3A_197], %get3A_194 : memref<64x128xf32, #tpu.memory_space<vmem>>[vector<16xi32>, vector<16xi32>], vector<16xf32>,
          %mul3A_198 = arith.constant 16 : i32
          %mul3A_199 = arith.muli %scan3A_147, %mul3A_198 : i32
          %get3A_200 = arith.constant 5 : i32
          %get3A_201 = arith.index_cast %get3A_200 : i32 to index
          %get3A_202 = arith.index_cast %mul3A_199 : i32 to index
          %get3A_203 = tpu.vector_load %arg5[%get3A_201, %get3A_202] {strides = array<i32>} : memref<16x512xf32, #tpu.memory_space<vmem>>, vector<16xf32>,
          %add3A_204 = arith.constant 5 : i32
          %add3A_205 = vector.broadcast %add3A_204 : i32 to vector<16xi32>
          %add3A_206 = arith.addi %mul3A_25, %add3A_205 : vector<16xi32>
          tpu.vector_store_idx %arg9[%add3A_153, %add3A_206], %get3A_203 : memref<64x128xf32, #tpu.memory_space<vmem>>[vector<16xi32>, vector<16xi32>], vector<16xf32>,
          %mul3A_207 = arith.constant 16 : i32
          %mul3A_208 = arith.muli %scan3A_147, %mul3A_207 : i32
          %get3A_209 = arith.constant 6 : i32
          %get3A_210 = arith.index_cast %get3A_209 : i32 to index
          %get3A_211 = arith.index_cast %mul3A_208 : i32 to index
          %get3A_212 = tpu.vector_load %arg5[%get3A_210, %get3A_211] {strides = array<i32>} : memref<16x512xf32, #tpu.memory_space<vmem>>, vector<16xf32>,
          %add3A_213 = arith.constant 6 : i32
          %add3A_214 = vector.broadcast %add3A_213 : i32 to vector<16xi32>
          %add3A_215 = arith.addi %mul3A_25, %add3A_214 : vector<16xi32>
          tpu.vector_store_idx %arg9[%add3A_153, %add3A_215], %get3A_212 : memref<64x128xf32, #tpu.memory_space<vmem>>[vector<16xi32>, vector<16xi32>], vector<16xf32>,
          %mul3A_216 = arith.constant 16 : i32
          %mul3A_217 = arith.muli %scan3A_147, %mul3A_216 : i32
          %get3A_218 = arith.constant 7 : i32
          %get3A_219 = arith.index_cast %get3A_218 : i32 to index
          %get3A_220 = arith.index_cast %mul3A_217 : i32 to index
          %get3A_221 = tpu.vector_load %arg5[%get3A_219, %get3A_220] {strides = array<i32>} : memref<16x512xf32, #tpu.memory_space<vmem>>, vector<16xf32>,
          %add3A_222 = arith.constant 7 : i32
          %add3A_223 = vector.broadcast %add3A_222 : i32 to vector<16xi32>
          %add3A_224 = arith.addi %mul3A_25, %add3A_223 : vector<16xi32>
          tpu.vector_store_idx %arg9[%add3A_153, %add3A_224], %get3A_221 : memref<64x128xf32, #tpu.memory_space<vmem>>[vector<16xi32>, vector<16xi32>], vector<16xf32>,
          %mul3A_225 = arith.constant 16 : i32
          %mul3A_226 = arith.muli %scan3A_147, %mul3A_225 : i32
          %get3A_227 = arith.constant 8 : i32
          %get3A_228 = arith.index_cast %get3A_227 : i32 to index
          %get3A_229 = arith.index_cast %mul3A_226 : i32 to index
          %get3A_230 = tpu.vector_load %arg5[%get3A_228, %get3A_229] {strides = array<i32>} : memref<16x512xf32, #tpu.memory_space<vmem>>, vector<16xf32>,
          %add3A_231 = arith.constant 8 : i32
          %add3A_232 = vector.broadcast %add3A_231 : i32 to vector<16xi32>
          %add3A_233 = arith.addi %mul3A_25, %add3A_232 : vector<16xi32>
          tpu.vector_store_idx %arg9[%add3A_153, %add3A_233], %get3A_230 : memref<64x128xf32, #tpu.memory_space<vmem>>[vector<16xi32>, vector<16xi32>], vector<16xf32>,
          %mul3A_234 = arith.constant 16 : i32
          %mul3A_235 = arith.muli %scan3A_147, %mul3A_234 : i32
          %get3A_236 = arith.constant 9 : i32
          %get3A_237 = arith.index_cast %get3A_236 : i32 to index
          %get3A_238 = arith.index_cast %mul3A_235 : i32 to index
          %get3A_239 = tpu.vector_load %arg5[%get3A_237, %get3A_238] {strides = array<i32>} : memref<16x512xf32, #tpu.memory_space<vmem>>, vector<16xf32>,
          %add3A_240 = arith.constant 9 : i32
          %add3A_241 = vector.broadcast %add3A_240 : i32 to vector<16xi32>
          %add3A_242 = arith.addi %mul3A_25, %add3A_241 : vector<16xi32>
          tpu.vector_store_idx %arg9[%add3A_153, %add3A_242], %get3A_239 : memref<64x128xf32, #tpu.memory_space<vmem>>[vector<16xi32>, vector<16xi32>], vector<16xf32>,
          %mul3A_243 = arith.constant 16 : i32
          %mul3A_244 = arith.muli %scan3A_147, %mul3A_243 : i32
          %get3A_245 = arith.constant 10 : i32
          %get3A_246 = arith.index_cast %get3A_245 : i32 to index
          %get3A_247 = arith.index_cast %mul3A_244 : i32 to index
          %get3A_248 = tpu.vector_load %arg5[%get3A_246, %get3A_247] {strides = array<i32>} : memref<16x512xf32, #tpu.memory_space<vmem>>, vector<16xf32>,
          %add3A_249 = arith.constant 10 : i32
          %add3A_250 = vector.broadcast %add3A_249 : i32 to vector<16xi32>
          %add3A_251 = arith.addi %mul3A_25, %add3A_250 : vector<16xi32>
          tpu.vector_store_idx %arg9[%add3A_153, %add3A_251], %get3A_248 : memref<64x128xf32, #tpu.memory_space<vmem>>[vector<16xi32>, vector<16xi32>], vector<16xf32>,
          %mul3A_252 = arith.constant 16 : i32
          %mul3A_253 = arith.muli %scan3A_147, %mul3A_252 : i32
          %get3A_254 = arith.constant 11 : i32
          %get3A_255 = arith.index_cast %get3A_254 : i32 to index
          %get3A_256 = arith.index_cast %mul3A_253 : i32 to index
          %get3A_257 = tpu.vector_load %arg5[%get3A_255, %get3A_256] {strides = array<i32>} : memref<16x512xf32, #tpu.memory_space<vmem>>, vector<16xf32>,
          %add3A_258 = arith.constant 11 : i32
          %add3A_259 = vector.broadcast %add3A_258 : i32 to vector<16xi32>
          %add3A_260 = arith.addi %mul3A_25, %add3A_259 : vector<16xi32>
          tpu.vector_store_idx %arg9[%add3A_153, %add3A_260], %get3A_257 : memref<64x128xf32, #tpu.memory_space<vmem>>[vector<16xi32>, vector<16xi32>], vector<16xf32>,
          %mul3A_261 = arith.constant 16 : i32
          %mul3A_262 = arith.muli %scan3A_147, %mul3A_261 : i32
          %get3A_263 = arith.constant 12 : i32
          %get3A_264 = arith.index_cast %get3A_263 : i32 to index
          %get3A_265 = arith.index_cast %mul3A_262 : i32 to index
          %get3A_266 = tpu.vector_load %arg5[%get3A_264, %get3A_265] {strides = array<i32>} : memref<16x512xf32, #tpu.memory_space<vmem>>, vector<16xf32>,
          %add3A_267 = arith.constant 12 : i32
          %add3A_268 = vector.broadcast %add3A_267 : i32 to vector<16xi32>
          %add3A_269 = arith.addi %mul3A_25, %add3A_268 : vector<16xi32>
          tpu.vector_store_idx %arg9[%add3A_153, %add3A_269], %get3A_266 : memref<64x128xf32, #tpu.memory_space<vmem>>[vector<16xi32>, vector<16xi32>], vector<16xf32>,
          %mul3A_270 = arith.constant 16 : i32
          %mul3A_271 = arith.muli %scan3A_147, %mul3A_270 : i32
          %get3A_272 = arith.constant 13 : i32
          %get3A_273 = arith.index_cast %get3A_272 : i32 to index
          %get3A_274 = arith.index_cast %mul3A_271 : i32 to index
          %get3A_275 = tpu.vector_load %arg5[%get3A_273, %get3A_274] {strides = array<i32>} : memref<16x512xf32, #tpu.memory_space<vmem>>, vector<16xf32>,
          %add3A_276 = arith.constant 13 : i32
          %add3A_277 = vector.broadcast %add3A_276 : i32 to vector<16xi32>
          %add3A_278 = arith.addi %mul3A_25, %add3A_277 : vector<16xi32>
          tpu.vector_store_idx %arg9[%add3A_153, %add3A_278], %get3A_275 : memref<64x128xf32, #tpu.memory_space<vmem>>[vector<16xi32>, vector<16xi32>], vector<16xf32>,
          %mul3A_279 = arith.constant 16 : i32
          %mul3A_280 = arith.muli %scan3A_147, %mul3A_279 : i32
          %get3A_281 = arith.constant 14 : i32
          %get3A_282 = arith.index_cast %get3A_281 : i32 to index
          %get3A_283 = arith.index_cast %mul3A_280 : i32 to index
          %get3A_284 = tpu.vector_load %arg5[%get3A_282, %get3A_283] {strides = array<i32>} : memref<16x512xf32, #tpu.memory_space<vmem>>, vector<16xf32>,
          %add3A_285 = arith.constant 14 : i32
          %add3A_286 = vector.broadcast %add3A_285 : i32 to vector<16xi32>
          %add3A_287 = arith.addi %mul3A_25, %add3A_286 : vector<16xi32>
          tpu.vector_store_idx %arg9[%add3A_153, %add3A_287], %get3A_284 : memref<64x128xf32, #tpu.memory_space<vmem>>[vector<16xi32>, vector<16xi32>], vector<16xf32>,
          %mul3A_288 = arith.constant 16 : i32
          %mul3A_289 = arith.muli %scan3A_147, %mul3A_288 : i32
          %get3A_290 = arith.constant 15 : i32
          %get3A_291 = arith.index_cast %get3A_290 : i32 to index
          %get3A_292 = arith.index_cast %mul3A_289 : i32 to index
          %get3A_293 = tpu.vector_load %arg5[%get3A_291, %get3A_292] {strides = array<i32>} : memref<16x512xf32, #tpu.memory_space<vmem>>, vector<16xf32>,
          %add3A_294 = arith.constant 15 : i32
          %add3A_295 = vector.broadcast %add3A_294 : i32 to vector<16xi32>
          %add3A_296 = arith.addi %mul3A_25, %add3A_295 : vector<16xi32>
          tpu.vector_store_idx %arg9[%add3A_153, %add3A_296], %get3A_293 : memref<64x128xf32, #tpu.memory_space<vmem>>[vector<16xi32>, vector<16xi32>], vector<16xf32>,
        }
        %scan3A_141 = arith.constant 32 : i32
        %mul3A_142 = arith.constant 64 : i32
        %mul3A_143 = arith.muli %add3A_61, %mul3A_142 : i32
        %dma_start3A = arith.constant 0 : i32
        %dma_start3A_144 = tpu.memref_slice %arg4[%mul3A_143, %dma_start3A] : memref<325000x128xf32, #tpu.memory_space<hbm>> -> memref<64x128xf32, #tpu.memory_space<hbm>>
        %dma_start3A_145 = arith.constant 0 : i32
        %dma_start3A_146 = tpu.memref_slice %arg4[%mul3A_143, %dma_start3A_145] : memref<325000x128xf32, #tpu.memory_space<hbm>> -> memref<64x128xf32, #tpu.memory_space<hbm>>
        tpu.enqueue_dma source(%arg9 : memref<64x128xf32, #tpu.memory_space<vmem>>) target(%dma_start3A_146 : memref<64x128xf32, #tpu.memory_space<hbm>>) target_semaphore(%arg14 : memref<!tpu.dma_semaphore, #tpu.memory_space<semaphore_mem>>)
      } else {
      }
      %rem3A_71 = arith.constant 4 : i32
      %rem3A_72 = arith.remsi %scan3A_58, %rem3A_71 : i32
      %eq3A_73 = arith.constant 1 : i32
      %eq3A_74 = arith.cmpi eq, %rem3A_72, %eq3A_73 : i32
      %lt3A_75 = arith.constant 5078 : i32
      %lt3A_76 = arith.cmpi slt, %add3A_61, %lt3A_75 : i32
      %and3A_77 = arith.andi %eq3A_74, %lt3A_76 : i1
      %convert_element_type3A_78 = arith.extui %and3A_77 : i1 to i32
      %cond3A_79 = arith.constant 0 : i32
      %cond3A_80 = arith.cmpi ne, %convert_element_type3A_78, %cond3A_79 : i32
      scf.if %cond3A_80 {
        %add3A_101 = arith.constant 96 : i32
        %add3A_102 = arith.addi %add3A_61, %add3A_101 : i32
        %lt3A_103 = arith.constant 5078 : i32
        %lt3A_104 = arith.cmpi slt, %add3A_102, %lt3A_103 : i32
        %convert_element_type3A_105 = arith.extui %lt3A_104 : i1 to i32
        %cond3A_106 = arith.constant 0 : i32
        %cond3A_107 = arith.cmpi ne, %convert_element_type3A_105, %cond3A_106 : i32
        scf.if %cond3A_107 {
          %mul3A_147 = arith.constant 512 : i32
          %mul3A_148 = arith.muli %add3A_102, %mul3A_147 : i32
          %dma_start3A_149 = arith.constant 0 : i32
          %dma_start3A_150 = arith.constant 0 : i32
          %dma_start3A_151 = tpu.memref_slice %arg5[%dma_start3A_149, %dma_start3A_150] : memref<16x512xf32, #tpu.memory_space<vmem>> -> memref<8x512xf32, #tpu.memory_space<vmem>>
          %dma_start3A_152 = arith.constant 0 : i32
          %dma_start3A_153 = tpu.memref_slice %arg2[%dma_start3A_152, %mul3A_148] : memref<16x2600000xf32, #tpu.memory_space<hbm>> -> memref<8x512xf32, #tpu.memory_space<hbm>>
          %dma_start3A_154 = arith.constant 0 : i32
          %dma_start3A_155 = arith.constant 0 : i32
          %dma_start3A_156 = tpu.memref_slice %arg5[%dma_start3A_154, %dma_start3A_155] : memref<16x512xf32, #tpu.memory_space<vmem>> -> memref<8x512xf32, #tpu.memory_space<vmem>>
          %dma_start3A_157 = arith.constant 0 : i32
          %dma_start3A_158 = tpu.memref_slice %arg2[%dma_start3A_157, %mul3A_148] : memref<16x2600000xf32, #tpu.memory_space<hbm>> -> memref<8x512xf32, #tpu.memory_space<hbm>>
          tpu.enqueue_dma source(%dma_start3A_158 : memref<8x512xf32, #tpu.memory_space<hbm>>) target(%dma_start3A_156 : memref<8x512xf32, #tpu.memory_space<vmem>>) target_semaphore(%arg13 : memref<!tpu.dma_semaphore, #tpu.memory_space<semaphore_mem>>)
          %dma_start3A_159 = arith.constant 8 : i32
          %dma_start3A_160 = arith.constant 0 : i32
          %dma_start3A_161 = tpu.memref_slice %arg5[%dma_start3A_159, %dma_start3A_160] : memref<16x512xf32, #tpu.memory_space<vmem>> -> memref<8x512xf32, #tpu.memory_space<vmem>>
          %dma_start3A_162 = arith.constant 8 : i32
          %dma_start3A_163 = tpu.memref_slice %arg2[%dma_start3A_162, %mul3A_148] : memref<16x2600000xf32, #tpu.memory_space<hbm>> -> memref<8x512xf32, #tpu.memory_space<hbm>>
          %dma_start3A_164 = arith.constant 8 : i32
          %dma_start3A_165 = arith.constant 0 : i32
          %dma_start3A_166 = tpu.memref_slice %arg5[%dma_start3A_164, %dma_start3A_165] : memref<16x512xf32, #tpu.memory_space<vmem>> -> memref<8x512xf32, #tpu.memory_space<vmem>>
          %dma_start3A_167 = arith.constant 8 : i32
          %dma_start3A_168 = tpu.memref_slice %arg2[%dma_start3A_167, %mul3A_148] : memref<16x2600000xf32, #tpu.memory_space<hbm>> -> memref<8x512xf32, #tpu.memory_space<hbm>>
          tpu.enqueue_dma source(%dma_start3A_168 : memref<8x512xf32, #tpu.memory_space<hbm>>) target(%dma_start3A_166 : memref<8x512xf32, #tpu.memory_space<vmem>>) target_semaphore(%arg13 : memref<!tpu.dma_semaphore, #tpu.memory_space<semaphore_mem>>)
        } else {
        }
        %dma_wait3A_108 = arith.constant 0 : i32
        %dma_wait3A_109 = arith.constant 0 : i32
        %dma_wait3A_110 = tpu.memref_slice %arg6[%dma_wait3A_108, %dma_wait3A_109] : memref<16x512xf32, #tpu.memory_space<vmem>> -> memref<8x512xf32, #tpu.memory_space<vmem>>
        %dma_wait3A_111 = arith.constant 0 : i32
        %dma_wait3A_112 = arith.constant 0 : i32
        %dma_wait3A_113 = tpu.memref_slice %arg2[%dma_wait3A_111, %dma_wait3A_112] : memref<16x2600000xf32, #tpu.memory_space<hbm>> -> memref<8x512xf32, #tpu.memory_space<hbm>>
        %dma_wait3A_114 = arith.constant 0 : i32
        %dma_wait3A_115 = arith.constant 0 : i32
        %dma_wait3A_116 = tpu.memref_slice %arg6[%dma_wait3A_114, %dma_wait3A_115] : memref<16x512xf32, #tpu.memory_space<vmem>> -> memref<8x512xf32, #tpu.memory_space<vmem>>
        %dma_wait3A_117 = arith.constant 0 : i32
        %dma_wait3A_118 = arith.constant 0 : i32
        %dma_wait3A_119 = tpu.memref_slice %arg2[%dma_wait3A_117, %dma_wait3A_118] : memref<16x2600000xf32, #tpu.memory_space<hbm>> -> memref<8x512xf32, #tpu.memory_space<hbm>>
        tpu.wait_dma2 semaphore(%arg13 : memref<!tpu.dma_semaphore, #tpu.memory_space<semaphore_mem>>) src(%dma_wait3A_119 : memref<8x512xf32, #tpu.memory_space<hbm>>) dst(%dma_wait3A_116 : memref<8x512xf32, #tpu.memory_space<vmem>>)
        %dma_wait3A_120 = arith.constant 8 : i32
        %dma_wait3A_121 = arith.constant 0 : i32
        %dma_wait3A_122 = tpu.memref_slice %arg6[%dma_wait3A_120, %dma_wait3A_121] : memref<16x512xf32, #tpu.memory_space<vmem>> -> memref<8x512xf32, #tpu.memory_space<vmem>>
        %dma_wait3A_123 = arith.constant 0 : i32
        %dma_wait3A_124 = arith.constant 0 : i32
        %dma_wait3A_125 = tpu.memref_slice %arg2[%dma_wait3A_123, %dma_wait3A_124] : memref<16x2600000xf32, #tpu.memory_space<hbm>> -> memref<8x512xf32, #tpu.memory_space<hbm>>
        %dma_wait3A_126 = arith.constant 8 : i32
        %dma_wait3A_127 = arith.constant 0 : i32
        %dma_wait3A_128 = tpu.memref_slice %arg6[%dma_wait3A_126, %dma_wait3A_127] : memref<16x512xf32, #tpu.memory_space<vmem>> -> memref<8x512xf32, #tpu.memory_space<vmem>>
        %dma_wait3A_129 = arith.constant 0 : i32
        %dma_wait3A_130 = arith.constant 0 : i32
        %dma_wait3A_131 = tpu.memref_slice %arg2[%dma_wait3A_129, %dma_wait3A_130] : memref<16x2600000xf32, #tpu.memory_space<hbm>> -> memref<8x512xf32, #tpu.memory_space<hbm>>
        tpu.wait_dma2 semaphore(%arg13 : memref<!tpu.dma_semaphore, #tpu.memory_space<semaphore_mem>>) src(%dma_wait3A_131 : memref<8x512xf32, #tpu.memory_space<hbm>>) dst(%dma_wait3A_128 : memref<8x512xf32, #tpu.memory_space<vmem>>)
        %ge3A = arith.constant 4 : i32
        %ge3A_132 = arith.cmpi sge, %scan3A_58, %ge3A : i32
        %convert_element_type3A_133 = arith.extui %ge3A_132 : i1 to i32
        %cond3A_134 = arith.constant 0 : i32
        %cond3A_135 = arith.cmpi ne, %convert_element_type3A_133, %cond3A_134 : i32
        scf.if %cond3A_135 {
          %dma_wait3A_147 = arith.constant 0 : i32
          %dma_wait3A_148 = arith.constant 0 : i32
          %dma_wait3A_149 = tpu.memref_slice %arg4[%dma_wait3A_147, %dma_wait3A_148] : memref<325000x128xf32, #tpu.memory_space<hbm>> -> memref<64x128xf32, #tpu.memory_space<hbm>>
          %dma_wait3A_150 = arith.constant 0 : i32
          %dma_wait3A_151 = arith.constant 0 : i32
          %dma_wait3A_152 = tpu.memref_slice %arg4[%dma_wait3A_150, %dma_wait3A_151] : memref<325000x128xf32, #tpu.memory_space<hbm>> -> memref<64x128xf32, #tpu.memory_space<hbm>>
          tpu.wait_dma2 semaphore(%arg14 : memref<!tpu.dma_semaphore, #tpu.memory_space<semaphore_mem>>) src(%dma_wait3A_152 : memref<64x128xf32, #tpu.memory_space<hbm>>) dst(%arg10 : memref<64x128xf32, #tpu.memory_space<vmem>>)
        } else {
        }
        %scan3A_136 = arith.constant 0 : i32
        %scan3A_137 = arith.constant 0 : i32
        %scan3A_138 = arith.constant 32 : i32
        %scan3A_139 = arith.addi %scan3A_137, %scan3A_138 : i32
        %scan3A_140 = arith.constant 1 : i32
        scf.for %scan3A_147 = %scan3A_137 to %scan3A_139 step %scan3A_140  : i32 {
          %broadcast_in_dim3A = arith.constant 0 : i32
          %broadcast_in_dim3A_148 = vector.broadcast %broadcast_in_dim3A : i32 to vector<16xi32>
          %mul3A_149 = arith.constant 2 : i32
          %mul3A_150 = arith.muli %mul3A_149, %scan3A_147 : i32
          %add3A_151 = vector.broadcast %mul3A_150 : i32 to vector<16xi32>
          %add3A_152 = arith.addi %broadcast_in_dim3A_148, %add3A_151 : vector<16xi32>
          %add3A_153 = arith.addi %add3A_152, %shift_right_logical3A_20 : vector<16xi32>
          %mul3A_154 = arith.constant 16 : i32
          %mul3A_155 = arith.muli %scan3A_147, %mul3A_154 : i32
          %get3A = arith.constant 0 : i32
          %get3A_156 = arith.index_cast %get3A : i32 to index
          %get3A_157 = arith.index_cast %mul3A_155 : i32 to index
          %get3A_158 = tpu.vector_load %arg6[%get3A_156, %get3A_157] {strides = array<i32>} : memref<16x512xf32, #tpu.memory_space<vmem>>, vector<16xf32>,
          %add3A_159 = arith.constant 0 : i32
          %add3A_160 = vector.broadcast %add3A_159 : i32 to vector<16xi32>
          %add3A_161 = arith.addi %mul3A_25, %add3A_160 : vector<16xi32>
          tpu.vector_store_idx %arg10[%add3A_153, %add3A_161], %get3A_158 : memref<64x128xf32, #tpu.memory_space<vmem>>[vector<16xi32>, vector<16xi32>], vector<16xf32>,
          %mul3A_162 = arith.constant 16 : i32
          %mul3A_163 = arith.muli %scan3A_147, %mul3A_162 : i32
          %get3A_164 = arith.constant 1 : i32
          %get3A_165 = arith.index_cast %get3A_164 : i32 to index
          %get3A_166 = arith.index_cast %mul3A_163 : i32 to index
          %get3A_167 = tpu.vector_load %arg6[%get3A_165, %get3A_166] {strides = array<i32>} : memref<16x512xf32, #tpu.memory_space<vmem>>, vector<16xf32>,
          %add3A_168 = arith.constant 1 : i32
          %add3A_169 = vector.broadcast %add3A_168 : i32 to vector<16xi32>
          %add3A_170 = arith.addi %mul3A_25, %add3A_169 : vector<16xi32>
          tpu.vector_store_idx %arg10[%add3A_153, %add3A_170], %get3A_167 : memref<64x128xf32, #tpu.memory_space<vmem>>[vector<16xi32>, vector<16xi32>], vector<16xf32>,
          %mul3A_171 = arith.constant 16 : i32
          %mul3A_172 = arith.muli %scan3A_147, %mul3A_171 : i32
          %get3A_173 = arith.constant 2 : i32
          %get3A_174 = arith.index_cast %get3A_173 : i32 to index
          %get3A_175 = arith.index_cast %mul3A_172 : i32 to index
          %get3A_176 = tpu.vector_load %arg6[%get3A_174, %get3A_175] {strides = array<i32>} : memref<16x512xf32, #tpu.memory_space<vmem>>, vector<16xf32>,
          %add3A_177 = arith.constant 2 : i32
          %add3A_178 = vector.broadcast %add3A_177 : i32 to vector<16xi32>
          %add3A_179 = arith.addi %mul3A_25, %add3A_178 : vector<16xi32>
          tpu.vector_store_idx %arg10[%add3A_153, %add3A_179], %get3A_176 : memref<64x128xf32, #tpu.memory_space<vmem>>[vector<16xi32>, vector<16xi32>], vector<16xf32>,
          %mul3A_180 = arith.constant 16 : i32
          %mul3A_181 = arith.muli %scan3A_147, %mul3A_180 : i32
          %get3A_182 = arith.constant 3 : i32
          %get3A_183 = arith.index_cast %get3A_182 : i32 to index
          %get3A_184 = arith.index_cast %mul3A_181 : i32 to index
          %get3A_185 = tpu.vector_load %arg6[%get3A_183, %get3A_184] {strides = array<i32>} : memref<16x512xf32, #tpu.memory_space<vmem>>, vector<16xf32>,
          %add3A_186 = arith.constant 3 : i32
          %add3A_187 = vector.broadcast %add3A_186 : i32 to vector<16xi32>
          %add3A_188 = arith.addi %mul3A_25, %add3A_187 : vector<16xi32>
          tpu.vector_store_idx %arg10[%add3A_153, %add3A_188], %get3A_185 : memref<64x128xf32, #tpu.memory_space<vmem>>[vector<16xi32>, vector<16xi32>], vector<16xf32>,
          %mul3A_189 = arith.constant 16 : i32
          %mul3A_190 = arith.muli %scan3A_147, %mul3A_189 : i32
          %get3A_191 = arith.constant 4 : i32
          %get3A_192 = arith.index_cast %get3A_191 : i32 to index
          %get3A_193 = arith.index_cast %mul3A_190 : i32 to index
          %get3A_194 = tpu.vector_load %arg6[%get3A_192, %get3A_193] {strides = array<i32>} : memref<16x512xf32, #tpu.memory_space<vmem>>, vector<16xf32>,
          %add3A_195 = arith.constant 4 : i32
          %add3A_196 = vector.broadcast %add3A_195 : i32 to vector<16xi32>
          %add3A_197 = arith.addi %mul3A_25, %add3A_196 : vector<16xi32>
          tpu.vector_store_idx %arg10[%add3A_153, %add3A_197], %get3A_194 : memref<64x128xf32, #tpu.memory_space<vmem>>[vector<16xi32>, vector<16xi32>], vector<16xf32>,
          %mul3A_198 = arith.constant 16 : i32
          %mul3A_199 = arith.muli %scan3A_147, %mul3A_198 : i32
          %get3A_200 = arith.constant 5 : i32
          %get3A_201 = arith.index_cast %get3A_200 : i32 to index
          %get3A_202 = arith.index_cast %mul3A_199 : i32 to index
          %get3A_203 = tpu.vector_load %arg6[%get3A_201, %get3A_202] {strides = array<i32>} : memref<16x512xf32, #tpu.memory_space<vmem>>, vector<16xf32>,
          %add3A_204 = arith.constant 5 : i32
          %add3A_205 = vector.broadcast %add3A_204 : i32 to vector<16xi32>
          %add3A_206 = arith.addi %mul3A_25, %add3A_205 : vector<16xi32>
          tpu.vector_store_idx %arg10[%add3A_153, %add3A_206], %get3A_203 : memref<64x128xf32, #tpu.memory_space<vmem>>[vector<16xi32>, vector<16xi32>], vector<16xf32>,
          %mul3A_207 = arith.constant 16 : i32
          %mul3A_208 = arith.muli %scan3A_147, %mul3A_207 : i32
          %get3A_209 = arith.constant 6 : i32
          %get3A_210 = arith.index_cast %get3A_209 : i32 to index
          %get3A_211 = arith.index_cast %mul3A_208 : i32 to index
          %get3A_212 = tpu.vector_load %arg6[%get3A_210, %get3A_211] {strides = array<i32>} : memref<16x512xf32, #tpu.memory_space<vmem>>, vector<16xf32>,
          %add3A_213 = arith.constant 6 : i32
          %add3A_214 = vector.broadcast %add3A_213 : i32 to vector<16xi32>
          %add3A_215 = arith.addi %mul3A_25, %add3A_214 : vector<16xi32>
          tpu.vector_store_idx %arg10[%add3A_153, %add3A_215], %get3A_212 : memref<64x128xf32, #tpu.memory_space<vmem>>[vector<16xi32>, vector<16xi32>], vector<16xf32>,
          %mul3A_216 = arith.constant 16 : i32
          %mul3A_217 = arith.muli %scan3A_147, %mul3A_216 : i32
          %get3A_218 = arith.constant 7 : i32
          %get3A_219 = arith.index_cast %get3A_218 : i32 to index
          %get3A_220 = arith.index_cast %mul3A_217 : i32 to index
          %get3A_221 = tpu.vector_load %arg6[%get3A_219, %get3A_220] {strides = array<i32>} : memref<16x512xf32, #tpu.memory_space<vmem>>, vector<16xf32>,
          %add3A_222 = arith.constant 7 : i32
          %add3A_223 = vector.broadcast %add3A_222 : i32 to vector<16xi32>
          %add3A_224 = arith.addi %mul3A_25, %add3A_223 : vector<16xi32>
          tpu.vector_store_idx %arg10[%add3A_153, %add3A_224], %get3A_221 : memref<64x128xf32, #tpu.memory_space<vmem>>[vector<16xi32>, vector<16xi32>], vector<16xf32>,
          %mul3A_225 = arith.constant 16 : i32
          %mul3A_226 = arith.muli %scan3A_147, %mul3A_225 : i32
          %get3A_227 = arith.constant 8 : i32
          %get3A_228 = arith.index_cast %get3A_227 : i32 to index
          %get3A_229 = arith.index_cast %mul3A_226 : i32 to index
          %get3A_230 = tpu.vector_load %arg6[%get3A_228, %get3A_229] {strides = array<i32>} : memref<16x512xf32, #tpu.memory_space<vmem>>, vector<16xf32>,
          %add3A_231 = arith.constant 8 : i32
          %add3A_232 = vector.broadcast %add3A_231 : i32 to vector<16xi32>
          %add3A_233 = arith.addi %mul3A_25, %add3A_232 : vector<16xi32>
          tpu.vector_store_idx %arg10[%add3A_153, %add3A_233], %get3A_230 : memref<64x128xf32, #tpu.memory_space<vmem>>[vector<16xi32>, vector<16xi32>], vector<16xf32>,
          %mul3A_234 = arith.constant 16 : i32
          %mul3A_235 = arith.muli %scan3A_147, %mul3A_234 : i32
          %get3A_236 = arith.constant 9 : i32
          %get3A_237 = arith.index_cast %get3A_236 : i32 to index
          %get3A_238 = arith.index_cast %mul3A_235 : i32 to index
          %get3A_239 = tpu.vector_load %arg6[%get3A_237, %get3A_238] {strides = array<i32>} : memref<16x512xf32, #tpu.memory_space<vmem>>, vector<16xf32>,
          %add3A_240 = arith.constant 9 : i32
          %add3A_241 = vector.broadcast %add3A_240 : i32 to vector<16xi32>
          %add3A_242 = arith.addi %mul3A_25, %add3A_241 : vector<16xi32>
          tpu.vector_store_idx %arg10[%add3A_153, %add3A_242], %get3A_239 : memref<64x128xf32, #tpu.memory_space<vmem>>[vector<16xi32>, vector<16xi32>], vector<16xf32>,
          %mul3A_243 = arith.constant 16 : i32
          %mul3A_244 = arith.muli %scan3A_147, %mul3A_243 : i32
          %get3A_245 = arith.constant 10 : i32
          %get3A_246 = arith.index_cast %get3A_245 : i32 to index
          %get3A_247 = arith.index_cast %mul3A_244 : i32 to index
          %get3A_248 = tpu.vector_load %arg6[%get3A_246, %get3A_247] {strides = array<i32>} : memref<16x512xf32, #tpu.memory_space<vmem>>, vector<16xf32>,
          %add3A_249 = arith.constant 10 : i32
          %add3A_250 = vector.broadcast %add3A_249 : i32 to vector<16xi32>
          %add3A_251 = arith.addi %mul3A_25, %add3A_250 : vector<16xi32>
          tpu.vector_store_idx %arg10[%add3A_153, %add3A_251], %get3A_248 : memref<64x128xf32, #tpu.memory_space<vmem>>[vector<16xi32>, vector<16xi32>], vector<16xf32>,
          %mul3A_252 = arith.constant 16 : i32
          %mul3A_253 = arith.muli %scan3A_147, %mul3A_252 : i32
          %get3A_254 = arith.constant 11 : i32
          %get3A_255 = arith.index_cast %get3A_254 : i32 to index
          %get3A_256 = arith.index_cast %mul3A_253 : i32 to index
          %get3A_257 = tpu.vector_load %arg6[%get3A_255, %get3A_256] {strides = array<i32>} : memref<16x512xf32, #tpu.memory_space<vmem>>, vector<16xf32>,
          %add3A_258 = arith.constant 11 : i32
          %add3A_259 = vector.broadcast %add3A_258 : i32 to vector<16xi32>
          %add3A_260 = arith.addi %mul3A_25, %add3A_259 : vector<16xi32>
          tpu.vector_store_idx %arg10[%add3A_153, %add3A_260], %get3A_257 : memref<64x128xf32, #tpu.memory_space<vmem>>[vector<16xi32>, vector<16xi32>], vector<16xf32>,
          %mul3A_261 = arith.constant 16 : i32
          %mul3A_262 = arith.muli %scan3A_147, %mul3A_261 : i32
          %get3A_263 = arith.constant 12 : i32
          %get3A_264 = arith.index_cast %get3A_263 : i32 to index
          %get3A_265 = arith.index_cast %mul3A_262 : i32 to index
          %get3A_266 = tpu.vector_load %arg6[%get3A_264, %get3A_265] {strides = array<i32>} : memref<16x512xf32, #tpu.memory_space<vmem>>, vector<16xf32>,
          %add3A_267 = arith.constant 12 : i32
          %add3A_268 = vector.broadcast %add3A_267 : i32 to vector<16xi32>
          %add3A_269 = arith.addi %mul3A_25, %add3A_268 : vector<16xi32>
          tpu.vector_store_idx %arg10[%add3A_153, %add3A_269], %get3A_266 : memref<64x128xf32, #tpu.memory_space<vmem>>[vector<16xi32>, vector<16xi32>], vector<16xf32>,
          %mul3A_270 = arith.constant 16 : i32
          %mul3A_271 = arith.muli %scan3A_147, %mul3A_270 : i32
          %get3A_272 = arith.constant 13 : i32
          %get3A_273 = arith.index_cast %get3A_272 : i32 to index
          %get3A_274 = arith.index_cast %mul3A_271 : i32 to index
          %get3A_275 = tpu.vector_load %arg6[%get3A_273, %get3A_274] {strides = array<i32>} : memref<16x512xf32, #tpu.memory_space<vmem>>, vector<16xf32>,
          %add3A_276 = arith.constant 13 : i32
          %add3A_277 = vector.broadcast %add3A_276 : i32 to vector<16xi32>
          %add3A_278 = arith.addi %mul3A_25, %add3A_277 : vector<16xi32>
          tpu.vector_store_idx %arg10[%add3A_153, %add3A_278], %get3A_275 : memref<64x128xf32, #tpu.memory_space<vmem>>[vector<16xi32>, vector<16xi32>], vector<16xf32>,
          %mul3A_279 = arith.constant 16 : i32
          %mul3A_280 = arith.muli %scan3A_147, %mul3A_279 : i32
          %get3A_281 = arith.constant 14 : i32
          %get3A_282 = arith.index_cast %get3A_281 : i32 to index
          %get3A_283 = arith.index_cast %mul3A_280 : i32 to index
          %get3A_284 = tpu.vector_load %arg6[%get3A_282, %get3A_283] {strides = array<i32>} : memref<16x512xf32, #tpu.memory_space<vmem>>, vector<16xf32>,
          %add3A_285 = arith.constant 14 : i32
          %add3A_286 = vector.broadcast %add3A_285 : i32 to vector<16xi32>
          %add3A_287 = arith.addi %mul3A_25, %add3A_286 : vector<16xi32>
          tpu.vector_store_idx %arg10[%add3A_153, %add3A_287], %get3A_284 : memref<64x128xf32, #tpu.memory_space<vmem>>[vector<16xi32>, vector<16xi32>], vector<16xf32>,
          %mul3A_288 = arith.constant 16 : i32
          %mul3A_289 = arith.muli %scan3A_147, %mul3A_288 : i32
          %get3A_290 = arith.constant 15 : i32
          %get3A_291 = arith.index_cast %get3A_290 : i32 to index
          %get3A_292 = arith.index_cast %mul3A_289 : i32 to index
          %get3A_293 = tpu.vector_load %arg6[%get3A_291, %get3A_292] {strides = array<i32>} : memref<16x512xf32, #tpu.memory_space<vmem>>, vector<16xf32>,
          %add3A_294 = arith.constant 15 : i32
          %add3A_295 = vector.broadcast %add3A_294 : i32 to vector<16xi32>
          %add3A_296 = arith.addi %mul3A_25, %add3A_295 : vector<16xi32>
          tpu.vector_store_idx %arg10[%add3A_153, %add3A_296], %get3A_293 : memref<64x128xf32, #tpu.memory_space<vmem>>[vector<16xi32>, vector<16xi32>], vector<16xf32>,
        }
        %scan3A_141 = arith.constant 32 : i32
        %mul3A_142 = arith.constant 64 : i32
        %mul3A_143 = arith.muli %add3A_61, %mul3A_142 : i32
        %dma_start3A = arith.constant 0 : i32
        %dma_start3A_144 = tpu.memref_slice %arg4[%mul3A_143, %dma_start3A] : memref<325000x128xf32, #tpu.memory_space<hbm>> -> memref<64x128xf32, #tpu.memory_space<hbm>>
        %dma_start3A_145 = arith.constant 0 : i32
        %dma_start3A_146 = tpu.memref_slice %arg4[%mul3A_143, %dma_start3A_145] : memref<325000x128xf32, #tpu.memory_space<hbm>> -> memref<64x128xf32, #tpu.memory_space<hbm>>
        tpu.enqueue_dma source(%arg10 : memref<64x128xf32, #tpu.memory_space<vmem>>) target(%dma_start3A_146 : memref<64x128xf32, #tpu.memory_space<hbm>>) target_semaphore(%arg14 : memref<!tpu.dma_semaphore, #tpu.memory_space<semaphore_mem>>)
      } else {
      }
      %rem3A_81 = arith.constant 4 : i32
      %rem3A_82 = arith.remsi %scan3A_58, %rem3A_81 : i32
      %eq3A_83 = arith.constant 2 : i32
      %eq3A_84 = arith.cmpi eq, %rem3A_82, %eq3A_83 : i32
      %lt3A_85 = arith.constant 5078 : i32
      %lt3A_86 = arith.cmpi slt, %add3A_61, %lt3A_85 : i32
      %and3A_87 = arith.andi %eq3A_84, %lt3A_86 : i1
      %convert_element_type3A_88 = arith.extui %and3A_87 : i1 to i32
      %cond3A_89 = arith.constant 0 : i32
      %cond3A_90 = arith.cmpi ne, %convert_element_type3A_88, %cond3A_89 : i32
      scf.if %cond3A_90 {
        %add3A_101 = arith.constant 96 : i32
        %add3A_102 = arith.addi %add3A_61, %add3A_101 : i32
        %lt3A_103 = arith.constant 5078 : i32
        %lt3A_104 = arith.cmpi slt, %add3A_102, %lt3A_103 : i32
        %convert_element_type3A_105 = arith.extui %lt3A_104 : i1 to i32
        %cond3A_106 = arith.constant 0 : i32
        %cond3A_107 = arith.cmpi ne, %convert_element_type3A_105, %cond3A_106 : i32
        scf.if %cond3A_107 {
          %mul3A_147 = arith.constant 512 : i32
          %mul3A_148 = arith.muli %add3A_102, %mul3A_147 : i32
          %dma_start3A_149 = arith.constant 0 : i32
          %dma_start3A_150 = arith.constant 0 : i32
          %dma_start3A_151 = tpu.memref_slice %arg6[%dma_start3A_149, %dma_start3A_150] : memref<16x512xf32, #tpu.memory_space<vmem>> -> memref<8x512xf32, #tpu.memory_space<vmem>>
          %dma_start3A_152 = arith.constant 0 : i32
          %dma_start3A_153 = tpu.memref_slice %arg2[%dma_start3A_152, %mul3A_148] : memref<16x2600000xf32, #tpu.memory_space<hbm>> -> memref<8x512xf32, #tpu.memory_space<hbm>>
          %dma_start3A_154 = arith.constant 0 : i32
          %dma_start3A_155 = arith.constant 0 : i32
          %dma_start3A_156 = tpu.memref_slice %arg6[%dma_start3A_154, %dma_start3A_155] : memref<16x512xf32, #tpu.memory_space<vmem>> -> memref<8x512xf32, #tpu.memory_space<vmem>>
          %dma_start3A_157 = arith.constant 0 : i32
          %dma_start3A_158 = tpu.memref_slice %arg2[%dma_start3A_157, %mul3A_148] : memref<16x2600000xf32, #tpu.memory_space<hbm>> -> memref<8x512xf32, #tpu.memory_space<hbm>>
          tpu.enqueue_dma source(%dma_start3A_158 : memref<8x512xf32, #tpu.memory_space<hbm>>) target(%dma_start3A_156 : memref<8x512xf32, #tpu.memory_space<vmem>>) target_semaphore(%arg13 : memref<!tpu.dma_semaphore, #tpu.memory_space<semaphore_mem>>)
          %dma_start3A_159 = arith.constant 8 : i32
          %dma_start3A_160 = arith.constant 0 : i32
          %dma_start3A_161 = tpu.memref_slice %arg6[%dma_start3A_159, %dma_start3A_160] : memref<16x512xf32, #tpu.memory_space<vmem>> -> memref<8x512xf32, #tpu.memory_space<vmem>>
          %dma_start3A_162 = arith.constant 8 : i32
          %dma_start3A_163 = tpu.memref_slice %arg2[%dma_start3A_162, %mul3A_148] : memref<16x2600000xf32, #tpu.memory_space<hbm>> -> memref<8x512xf32, #tpu.memory_space<hbm>>
          %dma_start3A_164 = arith.constant 8 : i32
          %dma_start3A_165 = arith.constant 0 : i32
          %dma_start3A_166 = tpu.memref_slice %arg6[%dma_start3A_164, %dma_start3A_165] : memref<16x512xf32, #tpu.memory_space<vmem>> -> memref<8x512xf32, #tpu.memory_space<vmem>>
          %dma_start3A_167 = arith.constant 8 : i32
          %dma_start3A_168 = tpu.memref_slice %arg2[%dma_start3A_167, %mul3A_148] : memref<16x2600000xf32, #tpu.memory_space<hbm>> -> memref<8x512xf32, #tpu.memory_space<hbm>>
          tpu.enqueue_dma source(%dma_start3A_168 : memref<8x512xf32, #tpu.memory_space<hbm>>) target(%dma_start3A_166 : memref<8x512xf32, #tpu.memory_space<vmem>>) target_semaphore(%arg13 : memref<!tpu.dma_semaphore, #tpu.memory_space<semaphore_mem>>)
        } else {
        }
        %dma_wait3A_108 = arith.constant 0 : i32
        %dma_wait3A_109 = arith.constant 0 : i32
        %dma_wait3A_110 = tpu.memref_slice %arg7[%dma_wait3A_108, %dma_wait3A_109] : memref<16x512xf32, #tpu.memory_space<vmem>> -> memref<8x512xf32, #tpu.memory_space<vmem>>
        %dma_wait3A_111 = arith.constant 0 : i32
        %dma_wait3A_112 = arith.constant 0 : i32
        %dma_wait3A_113 = tpu.memref_slice %arg2[%dma_wait3A_111, %dma_wait3A_112] : memref<16x2600000xf32, #tpu.memory_space<hbm>> -> memref<8x512xf32, #tpu.memory_space<hbm>>
        %dma_wait3A_114 = arith.constant 0 : i32
        %dma_wait3A_115 = arith.constant 0 : i32
        %dma_wait3A_116 = tpu.memref_slice %arg7[%dma_wait3A_114, %dma_wait3A_115] : memref<16x512xf32, #tpu.memory_space<vmem>> -> memref<8x512xf32, #tpu.memory_space<vmem>>
        %dma_wait3A_117 = arith.constant 0 : i32
        %dma_wait3A_118 = arith.constant 0 : i32
        %dma_wait3A_119 = tpu.memref_slice %arg2[%dma_wait3A_117, %dma_wait3A_118] : memref<16x2600000xf32, #tpu.memory_space<hbm>> -> memref<8x512xf32, #tpu.memory_space<hbm>>
        tpu.wait_dma2 semaphore(%arg13 : memref<!tpu.dma_semaphore, #tpu.memory_space<semaphore_mem>>) src(%dma_wait3A_119 : memref<8x512xf32, #tpu.memory_space<hbm>>) dst(%dma_wait3A_116 : memref<8x512xf32, #tpu.memory_space<vmem>>)
        %dma_wait3A_120 = arith.constant 8 : i32
        %dma_wait3A_121 = arith.constant 0 : i32
        %dma_wait3A_122 = tpu.memref_slice %arg7[%dma_wait3A_120, %dma_wait3A_121] : memref<16x512xf32, #tpu.memory_space<vmem>> -> memref<8x512xf32, #tpu.memory_space<vmem>>
        %dma_wait3A_123 = arith.constant 0 : i32
        %dma_wait3A_124 = arith.constant 0 : i32
        %dma_wait3A_125 = tpu.memref_slice %arg2[%dma_wait3A_123, %dma_wait3A_124] : memref<16x2600000xf32, #tpu.memory_space<hbm>> -> memref<8x512xf32, #tpu.memory_space<hbm>>
        %dma_wait3A_126 = arith.constant 8 : i32
        %dma_wait3A_127 = arith.constant 0 : i32
        %dma_wait3A_128 = tpu.memref_slice %arg7[%dma_wait3A_126, %dma_wait3A_127] : memref<16x512xf32, #tpu.memory_space<vmem>> -> memref<8x512xf32, #tpu.memory_space<vmem>>
        %dma_wait3A_129 = arith.constant 0 : i32
        %dma_wait3A_130 = arith.constant 0 : i32
        %dma_wait3A_131 = tpu.memref_slice %arg2[%dma_wait3A_129, %dma_wait3A_130] : memref<16x2600000xf32, #tpu.memory_space<hbm>> -> memref<8x512xf32, #tpu.memory_space<hbm>>
        tpu.wait_dma2 semaphore(%arg13 : memref<!tpu.dma_semaphore, #tpu.memory_space<semaphore_mem>>) src(%dma_wait3A_131 : memref<8x512xf32, #tpu.memory_space<hbm>>) dst(%dma_wait3A_128 : memref<8x512xf32, #tpu.memory_space<vmem>>)
        %ge3A = arith.constant 4 : i32
        %ge3A_132 = arith.cmpi sge, %scan3A_58, %ge3A : i32
        %convert_element_type3A_133 = arith.extui %ge3A_132 : i1 to i32
        %cond3A_134 = arith.constant 0 : i32
        %cond3A_135 = arith.cmpi ne, %convert_element_type3A_133, %cond3A_134 : i32
        scf.if %cond3A_135 {
          %dma_wait3A_147 = arith.constant 0 : i32
          %dma_wait3A_148 = arith.constant 0 : i32
          %dma_wait3A_149 = tpu.memref_slice %arg4[%dma_wait3A_147, %dma_wait3A_148] : memref<325000x128xf32, #tpu.memory_space<hbm>> -> memref<64x128xf32, #tpu.memory_space<hbm>>
          %dma_wait3A_150 = arith.constant 0 : i32
          %dma_wait3A_151 = arith.constant 0 : i32
          %dma_wait3A_152 = tpu.memref_slice %arg4[%dma_wait3A_150, %dma_wait3A_151] : memref<325000x128xf32, #tpu.memory_space<hbm>> -> memref<64x128xf32, #tpu.memory_space<hbm>>
          tpu.wait_dma2 semaphore(%arg14 : memref<!tpu.dma_semaphore, #tpu.memory_space<semaphore_mem>>) src(%dma_wait3A_152 : memref<64x128xf32, #tpu.memory_space<hbm>>) dst(%arg11 : memref<64x128xf32, #tpu.memory_space<vmem>>)
        } else {
        }
        %scan3A_136 = arith.constant 0 : i32
        %scan3A_137 = arith.constant 0 : i32
        %scan3A_138 = arith.constant 32 : i32
        %scan3A_139 = arith.addi %scan3A_137, %scan3A_138 : i32
        %scan3A_140 = arith.constant 1 : i32
        scf.for %scan3A_147 = %scan3A_137 to %scan3A_139 step %scan3A_140  : i32 {
          %broadcast_in_dim3A = arith.constant 0 : i32
          %broadcast_in_dim3A_148 = vector.broadcast %broadcast_in_dim3A : i32 to vector<16xi32>
          %mul3A_149 = arith.constant 2 : i32
          %mul3A_150 = arith.muli %mul3A_149, %scan3A_147 : i32
          %add3A_151 = vector.broadcast %mul3A_150 : i32 to vector<16xi32>
          %add3A_152 = arith.addi %broadcast_in_dim3A_148, %add3A_151 : vector<16xi32>
          %add3A_153 = arith.addi %add3A_152, %shift_right_logical3A_20 : vector<16xi32>
          %mul3A_154 = arith.constant 16 : i32
          %mul3A_155 = arith.muli %scan3A_147, %mul3A_154 : i32
          %get3A = arith.constant 0 : i32
          %get3A_156 = arith.index_cast %get3A : i32 to index
          %get3A_157 = arith.index_cast %mul3A_155 : i32 to index
          %get3A_158 = tpu.vector_load %arg7[%get3A_156, %get3A_157] {strides = array<i32>} : memref<16x512xf32, #tpu.memory_space<vmem>>, vector<16xf32>,
          %add3A_159 = arith.constant 0 : i32
          %add3A_160 = vector.broadcast %add3A_159 : i32 to vector<16xi32>
          %add3A_161 = arith.addi %mul3A_25, %add3A_160 : vector<16xi32>
          tpu.vector_store_idx %arg11[%add3A_153, %add3A_161], %get3A_158 : memref<64x128xf32, #tpu.memory_space<vmem>>[vector<16xi32>, vector<16xi32>], vector<16xf32>,
          %mul3A_162 = arith.constant 16 : i32
          %mul3A_163 = arith.muli %scan3A_147, %mul3A_162 : i32
          %get3A_164 = arith.constant 1 : i32
          %get3A_165 = arith.index_cast %get3A_164 : i32 to index
          %get3A_166 = arith.index_cast %mul3A_163 : i32 to index
          %get3A_167 = tpu.vector_load %arg7[%get3A_165, %get3A_166] {strides = array<i32>} : memref<16x512xf32, #tpu.memory_space<vmem>>, vector<16xf32>,
          %add3A_168 = arith.constant 1 : i32
          %add3A_169 = vector.broadcast %add3A_168 : i32 to vector<16xi32>
          %add3A_170 = arith.addi %mul3A_25, %add3A_169 : vector<16xi32>
          tpu.vector_store_idx %arg11[%add3A_153, %add3A_170], %get3A_167 : memref<64x128xf32, #tpu.memory_space<vmem>>[vector<16xi32>, vector<16xi32>], vector<16xf32>,
          %mul3A_171 = arith.constant 16 : i32
          %mul3A_172 = arith.muli %scan3A_147, %mul3A_171 : i32
          %get3A_173 = arith.constant 2 : i32
          %get3A_174 = arith.index_cast %get3A_173 : i32 to index
          %get3A_175 = arith.index_cast %mul3A_172 : i32 to index
          %get3A_176 = tpu.vector_load %arg7[%get3A_174, %get3A_175] {strides = array<i32>} : memref<16x512xf32, #tpu.memory_space<vmem>>, vector<16xf32>,
          %add3A_177 = arith.constant 2 : i32
          %add3A_178 = vector.broadcast %add3A_177 : i32 to vector<16xi32>
          %add3A_179 = arith.addi %mul3A_25, %add3A_178 : vector<16xi32>
          tpu.vector_store_idx %arg11[%add3A_153, %add3A_179], %get3A_176 : memref<64x128xf32, #tpu.memory_space<vmem>>[vector<16xi32>, vector<16xi32>], vector<16xf32>,
          %mul3A_180 = arith.constant 16 : i32
          %mul3A_181 = arith.muli %scan3A_147, %mul3A_180 : i32
          %get3A_182 = arith.constant 3 : i32
          %get3A_183 = arith.index_cast %get3A_182 : i32 to index
          %get3A_184 = arith.index_cast %mul3A_181 : i32 to index
          %get3A_185 = tpu.vector_load %arg7[%get3A_183, %get3A_184] {strides = array<i32>} : memref<16x512xf32, #tpu.memory_space<vmem>>, vector<16xf32>,
          %add3A_186 = arith.constant 3 : i32
          %add3A_187 = vector.broadcast %add3A_186 : i32 to vector<16xi32>
          %add3A_188 = arith.addi %mul3A_25, %add3A_187 : vector<16xi32>
          tpu.vector_store_idx %arg11[%add3A_153, %add3A_188], %get3A_185 : memref<64x128xf32, #tpu.memory_space<vmem>>[vector<16xi32>, vector<16xi32>], vector<16xf32>,
          %mul3A_189 = arith.constant 16 : i32
          %mul3A_190 = arith.muli %scan3A_147, %mul3A_189 : i32
          %get3A_191 = arith.constant 4 : i32
          %get3A_192 = arith.index_cast %get3A_191 : i32 to index
          %get3A_193 = arith.index_cast %mul3A_190 : i32 to index
          %get3A_194 = tpu.vector_load %arg7[%get3A_192, %get3A_193] {strides = array<i32>} : memref<16x512xf32, #tpu.memory_space<vmem>>, vector<16xf32>,
          %add3A_195 = arith.constant 4 : i32
          %add3A_196 = vector.broadcast %add3A_195 : i32 to vector<16xi32>
          %add3A_197 = arith.addi %mul3A_25, %add3A_196 : vector<16xi32>
          tpu.vector_store_idx %arg11[%add3A_153, %add3A_197], %get3A_194 : memref<64x128xf32, #tpu.memory_space<vmem>>[vector<16xi32>, vector<16xi32>], vector<16xf32>,
          %mul3A_198 = arith.constant 16 : i32
          %mul3A_199 = arith.muli %scan3A_147, %mul3A_198 : i32
          %get3A_200 = arith.constant 5 : i32
          %get3A_201 = arith.index_cast %get3A_200 : i32 to index
          %get3A_202 = arith.index_cast %mul3A_199 : i32 to index
          %get3A_203 = tpu.vector_load %arg7[%get3A_201, %get3A_202] {strides = array<i32>} : memref<16x512xf32, #tpu.memory_space<vmem>>, vector<16xf32>,
          %add3A_204 = arith.constant 5 : i32
          %add3A_205 = vector.broadcast %add3A_204 : i32 to vector<16xi32>
          %add3A_206 = arith.addi %mul3A_25, %add3A_205 : vector<16xi32>
          tpu.vector_store_idx %arg11[%add3A_153, %add3A_206], %get3A_203 : memref<64x128xf32, #tpu.memory_space<vmem>>[vector<16xi32>, vector<16xi32>], vector<16xf32>,
          %mul3A_207 = arith.constant 16 : i32
          %mul3A_208 = arith.muli %scan3A_147, %mul3A_207 : i32
          %get3A_209 = arith.constant 6 : i32
          %get3A_210 = arith.index_cast %get3A_209 : i32 to index
          %get3A_211 = arith.index_cast %mul3A_208 : i32 to index
          %get3A_212 = tpu.vector_load %arg7[%get3A_210, %get3A_211] {strides = array<i32>} : memref<16x512xf32, #tpu.memory_space<vmem>>, vector<16xf32>,
          %add3A_213 = arith.constant 6 : i32
          %add3A_214 = vector.broadcast %add3A_213 : i32 to vector<16xi32>
          %add3A_215 = arith.addi %mul3A_25, %add3A_214 : vector<16xi32>
          tpu.vector_store_idx %arg11[%add3A_153, %add3A_215], %get3A_212 : memref<64x128xf32, #tpu.memory_space<vmem>>[vector<16xi32>, vector<16xi32>], vector<16xf32>,
          %mul3A_216 = arith.constant 16 : i32
          %mul3A_217 = arith.muli %scan3A_147, %mul3A_216 : i32
          %get3A_218 = arith.constant 7 : i32
          %get3A_219 = arith.index_cast %get3A_218 : i32 to index
          %get3A_220 = arith.index_cast %mul3A_217 : i32 to index
          %get3A_221 = tpu.vector_load %arg7[%get3A_219, %get3A_220] {strides = array<i32>} : memref<16x512xf32, #tpu.memory_space<vmem>>, vector<16xf32>,
          %add3A_222 = arith.constant 7 : i32
          %add3A_223 = vector.broadcast %add3A_222 : i32 to vector<16xi32>
          %add3A_224 = arith.addi %mul3A_25, %add3A_223 : vector<16xi32>
          tpu.vector_store_idx %arg11[%add3A_153, %add3A_224], %get3A_221 : memref<64x128xf32, #tpu.memory_space<vmem>>[vector<16xi32>, vector<16xi32>], vector<16xf32>,
          %mul3A_225 = arith.constant 16 : i32
          %mul3A_226 = arith.muli %scan3A_147, %mul3A_225 : i32
          %get3A_227 = arith.constant 8 : i32
          %get3A_228 = arith.index_cast %get3A_227 : i32 to index
          %get3A_229 = arith.index_cast %mul3A_226 : i32 to index
          %get3A_230 = tpu.vector_load %arg7[%get3A_228, %get3A_229] {strides = array<i32>} : memref<16x512xf32, #tpu.memory_space<vmem>>, vector<16xf32>,
          %add3A_231 = arith.constant 8 : i32
          %add3A_232 = vector.broadcast %add3A_231 : i32 to vector<16xi32>
          %add3A_233 = arith.addi %mul3A_25, %add3A_232 : vector<16xi32>
          tpu.vector_store_idx %arg11[%add3A_153, %add3A_233], %get3A_230 : memref<64x128xf32, #tpu.memory_space<vmem>>[vector<16xi32>, vector<16xi32>], vector<16xf32>,
          %mul3A_234 = arith.constant 16 : i32
          %mul3A_235 = arith.muli %scan3A_147, %mul3A_234 : i32
          %get3A_236 = arith.constant 9 : i32
          %get3A_237 = arith.index_cast %get3A_236 : i32 to index
          %get3A_238 = arith.index_cast %mul3A_235 : i32 to index
          %get3A_239 = tpu.vector_load %arg7[%get3A_237, %get3A_238] {strides = array<i32>} : memref<16x512xf32, #tpu.memory_space<vmem>>, vector<16xf32>,
          %add3A_240 = arith.constant 9 : i32
          %add3A_241 = vector.broadcast %add3A_240 : i32 to vector<16xi32>
          %add3A_242 = arith.addi %mul3A_25, %add3A_241 : vector<16xi32>
          tpu.vector_store_idx %arg11[%add3A_153, %add3A_242], %get3A_239 : memref<64x128xf32, #tpu.memory_space<vmem>>[vector<16xi32>, vector<16xi32>], vector<16xf32>,
          %mul3A_243 = arith.constant 16 : i32
          %mul3A_244 = arith.muli %scan3A_147, %mul3A_243 : i32
          %get3A_245 = arith.constant 10 : i32
          %get3A_246 = arith.index_cast %get3A_245 : i32 to index
          %get3A_247 = arith.index_cast %mul3A_244 : i32 to index
          %get3A_248 = tpu.vector_load %arg7[%get3A_246, %get3A_247] {strides = array<i32>} : memref<16x512xf32, #tpu.memory_space<vmem>>, vector<16xf32>,
          %add3A_249 = arith.constant 10 : i32
          %add3A_250 = vector.broadcast %add3A_249 : i32 to vector<16xi32>
          %add3A_251 = arith.addi %mul3A_25, %add3A_250 : vector<16xi32>
          tpu.vector_store_idx %arg11[%add3A_153, %add3A_251], %get3A_248 : memref<64x128xf32, #tpu.memory_space<vmem>>[vector<16xi32>, vector<16xi32>], vector<16xf32>,
          %mul3A_252 = arith.constant 16 : i32
          %mul3A_253 = arith.muli %scan3A_147, %mul3A_252 : i32
          %get3A_254 = arith.constant 11 : i32
          %get3A_255 = arith.index_cast %get3A_254 : i32 to index
          %get3A_256 = arith.index_cast %mul3A_253 : i32 to index
          %get3A_257 = tpu.vector_load %arg7[%get3A_255, %get3A_256] {strides = array<i32>} : memref<16x512xf32, #tpu.memory_space<vmem>>, vector<16xf32>,
          %add3A_258 = arith.constant 11 : i32
          %add3A_259 = vector.broadcast %add3A_258 : i32 to vector<16xi32>
          %add3A_260 = arith.addi %mul3A_25, %add3A_259 : vector<16xi32>
          tpu.vector_store_idx %arg11[%add3A_153, %add3A_260], %get3A_257 : memref<64x128xf32, #tpu.memory_space<vmem>>[vector<16xi32>, vector<16xi32>], vector<16xf32>,
          %mul3A_261 = arith.constant 16 : i32
          %mul3A_262 = arith.muli %scan3A_147, %mul3A_261 : i32
          %get3A_263 = arith.constant 12 : i32
          %get3A_264 = arith.index_cast %get3A_263 : i32 to index
          %get3A_265 = arith.index_cast %mul3A_262 : i32 to index
          %get3A_266 = tpu.vector_load %arg7[%get3A_264, %get3A_265] {strides = array<i32>} : memref<16x512xf32, #tpu.memory_space<vmem>>, vector<16xf32>,
          %add3A_267 = arith.constant 12 : i32
          %add3A_268 = vector.broadcast %add3A_267 : i32 to vector<16xi32>
          %add3A_269 = arith.addi %mul3A_25, %add3A_268 : vector<16xi32>
          tpu.vector_store_idx %arg11[%add3A_153, %add3A_269], %get3A_266 : memref<64x128xf32, #tpu.memory_space<vmem>>[vector<16xi32>, vector<16xi32>], vector<16xf32>,
          %mul3A_270 = arith.constant 16 : i32
          %mul3A_271 = arith.muli %scan3A_147, %mul3A_270 : i32
          %get3A_272 = arith.constant 13 : i32
          %get3A_273 = arith.index_cast %get3A_272 : i32 to index
          %get3A_274 = arith.index_cast %mul3A_271 : i32 to index
          %get3A_275 = tpu.vector_load %arg7[%get3A_273, %get3A_274] {strides = array<i32>} : memref<16x512xf32, #tpu.memory_space<vmem>>, vector<16xf32>,
          %add3A_276 = arith.constant 13 : i32
          %add3A_277 = vector.broadcast %add3A_276 : i32 to vector<16xi32>
          %add3A_278 = arith.addi %mul3A_25, %add3A_277 : vector<16xi32>
          tpu.vector_store_idx %arg11[%add3A_153, %add3A_278], %get3A_275 : memref<64x128xf32, #tpu.memory_space<vmem>>[vector<16xi32>, vector<16xi32>], vector<16xf32>,
          %mul3A_279 = arith.constant 16 : i32
          %mul3A_280 = arith.muli %scan3A_147, %mul3A_279 : i32
          %get3A_281 = arith.constant 14 : i32
          %get3A_282 = arith.index_cast %get3A_281 : i32 to index
          %get3A_283 = arith.index_cast %mul3A_280 : i32 to index
          %get3A_284 = tpu.vector_load %arg7[%get3A_282, %get3A_283] {strides = array<i32>} : memref<16x512xf32, #tpu.memory_space<vmem>>, vector<16xf32>,
          %add3A_285 = arith.constant 14 : i32
          %add3A_286 = vector.broadcast %add3A_285 : i32 to vector<16xi32>
          %add3A_287 = arith.addi %mul3A_25, %add3A_286 : vector<16xi32>
          tpu.vector_store_idx %arg11[%add3A_153, %add3A_287], %get3A_284 : memref<64x128xf32, #tpu.memory_space<vmem>>[vector<16xi32>, vector<16xi32>], vector<16xf32>,
          %mul3A_288 = arith.constant 16 : i32
          %mul3A_289 = arith.muli %scan3A_147, %mul3A_288 : i32
          %get3A_290 = arith.constant 15 : i32
          %get3A_291 = arith.index_cast %get3A_290 : i32 to index
          %get3A_292 = arith.index_cast %mul3A_289 : i32 to index
          %get3A_293 = tpu.vector_load %arg7[%get3A_291, %get3A_292] {strides = array<i32>} : memref<16x512xf32, #tpu.memory_space<vmem>>, vector<16xf32>,
          %add3A_294 = arith.constant 15 : i32
          %add3A_295 = vector.broadcast %add3A_294 : i32 to vector<16xi32>
          %add3A_296 = arith.addi %mul3A_25, %add3A_295 : vector<16xi32>
          tpu.vector_store_idx %arg11[%add3A_153, %add3A_296], %get3A_293 : memref<64x128xf32, #tpu.memory_space<vmem>>[vector<16xi32>, vector<16xi32>], vector<16xf32>,
        }
        %scan3A_141 = arith.constant 32 : i32
        %mul3A_142 = arith.constant 64 : i32
        %mul3A_143 = arith.muli %add3A_61, %mul3A_142 : i32
        %dma_start3A = arith.constant 0 : i32
        %dma_start3A_144 = tpu.memref_slice %arg4[%mul3A_143, %dma_start3A] : memref<325000x128xf32, #tpu.memory_space<hbm>> -> memref<64x128xf32, #tpu.memory_space<hbm>>
        %dma_start3A_145 = arith.constant 0 : i32
        %dma_start3A_146 = tpu.memref_slice %arg4[%mul3A_143, %dma_start3A_145] : memref<325000x128xf32, #tpu.memory_space<hbm>> -> memref<64x128xf32, #tpu.memory_space<hbm>>
        tpu.enqueue_dma source(%arg11 : memref<64x128xf32, #tpu.memory_space<vmem>>) target(%dma_start3A_146 : memref<64x128xf32, #tpu.memory_space<hbm>>) target_semaphore(%arg14 : memref<!tpu.dma_semaphore, #tpu.memory_space<semaphore_mem>>)
      } else {
      }
      %rem3A_91 = arith.constant 4 : i32
      %rem3A_92 = arith.remsi %scan3A_58, %rem3A_91 : i32
      %eq3A_93 = arith.constant 3 : i32
      %eq3A_94 = arith.cmpi eq, %rem3A_92, %eq3A_93 : i32
      %lt3A_95 = arith.constant 5078 : i32
      %lt3A_96 = arith.cmpi slt, %add3A_61, %lt3A_95 : i32
      %and3A_97 = arith.andi %eq3A_94, %lt3A_96 : i1
      %convert_element_type3A_98 = arith.extui %and3A_97 : i1 to i32
      %cond3A_99 = arith.constant 0 : i32
      %cond3A_100 = arith.cmpi ne, %convert_element_type3A_98, %cond3A_99 : i32
      scf.if %cond3A_100 {
        %add3A_101 = arith.constant 96 : i32
        %add3A_102 = arith.addi %add3A_61, %add3A_101 : i32
        %lt3A_103 = arith.constant 5078 : i32
        %lt3A_104 = arith.cmpi slt, %add3A_102, %lt3A_103 : i32
        %convert_element_type3A_105 = arith.extui %lt3A_104 : i1 to i32
        %cond3A_106 = arith.constant 0 : i32
        %cond3A_107 = arith.cmpi ne, %convert_element_type3A_105, %cond3A_106 : i32
        scf.if %cond3A_107 {
          %mul3A_147 = arith.constant 512 : i32
          %mul3A_148 = arith.muli %add3A_102, %mul3A_147 : i32
          %dma_start3A_149 = arith.constant 0 : i32
          %dma_start3A_150 = arith.constant 0 : i32
          %dma_start3A_151 = tpu.memref_slice %arg7[%dma_start3A_149, %dma_start3A_150] : memref<16x512xf32, #tpu.memory_space<vmem>> -> memref<8x512xf32, #tpu.memory_space<vmem>>
          %dma_start3A_152 = arith.constant 0 : i32
          %dma_start3A_153 = tpu.memref_slice %arg2[%dma_start3A_152, %mul3A_148] : memref<16x2600000xf32, #tpu.memory_space<hbm>> -> memref<8x512xf32, #tpu.memory_space<hbm>>
          %dma_start3A_154 = arith.constant 0 : i32
          %dma_start3A_155 = arith.constant 0 : i32
          %dma_start3A_156 = tpu.memref_slice %arg7[%dma_start3A_154, %dma_start3A_155] : memref<16x512xf32, #tpu.memory_space<vmem>> -> memref<8x512xf32, #tpu.memory_space<vmem>>
          %dma_start3A_157 = arith.constant 0 : i32
          %dma_start3A_158 = tpu.memref_slice %arg2[%dma_start3A_157, %mul3A_148] : memref<16x2600000xf32, #tpu.memory_space<hbm>> -> memref<8x512xf32, #tpu.memory_space<hbm>>
          tpu.enqueue_dma source(%dma_start3A_158 : memref<8x512xf32, #tpu.memory_space<hbm>>) target(%dma_start3A_156 : memref<8x512xf32, #tpu.memory_space<vmem>>) target_semaphore(%arg13 : memref<!tpu.dma_semaphore, #tpu.memory_space<semaphore_mem>>)
          %dma_start3A_159 = arith.constant 8 : i32
          %dma_start3A_160 = arith.constant 0 : i32
          %dma_start3A_161 = tpu.memref_slice %arg7[%dma_start3A_159, %dma_start3A_160] : memref<16x512xf32, #tpu.memory_space<vmem>> -> memref<8x512xf32, #tpu.memory_space<vmem>>
          %dma_start3A_162 = arith.constant 8 : i32
          %dma_start3A_163 = tpu.memref_slice %arg2[%dma_start3A_162, %mul3A_148] : memref<16x2600000xf32, #tpu.memory_space<hbm>> -> memref<8x512xf32, #tpu.memory_space<hbm>>
          %dma_start3A_164 = arith.constant 8 : i32
          %dma_start3A_165 = arith.constant 0 : i32
          %dma_start3A_166 = tpu.memref_slice %arg7[%dma_start3A_164, %dma_start3A_165] : memref<16x512xf32, #tpu.memory_space<vmem>> -> memref<8x512xf32, #tpu.memory_space<vmem>>
          %dma_start3A_167 = arith.constant 8 : i32
          %dma_start3A_168 = tpu.memref_slice %arg2[%dma_start3A_167, %mul3A_148] : memref<16x2600000xf32, #tpu.memory_space<hbm>> -> memref<8x512xf32, #tpu.memory_space<hbm>>
          tpu.enqueue_dma source(%dma_start3A_168 : memref<8x512xf32, #tpu.memory_space<hbm>>) target(%dma_start3A_166 : memref<8x512xf32, #tpu.memory_space<vmem>>) target_semaphore(%arg13 : memref<!tpu.dma_semaphore, #tpu.memory_space<semaphore_mem>>)
        } else {
        }
        %dma_wait3A_108 = arith.constant 0 : i32
        %dma_wait3A_109 = arith.constant 0 : i32
        %dma_wait3A_110 = tpu.memref_slice %arg8[%dma_wait3A_108, %dma_wait3A_109] : memref<16x512xf32, #tpu.memory_space<vmem>> -> memref<8x512xf32, #tpu.memory_space<vmem>>
        %dma_wait3A_111 = arith.constant 0 : i32
        %dma_wait3A_112 = arith.constant 0 : i32
        %dma_wait3A_113 = tpu.memref_slice %arg2[%dma_wait3A_111, %dma_wait3A_112] : memref<16x2600000xf32, #tpu.memory_space<hbm>> -> memref<8x512xf32, #tpu.memory_space<hbm>>
        %dma_wait3A_114 = arith.constant 0 : i32
        %dma_wait3A_115 = arith.constant 0 : i32
        %dma_wait3A_116 = tpu.memref_slice %arg8[%dma_wait3A_114, %dma_wait3A_115] : memref<16x512xf32, #tpu.memory_space<vmem>> -> memref<8x512xf32, #tpu.memory_space<vmem>>
        %dma_wait3A_117 = arith.constant 0 : i32
        %dma_wait3A_118 = arith.constant 0 : i32
        %dma_wait3A_119 = tpu.memref_slice %arg2[%dma_wait3A_117, %dma_wait3A_118] : memref<16x2600000xf32, #tpu.memory_space<hbm>> -> memref<8x512xf32, #tpu.memory_space<hbm>>
        tpu.wait_dma2 semaphore(%arg13 : memref<!tpu.dma_semaphore, #tpu.memory_space<semaphore_mem>>) src(%dma_wait3A_119 : memref<8x512xf32, #tpu.memory_space<hbm>>) dst(%dma_wait3A_116 : memref<8x512xf32, #tpu.memory_space<vmem>>)
        %dma_wait3A_120 = arith.constant 8 : i32
        %dma_wait3A_121 = arith.constant 0 : i32
        %dma_wait3A_122 = tpu.memref_slice %arg8[%dma_wait3A_120, %dma_wait3A_121] : memref<16x512xf32, #tpu.memory_space<vmem>> -> memref<8x512xf32, #tpu.memory_space<vmem>>
        %dma_wait3A_123 = arith.constant 0 : i32
        %dma_wait3A_124 = arith.constant 0 : i32
        %dma_wait3A_125 = tpu.memref_slice %arg2[%dma_wait3A_123, %dma_wait3A_124] : memref<16x2600000xf32, #tpu.memory_space<hbm>> -> memref<8x512xf32, #tpu.memory_space<hbm>>
        %dma_wait3A_126 = arith.constant 8 : i32
        %dma_wait3A_127 = arith.constant 0 : i32
        %dma_wait3A_128 = tpu.memref_slice %arg8[%dma_wait3A_126, %dma_wait3A_127] : memref<16x512xf32, #tpu.memory_space<vmem>> -> memref<8x512xf32, #tpu.memory_space<vmem>>
        %dma_wait3A_129 = arith.constant 0 : i32
        %dma_wait3A_130 = arith.constant 0 : i32
        %dma_wait3A_131 = tpu.memref_slice %arg2[%dma_wait3A_129, %dma_wait3A_130] : memref<16x2600000xf32, #tpu.memory_space<hbm>> -> memref<8x512xf32, #tpu.memory_space<hbm>>
        tpu.wait_dma2 semaphore(%arg13 : memref<!tpu.dma_semaphore, #tpu.memory_space<semaphore_mem>>) src(%dma_wait3A_131 : memref<8x512xf32, #tpu.memory_space<hbm>>) dst(%dma_wait3A_128 : memref<8x512xf32, #tpu.memory_space<vmem>>)
        %ge3A = arith.constant 4 : i32
        %ge3A_132 = arith.cmpi sge, %scan3A_58, %ge3A : i32
        %convert_element_type3A_133 = arith.extui %ge3A_132 : i1 to i32
        %cond3A_134 = arith.constant 0 : i32
        %cond3A_135 = arith.cmpi ne, %convert_element_type3A_133, %cond3A_134 : i32
        scf.if %cond3A_135 {
          %dma_wait3A_147 = arith.constant 0 : i32
          %dma_wait3A_148 = arith.constant 0 : i32
          %dma_wait3A_149 = tpu.memref_slice %arg4[%dma_wait3A_147, %dma_wait3A_148] : memref<325000x128xf32, #tpu.memory_space<hbm>> -> memref<64x128xf32, #tpu.memory_space<hbm>>
          %dma_wait3A_150 = arith.constant 0 : i32
          %dma_wait3A_151 = arith.constant 0 : i32
          %dma_wait3A_152 = tpu.memref_slice %arg4[%dma_wait3A_150, %dma_wait3A_151] : memref<325000x128xf32, #tpu.memory_space<hbm>> -> memref<64x128xf32, #tpu.memory_space<hbm>>
          tpu.wait_dma2 semaphore(%arg14 : memref<!tpu.dma_semaphore, #tpu.memory_space<semaphore_mem>>) src(%dma_wait3A_152 : memref<64x128xf32, #tpu.memory_space<hbm>>) dst(%arg12 : memref<64x128xf32, #tpu.memory_space<vmem>>)
        } else {
        }
        %scan3A_136 = arith.constant 0 : i32
        %scan3A_137 = arith.constant 0 : i32
        %scan3A_138 = arith.constant 32 : i32
        %scan3A_139 = arith.addi %scan3A_137, %scan3A_138 : i32
        %scan3A_140 = arith.constant 1 : i32
        scf.for %scan3A_147 = %scan3A_137 to %scan3A_139 step %scan3A_140  : i32 {
          %broadcast_in_dim3A = arith.constant 0 : i32
          %broadcast_in_dim3A_148 = vector.broadcast %broadcast_in_dim3A : i32 to vector<16xi32>
          %mul3A_149 = arith.constant 2 : i32
          %mul3A_150 = arith.muli %mul3A_149, %scan3A_147 : i32
          %add3A_151 = vector.broadcast %mul3A_150 : i32 to vector<16xi32>
          %add3A_152 = arith.addi %broadcast_in_dim3A_148, %add3A_151 : vector<16xi32>
          %add3A_153 = arith.addi %add3A_152, %shift_right_logical3A_20 : vector<16xi32>
          %mul3A_154 = arith.constant 16 : i32
          %mul3A_155 = arith.muli %scan3A_147, %mul3A_154 : i32
          %get3A = arith.constant 0 : i32
          %get3A_156 = arith.index_cast %get3A : i32 to index
          %get3A_157 = arith.index_cast %mul3A_155 : i32 to index
          %get3A_158 = tpu.vector_load %arg8[%get3A_156, %get3A_157] {strides = array<i32>} : memref<16x512xf32, #tpu.memory_space<vmem>>, vector<16xf32>,
          %add3A_159 = arith.constant 0 : i32
          %add3A_160 = vector.broadcast %add3A_159 : i32 to vector<16xi32>
          %add3A_161 = arith.addi %mul3A_25, %add3A_160 : vector<16xi32>
          tpu.vector_store_idx %arg12[%add3A_153, %add3A_161], %get3A_158 : memref<64x128xf32, #tpu.memory_space<vmem>>[vector<16xi32>, vector<16xi32>], vector<16xf32>,
          %mul3A_162 = arith.constant 16 : i32
          %mul3A_163 = arith.muli %scan3A_147, %mul3A_162 : i32
          %get3A_164 = arith.constant 1 : i32
          %get3A_165 = arith.index_cast %get3A_164 : i32 to index
          %get3A_166 = arith.index_cast %mul3A_163 : i32 to index
          %get3A_167 = tpu.vector_load %arg8[%get3A_165, %get3A_166] {strides = array<i32>} : memref<16x512xf32, #tpu.memory_space<vmem>>, vector<16xf32>,
          %add3A_168 = arith.constant 1 : i32
          %add3A_169 = vector.broadcast %add3A_168 : i32 to vector<16xi32>
          %add3A_170 = arith.addi %mul3A_25, %add3A_169 : vector<16xi32>
          tpu.vector_store_idx %arg12[%add3A_153, %add3A_170], %get3A_167 : memref<64x128xf32, #tpu.memory_space<vmem>>[vector<16xi32>, vector<16xi32>], vector<16xf32>,
          %mul3A_171 = arith.constant 16 : i32
          %mul3A_172 = arith.muli %scan3A_147, %mul3A_171 : i32
          %get3A_173 = arith.constant 2 : i32
          %get3A_174 = arith.index_cast %get3A_173 : i32 to index
          %get3A_175 = arith.index_cast %mul3A_172 : i32 to index
          %get3A_176 = tpu.vector_load %arg8[%get3A_174, %get3A_175] {strides = array<i32>} : memref<16x512xf32, #tpu.memory_space<vmem>>, vector<16xf32>,
          %add3A_177 = arith.constant 2 : i32
          %add3A_178 = vector.broadcast %add3A_177 : i32 to vector<16xi32>
          %add3A_179 = arith.addi %mul3A_25, %add3A_178 : vector<16xi32>
          tpu.vector_store_idx %arg12[%add3A_153, %add3A_179], %get3A_176 : memref<64x128xf32, #tpu.memory_space<vmem>>[vector<16xi32>, vector<16xi32>], vector<16xf32>,
          %mul3A_180 = arith.constant 16 : i32
          %mul3A_181 = arith.muli %scan3A_147, %mul3A_180 : i32
          %get3A_182 = arith.constant 3 : i32
          %get3A_183 = arith.index_cast %get3A_182 : i32 to index
          %get3A_184 = arith.index_cast %mul3A_181 : i32 to index
          %get3A_185 = tpu.vector_load %arg8[%get3A_183, %get3A_184] {strides = array<i32>} : memref<16x512xf32, #tpu.memory_space<vmem>>, vector<16xf32>,
          %add3A_186 = arith.constant 3 : i32
          %add3A_187 = vector.broadcast %add3A_186 : i32 to vector<16xi32>
          %add3A_188 = arith.addi %mul3A_25, %add3A_187 : vector<16xi32>
          tpu.vector_store_idx %arg12[%add3A_153, %add3A_188], %get3A_185 : memref<64x128xf32, #tpu.memory_space<vmem>>[vector<16xi32>, vector<16xi32>], vector<16xf32>,
          %mul3A_189 = arith.constant 16 : i32
          %mul3A_190 = arith.muli %scan3A_147, %mul3A_189 : i32
          %get3A_191 = arith.constant 4 : i32
          %get3A_192 = arith.index_cast %get3A_191 : i32 to index
          %get3A_193 = arith.index_cast %mul3A_190 : i32 to index
          %get3A_194 = tpu.vector_load %arg8[%get3A_192, %get3A_193] {strides = array<i32>} : memref<16x512xf32, #tpu.memory_space<vmem>>, vector<16xf32>,
          %add3A_195 = arith.constant 4 : i32
          %add3A_196 = vector.broadcast %add3A_195 : i32 to vector<16xi32>
          %add3A_197 = arith.addi %mul3A_25, %add3A_196 : vector<16xi32>
          tpu.vector_store_idx %arg12[%add3A_153, %add3A_197], %get3A_194 : memref<64x128xf32, #tpu.memory_space<vmem>>[vector<16xi32>, vector<16xi32>], vector<16xf32>,
          %mul3A_198 = arith.constant 16 : i32
          %mul3A_199 = arith.muli %scan3A_147, %mul3A_198 : i32
          %get3A_200 = arith.constant 5 : i32
          %get3A_201 = arith.index_cast %get3A_200 : i32 to index
          %get3A_202 = arith.index_cast %mul3A_199 : i32 to index
          %get3A_203 = tpu.vector_load %arg8[%get3A_201, %get3A_202] {strides = array<i32>} : memref<16x512xf32, #tpu.memory_space<vmem>>, vector<16xf32>,
          %add3A_204 = arith.constant 5 : i32
          %add3A_205 = vector.broadcast %add3A_204 : i32 to vector<16xi32>
          %add3A_206 = arith.addi %mul3A_25, %add3A_205 : vector<16xi32>
          tpu.vector_store_idx %arg12[%add3A_153, %add3A_206], %get3A_203 : memref<64x128xf32, #tpu.memory_space<vmem>>[vector<16xi32>, vector<16xi32>], vector<16xf32>,
          %mul3A_207 = arith.constant 16 : i32
          %mul3A_208 = arith.muli %scan3A_147, %mul3A_207 : i32
          %get3A_209 = arith.constant 6 : i32
          %get3A_210 = arith.index_cast %get3A_209 : i32 to index
          %get3A_211 = arith.index_cast %mul3A_208 : i32 to index
          %get3A_212 = tpu.vector_load %arg8[%get3A_210, %get3A_211] {strides = array<i32>} : memref<16x512xf32, #tpu.memory_space<vmem>>, vector<16xf32>,
          %add3A_213 = arith.constant 6 : i32
          %add3A_214 = vector.broadcast %add3A_213 : i32 to vector<16xi32>
          %add3A_215 = arith.addi %mul3A_25, %add3A_214 : vector<16xi32>
          tpu.vector_store_idx %arg12[%add3A_153, %add3A_215], %get3A_212 : memref<64x128xf32, #tpu.memory_space<vmem>>[vector<16xi32>, vector<16xi32>], vector<16xf32>,
          %mul3A_216 = arith.constant 16 : i32
          %mul3A_217 = arith.muli %scan3A_147, %mul3A_216 : i32
          %get3A_218 = arith.constant 7 : i32
          %get3A_219 = arith.index_cast %get3A_218 : i32 to index
          %get3A_220 = arith.index_cast %mul3A_217 : i32 to index
          %get3A_221 = tpu.vector_load %arg8[%get3A_219, %get3A_220] {strides = array<i32>} : memref<16x512xf32, #tpu.memory_space<vmem>>, vector<16xf32>,
          %add3A_222 = arith.constant 7 : i32
          %add3A_223 = vector.broadcast %add3A_222 : i32 to vector<16xi32>
          %add3A_224 = arith.addi %mul3A_25, %add3A_223 : vector<16xi32>
          tpu.vector_store_idx %arg12[%add3A_153, %add3A_224], %get3A_221 : memref<64x128xf32, #tpu.memory_space<vmem>>[vector<16xi32>, vector<16xi32>], vector<16xf32>,
          %mul3A_225 = arith.constant 16 : i32
          %mul3A_226 = arith.muli %scan3A_147, %mul3A_225 : i32
          %get3A_227 = arith.constant 8 : i32
          %get3A_228 = arith.index_cast %get3A_227 : i32 to index
          %get3A_229 = arith.index_cast %mul3A_226 : i32 to index
          %get3A_230 = tpu.vector_load %arg8[%get3A_228, %get3A_229] {strides = array<i32>} : memref<16x512xf32, #tpu.memory_space<vmem>>, vector<16xf32>,
          %add3A_231 = arith.constant 8 : i32
          %add3A_232 = vector.broadcast %add3A_231 : i32 to vector<16xi32>
          %add3A_233 = arith.addi %mul3A_25, %add3A_232 : vector<16xi32>
          tpu.vector_store_idx %arg12[%add3A_153, %add3A_233], %get3A_230 : memref<64x128xf32, #tpu.memory_space<vmem>>[vector<16xi32>, vector<16xi32>], vector<16xf32>,
          %mul3A_234 = arith.constant 16 : i32
          %mul3A_235 = arith.muli %scan3A_147, %mul3A_234 : i32
          %get3A_236 = arith.constant 9 : i32
          %get3A_237 = arith.index_cast %get3A_236 : i32 to index
          %get3A_238 = arith.index_cast %mul3A_235 : i32 to index
          %get3A_239 = tpu.vector_load %arg8[%get3A_237, %get3A_238] {strides = array<i32>} : memref<16x512xf32, #tpu.memory_space<vmem>>, vector<16xf32>,
          %add3A_240 = arith.constant 9 : i32
          %add3A_241 = vector.broadcast %add3A_240 : i32 to vector<16xi32>
          %add3A_242 = arith.addi %mul3A_25, %add3A_241 : vector<16xi32>
          tpu.vector_store_idx %arg12[%add3A_153, %add3A_242], %get3A_239 : memref<64x128xf32, #tpu.memory_space<vmem>>[vector<16xi32>, vector<16xi32>], vector<16xf32>,
          %mul3A_243 = arith.constant 16 : i32
          %mul3A_244 = arith.muli %scan3A_147, %mul3A_243 : i32
          %get3A_245 = arith.constant 10 : i32
          %get3A_246 = arith.index_cast %get3A_245 : i32 to index
          %get3A_247 = arith.index_cast %mul3A_244 : i32 to index
          %get3A_248 = tpu.vector_load %arg8[%get3A_246, %get3A_247] {strides = array<i32>} : memref<16x512xf32, #tpu.memory_space<vmem>>, vector<16xf32>,
          %add3A_249 = arith.constant 10 : i32
          %add3A_250 = vector.broadcast %add3A_249 : i32 to vector<16xi32>
          %add3A_251 = arith.addi %mul3A_25, %add3A_250 : vector<16xi32>
          tpu.vector_store_idx %arg12[%add3A_153, %add3A_251], %get3A_248 : memref<64x128xf32, #tpu.memory_space<vmem>>[vector<16xi32>, vector<16xi32>], vector<16xf32>,
          %mul3A_252 = arith.constant 16 : i32
          %mul3A_253 = arith.muli %scan3A_147, %mul3A_252 : i32
          %get3A_254 = arith.constant 11 : i32
          %get3A_255 = arith.index_cast %get3A_254 : i32 to index
          %get3A_256 = arith.index_cast %mul3A_253 : i32 to index
          %get3A_257 = tpu.vector_load %arg8[%get3A_255, %get3A_256] {strides = array<i32>} : memref<16x512xf32, #tpu.memory_space<vmem>>, vector<16xf32>,
          %add3A_258 = arith.constant 11 : i32
          %add3A_259 = vector.broadcast %add3A_258 : i32 to vector<16xi32>
          %add3A_260 = arith.addi %mul3A_25, %add3A_259 : vector<16xi32>
          tpu.vector_store_idx %arg12[%add3A_153, %add3A_260], %get3A_257 : memref<64x128xf32, #tpu.memory_space<vmem>>[vector<16xi32>, vector<16xi32>], vector<16xf32>,
          %mul3A_261 = arith.constant 16 : i32
          %mul3A_262 = arith.muli %scan3A_147, %mul3A_261 : i32
          %get3A_263 = arith.constant 12 : i32
          %get3A_264 = arith.index_cast %get3A_263 : i32 to index
          %get3A_265 = arith.index_cast %mul3A_262 : i32 to index
          %get3A_266 = tpu.vector_load %arg8[%get3A_264, %get3A_265] {strides = array<i32>} : memref<16x512xf32, #tpu.memory_space<vmem>>, vector<16xf32>,
          %add3A_267 = arith.constant 12 : i32
          %add3A_268 = vector.broadcast %add3A_267 : i32 to vector<16xi32>
          %add3A_269 = arith.addi %mul3A_25, %add3A_268 : vector<16xi32>
          tpu.vector_store_idx %arg12[%add3A_153, %add3A_269], %get3A_266 : memref<64x128xf32, #tpu.memory_space<vmem>>[vector<16xi32>, vector<16xi32>], vector<16xf32>,
          %mul3A_270 = arith.constant 16 : i32
          %mul3A_271 = arith.muli %scan3A_147, %mul3A_270 : i32
          %get3A_272 = arith.constant 13 : i32
          %get3A_273 = arith.index_cast %get3A_272 : i32 to index
          %get3A_274 = arith.index_cast %mul3A_271 : i32 to index
          %get3A_275 = tpu.vector_load %arg8[%get3A_273, %get3A_274] {strides = array<i32>} : memref<16x512xf32, #tpu.memory_space<vmem>>, vector<16xf32>,
          %add3A_276 = arith.constant 13 : i32
          %add3A_277 = vector.broadcast %add3A_276 : i32 to vector<16xi32>
          %add3A_278 = arith.addi %mul3A_25, %add3A_277 : vector<16xi32>
          tpu.vector_store_idx %arg12[%add3A_153, %add3A_278], %get3A_275 : memref<64x128xf32, #tpu.memory_space<vmem>>[vector<16xi32>, vector<16xi32>], vector<16xf32>,
          %mul3A_279 = arith.constant 16 : i32
          %mul3A_280 = arith.muli %scan3A_147, %mul3A_279 : i32
          %get3A_281 = arith.constant 14 : i32
          %get3A_282 = arith.index_cast %get3A_281 : i32 to index
          %get3A_283 = arith.index_cast %mul3A_280 : i32 to index
          %get3A_284 = tpu.vector_load %arg8[%get3A_282, %get3A_283] {strides = array<i32>} : memref<16x512xf32, #tpu.memory_space<vmem>>, vector<16xf32>,
          %add3A_285 = arith.constant 14 : i32
          %add3A_286 = vector.broadcast %add3A_285 : i32 to vector<16xi32>
          %add3A_287 = arith.addi %mul3A_25, %add3A_286 : vector<16xi32>
          tpu.vector_store_idx %arg12[%add3A_153, %add3A_287], %get3A_284 : memref<64x128xf32, #tpu.memory_space<vmem>>[vector<16xi32>, vector<16xi32>], vector<16xf32>,
          %mul3A_288 = arith.constant 16 : i32
          %mul3A_289 = arith.muli %scan3A_147, %mul3A_288 : i32
          %get3A_290 = arith.constant 15 : i32
          %get3A_291 = arith.index_cast %get3A_290 : i32 to index
          %get3A_292 = arith.index_cast %mul3A_289 : i32 to index
          %get3A_293 = tpu.vector_load %arg8[%get3A_291, %get3A_292] {strides = array<i32>} : memref<16x512xf32, #tpu.memory_space<vmem>>, vector<16xf32>,
          %add3A_294 = arith.constant 15 : i32
          %add3A_295 = vector.broadcast %add3A_294 : i32 to vector<16xi32>
          %add3A_296 = arith.addi %mul3A_25, %add3A_295 : vector<16xi32>
          tpu.vector_store_idx %arg12[%add3A_153, %add3A_296], %get3A_293 : memref<64x128xf32, #tpu.memory_space<vmem>>[vector<16xi32>, vector<16xi32>], vector<16xf32>,
        }
        %scan3A_141 = arith.constant 32 : i32
        %mul3A_142 = arith.constant 64 : i32
        %mul3A_143 = arith.muli %add3A_61, %mul3A_142 : i32
        %dma_start3A = arith.constant 0 : i32
        %dma_start3A_144 = tpu.memref_slice %arg4[%mul3A_143, %dma_start3A] : memref<325000x128xf32, #tpu.memory_space<hbm>> -> memref<64x128xf32, #tpu.memory_space<hbm>>
        %dma_start3A_145 = arith.constant 0 : i32
        %dma_start3A_146 = tpu.memref_slice %arg4[%mul3A_143, %dma_start3A_145] : memref<325000x128xf32, #tpu.memory_space<hbm>> -> memref<64x128xf32, #tpu.memory_space<hbm>>
        tpu.enqueue_dma source(%arg12 : memref<64x128xf32, #tpu.memory_space<vmem>>) target(%dma_start3A_146 : memref<64x128xf32, #tpu.memory_space<hbm>>) target_semaphore(%arg14 : memref<!tpu.dma_semaphore, #tpu.memory_space<semaphore_mem>>)
      } else {
      }
    }
    %scan3A_30 = arith.constant 159 : i32
    %dma_wait3A = arith.constant 0 : i32
    %dma_wait3A_31 = arith.constant 0 : i32
    %dma_wait3A_32 = tpu.memref_slice %arg4[%dma_wait3A, %dma_wait3A_31] : memref<325000x128xf32, #tpu.memory_space<hbm>> -> memref<64x128xf32, #tpu.memory_space<hbm>>
    %dma_wait3A_33 = arith.constant 0 : i32
    %dma_wait3A_34 = arith.constant 0 : i32
    %dma_wait3A_35 = tpu.memref_slice %arg4[%dma_wait3A_33, %dma_wait3A_34] : memref<325000x128xf32, #tpu.memory_space<hbm>> -> memref<64x128xf32, #tpu.memory_space<hbm>>
    tpu.wait_dma2 semaphore(%arg14 : memref<!tpu.dma_semaphore, #tpu.memory_space<semaphore_mem>>) src(%dma_wait3A_35 : memref<64x128xf32, #tpu.memory_space<hbm>>) dst(%arg9 : memref<64x128xf32, #tpu.memory_space<vmem>>)
    %dma_wait3A_36 = arith.constant 0 : i32
    %dma_wait3A_37 = arith.constant 0 : i32
    %dma_wait3A_38 = tpu.memref_slice %arg4[%dma_wait3A_36, %dma_wait3A_37] : memref<325000x128xf32, #tpu.memory_space<hbm>> -> memref<64x128xf32, #tpu.memory_space<hbm>>
    %dma_wait3A_39 = arith.constant 0 : i32
    %dma_wait3A_40 = arith.constant 0 : i32
    %dma_wait3A_41 = tpu.memref_slice %arg4[%dma_wait3A_39, %dma_wait3A_40] : memref<325000x128xf32, #tpu.memory_space<hbm>> -> memref<64x128xf32, #tpu.memory_space<hbm>>
    tpu.wait_dma2 semaphore(%arg14 : memref<!tpu.dma_semaphore, #tpu.memory_space<semaphore_mem>>) src(%dma_wait3A_41 : memref<64x128xf32, #tpu.memory_space<hbm>>) dst(%arg10 : memref<64x128xf32, #tpu.memory_space<vmem>>)
    %dma_wait3A_42 = arith.constant 0 : i32
    %dma_wait3A_43 = arith.constant 0 : i32
    %dma_wait3A_44 = tpu.memref_slice %arg4[%dma_wait3A_42, %dma_wait3A_43] : memref<325000x128xf32, #tpu.memory_space<hbm>> -> memref<64x128xf32, #tpu.memory_space<hbm>>
    %dma_wait3A_45 = arith.constant 0 : i32
    %dma_wait3A_46 = arith.constant 0 : i32
    %dma_wait3A_47 = tpu.memref_slice %arg4[%dma_wait3A_45, %dma_wait3A_46] : memref<325000x128xf32, #tpu.memory_space<hbm>> -> memref<64x128xf32, #tpu.memory_space<hbm>>
    tpu.wait_dma2 semaphore(%arg14 : memref<!tpu.dma_semaphore, #tpu.memory_space<semaphore_mem>>) src(%dma_wait3A_47 : memref<64x128xf32, #tpu.memory_space<hbm>>) dst(%arg11 : memref<64x128xf32, #tpu.memory_space<vmem>>)
    %dma_wait3A_48 = arith.constant 0 : i32
    %dma_wait3A_49 = arith.constant 0 : i32
    %dma_wait3A_50 = tpu.memref_slice %arg4[%dma_wait3A_48, %dma_wait3A_49] : memref<325000x128xf32, #tpu.memory_space<hbm>> -> memref<64x128xf32, #tpu.memory_space<hbm>>
    %dma_wait3A_51 = arith.constant 0 : i32
    %dma_wait3A_52 = arith.constant 0 : i32
    %dma_wait3A_53 = tpu.memref_slice %arg4[%dma_wait3A_51, %dma_wait3A_52] : memref<325000x128xf32, #tpu.memory_space<hbm>> -> memref<64x128xf32, #tpu.memory_space<hbm>>
    tpu.wait_dma2 semaphore(%arg14 : memref<!tpu.dma_semaphore, #tpu.memory_space<semaphore_mem>>) src(%dma_wait3A_53 : memref<64x128xf32, #tpu.memory_space<hbm>>) dst(%arg12 : memref<64x128xf32, #tpu.memory_space<vmem>>)
    %eq3A = arith.constant 0 : i32
    %eq3A_54 = arith.cmpi eq, %add3A, %eq3A : i32
    %convert_element_type3A_55 = arith.extui %eq3A_54 : i1 to i32
    %cond3A_56 = arith.constant 0 : i32
    %cond3A_57 = arith.cmpi ne, %convert_element_type3A_55, %cond3A_56 : i32
    scf.if %cond3A_57 {
      "tpu.region"() ({
        %run_scoped3A = tpu.sem_alloc : memref<!tpu.dma_semaphore, #tpu.memory_space<semaphore_mem>>
        %dma_start3A = arith.constant 0 : i32
        %dma_start3A_58 = arith.constant 0 : i32
        %dma_start3A_59 = tpu.memref_slice %arg9[%dma_start3A, %dma_start3A_58] : memref<64x128xf32, #tpu.memory_space<vmem>> -> memref<8x128xf32, #tpu.memory_space<vmem>>
        %dma_start3A_60 = arith.constant 0 : i32
        %dma_start3A_61 = arith.constant 0 : i32
        %dma_start3A_62 = tpu.memref_slice %arg9[%dma_start3A_60, %dma_start3A_61] : memref<64x128xf32, #tpu.memory_space<vmem>> -> memref<8x128xf32, #tpu.memory_space<vmem>>
        tpu.enqueue_dma source(%arg3 : memref<8x128xf32, #tpu.memory_space<hbm>>) target(%dma_start3A_62 : memref<8x128xf32, #tpu.memory_space<vmem>>) target_semaphore(%run_scoped3A : memref<!tpu.dma_semaphore, #tpu.memory_space<semaphore_mem>>)
        %dma_wait3A_63 = arith.constant 0 : i32
        %dma_wait3A_64 = arith.constant 0 : i32
        %dma_wait3A_65 = tpu.memref_slice %arg9[%dma_wait3A_63, %dma_wait3A_64] : memref<64x128xf32, #tpu.memory_space<vmem>> -> memref<8x128xf32, #tpu.memory_space<vmem>>
        %dma_wait3A_66 = arith.constant 0 : i32
        %dma_wait3A_67 = arith.constant 0 : i32
        %dma_wait3A_68 = tpu.memref_slice %arg9[%dma_wait3A_66, %dma_wait3A_67] : memref<64x128xf32, #tpu.memory_space<vmem>> -> memref<8x128xf32, #tpu.memory_space<vmem>>
        tpu.wait_dma2 semaphore(%run_scoped3A : memref<!tpu.dma_semaphore, #tpu.memory_space<semaphore_mem>>) src(%arg3 : memref<8x128xf32, #tpu.memory_space<hbm>>) dst(%dma_wait3A_68 : memref<8x128xf32, #tpu.memory_space<vmem>>)
        tpu.yield
      }) : () -> ()
      "tpu.region"() ({
        %run_scoped3A = tpu.sem_alloc : memref<!tpu.dma_semaphore, #tpu.memory_space<semaphore_mem>>
        %dma_start3A = arith.constant 0 : i32
        %dma_start3A_58 = arith.constant 0 : i32
        %dma_start3A_59 = tpu.memref_slice %arg9[%dma_start3A, %dma_start3A_58] : memref<64x128xf32, #tpu.memory_space<vmem>> -> memref<8x128xf32, #tpu.memory_space<vmem>>
        %dma_start3A_60 = arith.constant 324992 : i32
        %dma_start3A_61 = arith.constant 0 : i32
        %dma_start3A_62 = tpu.memref_slice %arg4[%dma_start3A_60, %dma_start3A_61] : memref<325000x128xf32, #tpu.memory_space<hbm>> -> memref<8x128xf32, #tpu.memory_space<hbm>>
        %dma_start3A_63 = arith.constant 324992 : i32
        %dma_start3A_64 = arith.constant 0 : i32
        %dma_start3A_65 = tpu.memref_slice %arg4[%dma_start3A_63, %dma_start3A_64] : memref<325000x128xf32, #tpu.memory_space<hbm>> -> memref<8x128xf32, #tpu.memory_space<hbm>>
        %dma_start3A_66 = arith.constant 0 : i32
        %dma_start3A_67 = arith.constant 0 : i32
        %dma_start3A_68 = tpu.memref_slice %arg9[%dma_start3A_66, %dma_start3A_67] : memref<64x128xf32, #tpu.memory_space<vmem>> -> memref<8x128xf32, #tpu.memory_space<vmem>>
        tpu.enqueue_dma source(%dma_start3A_68 : memref<8x128xf32, #tpu.memory_space<vmem>>) target(%dma_start3A_65 : memref<8x128xf32, #tpu.memory_space<hbm>>) target_semaphore(%run_scoped3A : memref<!tpu.dma_semaphore, #tpu.memory_space<semaphore_mem>>)
        %dma_wait3A_69 = arith.constant 0 : i32
        %dma_wait3A_70 = arith.constant 0 : i32
        %dma_wait3A_71 = tpu.memref_slice %arg9[%dma_wait3A_69, %dma_wait3A_70] : memref<64x128xf32, #tpu.memory_space<vmem>> -> memref<8x128xf32, #tpu.memory_space<vmem>>
        %dma_wait3A_72 = arith.constant 324992 : i32
        %dma_wait3A_73 = arith.constant 0 : i32
        %dma_wait3A_74 = tpu.memref_slice %arg4[%dma_wait3A_72, %dma_wait3A_73] : memref<325000x128xf32, #tpu.memory_space<hbm>> -> memref<8x128xf32, #tpu.memory_space<hbm>>
        %dma_wait3A_75 = arith.constant 324992 : i32
        %dma_wait3A_76 = arith.constant 0 : i32
        %dma_wait3A_77 = tpu.memref_slice %arg4[%dma_wait3A_75, %dma_wait3A_76] : memref<325000x128xf32, #tpu.memory_space<hbm>> -> memref<8x128xf32, #tpu.memory_space<hbm>>
        %dma_wait3A_78 = arith.constant 0 : i32
        %dma_wait3A_79 = arith.constant 0 : i32
        %dma_wait3A_80 = tpu.memref_slice %arg9[%dma_wait3A_78, %dma_wait3A_79] : memref<64x128xf32, #tpu.memory_space<vmem>> -> memref<8x128xf32, #tpu.memory_space<vmem>>
        tpu.wait_dma2 semaphore(%run_scoped3A : memref<!tpu.dma_semaphore, #tpu.memory_space<semaphore_mem>>) src(%dma_wait3A_80 : memref<8x128xf32, #tpu.memory_space<vmem>>) dst(%dma_wait3A_77 : memref<8x128xf32, #tpu.memory_space<hbm>>)
        tpu.yield
      }) : () -> ()
    } else {
    }
    return
  }
}

#map = affine_map<(d0, d1) -> (0, 0)>
#map1 = affine_map<(d0, d1) -> (0)>
#map2 = affine_map<(d0, d1) -> (0, 0, 0, 0, 0)>
module attributes {stable_mosaic.version = 14 : i64} {
  func.func @sc_gather(%arg0: i32, %arg1: i32, %arg2: memref<3328x128xi32, #tpu.memory_space<hbm>>, %arg3: memref<32xi32, #tpu.memory_space<hbm>>, %arg4: memref<325000x128xf32, #tpu.memory_space<hbm>>, %arg5: memref<26x2x128x8x128xf32, #tpu.memory_space<hbm>>, %arg6: memref<104x128xi32, #tpu.memory_space<vmem>>, %arg7: memref<104x128xi32, #tpu.memory_space<vmem>>, %arg8: memref<32xi32, #tpu.memory_space<vmem>>, %arg9: memref<128x128xf32, #tpu.memory_space<vmem>>, %arg10: memref<128x128xf32, #tpu.memory_space<vmem>>, %arg11: memref<16x128xf32, #tpu.memory_space<vmem>>, %arg12: memref<16x128xf32, #tpu.memory_space<vmem>>, %arg13: memref<!tpu.dma_semaphore, #tpu.memory_space<semaphore_mem>>, %arg14: memref<!tpu.dma_semaphore, #tpu.memory_space<semaphore_mem>>) attributes {dimension_semantics = [#tpu.dimension_semantics<core_parallel>, #tpu.dimension_semantics<subcore_parallel>], iteration_bounds = array<i64: 2, 16>, scalar_prefetch = 0 : i64, scratch_operands = 9 : i64, tpu.core_type = #tpu.core_type<sc_vector_subcore>, window_params = [{transform_indices = #map}, {transform_indices = #map1}, {transform_indices = #map}, {transform_indices = #map2}]} {
    %mul3A = arith.constant 2 : i32
    %mul3A_0 = arith.muli %arg1, %mul3A : i32
    %add3A = arith.addi %mul3A_0, %arg0 : i32
    %mul3A_1 = arith.constant 104 : i32
    %mul3A_2 = arith.muli %add3A, %mul3A_1 : i32
    "tpu.region"() ({
      %run_scoped3A = tpu.sem_alloc : memref<!tpu.dma_semaphore, #tpu.memory_space<semaphore_mem>>
      %dma_start3A_31 = arith.constant 0 : i32
      %dma_start3A_32 = tpu.memref_slice %arg2[%mul3A_2, %dma_start3A_31] : memref<3328x128xi32, #tpu.memory_space<hbm>> -> memref<104x128xi32, #tpu.memory_space<hbm>>
      %dma_start3A_33 = arith.constant 0 : i32
      %dma_start3A_34 = tpu.memref_slice %arg2[%mul3A_2, %dma_start3A_33] : memref<3328x128xi32, #tpu.memory_space<hbm>> -> memref<104x128xi32, #tpu.memory_space<hbm>>
      tpu.enqueue_dma source(%dma_start3A_34 : memref<104x128xi32, #tpu.memory_space<hbm>>) target(%arg6 : memref<104x128xi32, #tpu.memory_space<vmem>>) target_semaphore(%run_scoped3A : memref<!tpu.dma_semaphore, #tpu.memory_space<semaphore_mem>>)
      %dma_wait3A_35 = arith.constant 0 : i32
      %dma_wait3A_36 = tpu.memref_slice %arg2[%mul3A_2, %dma_wait3A_35] : memref<3328x128xi32, #tpu.memory_space<hbm>> -> memref<104x128xi32, #tpu.memory_space<hbm>>
      %dma_wait3A_37 = arith.constant 0 : i32
      %dma_wait3A_38 = tpu.memref_slice %arg2[%mul3A_2, %dma_wait3A_37] : memref<3328x128xi32, #tpu.memory_space<hbm>> -> memref<104x128xi32, #tpu.memory_space<hbm>>
      tpu.wait_dma2 semaphore(%run_scoped3A : memref<!tpu.dma_semaphore, #tpu.memory_space<semaphore_mem>>) src(%dma_wait3A_38 : memref<104x128xi32, #tpu.memory_space<hbm>>) dst(%arg6 : memref<104x128xi32, #tpu.memory_space<vmem>>)
      tpu.yield
    }) : () -> ()
    "tpu.region"() ({
      %run_scoped3A = tpu.sem_alloc : memref<!tpu.dma_semaphore, #tpu.memory_space<semaphore_mem>>
      tpu.enqueue_dma source(%arg3 : memref<32xi32, #tpu.memory_space<hbm>>) target(%arg8 : memref<32xi32, #tpu.memory_space<vmem>>) target_semaphore(%run_scoped3A : memref<!tpu.dma_semaphore, #tpu.memory_space<semaphore_mem>>)
      tpu.wait_dma2 semaphore(%run_scoped3A : memref<!tpu.dma_semaphore, #tpu.memory_space<semaphore_mem>>) src(%arg3 : memref<32xi32, #tpu.memory_space<hbm>>) dst(%arg8 : memref<32xi32, #tpu.memory_space<vmem>>)
      tpu.yield
    }) : () -> ()
    %scan3A = arith.constant 0 : i32
    %scan3A_3 = arith.constant 0 : i32
    %scan3A_4 = arith.constant 104 : i32
    %scan3A_5 = arith.addi %scan3A_3, %scan3A_4 : i32
    %scan3A_6 = arith.constant 1 : i32
    scf.for %scan3A_31 = %scan3A_3 to %scan3A_5 step %scan3A_6  : i32 {
      %add3A_32 = arith.addi %mul3A_2, %scan3A_31 : i32
      %div3A = arith.constant 128 : i32
      %div3A_33 = arith.divsi %add3A_32, %div3A : i32
      %broadcast_in_dim3A = arith.constant 0 : i32
      %broadcast_in_dim3A_34 = vector.broadcast %broadcast_in_dim3A : i32 to vector<16xi32>
      %add3A_35 = vector.broadcast %div3A_33 : i32 to vector<16xi32>
      %add3A_36 = arith.addi %broadcast_in_dim3A_34, %add3A_35 : vector<16xi32>
      %gather3A = tpu.vector_load_idx %arg8[%add3A_36] : memref<32xi32, #tpu.memory_space<vmem>>[vector<16xi32>], vector<16xi32>,
      %get3A = arith.index_cast %scan3A_31 : i32 to index
      %get3A_37 = arith.constant 0 : index
      %get3A_38 = tpu.vector_load %arg6[%get3A, %get3A_37] {strides = array<i32>} : memref<104x128xi32, #tpu.memory_space<vmem>>, vector<16xi32>,
      %add3A_39 = arith.addi %get3A_38, %gather3A : vector<16xi32>
      %shift_right_logical3A = arith.constant 3 : i32
      %shift_right_logical3A_40 = vector.broadcast %shift_right_logical3A : i32 to vector<16xi32>
      %shift_right_logical3A_41 = arith.shrui %add3A_39, %shift_right_logical3A_40 : vector<16xi32>
      %swap3A = arith.index_cast %scan3A_31 : i32 to index
      %swap3A_42 = arith.constant 0 : index
      %swap3A_43 = tpu.vector_load %arg6[%swap3A, %swap3A_42] {strides = array<i32>} : memref<104x128xi32, #tpu.memory_space<vmem>>, vector<16xi32>,
      tpu.vector_store %arg6[%swap3A, %swap3A_42], %shift_right_logical3A_41 {strides = array<i32>} : memref<104x128xi32, #tpu.memory_space<vmem>>, vector<16xi32>,
      %and3A = arith.constant 7 : i32
      %and3A_44 = vector.broadcast %and3A : i32 to vector<16xi32>
      %and3A_45 = arith.andi %add3A_39, %and3A_44 : vector<16xi32>
      %mul3A_46 = arith.constant 16 : i32
      %mul3A_47 = vector.broadcast %mul3A_46 : i32 to vector<16xi32>
      %mul3A_48 = arith.muli %and3A_45, %mul3A_47 : vector<16xi32>
      %swap3A_49 = arith.index_cast %scan3A_31 : i32 to index
      %swap3A_50 = arith.constant 0 : index
      %swap3A_51 = tpu.vector_load %arg7[%swap3A_49, %swap3A_50] {strides = array<i32>} : memref<104x128xi32, #tpu.memory_space<vmem>>, vector<16xi32>,
      tpu.vector_store %arg7[%swap3A_49, %swap3A_50], %mul3A_48 {strides = array<i32>} : memref<104x128xi32, #tpu.memory_space<vmem>>, vector<16xi32>,
      %get3A_52 = arith.index_cast %scan3A_31 : i32 to index
      %get3A_53 = arith.constant 16 : index
      %get3A_54 = tpu.vector_load %arg6[%get3A_52, %get3A_53] {strides = array<i32>} : memref<104x128xi32, #tpu.memory_space<vmem>>, vector<16xi32>,
      %add3A_55 = arith.addi %get3A_54, %gather3A : vector<16xi32>
      %shift_right_logical3A_56 = arith.constant 3 : i32
      %shift_right_logical3A_57 = vector.broadcast %shift_right_logical3A_56 : i32 to vector<16xi32>
      %shift_right_logical3A_58 = arith.shrui %add3A_55, %shift_right_logical3A_57 : vector<16xi32>
      %swap3A_59 = arith.index_cast %scan3A_31 : i32 to index
      %swap3A_60 = arith.constant 16 : index
      %swap3A_61 = tpu.vector_load %arg6[%swap3A_59, %swap3A_60] {strides = array<i32>} : memref<104x128xi32, #tpu.memory_space<vmem>>, vector<16xi32>,
      tpu.vector_store %arg6[%swap3A_59, %swap3A_60], %shift_right_logical3A_58 {strides = array<i32>} : memref<104x128xi32, #tpu.memory_space<vmem>>, vector<16xi32>,
      %and3A_62 = arith.constant 7 : i32
      %and3A_63 = vector.broadcast %and3A_62 : i32 to vector<16xi32>
      %and3A_64 = arith.andi %add3A_55, %and3A_63 : vector<16xi32>
      %mul3A_65 = arith.constant 16 : i32
      %mul3A_66 = vector.broadcast %mul3A_65 : i32 to vector<16xi32>
      %mul3A_67 = arith.muli %and3A_64, %mul3A_66 : vector<16xi32>
      %swap3A_68 = arith.index_cast %scan3A_31 : i32 to index
      %swap3A_69 = arith.constant 16 : index
      %swap3A_70 = tpu.vector_load %arg7[%swap3A_68, %swap3A_69] {strides = array<i32>} : memref<104x128xi32, #tpu.memory_space<vmem>>, vector<16xi32>,
      tpu.vector_store %arg7[%swap3A_68, %swap3A_69], %mul3A_67 {strides = array<i32>} : memref<104x128xi32, #tpu.memory_space<vmem>>, vector<16xi32>,
      %get3A_71 = arith.index_cast %scan3A_31 : i32 to index
      %get3A_72 = arith.constant 32 : index
      %get3A_73 = tpu.vector_load %arg6[%get3A_71, %get3A_72] {strides = array<i32>} : memref<104x128xi32, #tpu.memory_space<vmem>>, vector<16xi32>,
      %add3A_74 = arith.addi %get3A_73, %gather3A : vector<16xi32>
      %shift_right_logical3A_75 = arith.constant 3 : i32
      %shift_right_logical3A_76 = vector.broadcast %shift_right_logical3A_75 : i32 to vector<16xi32>
      %shift_right_logical3A_77 = arith.shrui %add3A_74, %shift_right_logical3A_76 : vector<16xi32>
      %swap3A_78 = arith.index_cast %scan3A_31 : i32 to index
      %swap3A_79 = arith.constant 32 : index
      %swap3A_80 = tpu.vector_load %arg6[%swap3A_78, %swap3A_79] {strides = array<i32>} : memref<104x128xi32, #tpu.memory_space<vmem>>, vector<16xi32>,
      tpu.vector_store %arg6[%swap3A_78, %swap3A_79], %shift_right_logical3A_77 {strides = array<i32>} : memref<104x128xi32, #tpu.memory_space<vmem>>, vector<16xi32>,
      %and3A_81 = arith.constant 7 : i32
      %and3A_82 = vector.broadcast %and3A_81 : i32 to vector<16xi32>
      %and3A_83 = arith.andi %add3A_74, %and3A_82 : vector<16xi32>
      %mul3A_84 = arith.constant 16 : i32
      %mul3A_85 = vector.broadcast %mul3A_84 : i32 to vector<16xi32>
      %mul3A_86 = arith.muli %and3A_83, %mul3A_85 : vector<16xi32>
      %swap3A_87 = arith.index_cast %scan3A_31 : i32 to index
      %swap3A_88 = arith.constant 32 : index
      %swap3A_89 = tpu.vector_load %arg7[%swap3A_87, %swap3A_88] {strides = array<i32>} : memref<104x128xi32, #tpu.memory_space<vmem>>, vector<16xi32>,
      tpu.vector_store %arg7[%swap3A_87, %swap3A_88], %mul3A_86 {strides = array<i32>} : memref<104x128xi32, #tpu.memory_space<vmem>>, vector<16xi32>,
      %get3A_90 = arith.index_cast %scan3A_31 : i32 to index
      %get3A_91 = arith.constant 48 : index
      %get3A_92 = tpu.vector_load %arg6[%get3A_90, %get3A_91] {strides = array<i32>} : memref<104x128xi32, #tpu.memory_space<vmem>>, vector<16xi32>,
      %add3A_93 = arith.addi %get3A_92, %gather3A : vector<16xi32>
      %shift_right_logical3A_94 = arith.constant 3 : i32
      %shift_right_logical3A_95 = vector.broadcast %shift_right_logical3A_94 : i32 to vector<16xi32>
      %shift_right_logical3A_96 = arith.shrui %add3A_93, %shift_right_logical3A_95 : vector<16xi32>
      %swap3A_97 = arith.index_cast %scan3A_31 : i32 to index
      %swap3A_98 = arith.constant 48 : index
      %swap3A_99 = tpu.vector_load %arg6[%swap3A_97, %swap3A_98] {strides = array<i32>} : memref<104x128xi32, #tpu.memory_space<vmem>>, vector<16xi32>,
      tpu.vector_store %arg6[%swap3A_97, %swap3A_98], %shift_right_logical3A_96 {strides = array<i32>} : memref<104x128xi32, #tpu.memory_space<vmem>>, vector<16xi32>,
      %and3A_100 = arith.constant 7 : i32
      %and3A_101 = vector.broadcast %and3A_100 : i32 to vector<16xi32>
      %and3A_102 = arith.andi %add3A_93, %and3A_101 : vector<16xi32>
      %mul3A_103 = arith.constant 16 : i32
      %mul3A_104 = vector.broadcast %mul3A_103 : i32 to vector<16xi32>
      %mul3A_105 = arith.muli %and3A_102, %mul3A_104 : vector<16xi32>
      %swap3A_106 = arith.index_cast %scan3A_31 : i32 to index
      %swap3A_107 = arith.constant 48 : index
      %swap3A_108 = tpu.vector_load %arg7[%swap3A_106, %swap3A_107] {strides = array<i32>} : memref<104x128xi32, #tpu.memory_space<vmem>>, vector<16xi32>,
      tpu.vector_store %arg7[%swap3A_106, %swap3A_107], %mul3A_105 {strides = array<i32>} : memref<104x128xi32, #tpu.memory_space<vmem>>, vector<16xi32>,
      %get3A_109 = arith.index_cast %scan3A_31 : i32 to index
      %get3A_110 = arith.constant 64 : index
      %get3A_111 = tpu.vector_load %arg6[%get3A_109, %get3A_110] {strides = array<i32>} : memref<104x128xi32, #tpu.memory_space<vmem>>, vector<16xi32>,
      %add3A_112 = arith.addi %get3A_111, %gather3A : vector<16xi32>
      %shift_right_logical3A_113 = arith.constant 3 : i32
      %shift_right_logical3A_114 = vector.broadcast %shift_right_logical3A_113 : i32 to vector<16xi32>
      %shift_right_logical3A_115 = arith.shrui %add3A_112, %shift_right_logical3A_114 : vector<16xi32>
      %swap3A_116 = arith.index_cast %scan3A_31 : i32 to index
      %swap3A_117 = arith.constant 64 : index
      %swap3A_118 = tpu.vector_load %arg6[%swap3A_116, %swap3A_117] {strides = array<i32>} : memref<104x128xi32, #tpu.memory_space<vmem>>, vector<16xi32>,
      tpu.vector_store %arg6[%swap3A_116, %swap3A_117], %shift_right_logical3A_115 {strides = array<i32>} : memref<104x128xi32, #tpu.memory_space<vmem>>, vector<16xi32>,
      %and3A_119 = arith.constant 7 : i32
      %and3A_120 = vector.broadcast %and3A_119 : i32 to vector<16xi32>
      %and3A_121 = arith.andi %add3A_112, %and3A_120 : vector<16xi32>
      %mul3A_122 = arith.constant 16 : i32
      %mul3A_123 = vector.broadcast %mul3A_122 : i32 to vector<16xi32>
      %mul3A_124 = arith.muli %and3A_121, %mul3A_123 : vector<16xi32>
      %swap3A_125 = arith.index_cast %scan3A_31 : i32 to index
      %swap3A_126 = arith.constant 64 : index
      %swap3A_127 = tpu.vector_load %arg7[%swap3A_125, %swap3A_126] {strides = array<i32>} : memref<104x128xi32, #tpu.memory_space<vmem>>, vector<16xi32>,
      tpu.vector_store %arg7[%swap3A_125, %swap3A_126], %mul3A_124 {strides = array<i32>} : memref<104x128xi32, #tpu.memory_space<vmem>>, vector<16xi32>,
      %get3A_128 = arith.index_cast %scan3A_31 : i32 to index
      %get3A_129 = arith.constant 80 : index
      %get3A_130 = tpu.vector_load %arg6[%get3A_128, %get3A_129] {strides = array<i32>} : memref<104x128xi32, #tpu.memory_space<vmem>>, vector<16xi32>,
      %add3A_131 = arith.addi %get3A_130, %gather3A : vector<16xi32>
      %shift_right_logical3A_132 = arith.constant 3 : i32
      %shift_right_logical3A_133 = vector.broadcast %shift_right_logical3A_132 : i32 to vector<16xi32>
      %shift_right_logical3A_134 = arith.shrui %add3A_131, %shift_right_logical3A_133 : vector<16xi32>
      %swap3A_135 = arith.index_cast %scan3A_31 : i32 to index
      %swap3A_136 = arith.constant 80 : index
      %swap3A_137 = tpu.vector_load %arg6[%swap3A_135, %swap3A_136] {strides = array<i32>} : memref<104x128xi32, #tpu.memory_space<vmem>>, vector<16xi32>,
      tpu.vector_store %arg6[%swap3A_135, %swap3A_136], %shift_right_logical3A_134 {strides = array<i32>} : memref<104x128xi32, #tpu.memory_space<vmem>>, vector<16xi32>,
      %and3A_138 = arith.constant 7 : i32
      %and3A_139 = vector.broadcast %and3A_138 : i32 to vector<16xi32>
      %and3A_140 = arith.andi %add3A_131, %and3A_139 : vector<16xi32>
      %mul3A_141 = arith.constant 16 : i32
      %mul3A_142 = vector.broadcast %mul3A_141 : i32 to vector<16xi32>
      %mul3A_143 = arith.muli %and3A_140, %mul3A_142 : vector<16xi32>
      %swap3A_144 = arith.index_cast %scan3A_31 : i32 to index
      %swap3A_145 = arith.constant 80 : index
      %swap3A_146 = tpu.vector_load %arg7[%swap3A_144, %swap3A_145] {strides = array<i32>} : memref<104x128xi32, #tpu.memory_space<vmem>>, vector<16xi32>,
      tpu.vector_store %arg7[%swap3A_144, %swap3A_145], %mul3A_143 {strides = array<i32>} : memref<104x128xi32, #tpu.memory_space<vmem>>, vector<16xi32>,
      %get3A_147 = arith.index_cast %scan3A_31 : i32 to index
      %get3A_148 = arith.constant 96 : index
      %get3A_149 = tpu.vector_load %arg6[%get3A_147, %get3A_148] {strides = array<i32>} : memref<104x128xi32, #tpu.memory_space<vmem>>, vector<16xi32>,
      %add3A_150 = arith.addi %get3A_149, %gather3A : vector<16xi32>
      %shift_right_logical3A_151 = arith.constant 3 : i32
      %shift_right_logical3A_152 = vector.broadcast %shift_right_logical3A_151 : i32 to vector<16xi32>
      %shift_right_logical3A_153 = arith.shrui %add3A_150, %shift_right_logical3A_152 : vector<16xi32>
      %swap3A_154 = arith.index_cast %scan3A_31 : i32 to index
      %swap3A_155 = arith.constant 96 : index
      %swap3A_156 = tpu.vector_load %arg6[%swap3A_154, %swap3A_155] {strides = array<i32>} : memref<104x128xi32, #tpu.memory_space<vmem>>, vector<16xi32>,
      tpu.vector_store %arg6[%swap3A_154, %swap3A_155], %shift_right_logical3A_153 {strides = array<i32>} : memref<104x128xi32, #tpu.memory_space<vmem>>, vector<16xi32>,
      %and3A_157 = arith.constant 7 : i32
      %and3A_158 = vector.broadcast %and3A_157 : i32 to vector<16xi32>
      %and3A_159 = arith.andi %add3A_150, %and3A_158 : vector<16xi32>
      %mul3A_160 = arith.constant 16 : i32
      %mul3A_161 = vector.broadcast %mul3A_160 : i32 to vector<16xi32>
      %mul3A_162 = arith.muli %and3A_159, %mul3A_161 : vector<16xi32>
      %swap3A_163 = arith.index_cast %scan3A_31 : i32 to index
      %swap3A_164 = arith.constant 96 : index
      %swap3A_165 = tpu.vector_load %arg7[%swap3A_163, %swap3A_164] {strides = array<i32>} : memref<104x128xi32, #tpu.memory_space<vmem>>, vector<16xi32>,
      tpu.vector_store %arg7[%swap3A_163, %swap3A_164], %mul3A_162 {strides = array<i32>} : memref<104x128xi32, #tpu.memory_space<vmem>>, vector<16xi32>,
      %get3A_166 = arith.index_cast %scan3A_31 : i32 to index
      %get3A_167 = arith.constant 112 : index
      %get3A_168 = tpu.vector_load %arg6[%get3A_166, %get3A_167] {strides = array<i32>} : memref<104x128xi32, #tpu.memory_space<vmem>>, vector<16xi32>,
      %add3A_169 = arith.addi %get3A_168, %gather3A : vector<16xi32>
      %shift_right_logical3A_170 = arith.constant 3 : i32
      %shift_right_logical3A_171 = vector.broadcast %shift_right_logical3A_170 : i32 to vector<16xi32>
      %shift_right_logical3A_172 = arith.shrui %add3A_169, %shift_right_logical3A_171 : vector<16xi32>
      %swap3A_173 = arith.index_cast %scan3A_31 : i32 to index
      %swap3A_174 = arith.constant 112 : index
      %swap3A_175 = tpu.vector_load %arg6[%swap3A_173, %swap3A_174] {strides = array<i32>} : memref<104x128xi32, #tpu.memory_space<vmem>>, vector<16xi32>,
      tpu.vector_store %arg6[%swap3A_173, %swap3A_174], %shift_right_logical3A_172 {strides = array<i32>} : memref<104x128xi32, #tpu.memory_space<vmem>>, vector<16xi32>,
      %and3A_176 = arith.constant 7 : i32
      %and3A_177 = vector.broadcast %and3A_176 : i32 to vector<16xi32>
      %and3A_178 = arith.andi %add3A_169, %and3A_177 : vector<16xi32>
      %mul3A_179 = arith.constant 16 : i32
      %mul3A_180 = vector.broadcast %mul3A_179 : i32 to vector<16xi32>
      %mul3A_181 = arith.muli %and3A_178, %mul3A_180 : vector<16xi32>
      %swap3A_182 = arith.index_cast %scan3A_31 : i32 to index
      %swap3A_183 = arith.constant 112 : index
      %swap3A_184 = tpu.vector_load %arg7[%swap3A_182, %swap3A_183] {strides = array<i32>} : memref<104x128xi32, #tpu.memory_space<vmem>>, vector<16xi32>,
      tpu.vector_store %arg7[%swap3A_182, %swap3A_183], %mul3A_181 {strides = array<i32>} : memref<104x128xi32, #tpu.memory_space<vmem>>, vector<16xi32>,
    }
    %scan3A_7 = arith.constant 104 : i32
    %iota3A = tpu.iota {dimensions = array<i32: 0>} : vector<16xi32>
    %dma_start3A = arith.constant 0 : i32
    %dma_start3A_8 = arith.constant 0 : i32
    %dma_start3A_9 = tpu.memref_slice %arg6[%dma_start3A, %dma_start3A_8] : memref<104x128xi32, #tpu.memory_space<vmem>> -> memref<1x128xi32, #tpu.memory_space<vmem>>
    %dma_start3A_10 = tpu.memref_squeeze %dma_start3A_9 : memref<1x128xi32, #tpu.memory_space<vmem>> -> memref<128xi32, #tpu.memory_space<vmem>>
    %dma_start3A_11 = arith.constant 0 : i32
    %dma_start3A_12 = arith.constant 0 : i32
    %dma_start3A_13 = tpu.memref_slice %arg4[%dma_start3A_11, %dma_start3A_12] : memref<325000x128xf32, #tpu.memory_space<hbm>> -> memref<325000x128xf32, #tpu.memory_space<hbm>>
    tpu.enqueue_indirect_dma source(%dma_start3A_13 : memref<325000x128xf32, #tpu.memory_space<hbm>>) target(%arg9 : memref<128x128xf32, #tpu.memory_space<vmem>>) offsets(%dma_start3A_10 : memref<128xi32, #tpu.memory_space<vmem>>) semaphore(%arg13 : memref<!tpu.dma_semaphore, #tpu.memory_space<semaphore_mem>>)
    %scan3A_14 = arith.constant 0 : i32
    %scan3A_15 = arith.constant 0 : i32
    %scan3A_16 = arith.constant 104 : i32
    %scan3A_17 = arith.addi %scan3A_15, %scan3A_16 : i32
    %scan3A_18 = arith.constant 1 : i32
    scf.for %scan3A_31 = %scan3A_15 to %scan3A_17 step %scan3A_18  : i32 {
      %add3A_32 = arith.addi %mul3A_2, %scan3A_31 : i32
      %div3A = arith.constant 128 : i32
      %div3A_33 = arith.divsi %add3A_32, %div3A : i32
      %rem3A = arith.constant 128 : i32
      %rem3A_34 = arith.remsi %add3A_32, %rem3A : i32
      %rem3A_35 = arith.constant 2 : i32
      %rem3A_36 = arith.remsi %scan3A_31, %rem3A_35 : i32
      %eq3A = arith.constant 0 : i32
      %eq3A_37 = arith.cmpi eq, %rem3A_36, %eq3A : i32
      %convert_element_type3A = arith.extui %eq3A_37 : i1 to i32
      %cond3A = arith.constant 0 : i32
      %cond3A_38 = arith.cmpi ne, %convert_element_type3A, %cond3A : i32
      scf.if %cond3A_38 {
        %add3A_46 = arith.constant 1 : i32
        %add3A_47 = arith.addi %scan3A_31, %add3A_46 : i32
        %lt3A = arith.constant 104 : i32
        %lt3A_48 = arith.cmpi slt, %add3A_47, %lt3A : i32
        %convert_element_type3A_49 = arith.extui %lt3A_48 : i1 to i32
        %cond3A_50 = arith.constant 0 : i32
        %cond3A_51 = arith.cmpi ne, %convert_element_type3A_49, %cond3A_50 : i32
        scf.if %cond3A_51 {
          %add3A_1161 = arith.constant 1 : i32
          %add3A_1162 = arith.addi %scan3A_31, %add3A_1161 : i32
          %dma_start3A_1163 = arith.constant 0 : i32
          %dma_start3A_1164 = tpu.memref_slice %arg6[%add3A_1162, %dma_start3A_1163] : memref<104x128xi32, #tpu.memory_space<vmem>> -> memref<1x128xi32, #tpu.memory_space<vmem>>
          %dma_start3A_1165 = tpu.memref_squeeze %dma_start3A_1164 : memref<1x128xi32, #tpu.memory_space<vmem>> -> memref<128xi32, #tpu.memory_space<vmem>>
          %dma_start3A_1166 = arith.constant 0 : i32
          %dma_start3A_1167 = arith.constant 0 : i32
          %dma_start3A_1168 = tpu.memref_slice %arg4[%dma_start3A_1166, %dma_start3A_1167] : memref<325000x128xf32, #tpu.memory_space<hbm>> -> memref<325000x128xf32, #tpu.memory_space<hbm>>
          tpu.enqueue_indirect_dma source(%dma_start3A_1168 : memref<325000x128xf32, #tpu.memory_space<hbm>>) target(%arg10 : memref<128x128xf32, #tpu.memory_space<vmem>>) offsets(%dma_start3A_1165 : memref<128xi32, #tpu.memory_space<vmem>>) semaphore(%arg13 : memref<!tpu.dma_semaphore, #tpu.memory_space<semaphore_mem>>)
        } else {
        }
        %dma_wait3A_52 = arith.constant 0 : i32
        %dma_wait3A_53 = arith.constant 0 : i32
        %dma_wait3A_54 = tpu.memref_slice %arg4[%dma_wait3A_52, %dma_wait3A_53] : memref<325000x128xf32, #tpu.memory_space<hbm>> -> memref<128x128xf32, #tpu.memory_space<hbm>>
        %dma_wait3A_55 = arith.constant 0 : i32
        %dma_wait3A_56 = arith.constant 0 : i32
        %dma_wait3A_57 = tpu.memref_slice %arg4[%dma_wait3A_55, %dma_wait3A_56] : memref<325000x128xf32, #tpu.memory_space<hbm>> -> memref<128x128xf32, #tpu.memory_space<hbm>>
        tpu.wait_dma2 semaphore(%arg13 : memref<!tpu.dma_semaphore, #tpu.memory_space<semaphore_mem>>) src(%dma_wait3A_57 : memref<128x128xf32, #tpu.memory_space<hbm>>) dst(%arg9 : memref<128x128xf32, #tpu.memory_space<vmem>>)
        %get3A = arith.index_cast %scan3A_31 : i32 to index
        %get3A_58 = arith.constant 0 : index
        %get3A_59 = tpu.vector_load %arg7[%get3A, %get3A_58] {strides = array<i32>} : memref<104x128xi32, #tpu.memory_space<vmem>>, vector<16xi32>,
        %add3A_60 = arith.constant 0 : i32
        %add3A_61 = vector.broadcast %add3A_60 : i32 to vector<16xi32>
        %add3A_62 = arith.addi %iota3A, %add3A_61 : vector<16xi32>
        %add3A_63 = arith.constant 0 : i32
        %add3A_64 = vector.broadcast %add3A_63 : i32 to vector<16xi32>
        %add3A_65 = arith.addi %get3A_59, %add3A_64 : vector<16xi32>
        %gather3A = tpu.vector_load_idx %arg9[%add3A_62, %add3A_65] : memref<128x128xf32, #tpu.memory_space<vmem>>[vector<16xi32>, vector<16xi32>], vector<16xf32>,
        %swap3A = arith.constant 0 : i32
        %swap3A_66 = arith.index_cast %swap3A : i32 to index
        %swap3A_67 = arith.constant 0 : index
        %swap3A_68 = tpu.vector_load %arg11[%swap3A_66, %swap3A_67] {strides = array<i32>} : memref<16x128xf32, #tpu.memory_space<vmem>>, vector<16xf32>,
        tpu.vector_store %arg11[%swap3A_66, %swap3A_67], %gather3A {strides = array<i32>} : memref<16x128xf32, #tpu.memory_space<vmem>>, vector<16xf32>,
        %add3A_69 = arith.constant 1 : i32
        %add3A_70 = vector.broadcast %add3A_69 : i32 to vector<16xi32>
        %add3A_71 = arith.addi %get3A_59, %add3A_70 : vector<16xi32>
        %gather3A_72 = tpu.vector_load_idx %arg9[%add3A_62, %add3A_71] : memref<128x128xf32, #tpu.memory_space<vmem>>[vector<16xi32>, vector<16xi32>], vector<16xf32>,
        %swap3A_73 = arith.constant 1 : i32
        %swap3A_74 = arith.index_cast %swap3A_73 : i32 to index
        %swap3A_75 = arith.constant 0 : index
        %swap3A_76 = tpu.vector_load %arg11[%swap3A_74, %swap3A_75] {strides = array<i32>} : memref<16x128xf32, #tpu.memory_space<vmem>>, vector<16xf32>,
        tpu.vector_store %arg11[%swap3A_74, %swap3A_75], %gather3A_72 {strides = array<i32>} : memref<16x128xf32, #tpu.memory_space<vmem>>, vector<16xf32>,
        %add3A_77 = arith.constant 2 : i32
        %add3A_78 = vector.broadcast %add3A_77 : i32 to vector<16xi32>
        %add3A_79 = arith.addi %get3A_59, %add3A_78 : vector<16xi32>
        %gather3A_80 = tpu.vector_load_idx %arg9[%add3A_62, %add3A_79] : memref<128x128xf32, #tpu.memory_space<vmem>>[vector<16xi32>, vector<16xi32>], vector<16xf32>,
        %swap3A_81 = arith.constant 2 : i32
        %swap3A_82 = arith.index_cast %swap3A_81 : i32 to index
        %swap3A_83 = arith.constant 0 : index
        %swap3A_84 = tpu.vector_load %arg11[%swap3A_82, %swap3A_83] {strides = array<i32>} : memref<16x128xf32, #tpu.memory_space<vmem>>, vector<16xf32>,
        tpu.vector_store %arg11[%swap3A_82, %swap3A_83], %gather3A_80 {strides = array<i32>} : memref<16x128xf32, #tpu.memory_space<vmem>>, vector<16xf32>,
        %add3A_85 = arith.constant 3 : i32
        %add3A_86 = vector.broadcast %add3A_85 : i32 to vector<16xi32>
        %add3A_87 = arith.addi %get3A_59, %add3A_86 : vector<16xi32>
        %gather3A_88 = tpu.vector_load_idx %arg9[%add3A_62, %add3A_87] : memref<128x128xf32, #tpu.memory_space<vmem>>[vector<16xi32>, vector<16xi32>], vector<16xf32>,
        %swap3A_89 = arith.constant 3 : i32
        %swap3A_90 = arith.index_cast %swap3A_89 : i32 to index
        %swap3A_91 = arith.constant 0 : index
        %swap3A_92 = tpu.vector_load %arg11[%swap3A_90, %swap3A_91] {strides = array<i32>} : memref<16x128xf32, #tpu.memory_space<vmem>>, vector<16xf32>,
        tpu.vector_store %arg11[%swap3A_90, %swap3A_91], %gather3A_88 {strides = array<i32>} : memref<16x128xf32, #tpu.memory_space<vmem>>, vector<16xf32>,
        %add3A_93 = arith.constant 4 : i32
        %add3A_94 = vector.broadcast %add3A_93 : i32 to vector<16xi32>
        %add3A_95 = arith.addi %get3A_59, %add3A_94 : vector<16xi32>
        %gather3A_96 = tpu.vector_load_idx %arg9[%add3A_62, %add3A_95] : memref<128x128xf32, #tpu.memory_space<vmem>>[vector<16xi32>, vector<16xi32>], vector<16xf32>,
        %swap3A_97 = arith.constant 4 : i32
        %swap3A_98 = arith.index_cast %swap3A_97 : i32 to index
        %swap3A_99 = arith.constant 0 : index
        %swap3A_100 = tpu.vector_load %arg11[%swap3A_98, %swap3A_99] {strides = array<i32>} : memref<16x128xf32, #tpu.memory_space<vmem>>, vector<16xf32>,
        tpu.vector_store %arg11[%swap3A_98, %swap3A_99], %gather3A_96 {strides = array<i32>} : memref<16x128xf32, #tpu.memory_space<vmem>>, vector<16xf32>,
        %add3A_101 = arith.constant 5 : i32
        %add3A_102 = vector.broadcast %add3A_101 : i32 to vector<16xi32>
        %add3A_103 = arith.addi %get3A_59, %add3A_102 : vector<16xi32>
        %gather3A_104 = tpu.vector_load_idx %arg9[%add3A_62, %add3A_103] : memref<128x128xf32, #tpu.memory_space<vmem>>[vector<16xi32>, vector<16xi32>], vector<16xf32>,
        %swap3A_105 = arith.constant 5 : i32
        %swap3A_106 = arith.index_cast %swap3A_105 : i32 to index
        %swap3A_107 = arith.constant 0 : index
        %swap3A_108 = tpu.vector_load %arg11[%swap3A_106, %swap3A_107] {strides = array<i32>} : memref<16x128xf32, #tpu.memory_space<vmem>>, vector<16xf32>,
        tpu.vector_store %arg11[%swap3A_106, %swap3A_107], %gather3A_104 {strides = array<i32>} : memref<16x128xf32, #tpu.memory_space<vmem>>, vector<16xf32>,
        %add3A_109 = arith.constant 6 : i32
        %add3A_110 = vector.broadcast %add3A_109 : i32 to vector<16xi32>
        %add3A_111 = arith.addi %get3A_59, %add3A_110 : vector<16xi32>
        %gather3A_112 = tpu.vector_load_idx %arg9[%add3A_62, %add3A_111] : memref<128x128xf32, #tpu.memory_space<vmem>>[vector<16xi32>, vector<16xi32>], vector<16xf32>,
        %swap3A_113 = arith.constant 6 : i32
        %swap3A_114 = arith.index_cast %swap3A_113 : i32 to index
        %swap3A_115 = arith.constant 0 : index
        %swap3A_116 = tpu.vector_load %arg11[%swap3A_114, %swap3A_115] {strides = array<i32>} : memref<16x128xf32, #tpu.memory_space<vmem>>, vector<16xf32>,
        tpu.vector_store %arg11[%swap3A_114, %swap3A_115], %gather3A_112 {strides = array<i32>} : memref<16x128xf32, #tpu.memory_space<vmem>>, vector<16xf32>,
        %add3A_117 = arith.constant 7 : i32
        %add3A_118 = vector.broadcast %add3A_117 : i32 to vector<16xi32>
        %add3A_119 = arith.addi %get3A_59, %add3A_118 : vector<16xi32>
        %gather3A_120 = tpu.vector_load_idx %arg9[%add3A_62, %add3A_119] : memref<128x128xf32, #tpu.memory_space<vmem>>[vector<16xi32>, vector<16xi32>], vector<16xf32>,
        %swap3A_121 = arith.constant 7 : i32
        %swap3A_122 = arith.index_cast %swap3A_121 : i32 to index
        %swap3A_123 = arith.constant 0 : index
        %swap3A_124 = tpu.vector_load %arg11[%swap3A_122, %swap3A_123] {strides = array<i32>} : memref<16x128xf32, #tpu.memory_space<vmem>>, vector<16xf32>,
        tpu.vector_store %arg11[%swap3A_122, %swap3A_123], %gather3A_120 {strides = array<i32>} : memref<16x128xf32, #tpu.memory_space<vmem>>, vector<16xf32>,
        %add3A_125 = arith.constant 8 : i32
        %add3A_126 = vector.broadcast %add3A_125 : i32 to vector<16xi32>
        %add3A_127 = arith.addi %get3A_59, %add3A_126 : vector<16xi32>
        %gather3A_128 = tpu.vector_load_idx %arg9[%add3A_62, %add3A_127] : memref<128x128xf32, #tpu.memory_space<vmem>>[vector<16xi32>, vector<16xi32>], vector<16xf32>,
        %swap3A_129 = arith.constant 8 : i32
        %swap3A_130 = arith.index_cast %swap3A_129 : i32 to index
        %swap3A_131 = arith.constant 0 : index
        %swap3A_132 = tpu.vector_load %arg11[%swap3A_130, %swap3A_131] {strides = array<i32>} : memref<16x128xf32, #tpu.memory_space<vmem>>, vector<16xf32>,
        tpu.vector_store %arg11[%swap3A_130, %swap3A_131], %gather3A_128 {strides = array<i32>} : memref<16x128xf32, #tpu.memory_space<vmem>>, vector<16xf32>,
        %add3A_133 = arith.constant 9 : i32
        %add3A_134 = vector.broadcast %add3A_133 : i32 to vector<16xi32>
        %add3A_135 = arith.addi %get3A_59, %add3A_134 : vector<16xi32>
        %gather3A_136 = tpu.vector_load_idx %arg9[%add3A_62, %add3A_135] : memref<128x128xf32, #tpu.memory_space<vmem>>[vector<16xi32>, vector<16xi32>], vector<16xf32>,
        %swap3A_137 = arith.constant 9 : i32
        %swap3A_138 = arith.index_cast %swap3A_137 : i32 to index
        %swap3A_139 = arith.constant 0 : index
        %swap3A_140 = tpu.vector_load %arg11[%swap3A_138, %swap3A_139] {strides = array<i32>} : memref<16x128xf32, #tpu.memory_space<vmem>>, vector<16xf32>,
        tpu.vector_store %arg11[%swap3A_138, %swap3A_139], %gather3A_136 {strides = array<i32>} : memref<16x128xf32, #tpu.memory_space<vmem>>, vector<16xf32>,
        %add3A_141 = arith.constant 10 : i32
        %add3A_142 = vector.broadcast %add3A_141 : i32 to vector<16xi32>
        %add3A_143 = arith.addi %get3A_59, %add3A_142 : vector<16xi32>
        %gather3A_144 = tpu.vector_load_idx %arg9[%add3A_62, %add3A_143] : memref<128x128xf32, #tpu.memory_space<vmem>>[vector<16xi32>, vector<16xi32>], vector<16xf32>,
        %swap3A_145 = arith.constant 10 : i32
        %swap3A_146 = arith.index_cast %swap3A_145 : i32 to index
        %swap3A_147 = arith.constant 0 : index
        %swap3A_148 = tpu.vector_load %arg11[%swap3A_146, %swap3A_147] {strides = array<i32>} : memref<16x128xf32, #tpu.memory_space<vmem>>, vector<16xf32>,
        tpu.vector_store %arg11[%swap3A_146, %swap3A_147], %gather3A_144 {strides = array<i32>} : memref<16x128xf32, #tpu.memory_space<vmem>>, vector<16xf32>,
        %add3A_149 = arith.constant 11 : i32
        %add3A_150 = vector.broadcast %add3A_149 : i32 to vector<16xi32>
        %add3A_151 = arith.addi %get3A_59, %add3A_150 : vector<16xi32>
        %gather3A_152 = tpu.vector_load_idx %arg9[%add3A_62, %add3A_151] : memref<128x128xf32, #tpu.memory_space<vmem>>[vector<16xi32>, vector<16xi32>], vector<16xf32>,
        %swap3A_153 = arith.constant 11 : i32
        %swap3A_154 = arith.index_cast %swap3A_153 : i32 to index
        %swap3A_155 = arith.constant 0 : index
        %swap3A_156 = tpu.vector_load %arg11[%swap3A_154, %swap3A_155] {strides = array<i32>} : memref<16x128xf32, #tpu.memory_space<vmem>>, vector<16xf32>,
        tpu.vector_store %arg11[%swap3A_154, %swap3A_155], %gather3A_152 {strides = array<i32>} : memref<16x128xf32, #tpu.memory_space<vmem>>, vector<16xf32>,
        %add3A_157 = arith.constant 12 : i32
        %add3A_158 = vector.broadcast %add3A_157 : i32 to vector<16xi32>
        %add3A_159 = arith.addi %get3A_59, %add3A_158 : vector<16xi32>
        %gather3A_160 = tpu.vector_load_idx %arg9[%add3A_62, %add3A_159] : memref<128x128xf32, #tpu.memory_space<vmem>>[vector<16xi32>, vector<16xi32>], vector<16xf32>,
        %swap3A_161 = arith.constant 12 : i32
        %swap3A_162 = arith.index_cast %swap3A_161 : i32 to index
        %swap3A_163 = arith.constant 0 : index
        %swap3A_164 = tpu.vector_load %arg11[%swap3A_162, %swap3A_163] {strides = array<i32>} : memref<16x128xf32, #tpu.memory_space<vmem>>, vector<16xf32>,
        tpu.vector_store %arg11[%swap3A_162, %swap3A_163], %gather3A_160 {strides = array<i32>} : memref<16x128xf32, #tpu.memory_space<vmem>>, vector<16xf32>,
        %add3A_165 = arith.constant 13 : i32
        %add3A_166 = vector.broadcast %add3A_165 : i32 to vector<16xi32>
        %add3A_167 = arith.addi %get3A_59, %add3A_166 : vector<16xi32>
        %gather3A_168 = tpu.vector_load_idx %arg9[%add3A_62, %add3A_167] : memref<128x128xf32, #tpu.memory_space<vmem>>[vector<16xi32>, vector<16xi32>], vector<16xf32>,
        %swap3A_169 = arith.constant 13 : i32
        %swap3A_170 = arith.index_cast %swap3A_169 : i32 to index
        %swap3A_171 = arith.constant 0 : index
        %swap3A_172 = tpu.vector_load %arg11[%swap3A_170, %swap3A_171] {strides = array<i32>} : memref<16x128xf32, #tpu.memory_space<vmem>>, vector<16xf32>,
        tpu.vector_store %arg11[%swap3A_170, %swap3A_171], %gather3A_168 {strides = array<i32>} : memref<16x128xf32, #tpu.memory_space<vmem>>, vector<16xf32>,
        %add3A_173 = arith.constant 14 : i32
        %add3A_174 = vector.broadcast %add3A_173 : i32 to vector<16xi32>
        %add3A_175 = arith.addi %get3A_59, %add3A_174 : vector<16xi32>
        %gather3A_176 = tpu.vector_load_idx %arg9[%add3A_62, %add3A_175] : memref<128x128xf32, #tpu.memory_space<vmem>>[vector<16xi32>, vector<16xi32>], vector<16xf32>,
        %swap3A_177 = arith.constant 14 : i32
        %swap3A_178 = arith.index_cast %swap3A_177 : i32 to index
        %swap3A_179 = arith.constant 0 : index
        %swap3A_180 = tpu.vector_load %arg11[%swap3A_178, %swap3A_179] {strides = array<i32>} : memref<16x128xf32, #tpu.memory_space<vmem>>, vector<16xf32>,
        tpu.vector_store %arg11[%swap3A_178, %swap3A_179], %gather3A_176 {strides = array<i32>} : memref<16x128xf32, #tpu.memory_space<vmem>>, vector<16xf32>,
        %add3A_181 = arith.constant 15 : i32
        %add3A_182 = vector.broadcast %add3A_181 : i32 to vector<16xi32>
        %add3A_183 = arith.addi %get3A_59, %add3A_182 : vector<16xi32>
        %gather3A_184 = tpu.vector_load_idx %arg9[%add3A_62, %add3A_183] : memref<128x128xf32, #tpu.memory_space<vmem>>[vector<16xi32>, vector<16xi32>], vector<16xf32>,
        %swap3A_185 = arith.constant 15 : i32
        %swap3A_186 = arith.index_cast %swap3A_185 : i32 to index
        %swap3A_187 = arith.constant 0 : index
        %swap3A_188 = tpu.vector_load %arg11[%swap3A_186, %swap3A_187] {strides = array<i32>} : memref<16x128xf32, #tpu.memory_space<vmem>>, vector<16xf32>,
        tpu.vector_store %arg11[%swap3A_186, %swap3A_187], %gather3A_184 {strides = array<i32>} : memref<16x128xf32, #tpu.memory_space<vmem>>, vector<16xf32>,
        %get3A_189 = arith.index_cast %scan3A_31 : i32 to index
        %get3A_190 = arith.constant 16 : index
        %get3A_191 = tpu.vector_load %arg7[%get3A_189, %get3A_190] {strides = array<i32>} : memref<104x128xi32, #tpu.memory_space<vmem>>, vector<16xi32>,
        %add3A_192 = arith.constant 16 : i32
        %add3A_193 = vector.broadcast %add3A_192 : i32 to vector<16xi32>
        %add3A_194 = arith.addi %iota3A, %add3A_193 : vector<16xi32>
        %add3A_195 = arith.constant 0 : i32
        %add3A_196 = vector.broadcast %add3A_195 : i32 to vector<16xi32>
        %add3A_197 = arith.addi %get3A_191, %add3A_196 : vector<16xi32>
        %gather3A_198 = tpu.vector_load_idx %arg9[%add3A_194, %add3A_197] : memref<128x128xf32, #tpu.memory_space<vmem>>[vector<16xi32>, vector<16xi32>], vector<16xf32>,
        %swap3A_199 = arith.constant 0 : i32
        %swap3A_200 = arith.index_cast %swap3A_199 : i32 to index
        %swap3A_201 = arith.constant 16 : index
        %swap3A_202 = tpu.vector_load %arg11[%swap3A_200, %swap3A_201] {strides = array<i32>} : memref<16x128xf32, #tpu.memory_space<vmem>>, vector<16xf32>,
        tpu.vector_store %arg11[%swap3A_200, %swap3A_201], %gather3A_198 {strides = array<i32>} : memref<16x128xf32, #tpu.memory_space<vmem>>, vector<16xf32>,
        %add3A_203 = arith.constant 1 : i32
        %add3A_204 = vector.broadcast %add3A_203 : i32 to vector<16xi32>
        %add3A_205 = arith.addi %get3A_191, %add3A_204 : vector<16xi32>
        %gather3A_206 = tpu.vector_load_idx %arg9[%add3A_194, %add3A_205] : memref<128x128xf32, #tpu.memory_space<vmem>>[vector<16xi32>, vector<16xi32>], vector<16xf32>,
        %swap3A_207 = arith.constant 1 : i32
        %swap3A_208 = arith.index_cast %swap3A_207 : i32 to index
        %swap3A_209 = arith.constant 16 : index
        %swap3A_210 = tpu.vector_load %arg11[%swap3A_208, %swap3A_209] {strides = array<i32>} : memref<16x128xf32, #tpu.memory_space<vmem>>, vector<16xf32>,
        tpu.vector_store %arg11[%swap3A_208, %swap3A_209], %gather3A_206 {strides = array<i32>} : memref<16x128xf32, #tpu.memory_space<vmem>>, vector<16xf32>,
        %add3A_211 = arith.constant 2 : i32
        %add3A_212 = vector.broadcast %add3A_211 : i32 to vector<16xi32>
        %add3A_213 = arith.addi %get3A_191, %add3A_212 : vector<16xi32>
        %gather3A_214 = tpu.vector_load_idx %arg9[%add3A_194, %add3A_213] : memref<128x128xf32, #tpu.memory_space<vmem>>[vector<16xi32>, vector<16xi32>], vector<16xf32>,
        %swap3A_215 = arith.constant 2 : i32
        %swap3A_216 = arith.index_cast %swap3A_215 : i32 to index
        %swap3A_217 = arith.constant 16 : index
        %swap3A_218 = tpu.vector_load %arg11[%swap3A_216, %swap3A_217] {strides = array<i32>} : memref<16x128xf32, #tpu.memory_space<vmem>>, vector<16xf32>,
        tpu.vector_store %arg11[%swap3A_216, %swap3A_217], %gather3A_214 {strides = array<i32>} : memref<16x128xf32, #tpu.memory_space<vmem>>, vector<16xf32>,
        %add3A_219 = arith.constant 3 : i32
        %add3A_220 = vector.broadcast %add3A_219 : i32 to vector<16xi32>
        %add3A_221 = arith.addi %get3A_191, %add3A_220 : vector<16xi32>
        %gather3A_222 = tpu.vector_load_idx %arg9[%add3A_194, %add3A_221] : memref<128x128xf32, #tpu.memory_space<vmem>>[vector<16xi32>, vector<16xi32>], vector<16xf32>,
        %swap3A_223 = arith.constant 3 : i32
        %swap3A_224 = arith.index_cast %swap3A_223 : i32 to index
        %swap3A_225 = arith.constant 16 : index
        %swap3A_226 = tpu.vector_load %arg11[%swap3A_224, %swap3A_225] {strides = array<i32>} : memref<16x128xf32, #tpu.memory_space<vmem>>, vector<16xf32>,
        tpu.vector_store %arg11[%swap3A_224, %swap3A_225], %gather3A_222 {strides = array<i32>} : memref<16x128xf32, #tpu.memory_space<vmem>>, vector<16xf32>,
        %add3A_227 = arith.constant 4 : i32
        %add3A_228 = vector.broadcast %add3A_227 : i32 to vector<16xi32>
        %add3A_229 = arith.addi %get3A_191, %add3A_228 : vector<16xi32>
        %gather3A_230 = tpu.vector_load_idx %arg9[%add3A_194, %add3A_229] : memref<128x128xf32, #tpu.memory_space<vmem>>[vector<16xi32>, vector<16xi32>], vector<16xf32>,
        %swap3A_231 = arith.constant 4 : i32
        %swap3A_232 = arith.index_cast %swap3A_231 : i32 to index
        %swap3A_233 = arith.constant 16 : index
        %swap3A_234 = tpu.vector_load %arg11[%swap3A_232, %swap3A_233] {strides = array<i32>} : memref<16x128xf32, #tpu.memory_space<vmem>>, vector<16xf32>,
        tpu.vector_store %arg11[%swap3A_232, %swap3A_233], %gather3A_230 {strides = array<i32>} : memref<16x128xf32, #tpu.memory_space<vmem>>, vector<16xf32>,
        %add3A_235 = arith.constant 5 : i32
        %add3A_236 = vector.broadcast %add3A_235 : i32 to vector<16xi32>
        %add3A_237 = arith.addi %get3A_191, %add3A_236 : vector<16xi32>
        %gather3A_238 = tpu.vector_load_idx %arg9[%add3A_194, %add3A_237] : memref<128x128xf32, #tpu.memory_space<vmem>>[vector<16xi32>, vector<16xi32>], vector<16xf32>,
        %swap3A_239 = arith.constant 5 : i32
        %swap3A_240 = arith.index_cast %swap3A_239 : i32 to index
        %swap3A_241 = arith.constant 16 : index
        %swap3A_242 = tpu.vector_load %arg11[%swap3A_240, %swap3A_241] {strides = array<i32>} : memref<16x128xf32, #tpu.memory_space<vmem>>, vector<16xf32>,
        tpu.vector_store %arg11[%swap3A_240, %swap3A_241], %gather3A_238 {strides = array<i32>} : memref<16x128xf32, #tpu.memory_space<vmem>>, vector<16xf32>,
        %add3A_243 = arith.constant 6 : i32
        %add3A_244 = vector.broadcast %add3A_243 : i32 to vector<16xi32>
        %add3A_245 = arith.addi %get3A_191, %add3A_244 : vector<16xi32>
        %gather3A_246 = tpu.vector_load_idx %arg9[%add3A_194, %add3A_245] : memref<128x128xf32, #tpu.memory_space<vmem>>[vector<16xi32>, vector<16xi32>], vector<16xf32>,
        %swap3A_247 = arith.constant 6 : i32
        %swap3A_248 = arith.index_cast %swap3A_247 : i32 to index
        %swap3A_249 = arith.constant 16 : index
        %swap3A_250 = tpu.vector_load %arg11[%swap3A_248, %swap3A_249] {strides = array<i32>} : memref<16x128xf32, #tpu.memory_space<vmem>>, vector<16xf32>,
        tpu.vector_store %arg11[%swap3A_248, %swap3A_249], %gather3A_246 {strides = array<i32>} : memref<16x128xf32, #tpu.memory_space<vmem>>, vector<16xf32>,
        %add3A_251 = arith.constant 7 : i32
        %add3A_252 = vector.broadcast %add3A_251 : i32 to vector<16xi32>
        %add3A_253 = arith.addi %get3A_191, %add3A_252 : vector<16xi32>
        %gather3A_254 = tpu.vector_load_idx %arg9[%add3A_194, %add3A_253] : memref<128x128xf32, #tpu.memory_space<vmem>>[vector<16xi32>, vector<16xi32>], vector<16xf32>,
        %swap3A_255 = arith.constant 7 : i32
        %swap3A_256 = arith.index_cast %swap3A_255 : i32 to index
        %swap3A_257 = arith.constant 16 : index
        %swap3A_258 = tpu.vector_load %arg11[%swap3A_256, %swap3A_257] {strides = array<i32>} : memref<16x128xf32, #tpu.memory_space<vmem>>, vector<16xf32>,
        tpu.vector_store %arg11[%swap3A_256, %swap3A_257], %gather3A_254 {strides = array<i32>} : memref<16x128xf32, #tpu.memory_space<vmem>>, vector<16xf32>,
        %add3A_259 = arith.constant 8 : i32
        %add3A_260 = vector.broadcast %add3A_259 : i32 to vector<16xi32>
        %add3A_261 = arith.addi %get3A_191, %add3A_260 : vector<16xi32>
        %gather3A_262 = tpu.vector_load_idx %arg9[%add3A_194, %add3A_261] : memref<128x128xf32, #tpu.memory_space<vmem>>[vector<16xi32>, vector<16xi32>], vector<16xf32>,
        %swap3A_263 = arith.constant 8 : i32
        %swap3A_264 = arith.index_cast %swap3A_263 : i32 to index
        %swap3A_265 = arith.constant 16 : index
        %swap3A_266 = tpu.vector_load %arg11[%swap3A_264, %swap3A_265] {strides = array<i32>} : memref<16x128xf32, #tpu.memory_space<vmem>>, vector<16xf32>,
        tpu.vector_store %arg11[%swap3A_264, %swap3A_265], %gather3A_262 {strides = array<i32>} : memref<16x128xf32, #tpu.memory_space<vmem>>, vector<16xf32>,
        %add3A_267 = arith.constant 9 : i32
        %add3A_268 = vector.broadcast %add3A_267 : i32 to vector<16xi32>
        %add3A_269 = arith.addi %get3A_191, %add3A_268 : vector<16xi32>
        %gather3A_270 = tpu.vector_load_idx %arg9[%add3A_194, %add3A_269] : memref<128x128xf32, #tpu.memory_space<vmem>>[vector<16xi32>, vector<16xi32>], vector<16xf32>,
        %swap3A_271 = arith.constant 9 : i32
        %swap3A_272 = arith.index_cast %swap3A_271 : i32 to index
        %swap3A_273 = arith.constant 16 : index
        %swap3A_274 = tpu.vector_load %arg11[%swap3A_272, %swap3A_273] {strides = array<i32>} : memref<16x128xf32, #tpu.memory_space<vmem>>, vector<16xf32>,
        tpu.vector_store %arg11[%swap3A_272, %swap3A_273], %gather3A_270 {strides = array<i32>} : memref<16x128xf32, #tpu.memory_space<vmem>>, vector<16xf32>,
        %add3A_275 = arith.constant 10 : i32
        %add3A_276 = vector.broadcast %add3A_275 : i32 to vector<16xi32>
        %add3A_277 = arith.addi %get3A_191, %add3A_276 : vector<16xi32>
        %gather3A_278 = tpu.vector_load_idx %arg9[%add3A_194, %add3A_277] : memref<128x128xf32, #tpu.memory_space<vmem>>[vector<16xi32>, vector<16xi32>], vector<16xf32>,
        %swap3A_279 = arith.constant 10 : i32
        %swap3A_280 = arith.index_cast %swap3A_279 : i32 to index
        %swap3A_281 = arith.constant 16 : index
        %swap3A_282 = tpu.vector_load %arg11[%swap3A_280, %swap3A_281] {strides = array<i32>} : memref<16x128xf32, #tpu.memory_space<vmem>>, vector<16xf32>,
        tpu.vector_store %arg11[%swap3A_280, %swap3A_281], %gather3A_278 {strides = array<i32>} : memref<16x128xf32, #tpu.memory_space<vmem>>, vector<16xf32>,
        %add3A_283 = arith.constant 11 : i32
        %add3A_284 = vector.broadcast %add3A_283 : i32 to vector<16xi32>
        %add3A_285 = arith.addi %get3A_191, %add3A_284 : vector<16xi32>
        %gather3A_286 = tpu.vector_load_idx %arg9[%add3A_194, %add3A_285] : memref<128x128xf32, #tpu.memory_space<vmem>>[vector<16xi32>, vector<16xi32>], vector<16xf32>,
        %swap3A_287 = arith.constant 11 : i32
        %swap3A_288 = arith.index_cast %swap3A_287 : i32 to index
        %swap3A_289 = arith.constant 16 : index
        %swap3A_290 = tpu.vector_load %arg11[%swap3A_288, %swap3A_289] {strides = array<i32>} : memref<16x128xf32, #tpu.memory_space<vmem>>, vector<16xf32>,
        tpu.vector_store %arg11[%swap3A_288, %swap3A_289], %gather3A_286 {strides = array<i32>} : memref<16x128xf32, #tpu.memory_space<vmem>>, vector<16xf32>,
        %add3A_291 = arith.constant 12 : i32
        %add3A_292 = vector.broadcast %add3A_291 : i32 to vector<16xi32>
        %add3A_293 = arith.addi %get3A_191, %add3A_292 : vector<16xi32>
        %gather3A_294 = tpu.vector_load_idx %arg9[%add3A_194, %add3A_293] : memref<128x128xf32, #tpu.memory_space<vmem>>[vector<16xi32>, vector<16xi32>], vector<16xf32>,
        %swap3A_295 = arith.constant 12 : i32
        %swap3A_296 = arith.index_cast %swap3A_295 : i32 to index
        %swap3A_297 = arith.constant 16 : index
        %swap3A_298 = tpu.vector_load %arg11[%swap3A_296, %swap3A_297] {strides = array<i32>} : memref<16x128xf32, #tpu.memory_space<vmem>>, vector<16xf32>,
        tpu.vector_store %arg11[%swap3A_296, %swap3A_297], %gather3A_294 {strides = array<i32>} : memref<16x128xf32, #tpu.memory_space<vmem>>, vector<16xf32>,
        %add3A_299 = arith.constant 13 : i32
        %add3A_300 = vector.broadcast %add3A_299 : i32 to vector<16xi32>
        %add3A_301 = arith.addi %get3A_191, %add3A_300 : vector<16xi32>
        %gather3A_302 = tpu.vector_load_idx %arg9[%add3A_194, %add3A_301] : memref<128x128xf32, #tpu.memory_space<vmem>>[vector<16xi32>, vector<16xi32>], vector<16xf32>,
        %swap3A_303 = arith.constant 13 : i32
        %swap3A_304 = arith.index_cast %swap3A_303 : i32 to index
        %swap3A_305 = arith.constant 16 : index
        %swap3A_306 = tpu.vector_load %arg11[%swap3A_304, %swap3A_305] {strides = array<i32>} : memref<16x128xf32, #tpu.memory_space<vmem>>, vector<16xf32>,
        tpu.vector_store %arg11[%swap3A_304, %swap3A_305], %gather3A_302 {strides = array<i32>} : memref<16x128xf32, #tpu.memory_space<vmem>>, vector<16xf32>,
        %add3A_307 = arith.constant 14 : i32
        %add3A_308 = vector.broadcast %add3A_307 : i32 to vector<16xi32>
        %add3A_309 = arith.addi %get3A_191, %add3A_308 : vector<16xi32>
        %gather3A_310 = tpu.vector_load_idx %arg9[%add3A_194, %add3A_309] : memref<128x128xf32, #tpu.memory_space<vmem>>[vector<16xi32>, vector<16xi32>], vector<16xf32>,
        %swap3A_311 = arith.constant 14 : i32
        %swap3A_312 = arith.index_cast %swap3A_311 : i32 to index
        %swap3A_313 = arith.constant 16 : index
        %swap3A_314 = tpu.vector_load %arg11[%swap3A_312, %swap3A_313] {strides = array<i32>} : memref<16x128xf32, #tpu.memory_space<vmem>>, vector<16xf32>,
        tpu.vector_store %arg11[%swap3A_312, %swap3A_313], %gather3A_310 {strides = array<i32>} : memref<16x128xf32, #tpu.memory_space<vmem>>, vector<16xf32>,
        %add3A_315 = arith.constant 15 : i32
        %add3A_316 = vector.broadcast %add3A_315 : i32 to vector<16xi32>
        %add3A_317 = arith.addi %get3A_191, %add3A_316 : vector<16xi32>
        %gather3A_318 = tpu.vector_load_idx %arg9[%add3A_194, %add3A_317] : memref<128x128xf32, #tpu.memory_space<vmem>>[vector<16xi32>, vector<16xi32>], vector<16xf32>,
        %swap3A_319 = arith.constant 15 : i32
        %swap3A_320 = arith.index_cast %swap3A_319 : i32 to index
        %swap3A_321 = arith.constant 16 : index
        %swap3A_322 = tpu.vector_load %arg11[%swap3A_320, %swap3A_321] {strides = array<i32>} : memref<16x128xf32, #tpu.memory_space<vmem>>, vector<16xf32>,
        tpu.vector_store %arg11[%swap3A_320, %swap3A_321], %gather3A_318 {strides = array<i32>} : memref<16x128xf32, #tpu.memory_space<vmem>>, vector<16xf32>,
        %get3A_323 = arith.index_cast %scan3A_31 : i32 to index
        %get3A_324 = arith.constant 32 : index
        %get3A_325 = tpu.vector_load %arg7[%get3A_323, %get3A_324] {strides = array<i32>} : memref<104x128xi32, #tpu.memory_space<vmem>>, vector<16xi32>,
        %add3A_326 = arith.constant 32 : i32
        %add3A_327 = vector.broadcast %add3A_326 : i32 to vector<16xi32>
        %add3A_328 = arith.addi %iota3A, %add3A_327 : vector<16xi32>
        %add3A_329 = arith.constant 0 : i32
        %add3A_330 = vector.broadcast %add3A_329 : i32 to vector<16xi32>
        %add3A_331 = arith.addi %get3A_325, %add3A_330 : vector<16xi32>
        %gather3A_332 = tpu.vector_load_idx %arg9[%add3A_328, %add3A_331] : memref<128x128xf32, #tpu.memory_space<vmem>>[vector<16xi32>, vector<16xi32>], vector<16xf32>,
        %swap3A_333 = arith.constant 0 : i32
        %swap3A_334 = arith.index_cast %swap3A_333 : i32 to index
        %swap3A_335 = arith.constant 32 : index
        %swap3A_336 = tpu.vector_load %arg11[%swap3A_334, %swap3A_335] {strides = array<i32>} : memref<16x128xf32, #tpu.memory_space<vmem>>, vector<16xf32>,
        tpu.vector_store %arg11[%swap3A_334, %swap3A_335], %gather3A_332 {strides = array<i32>} : memref<16x128xf32, #tpu.memory_space<vmem>>, vector<16xf32>,
        %add3A_337 = arith.constant 1 : i32
        %add3A_338 = vector.broadcast %add3A_337 : i32 to vector<16xi32>
        %add3A_339 = arith.addi %get3A_325, %add3A_338 : vector<16xi32>
        %gather3A_340 = tpu.vector_load_idx %arg9[%add3A_328, %add3A_339] : memref<128x128xf32, #tpu.memory_space<vmem>>[vector<16xi32>, vector<16xi32>], vector<16xf32>,
        %swap3A_341 = arith.constant 1 : i32
        %swap3A_342 = arith.index_cast %swap3A_341 : i32 to index
        %swap3A_343 = arith.constant 32 : index
        %swap3A_344 = tpu.vector_load %arg11[%swap3A_342, %swap3A_343] {strides = array<i32>} : memref<16x128xf32, #tpu.memory_space<vmem>>, vector<16xf32>,
        tpu.vector_store %arg11[%swap3A_342, %swap3A_343], %gather3A_340 {strides = array<i32>} : memref<16x128xf32, #tpu.memory_space<vmem>>, vector<16xf32>,
        %add3A_345 = arith.constant 2 : i32
        %add3A_346 = vector.broadcast %add3A_345 : i32 to vector<16xi32>
        %add3A_347 = arith.addi %get3A_325, %add3A_346 : vector<16xi32>
        %gather3A_348 = tpu.vector_load_idx %arg9[%add3A_328, %add3A_347] : memref<128x128xf32, #tpu.memory_space<vmem>>[vector<16xi32>, vector<16xi32>], vector<16xf32>,
        %swap3A_349 = arith.constant 2 : i32
        %swap3A_350 = arith.index_cast %swap3A_349 : i32 to index
        %swap3A_351 = arith.constant 32 : index
        %swap3A_352 = tpu.vector_load %arg11[%swap3A_350, %swap3A_351] {strides = array<i32>} : memref<16x128xf32, #tpu.memory_space<vmem>>, vector<16xf32>,
        tpu.vector_store %arg11[%swap3A_350, %swap3A_351], %gather3A_348 {strides = array<i32>} : memref<16x128xf32, #tpu.memory_space<vmem>>, vector<16xf32>,
        %add3A_353 = arith.constant 3 : i32
        %add3A_354 = vector.broadcast %add3A_353 : i32 to vector<16xi32>
        %add3A_355 = arith.addi %get3A_325, %add3A_354 : vector<16xi32>
        %gather3A_356 = tpu.vector_load_idx %arg9[%add3A_328, %add3A_355] : memref<128x128xf32, #tpu.memory_space<vmem>>[vector<16xi32>, vector<16xi32>], vector<16xf32>,
        %swap3A_357 = arith.constant 3 : i32
        %swap3A_358 = arith.index_cast %swap3A_357 : i32 to index
        %swap3A_359 = arith.constant 32 : index
        %swap3A_360 = tpu.vector_load %arg11[%swap3A_358, %swap3A_359] {strides = array<i32>} : memref<16x128xf32, #tpu.memory_space<vmem>>, vector<16xf32>,
        tpu.vector_store %arg11[%swap3A_358, %swap3A_359], %gather3A_356 {strides = array<i32>} : memref<16x128xf32, #tpu.memory_space<vmem>>, vector<16xf32>,
        %add3A_361 = arith.constant 4 : i32
        %add3A_362 = vector.broadcast %add3A_361 : i32 to vector<16xi32>
        %add3A_363 = arith.addi %get3A_325, %add3A_362 : vector<16xi32>
        %gather3A_364 = tpu.vector_load_idx %arg9[%add3A_328, %add3A_363] : memref<128x128xf32, #tpu.memory_space<vmem>>[vector<16xi32>, vector<16xi32>], vector<16xf32>,
        %swap3A_365 = arith.constant 4 : i32
        %swap3A_366 = arith.index_cast %swap3A_365 : i32 to index
        %swap3A_367 = arith.constant 32 : index
        %swap3A_368 = tpu.vector_load %arg11[%swap3A_366, %swap3A_367] {strides = array<i32>} : memref<16x128xf32, #tpu.memory_space<vmem>>, vector<16xf32>,
        tpu.vector_store %arg11[%swap3A_366, %swap3A_367], %gather3A_364 {strides = array<i32>} : memref<16x128xf32, #tpu.memory_space<vmem>>, vector<16xf32>,
        %add3A_369 = arith.constant 5 : i32
        %add3A_370 = vector.broadcast %add3A_369 : i32 to vector<16xi32>
        %add3A_371 = arith.addi %get3A_325, %add3A_370 : vector<16xi32>
        %gather3A_372 = tpu.vector_load_idx %arg9[%add3A_328, %add3A_371] : memref<128x128xf32, #tpu.memory_space<vmem>>[vector<16xi32>, vector<16xi32>], vector<16xf32>,
        %swap3A_373 = arith.constant 5 : i32
        %swap3A_374 = arith.index_cast %swap3A_373 : i32 to index
        %swap3A_375 = arith.constant 32 : index
        %swap3A_376 = tpu.vector_load %arg11[%swap3A_374, %swap3A_375] {strides = array<i32>} : memref<16x128xf32, #tpu.memory_space<vmem>>, vector<16xf32>,
        tpu.vector_store %arg11[%swap3A_374, %swap3A_375], %gather3A_372 {strides = array<i32>} : memref<16x128xf32, #tpu.memory_space<vmem>>, vector<16xf32>,
        %add3A_377 = arith.constant 6 : i32
        %add3A_378 = vector.broadcast %add3A_377 : i32 to vector<16xi32>
        %add3A_379 = arith.addi %get3A_325, %add3A_378 : vector<16xi32>
        %gather3A_380 = tpu.vector_load_idx %arg9[%add3A_328, %add3A_379] : memref<128x128xf32, #tpu.memory_space<vmem>>[vector<16xi32>, vector<16xi32>], vector<16xf32>,
        %swap3A_381 = arith.constant 6 : i32
        %swap3A_382 = arith.index_cast %swap3A_381 : i32 to index
        %swap3A_383 = arith.constant 32 : index
        %swap3A_384 = tpu.vector_load %arg11[%swap3A_382, %swap3A_383] {strides = array<i32>} : memref<16x128xf32, #tpu.memory_space<vmem>>, vector<16xf32>,
        tpu.vector_store %arg11[%swap3A_382, %swap3A_383], %gather3A_380 {strides = array<i32>} : memref<16x128xf32, #tpu.memory_space<vmem>>, vector<16xf32>,
        %add3A_385 = arith.constant 7 : i32
        %add3A_386 = vector.broadcast %add3A_385 : i32 to vector<16xi32>
        %add3A_387 = arith.addi %get3A_325, %add3A_386 : vector<16xi32>
        %gather3A_388 = tpu.vector_load_idx %arg9[%add3A_328, %add3A_387] : memref<128x128xf32, #tpu.memory_space<vmem>>[vector<16xi32>, vector<16xi32>], vector<16xf32>,
        %swap3A_389 = arith.constant 7 : i32
        %swap3A_390 = arith.index_cast %swap3A_389 : i32 to index
        %swap3A_391 = arith.constant 32 : index
        %swap3A_392 = tpu.vector_load %arg11[%swap3A_390, %swap3A_391] {strides = array<i32>} : memref<16x128xf32, #tpu.memory_space<vmem>>, vector<16xf32>,
        tpu.vector_store %arg11[%swap3A_390, %swap3A_391], %gather3A_388 {strides = array<i32>} : memref<16x128xf32, #tpu.memory_space<vmem>>, vector<16xf32>,
        %add3A_393 = arith.constant 8 : i32
        %add3A_394 = vector.broadcast %add3A_393 : i32 to vector<16xi32>
        %add3A_395 = arith.addi %get3A_325, %add3A_394 : vector<16xi32>
        %gather3A_396 = tpu.vector_load_idx %arg9[%add3A_328, %add3A_395] : memref<128x128xf32, #tpu.memory_space<vmem>>[vector<16xi32>, vector<16xi32>], vector<16xf32>,
        %swap3A_397 = arith.constant 8 : i32
        %swap3A_398 = arith.index_cast %swap3A_397 : i32 to index
        %swap3A_399 = arith.constant 32 : index
        %swap3A_400 = tpu.vector_load %arg11[%swap3A_398, %swap3A_399] {strides = array<i32>} : memref<16x128xf32, #tpu.memory_space<vmem>>, vector<16xf32>,
        tpu.vector_store %arg11[%swap3A_398, %swap3A_399], %gather3A_396 {strides = array<i32>} : memref<16x128xf32, #tpu.memory_space<vmem>>, vector<16xf32>,
        %add3A_401 = arith.constant 9 : i32
        %add3A_402 = vector.broadcast %add3A_401 : i32 to vector<16xi32>
        %add3A_403 = arith.addi %get3A_325, %add3A_402 : vector<16xi32>
        %gather3A_404 = tpu.vector_load_idx %arg9[%add3A_328, %add3A_403] : memref<128x128xf32, #tpu.memory_space<vmem>>[vector<16xi32>, vector<16xi32>], vector<16xf32>,
        %swap3A_405 = arith.constant 9 : i32
        %swap3A_406 = arith.index_cast %swap3A_405 : i32 to index
        %swap3A_407 = arith.constant 32 : index
        %swap3A_408 = tpu.vector_load %arg11[%swap3A_406, %swap3A_407] {strides = array<i32>} : memref<16x128xf32, #tpu.memory_space<vmem>>, vector<16xf32>,
        tpu.vector_store %arg11[%swap3A_406, %swap3A_407], %gather3A_404 {strides = array<i32>} : memref<16x128xf32, #tpu.memory_space<vmem>>, vector<16xf32>,
        %add3A_409 = arith.constant 10 : i32
        %add3A_410 = vector.broadcast %add3A_409 : i32 to vector<16xi32>
        %add3A_411 = arith.addi %get3A_325, %add3A_410 : vector<16xi32>
        %gather3A_412 = tpu.vector_load_idx %arg9[%add3A_328, %add3A_411] : memref<128x128xf32, #tpu.memory_space<vmem>>[vector<16xi32>, vector<16xi32>], vector<16xf32>,
        %swap3A_413 = arith.constant 10 : i32
        %swap3A_414 = arith.index_cast %swap3A_413 : i32 to index
        %swap3A_415 = arith.constant 32 : index
        %swap3A_416 = tpu.vector_load %arg11[%swap3A_414, %swap3A_415] {strides = array<i32>} : memref<16x128xf32, #tpu.memory_space<vmem>>, vector<16xf32>,
        tpu.vector_store %arg11[%swap3A_414, %swap3A_415], %gather3A_412 {strides = array<i32>} : memref<16x128xf32, #tpu.memory_space<vmem>>, vector<16xf32>,
        %add3A_417 = arith.constant 11 : i32
        %add3A_418 = vector.broadcast %add3A_417 : i32 to vector<16xi32>
        %add3A_419 = arith.addi %get3A_325, %add3A_418 : vector<16xi32>
        %gather3A_420 = tpu.vector_load_idx %arg9[%add3A_328, %add3A_419] : memref<128x128xf32, #tpu.memory_space<vmem>>[vector<16xi32>, vector<16xi32>], vector<16xf32>,
        %swap3A_421 = arith.constant 11 : i32
        %swap3A_422 = arith.index_cast %swap3A_421 : i32 to index
        %swap3A_423 = arith.constant 32 : index
        %swap3A_424 = tpu.vector_load %arg11[%swap3A_422, %swap3A_423] {strides = array<i32>} : memref<16x128xf32, #tpu.memory_space<vmem>>, vector<16xf32>,
        tpu.vector_store %arg11[%swap3A_422, %swap3A_423], %gather3A_420 {strides = array<i32>} : memref<16x128xf32, #tpu.memory_space<vmem>>, vector<16xf32>,
        %add3A_425 = arith.constant 12 : i32
        %add3A_426 = vector.broadcast %add3A_425 : i32 to vector<16xi32>
        %add3A_427 = arith.addi %get3A_325, %add3A_426 : vector<16xi32>
        %gather3A_428 = tpu.vector_load_idx %arg9[%add3A_328, %add3A_427] : memref<128x128xf32, #tpu.memory_space<vmem>>[vector<16xi32>, vector<16xi32>], vector<16xf32>,
        %swap3A_429 = arith.constant 12 : i32
        %swap3A_430 = arith.index_cast %swap3A_429 : i32 to index
        %swap3A_431 = arith.constant 32 : index
        %swap3A_432 = tpu.vector_load %arg11[%swap3A_430, %swap3A_431] {strides = array<i32>} : memref<16x128xf32, #tpu.memory_space<vmem>>, vector<16xf32>,
        tpu.vector_store %arg11[%swap3A_430, %swap3A_431], %gather3A_428 {strides = array<i32>} : memref<16x128xf32, #tpu.memory_space<vmem>>, vector<16xf32>,
        %add3A_433 = arith.constant 13 : i32
        %add3A_434 = vector.broadcast %add3A_433 : i32 to vector<16xi32>
        %add3A_435 = arith.addi %get3A_325, %add3A_434 : vector<16xi32>
        %gather3A_436 = tpu.vector_load_idx %arg9[%add3A_328, %add3A_435] : memref<128x128xf32, #tpu.memory_space<vmem>>[vector<16xi32>, vector<16xi32>], vector<16xf32>,
        %swap3A_437 = arith.constant 13 : i32
        %swap3A_438 = arith.index_cast %swap3A_437 : i32 to index
        %swap3A_439 = arith.constant 32 : index
        %swap3A_440 = tpu.vector_load %arg11[%swap3A_438, %swap3A_439] {strides = array<i32>} : memref<16x128xf32, #tpu.memory_space<vmem>>, vector<16xf32>,
        tpu.vector_store %arg11[%swap3A_438, %swap3A_439], %gather3A_436 {strides = array<i32>} : memref<16x128xf32, #tpu.memory_space<vmem>>, vector<16xf32>,
        %add3A_441 = arith.constant 14 : i32
        %add3A_442 = vector.broadcast %add3A_441 : i32 to vector<16xi32>
        %add3A_443 = arith.addi %get3A_325, %add3A_442 : vector<16xi32>
        %gather3A_444 = tpu.vector_load_idx %arg9[%add3A_328, %add3A_443] : memref<128x128xf32, #tpu.memory_space<vmem>>[vector<16xi32>, vector<16xi32>], vector<16xf32>,
        %swap3A_445 = arith.constant 14 : i32
        %swap3A_446 = arith.index_cast %swap3A_445 : i32 to index
        %swap3A_447 = arith.constant 32 : index
        %swap3A_448 = tpu.vector_load %arg11[%swap3A_446, %swap3A_447] {strides = array<i32>} : memref<16x128xf32, #tpu.memory_space<vmem>>, vector<16xf32>,
        tpu.vector_store %arg11[%swap3A_446, %swap3A_447], %gather3A_444 {strides = array<i32>} : memref<16x128xf32, #tpu.memory_space<vmem>>, vector<16xf32>,
        %add3A_449 = arith.constant 15 : i32
        %add3A_450 = vector.broadcast %add3A_449 : i32 to vector<16xi32>
        %add3A_451 = arith.addi %get3A_325, %add3A_450 : vector<16xi32>
        %gather3A_452 = tpu.vector_load_idx %arg9[%add3A_328, %add3A_451] : memref<128x128xf32, #tpu.memory_space<vmem>>[vector<16xi32>, vector<16xi32>], vector<16xf32>,
        %swap3A_453 = arith.constant 15 : i32
        %swap3A_454 = arith.index_cast %swap3A_453 : i32 to index
        %swap3A_455 = arith.constant 32 : index
        %swap3A_456 = tpu.vector_load %arg11[%swap3A_454, %swap3A_455] {strides = array<i32>} : memref<16x128xf32, #tpu.memory_space<vmem>>, vector<16xf32>,
        tpu.vector_store %arg11[%swap3A_454, %swap3A_455], %gather3A_452 {strides = array<i32>} : memref<16x128xf32, #tpu.memory_space<vmem>>, vector<16xf32>,
        %get3A_457 = arith.index_cast %scan3A_31 : i32 to index
        %get3A_458 = arith.constant 48 : index
        %get3A_459 = tpu.vector_load %arg7[%get3A_457, %get3A_458] {strides = array<i32>} : memref<104x128xi32, #tpu.memory_space<vmem>>, vector<16xi32>,
        %add3A_460 = arith.constant 48 : i32
        %add3A_461 = vector.broadcast %add3A_460 : i32 to vector<16xi32>
        %add3A_462 = arith.addi %iota3A, %add3A_461 : vector<16xi32>
        %add3A_463 = arith.constant 0 : i32
        %add3A_464 = vector.broadcast %add3A_463 : i32 to vector<16xi32>
        %add3A_465 = arith.addi %get3A_459, %add3A_464 : vector<16xi32>
        %gather3A_466 = tpu.vector_load_idx %arg9[%add3A_462, %add3A_465] : memref<128x128xf32, #tpu.memory_space<vmem>>[vector<16xi32>, vector<16xi32>], vector<16xf32>,
        %swap3A_467 = arith.constant 0 : i32
        %swap3A_468 = arith.index_cast %swap3A_467 : i32 to index
        %swap3A_469 = arith.constant 48 : index
        %swap3A_470 = tpu.vector_load %arg11[%swap3A_468, %swap3A_469] {strides = array<i32>} : memref<16x128xf32, #tpu.memory_space<vmem>>, vector<16xf32>,
        tpu.vector_store %arg11[%swap3A_468, %swap3A_469], %gather3A_466 {strides = array<i32>} : memref<16x128xf32, #tpu.memory_space<vmem>>, vector<16xf32>,
        %add3A_471 = arith.constant 1 : i32
        %add3A_472 = vector.broadcast %add3A_471 : i32 to vector<16xi32>
        %add3A_473 = arith.addi %get3A_459, %add3A_472 : vector<16xi32>
        %gather3A_474 = tpu.vector_load_idx %arg9[%add3A_462, %add3A_473] : memref<128x128xf32, #tpu.memory_space<vmem>>[vector<16xi32>, vector<16xi32>], vector<16xf32>,
        %swap3A_475 = arith.constant 1 : i32
        %swap3A_476 = arith.index_cast %swap3A_475 : i32 to index
        %swap3A_477 = arith.constant 48 : index
        %swap3A_478 = tpu.vector_load %arg11[%swap3A_476, %swap3A_477] {strides = array<i32>} : memref<16x128xf32, #tpu.memory_space<vmem>>, vector<16xf32>,
        tpu.vector_store %arg11[%swap3A_476, %swap3A_477], %gather3A_474 {strides = array<i32>} : memref<16x128xf32, #tpu.memory_space<vmem>>, vector<16xf32>,
        %add3A_479 = arith.constant 2 : i32
        %add3A_480 = vector.broadcast %add3A_479 : i32 to vector<16xi32>
        %add3A_481 = arith.addi %get3A_459, %add3A_480 : vector<16xi32>
        %gather3A_482 = tpu.vector_load_idx %arg9[%add3A_462, %add3A_481] : memref<128x128xf32, #tpu.memory_space<vmem>>[vector<16xi32>, vector<16xi32>], vector<16xf32>,
        %swap3A_483 = arith.constant 2 : i32
        %swap3A_484 = arith.index_cast %swap3A_483 : i32 to index
        %swap3A_485 = arith.constant 48 : index
        %swap3A_486 = tpu.vector_load %arg11[%swap3A_484, %swap3A_485] {strides = array<i32>} : memref<16x128xf32, #tpu.memory_space<vmem>>, vector<16xf32>,
        tpu.vector_store %arg11[%swap3A_484, %swap3A_485], %gather3A_482 {strides = array<i32>} : memref<16x128xf32, #tpu.memory_space<vmem>>, vector<16xf32>,
        %add3A_487 = arith.constant 3 : i32
        %add3A_488 = vector.broadcast %add3A_487 : i32 to vector<16xi32>
        %add3A_489 = arith.addi %get3A_459, %add3A_488 : vector<16xi32>
        %gather3A_490 = tpu.vector_load_idx %arg9[%add3A_462, %add3A_489] : memref<128x128xf32, #tpu.memory_space<vmem>>[vector<16xi32>, vector<16xi32>], vector<16xf32>,
        %swap3A_491 = arith.constant 3 : i32
        %swap3A_492 = arith.index_cast %swap3A_491 : i32 to index
        %swap3A_493 = arith.constant 48 : index
        %swap3A_494 = tpu.vector_load %arg11[%swap3A_492, %swap3A_493] {strides = array<i32>} : memref<16x128xf32, #tpu.memory_space<vmem>>, vector<16xf32>,
        tpu.vector_store %arg11[%swap3A_492, %swap3A_493], %gather3A_490 {strides = array<i32>} : memref<16x128xf32, #tpu.memory_space<vmem>>, vector<16xf32>,
        %add3A_495 = arith.constant 4 : i32
        %add3A_496 = vector.broadcast %add3A_495 : i32 to vector<16xi32>
        %add3A_497 = arith.addi %get3A_459, %add3A_496 : vector<16xi32>
        %gather3A_498 = tpu.vector_load_idx %arg9[%add3A_462, %add3A_497] : memref<128x128xf32, #tpu.memory_space<vmem>>[vector<16xi32>, vector<16xi32>], vector<16xf32>,
        %swap3A_499 = arith.constant 4 : i32
        %swap3A_500 = arith.index_cast %swap3A_499 : i32 to index
        %swap3A_501 = arith.constant 48 : index
        %swap3A_502 = tpu.vector_load %arg11[%swap3A_500, %swap3A_501] {strides = array<i32>} : memref<16x128xf32, #tpu.memory_space<vmem>>, vector<16xf32>,
        tpu.vector_store %arg11[%swap3A_500, %swap3A_501], %gather3A_498 {strides = array<i32>} : memref<16x128xf32, #tpu.memory_space<vmem>>, vector<16xf32>,
        %add3A_503 = arith.constant 5 : i32
        %add3A_504 = vector.broadcast %add3A_503 : i32 to vector<16xi32>
        %add3A_505 = arith.addi %get3A_459, %add3A_504 : vector<16xi32>
        %gather3A_506 = tpu.vector_load_idx %arg9[%add3A_462, %add3A_505] : memref<128x128xf32, #tpu.memory_space<vmem>>[vector<16xi32>, vector<16xi32>], vector<16xf32>,
        %swap3A_507 = arith.constant 5 : i32
        %swap3A_508 = arith.index_cast %swap3A_507 : i32 to index
        %swap3A_509 = arith.constant 48 : index
        %swap3A_510 = tpu.vector_load %arg11[%swap3A_508, %swap3A_509] {strides = array<i32>} : memref<16x128xf32, #tpu.memory_space<vmem>>, vector<16xf32>,
        tpu.vector_store %arg11[%swap3A_508, %swap3A_509], %gather3A_506 {strides = array<i32>} : memref<16x128xf32, #tpu.memory_space<vmem>>, vector<16xf32>,
        %add3A_511 = arith.constant 6 : i32
        %add3A_512 = vector.broadcast %add3A_511 : i32 to vector<16xi32>
        %add3A_513 = arith.addi %get3A_459, %add3A_512 : vector<16xi32>
        %gather3A_514 = tpu.vector_load_idx %arg9[%add3A_462, %add3A_513] : memref<128x128xf32, #tpu.memory_space<vmem>>[vector<16xi32>, vector<16xi32>], vector<16xf32>,
        %swap3A_515 = arith.constant 6 : i32
        %swap3A_516 = arith.index_cast %swap3A_515 : i32 to index
        %swap3A_517 = arith.constant 48 : index
        %swap3A_518 = tpu.vector_load %arg11[%swap3A_516, %swap3A_517] {strides = array<i32>} : memref<16x128xf32, #tpu.memory_space<vmem>>, vector<16xf32>,
        tpu.vector_store %arg11[%swap3A_516, %swap3A_517], %gather3A_514 {strides = array<i32>} : memref<16x128xf32, #tpu.memory_space<vmem>>, vector<16xf32>,
        %add3A_519 = arith.constant 7 : i32
        %add3A_520 = vector.broadcast %add3A_519 : i32 to vector<16xi32>
        %add3A_521 = arith.addi %get3A_459, %add3A_520 : vector<16xi32>
        %gather3A_522 = tpu.vector_load_idx %arg9[%add3A_462, %add3A_521] : memref<128x128xf32, #tpu.memory_space<vmem>>[vector<16xi32>, vector<16xi32>], vector<16xf32>,
        %swap3A_523 = arith.constant 7 : i32
        %swap3A_524 = arith.index_cast %swap3A_523 : i32 to index
        %swap3A_525 = arith.constant 48 : index
        %swap3A_526 = tpu.vector_load %arg11[%swap3A_524, %swap3A_525] {strides = array<i32>} : memref<16x128xf32, #tpu.memory_space<vmem>>, vector<16xf32>,
        tpu.vector_store %arg11[%swap3A_524, %swap3A_525], %gather3A_522 {strides = array<i32>} : memref<16x128xf32, #tpu.memory_space<vmem>>, vector<16xf32>,
        %add3A_527 = arith.constant 8 : i32
        %add3A_528 = vector.broadcast %add3A_527 : i32 to vector<16xi32>
        %add3A_529 = arith.addi %get3A_459, %add3A_528 : vector<16xi32>
        %gather3A_530 = tpu.vector_load_idx %arg9[%add3A_462, %add3A_529] : memref<128x128xf32, #tpu.memory_space<vmem>>[vector<16xi32>, vector<16xi32>], vector<16xf32>,
        %swap3A_531 = arith.constant 8 : i32
        %swap3A_532 = arith.index_cast %swap3A_531 : i32 to index
        %swap3A_533 = arith.constant 48 : index
        %swap3A_534 = tpu.vector_load %arg11[%swap3A_532, %swap3A_533] {strides = array<i32>} : memref<16x128xf32, #tpu.memory_space<vmem>>, vector<16xf32>,
        tpu.vector_store %arg11[%swap3A_532, %swap3A_533], %gather3A_530 {strides = array<i32>} : memref<16x128xf32, #tpu.memory_space<vmem>>, vector<16xf32>,
        %add3A_535 = arith.constant 9 : i32
        %add3A_536 = vector.broadcast %add3A_535 : i32 to vector<16xi32>
        %add3A_537 = arith.addi %get3A_459, %add3A_536 : vector<16xi32>
        %gather3A_538 = tpu.vector_load_idx %arg9[%add3A_462, %add3A_537] : memref<128x128xf32, #tpu.memory_space<vmem>>[vector<16xi32>, vector<16xi32>], vector<16xf32>,
        %swap3A_539 = arith.constant 9 : i32
        %swap3A_540 = arith.index_cast %swap3A_539 : i32 to index
        %swap3A_541 = arith.constant 48 : index
        %swap3A_542 = tpu.vector_load %arg11[%swap3A_540, %swap3A_541] {strides = array<i32>} : memref<16x128xf32, #tpu.memory_space<vmem>>, vector<16xf32>,
        tpu.vector_store %arg11[%swap3A_540, %swap3A_541], %gather3A_538 {strides = array<i32>} : memref<16x128xf32, #tpu.memory_space<vmem>>, vector<16xf32>,
        %add3A_543 = arith.constant 10 : i32
        %add3A_544 = vector.broadcast %add3A_543 : i32 to vector<16xi32>
        %add3A_545 = arith.addi %get3A_459, %add3A_544 : vector<16xi32>
        %gather3A_546 = tpu.vector_load_idx %arg9[%add3A_462, %add3A_545] : memref<128x128xf32, #tpu.memory_space<vmem>>[vector<16xi32>, vector<16xi32>], vector<16xf32>,
        %swap3A_547 = arith.constant 10 : i32
        %swap3A_548 = arith.index_cast %swap3A_547 : i32 to index
        %swap3A_549 = arith.constant 48 : index
        %swap3A_550 = tpu.vector_load %arg11[%swap3A_548, %swap3A_549] {strides = array<i32>} : memref<16x128xf32, #tpu.memory_space<vmem>>, vector<16xf32>,
        tpu.vector_store %arg11[%swap3A_548, %swap3A_549], %gather3A_546 {strides = array<i32>} : memref<16x128xf32, #tpu.memory_space<vmem>>, vector<16xf32>,
        %add3A_551 = arith.constant 11 : i32
        %add3A_552 = vector.broadcast %add3A_551 : i32 to vector<16xi32>
        %add3A_553 = arith.addi %get3A_459, %add3A_552 : vector<16xi32>
        %gather3A_554 = tpu.vector_load_idx %arg9[%add3A_462, %add3A_553] : memref<128x128xf32, #tpu.memory_space<vmem>>[vector<16xi32>, vector<16xi32>], vector<16xf32>,
        %swap3A_555 = arith.constant 11 : i32
        %swap3A_556 = arith.index_cast %swap3A_555 : i32 to index
        %swap3A_557 = arith.constant 48 : index
        %swap3A_558 = tpu.vector_load %arg11[%swap3A_556, %swap3A_557] {strides = array<i32>} : memref<16x128xf32, #tpu.memory_space<vmem>>, vector<16xf32>,
        tpu.vector_store %arg11[%swap3A_556, %swap3A_557], %gather3A_554 {strides = array<i32>} : memref<16x128xf32, #tpu.memory_space<vmem>>, vector<16xf32>,
        %add3A_559 = arith.constant 12 : i32
        %add3A_560 = vector.broadcast %add3A_559 : i32 to vector<16xi32>
        %add3A_561 = arith.addi %get3A_459, %add3A_560 : vector<16xi32>
        %gather3A_562 = tpu.vector_load_idx %arg9[%add3A_462, %add3A_561] : memref<128x128xf32, #tpu.memory_space<vmem>>[vector<16xi32>, vector<16xi32>], vector<16xf32>,
        %swap3A_563 = arith.constant 12 : i32
        %swap3A_564 = arith.index_cast %swap3A_563 : i32 to index
        %swap3A_565 = arith.constant 48 : index
        %swap3A_566 = tpu.vector_load %arg11[%swap3A_564, %swap3A_565] {strides = array<i32>} : memref<16x128xf32, #tpu.memory_space<vmem>>, vector<16xf32>,
        tpu.vector_store %arg11[%swap3A_564, %swap3A_565], %gather3A_562 {strides = array<i32>} : memref<16x128xf32, #tpu.memory_space<vmem>>, vector<16xf32>,
        %add3A_567 = arith.constant 13 : i32
        %add3A_568 = vector.broadcast %add3A_567 : i32 to vector<16xi32>
        %add3A_569 = arith.addi %get3A_459, %add3A_568 : vector<16xi32>
        %gather3A_570 = tpu.vector_load_idx %arg9[%add3A_462, %add3A_569] : memref<128x128xf32, #tpu.memory_space<vmem>>[vector<16xi32>, vector<16xi32>], vector<16xf32>,
        %swap3A_571 = arith.constant 13 : i32
        %swap3A_572 = arith.index_cast %swap3A_571 : i32 to index
        %swap3A_573 = arith.constant 48 : index
        %swap3A_574 = tpu.vector_load %arg11[%swap3A_572, %swap3A_573] {strides = array<i32>} : memref<16x128xf32, #tpu.memory_space<vmem>>, vector<16xf32>,
        tpu.vector_store %arg11[%swap3A_572, %swap3A_573], %gather3A_570 {strides = array<i32>} : memref<16x128xf32, #tpu.memory_space<vmem>>, vector<16xf32>,
        %add3A_575 = arith.constant 14 : i32
        %add3A_576 = vector.broadcast %add3A_575 : i32 to vector<16xi32>
        %add3A_577 = arith.addi %get3A_459, %add3A_576 : vector<16xi32>
        %gather3A_578 = tpu.vector_load_idx %arg9[%add3A_462, %add3A_577] : memref<128x128xf32, #tpu.memory_space<vmem>>[vector<16xi32>, vector<16xi32>], vector<16xf32>,
        %swap3A_579 = arith.constant 14 : i32
        %swap3A_580 = arith.index_cast %swap3A_579 : i32 to index
        %swap3A_581 = arith.constant 48 : index
        %swap3A_582 = tpu.vector_load %arg11[%swap3A_580, %swap3A_581] {strides = array<i32>} : memref<16x128xf32, #tpu.memory_space<vmem>>, vector<16xf32>,
        tpu.vector_store %arg11[%swap3A_580, %swap3A_581], %gather3A_578 {strides = array<i32>} : memref<16x128xf32, #tpu.memory_space<vmem>>, vector<16xf32>,
        %add3A_583 = arith.constant 15 : i32
        %add3A_584 = vector.broadcast %add3A_583 : i32 to vector<16xi32>
        %add3A_585 = arith.addi %get3A_459, %add3A_584 : vector<16xi32>
        %gather3A_586 = tpu.vector_load_idx %arg9[%add3A_462, %add3A_585] : memref<128x128xf32, #tpu.memory_space<vmem>>[vector<16xi32>, vector<16xi32>], vector<16xf32>,
        %swap3A_587 = arith.constant 15 : i32
        %swap3A_588 = arith.index_cast %swap3A_587 : i32 to index
        %swap3A_589 = arith.constant 48 : index
        %swap3A_590 = tpu.vector_load %arg11[%swap3A_588, %swap3A_589] {strides = array<i32>} : memref<16x128xf32, #tpu.memory_space<vmem>>, vector<16xf32>,
        tpu.vector_store %arg11[%swap3A_588, %swap3A_589], %gather3A_586 {strides = array<i32>} : memref<16x128xf32, #tpu.memory_space<vmem>>, vector<16xf32>,
        %get3A_591 = arith.index_cast %scan3A_31 : i32 to index
        %get3A_592 = arith.constant 64 : index
        %get3A_593 = tpu.vector_load %arg7[%get3A_591, %get3A_592] {strides = array<i32>} : memref<104x128xi32, #tpu.memory_space<vmem>>, vector<16xi32>,
        %add3A_594 = arith.constant 64 : i32
        %add3A_595 = vector.broadcast %add3A_594 : i32 to vector<16xi32>
        %add3A_596 = arith.addi %iota3A, %add3A_595 : vector<16xi32>
        %add3A_597 = arith.constant 0 : i32
        %add3A_598 = vector.broadcast %add3A_597 : i32 to vector<16xi32>
        %add3A_599 = arith.addi %get3A_593, %add3A_598 : vector<16xi32>
        %gather3A_600 = tpu.vector_load_idx %arg9[%add3A_596, %add3A_599] : memref<128x128xf32, #tpu.memory_space<vmem>>[vector<16xi32>, vector<16xi32>], vector<16xf32>,
        %swap3A_601 = arith.constant 0 : i32
        %swap3A_602 = arith.index_cast %swap3A_601 : i32 to index
        %swap3A_603 = arith.constant 64 : index
        %swap3A_604 = tpu.vector_load %arg11[%swap3A_602, %swap3A_603] {strides = array<i32>} : memref<16x128xf32, #tpu.memory_space<vmem>>, vector<16xf32>,
        tpu.vector_store %arg11[%swap3A_602, %swap3A_603], %gather3A_600 {strides = array<i32>} : memref<16x128xf32, #tpu.memory_space<vmem>>, vector<16xf32>,
        %add3A_605 = arith.constant 1 : i32
        %add3A_606 = vector.broadcast %add3A_605 : i32 to vector<16xi32>
        %add3A_607 = arith.addi %get3A_593, %add3A_606 : vector<16xi32>
        %gather3A_608 = tpu.vector_load_idx %arg9[%add3A_596, %add3A_607] : memref<128x128xf32, #tpu.memory_space<vmem>>[vector<16xi32>, vector<16xi32>], vector<16xf32>,
        %swap3A_609 = arith.constant 1 : i32
        %swap3A_610 = arith.index_cast %swap3A_609 : i32 to index
        %swap3A_611 = arith.constant 64 : index
        %swap3A_612 = tpu.vector_load %arg11[%swap3A_610, %swap3A_611] {strides = array<i32>} : memref<16x128xf32, #tpu.memory_space<vmem>>, vector<16xf32>,
        tpu.vector_store %arg11[%swap3A_610, %swap3A_611], %gather3A_608 {strides = array<i32>} : memref<16x128xf32, #tpu.memory_space<vmem>>, vector<16xf32>,
        %add3A_613 = arith.constant 2 : i32
        %add3A_614 = vector.broadcast %add3A_613 : i32 to vector<16xi32>
        %add3A_615 = arith.addi %get3A_593, %add3A_614 : vector<16xi32>
        %gather3A_616 = tpu.vector_load_idx %arg9[%add3A_596, %add3A_615] : memref<128x128xf32, #tpu.memory_space<vmem>>[vector<16xi32>, vector<16xi32>], vector<16xf32>,
        %swap3A_617 = arith.constant 2 : i32
        %swap3A_618 = arith.index_cast %swap3A_617 : i32 to index
        %swap3A_619 = arith.constant 64 : index
        %swap3A_620 = tpu.vector_load %arg11[%swap3A_618, %swap3A_619] {strides = array<i32>} : memref<16x128xf32, #tpu.memory_space<vmem>>, vector<16xf32>,
        tpu.vector_store %arg11[%swap3A_618, %swap3A_619], %gather3A_616 {strides = array<i32>} : memref<16x128xf32, #tpu.memory_space<vmem>>, vector<16xf32>,
        %add3A_621 = arith.constant 3 : i32
        %add3A_622 = vector.broadcast %add3A_621 : i32 to vector<16xi32>
        %add3A_623 = arith.addi %get3A_593, %add3A_622 : vector<16xi32>
        %gather3A_624 = tpu.vector_load_idx %arg9[%add3A_596, %add3A_623] : memref<128x128xf32, #tpu.memory_space<vmem>>[vector<16xi32>, vector<16xi32>], vector<16xf32>,
        %swap3A_625 = arith.constant 3 : i32
        %swap3A_626 = arith.index_cast %swap3A_625 : i32 to index
        %swap3A_627 = arith.constant 64 : index
        %swap3A_628 = tpu.vector_load %arg11[%swap3A_626, %swap3A_627] {strides = array<i32>} : memref<16x128xf32, #tpu.memory_space<vmem>>, vector<16xf32>,
        tpu.vector_store %arg11[%swap3A_626, %swap3A_627], %gather3A_624 {strides = array<i32>} : memref<16x128xf32, #tpu.memory_space<vmem>>, vector<16xf32>,
        %add3A_629 = arith.constant 4 : i32
        %add3A_630 = vector.broadcast %add3A_629 : i32 to vector<16xi32>
        %add3A_631 = arith.addi %get3A_593, %add3A_630 : vector<16xi32>
        %gather3A_632 = tpu.vector_load_idx %arg9[%add3A_596, %add3A_631] : memref<128x128xf32, #tpu.memory_space<vmem>>[vector<16xi32>, vector<16xi32>], vector<16xf32>,
        %swap3A_633 = arith.constant 4 : i32
        %swap3A_634 = arith.index_cast %swap3A_633 : i32 to index
        %swap3A_635 = arith.constant 64 : index
        %swap3A_636 = tpu.vector_load %arg11[%swap3A_634, %swap3A_635] {strides = array<i32>} : memref<16x128xf32, #tpu.memory_space<vmem>>, vector<16xf32>,
        tpu.vector_store %arg11[%swap3A_634, %swap3A_635], %gather3A_632 {strides = array<i32>} : memref<16x128xf32, #tpu.memory_space<vmem>>, vector<16xf32>,
        %add3A_637 = arith.constant 5 : i32
        %add3A_638 = vector.broadcast %add3A_637 : i32 to vector<16xi32>
        %add3A_639 = arith.addi %get3A_593, %add3A_638 : vector<16xi32>
        %gather3A_640 = tpu.vector_load_idx %arg9[%add3A_596, %add3A_639] : memref<128x128xf32, #tpu.memory_space<vmem>>[vector<16xi32>, vector<16xi32>], vector<16xf32>,
        %swap3A_641 = arith.constant 5 : i32
        %swap3A_642 = arith.index_cast %swap3A_641 : i32 to index
        %swap3A_643 = arith.constant 64 : index
        %swap3A_644 = tpu.vector_load %arg11[%swap3A_642, %swap3A_643] {strides = array<i32>} : memref<16x128xf32, #tpu.memory_space<vmem>>, vector<16xf32>,
        tpu.vector_store %arg11[%swap3A_642, %swap3A_643], %gather3A_640 {strides = array<i32>} : memref<16x128xf32, #tpu.memory_space<vmem>>, vector<16xf32>,
        %add3A_645 = arith.constant 6 : i32
        %add3A_646 = vector.broadcast %add3A_645 : i32 to vector<16xi32>
        %add3A_647 = arith.addi %get3A_593, %add3A_646 : vector<16xi32>
        %gather3A_648 = tpu.vector_load_idx %arg9[%add3A_596, %add3A_647] : memref<128x128xf32, #tpu.memory_space<vmem>>[vector<16xi32>, vector<16xi32>], vector<16xf32>,
        %swap3A_649 = arith.constant 6 : i32
        %swap3A_650 = arith.index_cast %swap3A_649 : i32 to index
        %swap3A_651 = arith.constant 64 : index
        %swap3A_652 = tpu.vector_load %arg11[%swap3A_650, %swap3A_651] {strides = array<i32>} : memref<16x128xf32, #tpu.memory_space<vmem>>, vector<16xf32>,
        tpu.vector_store %arg11[%swap3A_650, %swap3A_651], %gather3A_648 {strides = array<i32>} : memref<16x128xf32, #tpu.memory_space<vmem>>, vector<16xf32>,
        %add3A_653 = arith.constant 7 : i32
        %add3A_654 = vector.broadcast %add3A_653 : i32 to vector<16xi32>
        %add3A_655 = arith.addi %get3A_593, %add3A_654 : vector<16xi32>
        %gather3A_656 = tpu.vector_load_idx %arg9[%add3A_596, %add3A_655] : memref<128x128xf32, #tpu.memory_space<vmem>>[vector<16xi32>, vector<16xi32>], vector<16xf32>,
        %swap3A_657 = arith.constant 7 : i32
        %swap3A_658 = arith.index_cast %swap3A_657 : i32 to index
        %swap3A_659 = arith.constant 64 : index
        %swap3A_660 = tpu.vector_load %arg11[%swap3A_658, %swap3A_659] {strides = array<i32>} : memref<16x128xf32, #tpu.memory_space<vmem>>, vector<16xf32>,
        tpu.vector_store %arg11[%swap3A_658, %swap3A_659], %gather3A_656 {strides = array<i32>} : memref<16x128xf32, #tpu.memory_space<vmem>>, vector<16xf32>,
        %add3A_661 = arith.constant 8 : i32
        %add3A_662 = vector.broadcast %add3A_661 : i32 to vector<16xi32>
        %add3A_663 = arith.addi %get3A_593, %add3A_662 : vector<16xi32>
        %gather3A_664 = tpu.vector_load_idx %arg9[%add3A_596, %add3A_663] : memref<128x128xf32, #tpu.memory_space<vmem>>[vector<16xi32>, vector<16xi32>], vector<16xf32>,
        %swap3A_665 = arith.constant 8 : i32
        %swap3A_666 = arith.index_cast %swap3A_665 : i32 to index
        %swap3A_667 = arith.constant 64 : index
        %swap3A_668 = tpu.vector_load %arg11[%swap3A_666, %swap3A_667] {strides = array<i32>} : memref<16x128xf32, #tpu.memory_space<vmem>>, vector<16xf32>,
        tpu.vector_store %arg11[%swap3A_666, %swap3A_667], %gather3A_664 {strides = array<i32>} : memref<16x128xf32, #tpu.memory_space<vmem>>, vector<16xf32>,
        %add3A_669 = arith.constant 9 : i32
        %add3A_670 = vector.broadcast %add3A_669 : i32 to vector<16xi32>
        %add3A_671 = arith.addi %get3A_593, %add3A_670 : vector<16xi32>
        %gather3A_672 = tpu.vector_load_idx %arg9[%add3A_596, %add3A_671] : memref<128x128xf32, #tpu.memory_space<vmem>>[vector<16xi32>, vector<16xi32>], vector<16xf32>,
        %swap3A_673 = arith.constant 9 : i32
        %swap3A_674 = arith.index_cast %swap3A_673 : i32 to index
        %swap3A_675 = arith.constant 64 : index
        %swap3A_676 = tpu.vector_load %arg11[%swap3A_674, %swap3A_675] {strides = array<i32>} : memref<16x128xf32, #tpu.memory_space<vmem>>, vector<16xf32>,
        tpu.vector_store %arg11[%swap3A_674, %swap3A_675], %gather3A_672 {strides = array<i32>} : memref<16x128xf32, #tpu.memory_space<vmem>>, vector<16xf32>,
        %add3A_677 = arith.constant 10 : i32
        %add3A_678 = vector.broadcast %add3A_677 : i32 to vector<16xi32>
        %add3A_679 = arith.addi %get3A_593, %add3A_678 : vector<16xi32>
        %gather3A_680 = tpu.vector_load_idx %arg9[%add3A_596, %add3A_679] : memref<128x128xf32, #tpu.memory_space<vmem>>[vector<16xi32>, vector<16xi32>], vector<16xf32>,
        %swap3A_681 = arith.constant 10 : i32
        %swap3A_682 = arith.index_cast %swap3A_681 : i32 to index
        %swap3A_683 = arith.constant 64 : index
        %swap3A_684 = tpu.vector_load %arg11[%swap3A_682, %swap3A_683] {strides = array<i32>} : memref<16x128xf32, #tpu.memory_space<vmem>>, vector<16xf32>,
        tpu.vector_store %arg11[%swap3A_682, %swap3A_683], %gather3A_680 {strides = array<i32>} : memref<16x128xf32, #tpu.memory_space<vmem>>, vector<16xf32>,
        %add3A_685 = arith.constant 11 : i32
        %add3A_686 = vector.broadcast %add3A_685 : i32 to vector<16xi32>
        %add3A_687 = arith.addi %get3A_593, %add3A_686 : vector<16xi32>
        %gather3A_688 = tpu.vector_load_idx %arg9[%add3A_596, %add3A_687] : memref<128x128xf32, #tpu.memory_space<vmem>>[vector<16xi32>, vector<16xi32>], vector<16xf32>,
        %swap3A_689 = arith.constant 11 : i32
        %swap3A_690 = arith.index_cast %swap3A_689 : i32 to index
        %swap3A_691 = arith.constant 64 : index
        %swap3A_692 = tpu.vector_load %arg11[%swap3A_690, %swap3A_691] {strides = array<i32>} : memref<16x128xf32, #tpu.memory_space<vmem>>, vector<16xf32>,
        tpu.vector_store %arg11[%swap3A_690, %swap3A_691], %gather3A_688 {strides = array<i32>} : memref<16x128xf32, #tpu.memory_space<vmem>>, vector<16xf32>,
        %add3A_693 = arith.constant 12 : i32
        %add3A_694 = vector.broadcast %add3A_693 : i32 to vector<16xi32>
        %add3A_695 = arith.addi %get3A_593, %add3A_694 : vector<16xi32>
        %gather3A_696 = tpu.vector_load_idx %arg9[%add3A_596, %add3A_695] : memref<128x128xf32, #tpu.memory_space<vmem>>[vector<16xi32>, vector<16xi32>], vector<16xf32>,
        %swap3A_697 = arith.constant 12 : i32
        %swap3A_698 = arith.index_cast %swap3A_697 : i32 to index
        %swap3A_699 = arith.constant 64 : index
        %swap3A_700 = tpu.vector_load %arg11[%swap3A_698, %swap3A_699] {strides = array<i32>} : memref<16x128xf32, #tpu.memory_space<vmem>>, vector<16xf32>,
        tpu.vector_store %arg11[%swap3A_698, %swap3A_699], %gather3A_696 {strides = array<i32>} : memref<16x128xf32, #tpu.memory_space<vmem>>, vector<16xf32>,
        %add3A_701 = arith.constant 13 : i32
        %add3A_702 = vector.broadcast %add3A_701 : i32 to vector<16xi32>
        %add3A_703 = arith.addi %get3A_593, %add3A_702 : vector<16xi32>
        %gather3A_704 = tpu.vector_load_idx %arg9[%add3A_596, %add3A_703] : memref<128x128xf32, #tpu.memory_space<vmem>>[vector<16xi32>, vector<16xi32>], vector<16xf32>,
        %swap3A_705 = arith.constant 13 : i32
        %swap3A_706 = arith.index_cast %swap3A_705 : i32 to index
        %swap3A_707 = arith.constant 64 : index
        %swap3A_708 = tpu.vector_load %arg11[%swap3A_706, %swap3A_707] {strides = array<i32>} : memref<16x128xf32, #tpu.memory_space<vmem>>, vector<16xf32>,
        tpu.vector_store %arg11[%swap3A_706, %swap3A_707], %gather3A_704 {strides = array<i32>} : memref<16x128xf32, #tpu.memory_space<vmem>>, vector<16xf32>,
        %add3A_709 = arith.constant 14 : i32
        %add3A_710 = vector.broadcast %add3A_709 : i32 to vector<16xi32>
        %add3A_711 = arith.addi %get3A_593, %add3A_710 : vector<16xi32>
        %gather3A_712 = tpu.vector_load_idx %arg9[%add3A_596, %add3A_711] : memref<128x128xf32, #tpu.memory_space<vmem>>[vector<16xi32>, vector<16xi32>], vector<16xf32>,
        %swap3A_713 = arith.constant 14 : i32
        %swap3A_714 = arith.index_cast %swap3A_713 : i32 to index
        %swap3A_715 = arith.constant 64 : index
        %swap3A_716 = tpu.vector_load %arg11[%swap3A_714, %swap3A_715] {strides = array<i32>} : memref<16x128xf32, #tpu.memory_space<vmem>>, vector<16xf32>,
        tpu.vector_store %arg11[%swap3A_714, %swap3A_715], %gather3A_712 {strides = array<i32>} : memref<16x128xf32, #tpu.memory_space<vmem>>, vector<16xf32>,
        %add3A_717 = arith.constant 15 : i32
        %add3A_718 = vector.broadcast %add3A_717 : i32 to vector<16xi32>
        %add3A_719 = arith.addi %get3A_593, %add3A_718 : vector<16xi32>
        %gather3A_720 = tpu.vector_load_idx %arg9[%add3A_596, %add3A_719] : memref<128x128xf32, #tpu.memory_space<vmem>>[vector<16xi32>, vector<16xi32>], vector<16xf32>,
        %swap3A_721 = arith.constant 15 : i32
        %swap3A_722 = arith.index_cast %swap3A_721 : i32 to index
        %swap3A_723 = arith.constant 64 : index
        %swap3A_724 = tpu.vector_load %arg11[%swap3A_722, %swap3A_723] {strides = array<i32>} : memref<16x128xf32, #tpu.memory_space<vmem>>, vector<16xf32>,
        tpu.vector_store %arg11[%swap3A_722, %swap3A_723], %gather3A_720 {strides = array<i32>} : memref<16x128xf32, #tpu.memory_space<vmem>>, vector<16xf32>,
        %get3A_725 = arith.index_cast %scan3A_31 : i32 to index
        %get3A_726 = arith.constant 80 : index
        %get3A_727 = tpu.vector_load %arg7[%get3A_725, %get3A_726] {strides = array<i32>} : memref<104x128xi32, #tpu.memory_space<vmem>>, vector<16xi32>,
        %add3A_728 = arith.constant 80 : i32
        %add3A_729 = vector.broadcast %add3A_728 : i32 to vector<16xi32>
        %add3A_730 = arith.addi %iota3A, %add3A_729 : vector<16xi32>
        %add3A_731 = arith.constant 0 : i32
        %add3A_732 = vector.broadcast %add3A_731 : i32 to vector<16xi32>
        %add3A_733 = arith.addi %get3A_727, %add3A_732 : vector<16xi32>
        %gather3A_734 = tpu.vector_load_idx %arg9[%add3A_730, %add3A_733] : memref<128x128xf32, #tpu.memory_space<vmem>>[vector<16xi32>, vector<16xi32>], vector<16xf32>,
        %swap3A_735 = arith.constant 0 : i32
        %swap3A_736 = arith.index_cast %swap3A_735 : i32 to index
        %swap3A_737 = arith.constant 80 : index
        %swap3A_738 = tpu.vector_load %arg11[%swap3A_736, %swap3A_737] {strides = array<i32>} : memref<16x128xf32, #tpu.memory_space<vmem>>, vector<16xf32>,
        tpu.vector_store %arg11[%swap3A_736, %swap3A_737], %gather3A_734 {strides = array<i32>} : memref<16x128xf32, #tpu.memory_space<vmem>>, vector<16xf32>,
        %add3A_739 = arith.constant 1 : i32
        %add3A_740 = vector.broadcast %add3A_739 : i32 to vector<16xi32>
        %add3A_741 = arith.addi %get3A_727, %add3A_740 : vector<16xi32>
        %gather3A_742 = tpu.vector_load_idx %arg9[%add3A_730, %add3A_741] : memref<128x128xf32, #tpu.memory_space<vmem>>[vector<16xi32>, vector<16xi32>], vector<16xf32>,
        %swap3A_743 = arith.constant 1 : i32
        %swap3A_744 = arith.index_cast %swap3A_743 : i32 to index
        %swap3A_745 = arith.constant 80 : index
        %swap3A_746 = tpu.vector_load %arg11[%swap3A_744, %swap3A_745] {strides = array<i32>} : memref<16x128xf32, #tpu.memory_space<vmem>>, vector<16xf32>,
        tpu.vector_store %arg11[%swap3A_744, %swap3A_745], %gather3A_742 {strides = array<i32>} : memref<16x128xf32, #tpu.memory_space<vmem>>, vector<16xf32>,
        %add3A_747 = arith.constant 2 : i32
        %add3A_748 = vector.broadcast %add3A_747 : i32 to vector<16xi32>
        %add3A_749 = arith.addi %get3A_727, %add3A_748 : vector<16xi32>
        %gather3A_750 = tpu.vector_load_idx %arg9[%add3A_730, %add3A_749] : memref<128x128xf32, #tpu.memory_space<vmem>>[vector<16xi32>, vector<16xi32>], vector<16xf32>,
        %swap3A_751 = arith.constant 2 : i32
        %swap3A_752 = arith.index_cast %swap3A_751 : i32 to index
        %swap3A_753 = arith.constant 80 : index
        %swap3A_754 = tpu.vector_load %arg11[%swap3A_752, %swap3A_753] {strides = array<i32>} : memref<16x128xf32, #tpu.memory_space<vmem>>, vector<16xf32>,
        tpu.vector_store %arg11[%swap3A_752, %swap3A_753], %gather3A_750 {strides = array<i32>} : memref<16x128xf32, #tpu.memory_space<vmem>>, vector<16xf32>,
        %add3A_755 = arith.constant 3 : i32
        %add3A_756 = vector.broadcast %add3A_755 : i32 to vector<16xi32>
        %add3A_757 = arith.addi %get3A_727, %add3A_756 : vector<16xi32>
        %gather3A_758 = tpu.vector_load_idx %arg9[%add3A_730, %add3A_757] : memref<128x128xf32, #tpu.memory_space<vmem>>[vector<16xi32>, vector<16xi32>], vector<16xf32>,
        %swap3A_759 = arith.constant 3 : i32
        %swap3A_760 = arith.index_cast %swap3A_759 : i32 to index
        %swap3A_761 = arith.constant 80 : index
        %swap3A_762 = tpu.vector_load %arg11[%swap3A_760, %swap3A_761] {strides = array<i32>} : memref<16x128xf32, #tpu.memory_space<vmem>>, vector<16xf32>,
        tpu.vector_store %arg11[%swap3A_760, %swap3A_761], %gather3A_758 {strides = array<i32>} : memref<16x128xf32, #tpu.memory_space<vmem>>, vector<16xf32>,
        %add3A_763 = arith.constant 4 : i32
        %add3A_764 = vector.broadcast %add3A_763 : i32 to vector<16xi32>
        %add3A_765 = arith.addi %get3A_727, %add3A_764 : vector<16xi32>
        %gather3A_766 = tpu.vector_load_idx %arg9[%add3A_730, %add3A_765] : memref<128x128xf32, #tpu.memory_space<vmem>>[vector<16xi32>, vector<16xi32>], vector<16xf32>,
        %swap3A_767 = arith.constant 4 : i32
        %swap3A_768 = arith.index_cast %swap3A_767 : i32 to index
        %swap3A_769 = arith.constant 80 : index
        %swap3A_770 = tpu.vector_load %arg11[%swap3A_768, %swap3A_769] {strides = array<i32>} : memref<16x128xf32, #tpu.memory_space<vmem>>, vector<16xf32>,
        tpu.vector_store %arg11[%swap3A_768, %swap3A_769], %gather3A_766 {strides = array<i32>} : memref<16x128xf32, #tpu.memory_space<vmem>>, vector<16xf32>,
        %add3A_771 = arith.constant 5 : i32
        %add3A_772 = vector.broadcast %add3A_771 : i32 to vector<16xi32>
        %add3A_773 = arith.addi %get3A_727, %add3A_772 : vector<16xi32>
        %gather3A_774 = tpu.vector_load_idx %arg9[%add3A_730, %add3A_773] : memref<128x128xf32, #tpu.memory_space<vmem>>[vector<16xi32>, vector<16xi32>], vector<16xf32>,
        %swap3A_775 = arith.constant 5 : i32
        %swap3A_776 = arith.index_cast %swap3A_775 : i32 to index
        %swap3A_777 = arith.constant 80 : index
        %swap3A_778 = tpu.vector_load %arg11[%swap3A_776, %swap3A_777] {strides = array<i32>} : memref<16x128xf32, #tpu.memory_space<vmem>>, vector<16xf32>,
        tpu.vector_store %arg11[%swap3A_776, %swap3A_777], %gather3A_774 {strides = array<i32>} : memref<16x128xf32, #tpu.memory_space<vmem>>, vector<16xf32>,
        %add3A_779 = arith.constant 6 : i32
        %add3A_780 = vector.broadcast %add3A_779 : i32 to vector<16xi32>
        %add3A_781 = arith.addi %get3A_727, %add3A_780 : vector<16xi32>
        %gather3A_782 = tpu.vector_load_idx %arg9[%add3A_730, %add3A_781] : memref<128x128xf32, #tpu.memory_space<vmem>>[vector<16xi32>, vector<16xi32>], vector<16xf32>,
        %swap3A_783 = arith.constant 6 : i32
        %swap3A_784 = arith.index_cast %swap3A_783 : i32 to index
        %swap3A_785 = arith.constant 80 : index
        %swap3A_786 = tpu.vector_load %arg11[%swap3A_784, %swap3A_785] {strides = array<i32>} : memref<16x128xf32, #tpu.memory_space<vmem>>, vector<16xf32>,
        tpu.vector_store %arg11[%swap3A_784, %swap3A_785], %gather3A_782 {strides = array<i32>} : memref<16x128xf32, #tpu.memory_space<vmem>>, vector<16xf32>,
        %add3A_787 = arith.constant 7 : i32
        %add3A_788 = vector.broadcast %add3A_787 : i32 to vector<16xi32>
        %add3A_789 = arith.addi %get3A_727, %add3A_788 : vector<16xi32>
        %gather3A_790 = tpu.vector_load_idx %arg9[%add3A_730, %add3A_789] : memref<128x128xf32, #tpu.memory_space<vmem>>[vector<16xi32>, vector<16xi32>], vector<16xf32>,
        %swap3A_791 = arith.constant 7 : i32
        %swap3A_792 = arith.index_cast %swap3A_791 : i32 to index
        %swap3A_793 = arith.constant 80 : index
        %swap3A_794 = tpu.vector_load %arg11[%swap3A_792, %swap3A_793] {strides = array<i32>} : memref<16x128xf32, #tpu.memory_space<vmem>>, vector<16xf32>,
        tpu.vector_store %arg11[%swap3A_792, %swap3A_793], %gather3A_790 {strides = array<i32>} : memref<16x128xf32, #tpu.memory_space<vmem>>, vector<16xf32>,
        %add3A_795 = arith.constant 8 : i32
        %add3A_796 = vector.broadcast %add3A_795 : i32 to vector<16xi32>
        %add3A_797 = arith.addi %get3A_727, %add3A_796 : vector<16xi32>
        %gather3A_798 = tpu.vector_load_idx %arg9[%add3A_730, %add3A_797] : memref<128x128xf32, #tpu.memory_space<vmem>>[vector<16xi32>, vector<16xi32>], vector<16xf32>,
        %swap3A_799 = arith.constant 8 : i32
        %swap3A_800 = arith.index_cast %swap3A_799 : i32 to index
        %swap3A_801 = arith.constant 80 : index
        %swap3A_802 = tpu.vector_load %arg11[%swap3A_800, %swap3A_801] {strides = array<i32>} : memref<16x128xf32, #tpu.memory_space<vmem>>, vector<16xf32>,
        tpu.vector_store %arg11[%swap3A_800, %swap3A_801], %gather3A_798 {strides = array<i32>} : memref<16x128xf32, #tpu.memory_space<vmem>>, vector<16xf32>,
        %add3A_803 = arith.constant 9 : i32
        %add3A_804 = vector.broadcast %add3A_803 : i32 to vector<16xi32>
        %add3A_805 = arith.addi %get3A_727, %add3A_804 : vector<16xi32>
        %gather3A_806 = tpu.vector_load_idx %arg9[%add3A_730, %add3A_805] : memref<128x128xf32, #tpu.memory_space<vmem>>[vector<16xi32>, vector<16xi32>], vector<16xf32>,
        %swap3A_807 = arith.constant 9 : i32
        %swap3A_808 = arith.index_cast %swap3A_807 : i32 to index
        %swap3A_809 = arith.constant 80 : index
        %swap3A_810 = tpu.vector_load %arg11[%swap3A_808, %swap3A_809] {strides = array<i32>} : memref<16x128xf32, #tpu.memory_space<vmem>>, vector<16xf32>,
        tpu.vector_store %arg11[%swap3A_808, %swap3A_809], %gather3A_806 {strides = array<i32>} : memref<16x128xf32, #tpu.memory_space<vmem>>, vector<16xf32>,
        %add3A_811 = arith.constant 10 : i32
        %add3A_812 = vector.broadcast %add3A_811 : i32 to vector<16xi32>
        %add3A_813 = arith.addi %get3A_727, %add3A_812 : vector<16xi32>
        %gather3A_814 = tpu.vector_load_idx %arg9[%add3A_730, %add3A_813] : memref<128x128xf32, #tpu.memory_space<vmem>>[vector<16xi32>, vector<16xi32>], vector<16xf32>,
        %swap3A_815 = arith.constant 10 : i32
        %swap3A_816 = arith.index_cast %swap3A_815 : i32 to index
        %swap3A_817 = arith.constant 80 : index
        %swap3A_818 = tpu.vector_load %arg11[%swap3A_816, %swap3A_817] {strides = array<i32>} : memref<16x128xf32, #tpu.memory_space<vmem>>, vector<16xf32>,
        tpu.vector_store %arg11[%swap3A_816, %swap3A_817], %gather3A_814 {strides = array<i32>} : memref<16x128xf32, #tpu.memory_space<vmem>>, vector<16xf32>,
        %add3A_819 = arith.constant 11 : i32
        %add3A_820 = vector.broadcast %add3A_819 : i32 to vector<16xi32>
        %add3A_821 = arith.addi %get3A_727, %add3A_820 : vector<16xi32>
        %gather3A_822 = tpu.vector_load_idx %arg9[%add3A_730, %add3A_821] : memref<128x128xf32, #tpu.memory_space<vmem>>[vector<16xi32>, vector<16xi32>], vector<16xf32>,
        %swap3A_823 = arith.constant 11 : i32
        %swap3A_824 = arith.index_cast %swap3A_823 : i32 to index
        %swap3A_825 = arith.constant 80 : index
        %swap3A_826 = tpu.vector_load %arg11[%swap3A_824, %swap3A_825] {strides = array<i32>} : memref<16x128xf32, #tpu.memory_space<vmem>>, vector<16xf32>,
        tpu.vector_store %arg11[%swap3A_824, %swap3A_825], %gather3A_822 {strides = array<i32>} : memref<16x128xf32, #tpu.memory_space<vmem>>, vector<16xf32>,
        %add3A_827 = arith.constant 12 : i32
        %add3A_828 = vector.broadcast %add3A_827 : i32 to vector<16xi32>
        %add3A_829 = arith.addi %get3A_727, %add3A_828 : vector<16xi32>
        %gather3A_830 = tpu.vector_load_idx %arg9[%add3A_730, %add3A_829] : memref<128x128xf32, #tpu.memory_space<vmem>>[vector<16xi32>, vector<16xi32>], vector<16xf32>,
        %swap3A_831 = arith.constant 12 : i32
        %swap3A_832 = arith.index_cast %swap3A_831 : i32 to index
        %swap3A_833 = arith.constant 80 : index
        %swap3A_834 = tpu.vector_load %arg11[%swap3A_832, %swap3A_833] {strides = array<i32>} : memref<16x128xf32, #tpu.memory_space<vmem>>, vector<16xf32>,
        tpu.vector_store %arg11[%swap3A_832, %swap3A_833], %gather3A_830 {strides = array<i32>} : memref<16x128xf32, #tpu.memory_space<vmem>>, vector<16xf32>,
        %add3A_835 = arith.constant 13 : i32
        %add3A_836 = vector.broadcast %add3A_835 : i32 to vector<16xi32>
        %add3A_837 = arith.addi %get3A_727, %add3A_836 : vector<16xi32>
        %gather3A_838 = tpu.vector_load_idx %arg9[%add3A_730, %add3A_837] : memref<128x128xf32, #tpu.memory_space<vmem>>[vector<16xi32>, vector<16xi32>], vector<16xf32>,
        %swap3A_839 = arith.constant 13 : i32
        %swap3A_840 = arith.index_cast %swap3A_839 : i32 to index
        %swap3A_841 = arith.constant 80 : index
        %swap3A_842 = tpu.vector_load %arg11[%swap3A_840, %swap3A_841] {strides = array<i32>} : memref<16x128xf32, #tpu.memory_space<vmem>>, vector<16xf32>,
        tpu.vector_store %arg11[%swap3A_840, %swap3A_841], %gather3A_838 {strides = array<i32>} : memref<16x128xf32, #tpu.memory_space<vmem>>, vector<16xf32>,
        %add3A_843 = arith.constant 14 : i32
        %add3A_844 = vector.broadcast %add3A_843 : i32 to vector<16xi32>
        %add3A_845 = arith.addi %get3A_727, %add3A_844 : vector<16xi32>
        %gather3A_846 = tpu.vector_load_idx %arg9[%add3A_730, %add3A_845] : memref<128x128xf32, #tpu.memory_space<vmem>>[vector<16xi32>, vector<16xi32>], vector<16xf32>,
        %swap3A_847 = arith.constant 14 : i32
        %swap3A_848 = arith.index_cast %swap3A_847 : i32 to index
        %swap3A_849 = arith.constant 80 : index
        %swap3A_850 = tpu.vector_load %arg11[%swap3A_848, %swap3A_849] {strides = array<i32>} : memref<16x128xf32, #tpu.memory_space<vmem>>, vector<16xf32>,
        tpu.vector_store %arg11[%swap3A_848, %swap3A_849], %gather3A_846 {strides = array<i32>} : memref<16x128xf32, #tpu.memory_space<vmem>>, vector<16xf32>,
        %add3A_851 = arith.constant 15 : i32
        %add3A_852 = vector.broadcast %add3A_851 : i32 to vector<16xi32>
        %add3A_853 = arith.addi %get3A_727, %add3A_852 : vector<16xi32>
        %gather3A_854 = tpu.vector_load_idx %arg9[%add3A_730, %add3A_853] : memref<128x128xf32, #tpu.memory_space<vmem>>[vector<16xi32>, vector<16xi32>], vector<16xf32>,
        %swap3A_855 = arith.constant 15 : i32
        %swap3A_856 = arith.index_cast %swap3A_855 : i32 to index
        %swap3A_857 = arith.constant 80 : index
        %swap3A_858 = tpu.vector_load %arg11[%swap3A_856, %swap3A_857] {strides = array<i32>} : memref<16x128xf32, #tpu.memory_space<vmem>>, vector<16xf32>,
        tpu.vector_store %arg11[%swap3A_856, %swap3A_857], %gather3A_854 {strides = array<i32>} : memref<16x128xf32, #tpu.memory_space<vmem>>, vector<16xf32>,
        %get3A_859 = arith.index_cast %scan3A_31 : i32 to index
        %get3A_860 = arith.constant 96 : index
        %get3A_861 = tpu.vector_load %arg7[%get3A_859, %get3A_860] {strides = array<i32>} : memref<104x128xi32, #tpu.memory_space<vmem>>, vector<16xi32>,
        %add3A_862 = arith.constant 96 : i32
        %add3A_863 = vector.broadcast %add3A_862 : i32 to vector<16xi32>
        %add3A_864 = arith.addi %iota3A, %add3A_863 : vector<16xi32>
        %add3A_865 = arith.constant 0 : i32
        %add3A_866 = vector.broadcast %add3A_865 : i32 to vector<16xi32>
        %add3A_867 = arith.addi %get3A_861, %add3A_866 : vector<16xi32>
        %gather3A_868 = tpu.vector_load_idx %arg9[%add3A_864, %add3A_867] : memref<128x128xf32, #tpu.memory_space<vmem>>[vector<16xi32>, vector<16xi32>], vector<16xf32>,
        %swap3A_869 = arith.constant 0 : i32
        %swap3A_870 = arith.index_cast %swap3A_869 : i32 to index
        %swap3A_871 = arith.constant 96 : index
        %swap3A_872 = tpu.vector_load %arg11[%swap3A_870, %swap3A_871] {strides = array<i32>} : memref<16x128xf32, #tpu.memory_space<vmem>>, vector<16xf32>,
        tpu.vector_store %arg11[%swap3A_870, %swap3A_871], %gather3A_868 {strides = array<i32>} : memref<16x128xf32, #tpu.memory_space<vmem>>, vector<16xf32>,
        %add3A_873 = arith.constant 1 : i32
        %add3A_874 = vector.broadcast %add3A_873 : i32 to vector<16xi32>
        %add3A_875 = arith.addi %get3A_861, %add3A_874 : vector<16xi32>
        %gather3A_876 = tpu.vector_load_idx %arg9[%add3A_864, %add3A_875] : memref<128x128xf32, #tpu.memory_space<vmem>>[vector<16xi32>, vector<16xi32>], vector<16xf32>,
        %swap3A_877 = arith.constant 1 : i32
        %swap3A_878 = arith.index_cast %swap3A_877 : i32 to index
        %swap3A_879 = arith.constant 96 : index
        %swap3A_880 = tpu.vector_load %arg11[%swap3A_878, %swap3A_879] {strides = array<i32>} : memref<16x128xf32, #tpu.memory_space<vmem>>, vector<16xf32>,
        tpu.vector_store %arg11[%swap3A_878, %swap3A_879], %gather3A_876 {strides = array<i32>} : memref<16x128xf32, #tpu.memory_space<vmem>>, vector<16xf32>,
        %add3A_881 = arith.constant 2 : i32
        %add3A_882 = vector.broadcast %add3A_881 : i32 to vector<16xi32>
        %add3A_883 = arith.addi %get3A_861, %add3A_882 : vector<16xi32>
        %gather3A_884 = tpu.vector_load_idx %arg9[%add3A_864, %add3A_883] : memref<128x128xf32, #tpu.memory_space<vmem>>[vector<16xi32>, vector<16xi32>], vector<16xf32>,
        %swap3A_885 = arith.constant 2 : i32
        %swap3A_886 = arith.index_cast %swap3A_885 : i32 to index
        %swap3A_887 = arith.constant 96 : index
        %swap3A_888 = tpu.vector_load %arg11[%swap3A_886, %swap3A_887] {strides = array<i32>} : memref<16x128xf32, #tpu.memory_space<vmem>>, vector<16xf32>,
        tpu.vector_store %arg11[%swap3A_886, %swap3A_887], %gather3A_884 {strides = array<i32>} : memref<16x128xf32, #tpu.memory_space<vmem>>, vector<16xf32>,
        %add3A_889 = arith.constant 3 : i32
        %add3A_890 = vector.broadcast %add3A_889 : i32 to vector<16xi32>
        %add3A_891 = arith.addi %get3A_861, %add3A_890 : vector<16xi32>
        %gather3A_892 = tpu.vector_load_idx %arg9[%add3A_864, %add3A_891] : memref<128x128xf32, #tpu.memory_space<vmem>>[vector<16xi32>, vector<16xi32>], vector<16xf32>,
        %swap3A_893 = arith.constant 3 : i32
        %swap3A_894 = arith.index_cast %swap3A_893 : i32 to index
        %swap3A_895 = arith.constant 96 : index
        %swap3A_896 = tpu.vector_load %arg11[%swap3A_894, %swap3A_895] {strides = array<i32>} : memref<16x128xf32, #tpu.memory_space<vmem>>, vector<16xf32>,
        tpu.vector_store %arg11[%swap3A_894, %swap3A_895], %gather3A_892 {strides = array<i32>} : memref<16x128xf32, #tpu.memory_space<vmem>>, vector<16xf32>,
        %add3A_897 = arith.constant 4 : i32
        %add3A_898 = vector.broadcast %add3A_897 : i32 to vector<16xi32>
        %add3A_899 = arith.addi %get3A_861, %add3A_898 : vector<16xi32>
        %gather3A_900 = tpu.vector_load_idx %arg9[%add3A_864, %add3A_899] : memref<128x128xf32, #tpu.memory_space<vmem>>[vector<16xi32>, vector<16xi32>], vector<16xf32>,
        %swap3A_901 = arith.constant 4 : i32
        %swap3A_902 = arith.index_cast %swap3A_901 : i32 to index
        %swap3A_903 = arith.constant 96 : index
        %swap3A_904 = tpu.vector_load %arg11[%swap3A_902, %swap3A_903] {strides = array<i32>} : memref<16x128xf32, #tpu.memory_space<vmem>>, vector<16xf32>,
        tpu.vector_store %arg11[%swap3A_902, %swap3A_903], %gather3A_900 {strides = array<i32>} : memref<16x128xf32, #tpu.memory_space<vmem>>, vector<16xf32>,
        %add3A_905 = arith.constant 5 : i32
        %add3A_906 = vector.broadcast %add3A_905 : i32 to vector<16xi32>
        %add3A_907 = arith.addi %get3A_861, %add3A_906 : vector<16xi32>
        %gather3A_908 = tpu.vector_load_idx %arg9[%add3A_864, %add3A_907] : memref<128x128xf32, #tpu.memory_space<vmem>>[vector<16xi32>, vector<16xi32>], vector<16xf32>,
        %swap3A_909 = arith.constant 5 : i32
        %swap3A_910 = arith.index_cast %swap3A_909 : i32 to index
        %swap3A_911 = arith.constant 96 : index
        %swap3A_912 = tpu.vector_load %arg11[%swap3A_910, %swap3A_911] {strides = array<i32>} : memref<16x128xf32, #tpu.memory_space<vmem>>, vector<16xf32>,
        tpu.vector_store %arg11[%swap3A_910, %swap3A_911], %gather3A_908 {strides = array<i32>} : memref<16x128xf32, #tpu.memory_space<vmem>>, vector<16xf32>,
        %add3A_913 = arith.constant 6 : i32
        %add3A_914 = vector.broadcast %add3A_913 : i32 to vector<16xi32>
        %add3A_915 = arith.addi %get3A_861, %add3A_914 : vector<16xi32>
        %gather3A_916 = tpu.vector_load_idx %arg9[%add3A_864, %add3A_915] : memref<128x128xf32, #tpu.memory_space<vmem>>[vector<16xi32>, vector<16xi32>], vector<16xf32>,
        %swap3A_917 = arith.constant 6 : i32
        %swap3A_918 = arith.index_cast %swap3A_917 : i32 to index
        %swap3A_919 = arith.constant 96 : index
        %swap3A_920 = tpu.vector_load %arg11[%swap3A_918, %swap3A_919] {strides = array<i32>} : memref<16x128xf32, #tpu.memory_space<vmem>>, vector<16xf32>,
        tpu.vector_store %arg11[%swap3A_918, %swap3A_919], %gather3A_916 {strides = array<i32>} : memref<16x128xf32, #tpu.memory_space<vmem>>, vector<16xf32>,
        %add3A_921 = arith.constant 7 : i32
        %add3A_922 = vector.broadcast %add3A_921 : i32 to vector<16xi32>
        %add3A_923 = arith.addi %get3A_861, %add3A_922 : vector<16xi32>
        %gather3A_924 = tpu.vector_load_idx %arg9[%add3A_864, %add3A_923] : memref<128x128xf32, #tpu.memory_space<vmem>>[vector<16xi32>, vector<16xi32>], vector<16xf32>,
        %swap3A_925 = arith.constant 7 : i32
        %swap3A_926 = arith.index_cast %swap3A_925 : i32 to index
        %swap3A_927 = arith.constant 96 : index
        %swap3A_928 = tpu.vector_load %arg11[%swap3A_926, %swap3A_927] {strides = array<i32>} : memref<16x128xf32, #tpu.memory_space<vmem>>, vector<16xf32>,
        tpu.vector_store %arg11[%swap3A_926, %swap3A_927], %gather3A_924 {strides = array<i32>} : memref<16x128xf32, #tpu.memory_space<vmem>>, vector<16xf32>,
        %add3A_929 = arith.constant 8 : i32
        %add3A_930 = vector.broadcast %add3A_929 : i32 to vector<16xi32>
        %add3A_931 = arith.addi %get3A_861, %add3A_930 : vector<16xi32>
        %gather3A_932 = tpu.vector_load_idx %arg9[%add3A_864, %add3A_931] : memref<128x128xf32, #tpu.memory_space<vmem>>[vector<16xi32>, vector<16xi32>], vector<16xf32>,
        %swap3A_933 = arith.constant 8 : i32
        %swap3A_934 = arith.index_cast %swap3A_933 : i32 to index
        %swap3A_935 = arith.constant 96 : index
        %swap3A_936 = tpu.vector_load %arg11[%swap3A_934, %swap3A_935] {strides = array<i32>} : memref<16x128xf32, #tpu.memory_space<vmem>>, vector<16xf32>,
        tpu.vector_store %arg11[%swap3A_934, %swap3A_935], %gather3A_932 {strides = array<i32>} : memref<16x128xf32, #tpu.memory_space<vmem>>, vector<16xf32>,
        %add3A_937 = arith.constant 9 : i32
        %add3A_938 = vector.broadcast %add3A_937 : i32 to vector<16xi32>
        %add3A_939 = arith.addi %get3A_861, %add3A_938 : vector<16xi32>
        %gather3A_940 = tpu.vector_load_idx %arg9[%add3A_864, %add3A_939] : memref<128x128xf32, #tpu.memory_space<vmem>>[vector<16xi32>, vector<16xi32>], vector<16xf32>,
        %swap3A_941 = arith.constant 9 : i32
        %swap3A_942 = arith.index_cast %swap3A_941 : i32 to index
        %swap3A_943 = arith.constant 96 : index
        %swap3A_944 = tpu.vector_load %arg11[%swap3A_942, %swap3A_943] {strides = array<i32>} : memref<16x128xf32, #tpu.memory_space<vmem>>, vector<16xf32>,
        tpu.vector_store %arg11[%swap3A_942, %swap3A_943], %gather3A_940 {strides = array<i32>} : memref<16x128xf32, #tpu.memory_space<vmem>>, vector<16xf32>,
        %add3A_945 = arith.constant 10 : i32
        %add3A_946 = vector.broadcast %add3A_945 : i32 to vector<16xi32>
        %add3A_947 = arith.addi %get3A_861, %add3A_946 : vector<16xi32>
        %gather3A_948 = tpu.vector_load_idx %arg9[%add3A_864, %add3A_947] : memref<128x128xf32, #tpu.memory_space<vmem>>[vector<16xi32>, vector<16xi32>], vector<16xf32>,
        %swap3A_949 = arith.constant 10 : i32
        %swap3A_950 = arith.index_cast %swap3A_949 : i32 to index
        %swap3A_951 = arith.constant 96 : index
        %swap3A_952 = tpu.vector_load %arg11[%swap3A_950, %swap3A_951] {strides = array<i32>} : memref<16x128xf32, #tpu.memory_space<vmem>>, vector<16xf32>,
        tpu.vector_store %arg11[%swap3A_950, %swap3A_951], %gather3A_948 {strides = array<i32>} : memref<16x128xf32, #tpu.memory_space<vmem>>, vector<16xf32>,
        %add3A_953 = arith.constant 11 : i32
        %add3A_954 = vector.broadcast %add3A_953 : i32 to vector<16xi32>
        %add3A_955 = arith.addi %get3A_861, %add3A_954 : vector<16xi32>
        %gather3A_956 = tpu.vector_load_idx %arg9[%add3A_864, %add3A_955] : memref<128x128xf32, #tpu.memory_space<vmem>>[vector<16xi32>, vector<16xi32>], vector<16xf32>,
        %swap3A_957 = arith.constant 11 : i32
        %swap3A_958 = arith.index_cast %swap3A_957 : i32 to index
        %swap3A_959 = arith.constant 96 : index
        %swap3A_960 = tpu.vector_load %arg11[%swap3A_958, %swap3A_959] {strides = array<i32>} : memref<16x128xf32, #tpu.memory_space<vmem>>, vector<16xf32>,
        tpu.vector_store %arg11[%swap3A_958, %swap3A_959], %gather3A_956 {strides = array<i32>} : memref<16x128xf32, #tpu.memory_space<vmem>>, vector<16xf32>,
        %add3A_961 = arith.constant 12 : i32
        %add3A_962 = vector.broadcast %add3A_961 : i32 to vector<16xi32>
        %add3A_963 = arith.addi %get3A_861, %add3A_962 : vector<16xi32>
        %gather3A_964 = tpu.vector_load_idx %arg9[%add3A_864, %add3A_963] : memref<128x128xf32, #tpu.memory_space<vmem>>[vector<16xi32>, vector<16xi32>], vector<16xf32>,
        %swap3A_965 = arith.constant 12 : i32
        %swap3A_966 = arith.index_cast %swap3A_965 : i32 to index
        %swap3A_967 = arith.constant 96 : index
        %swap3A_968 = tpu.vector_load %arg11[%swap3A_966, %swap3A_967] {strides = array<i32>} : memref<16x128xf32, #tpu.memory_space<vmem>>, vector<16xf32>,
        tpu.vector_store %arg11[%swap3A_966, %swap3A_967], %gather3A_964 {strides = array<i32>} : memref<16x128xf32, #tpu.memory_space<vmem>>, vector<16xf32>,
        %add3A_969 = arith.constant 13 : i32
        %add3A_970 = vector.broadcast %add3A_969 : i32 to vector<16xi32>
        %add3A_971 = arith.addi %get3A_861, %add3A_970 : vector<16xi32>
        %gather3A_972 = tpu.vector_load_idx %arg9[%add3A_864, %add3A_971] : memref<128x128xf32, #tpu.memory_space<vmem>>[vector<16xi32>, vector<16xi32>], vector<16xf32>,
        %swap3A_973 = arith.constant 13 : i32
        %swap3A_974 = arith.index_cast %swap3A_973 : i32 to index
        %swap3A_975 = arith.constant 96 : index
        %swap3A_976 = tpu.vector_load %arg11[%swap3A_974, %swap3A_975] {strides = array<i32>} : memref<16x128xf32, #tpu.memory_space<vmem>>, vector<16xf32>,
        tpu.vector_store %arg11[%swap3A_974, %swap3A_975], %gather3A_972 {strides = array<i32>} : memref<16x128xf32, #tpu.memory_space<vmem>>, vector<16xf32>,
        %add3A_977 = arith.constant 14 : i32
        %add3A_978 = vector.broadcast %add3A_977 : i32 to vector<16xi32>
        %add3A_979 = arith.addi %get3A_861, %add3A_978 : vector<16xi32>
        %gather3A_980 = tpu.vector_load_idx %arg9[%add3A_864, %add3A_979] : memref<128x128xf32, #tpu.memory_space<vmem>>[vector<16xi32>, vector<16xi32>], vector<16xf32>,
        %swap3A_981 = arith.constant 14 : i32
        %swap3A_982 = arith.index_cast %swap3A_981 : i32 to index
        %swap3A_983 = arith.constant 96 : index
        %swap3A_984 = tpu.vector_load %arg11[%swap3A_982, %swap3A_983] {strides = array<i32>} : memref<16x128xf32, #tpu.memory_space<vmem>>, vector<16xf32>,
        tpu.vector_store %arg11[%swap3A_982, %swap3A_983], %gather3A_980 {strides = array<i32>} : memref<16x128xf32, #tpu.memory_space<vmem>>, vector<16xf32>,
        %add3A_985 = arith.constant 15 : i32
        %add3A_986 = vector.broadcast %add3A_985 : i32 to vector<16xi32>
        %add3A_987 = arith.addi %get3A_861, %add3A_986 : vector<16xi32>
        %gather3A_988 = tpu.vector_load_idx %arg9[%add3A_864, %add3A_987] : memref<128x128xf32, #tpu.memory_space<vmem>>[vector<16xi32>, vector<16xi32>], vector<16xf32>,
        %swap3A_989 = arith.constant 15 : i32
        %swap3A_990 = arith.index_cast %swap3A_989 : i32 to index
        %swap3A_991 = arith.constant 96 : index
        %swap3A_992 = tpu.vector_load %arg11[%swap3A_990, %swap3A_991] {strides = array<i32>} : memref<16x128xf32, #tpu.memory_space<vmem>>, vector<16xf32>,
        tpu.vector_store %arg11[%swap3A_990, %swap3A_991], %gather3A_988 {strides = array<i32>} : memref<16x128xf32, #tpu.memory_space<vmem>>, vector<16xf32>,
        %get3A_993 = arith.index_cast %scan3A_31 : i32 to index
        %get3A_994 = arith.constant 112 : index
        %get3A_995 = tpu.vector_load %arg7[%get3A_993, %get3A_994] {strides = array<i32>} : memref<104x128xi32, #tpu.memory_space<vmem>>, vector<16xi32>,
        %add3A_996 = arith.constant 112 : i32
        %add3A_997 = vector.broadcast %add3A_996 : i32 to vector<16xi32>
        %add3A_998 = arith.addi %iota3A, %add3A_997 : vector<16xi32>
        %add3A_999 = arith.constant 0 : i32
        %add3A_1000 = vector.broadcast %add3A_999 : i32 to vector<16xi32>
        %add3A_1001 = arith.addi %get3A_995, %add3A_1000 : vector<16xi32>
        %gather3A_1002 = tpu.vector_load_idx %arg9[%add3A_998, %add3A_1001] : memref<128x128xf32, #tpu.memory_space<vmem>>[vector<16xi32>, vector<16xi32>], vector<16xf32>,
        %swap3A_1003 = arith.constant 0 : i32
        %swap3A_1004 = arith.index_cast %swap3A_1003 : i32 to index
        %swap3A_1005 = arith.constant 112 : index
        %swap3A_1006 = tpu.vector_load %arg11[%swap3A_1004, %swap3A_1005] {strides = array<i32>} : memref<16x128xf32, #tpu.memory_space<vmem>>, vector<16xf32>,
        tpu.vector_store %arg11[%swap3A_1004, %swap3A_1005], %gather3A_1002 {strides = array<i32>} : memref<16x128xf32, #tpu.memory_space<vmem>>, vector<16xf32>,
        %add3A_1007 = arith.constant 1 : i32
        %add3A_1008 = vector.broadcast %add3A_1007 : i32 to vector<16xi32>
        %add3A_1009 = arith.addi %get3A_995, %add3A_1008 : vector<16xi32>
        %gather3A_1010 = tpu.vector_load_idx %arg9[%add3A_998, %add3A_1009] : memref<128x128xf32, #tpu.memory_space<vmem>>[vector<16xi32>, vector<16xi32>], vector<16xf32>,
        %swap3A_1011 = arith.constant 1 : i32
        %swap3A_1012 = arith.index_cast %swap3A_1011 : i32 to index
        %swap3A_1013 = arith.constant 112 : index
        %swap3A_1014 = tpu.vector_load %arg11[%swap3A_1012, %swap3A_1013] {strides = array<i32>} : memref<16x128xf32, #tpu.memory_space<vmem>>, vector<16xf32>,
        tpu.vector_store %arg11[%swap3A_1012, %swap3A_1013], %gather3A_1010 {strides = array<i32>} : memref<16x128xf32, #tpu.memory_space<vmem>>, vector<16xf32>,
        %add3A_1015 = arith.constant 2 : i32
        %add3A_1016 = vector.broadcast %add3A_1015 : i32 to vector<16xi32>
        %add3A_1017 = arith.addi %get3A_995, %add3A_1016 : vector<16xi32>
        %gather3A_1018 = tpu.vector_load_idx %arg9[%add3A_998, %add3A_1017] : memref<128x128xf32, #tpu.memory_space<vmem>>[vector<16xi32>, vector<16xi32>], vector<16xf32>,
        %swap3A_1019 = arith.constant 2 : i32
        %swap3A_1020 = arith.index_cast %swap3A_1019 : i32 to index
        %swap3A_1021 = arith.constant 112 : index
        %swap3A_1022 = tpu.vector_load %arg11[%swap3A_1020, %swap3A_1021] {strides = array<i32>} : memref<16x128xf32, #tpu.memory_space<vmem>>, vector<16xf32>,
        tpu.vector_store %arg11[%swap3A_1020, %swap3A_1021], %gather3A_1018 {strides = array<i32>} : memref<16x128xf32, #tpu.memory_space<vmem>>, vector<16xf32>,
        %add3A_1023 = arith.constant 3 : i32
        %add3A_1024 = vector.broadcast %add3A_1023 : i32 to vector<16xi32>
        %add3A_1025 = arith.addi %get3A_995, %add3A_1024 : vector<16xi32>
        %gather3A_1026 = tpu.vector_load_idx %arg9[%add3A_998, %add3A_1025] : memref<128x128xf32, #tpu.memory_space<vmem>>[vector<16xi32>, vector<16xi32>], vector<16xf32>,
        %swap3A_1027 = arith.constant 3 : i32
        %swap3A_1028 = arith.index_cast %swap3A_1027 : i32 to index
        %swap3A_1029 = arith.constant 112 : index
        %swap3A_1030 = tpu.vector_load %arg11[%swap3A_1028, %swap3A_1029] {strides = array<i32>} : memref<16x128xf32, #tpu.memory_space<vmem>>, vector<16xf32>,
        tpu.vector_store %arg11[%swap3A_1028, %swap3A_1029], %gather3A_1026 {strides = array<i32>} : memref<16x128xf32, #tpu.memory_space<vmem>>, vector<16xf32>,
        %add3A_1031 = arith.constant 4 : i32
        %add3A_1032 = vector.broadcast %add3A_1031 : i32 to vector<16xi32>
        %add3A_1033 = arith.addi %get3A_995, %add3A_1032 : vector<16xi32>
        %gather3A_1034 = tpu.vector_load_idx %arg9[%add3A_998, %add3A_1033] : memref<128x128xf32, #tpu.memory_space<vmem>>[vector<16xi32>, vector<16xi32>], vector<16xf32>,
        %swap3A_1035 = arith.constant 4 : i32
        %swap3A_1036 = arith.index_cast %swap3A_1035 : i32 to index
        %swap3A_1037 = arith.constant 112 : index
        %swap3A_1038 = tpu.vector_load %arg11[%swap3A_1036, %swap3A_1037] {strides = array<i32>} : memref<16x128xf32, #tpu.memory_space<vmem>>, vector<16xf32>,
        tpu.vector_store %arg11[%swap3A_1036, %swap3A_1037], %gather3A_1034 {strides = array<i32>} : memref<16x128xf32, #tpu.memory_space<vmem>>, vector<16xf32>,
        %add3A_1039 = arith.constant 5 : i32
        %add3A_1040 = vector.broadcast %add3A_1039 : i32 to vector<16xi32>
        %add3A_1041 = arith.addi %get3A_995, %add3A_1040 : vector<16xi32>
        %gather3A_1042 = tpu.vector_load_idx %arg9[%add3A_998, %add3A_1041] : memref<128x128xf32, #tpu.memory_space<vmem>>[vector<16xi32>, vector<16xi32>], vector<16xf32>,
        %swap3A_1043 = arith.constant 5 : i32
        %swap3A_1044 = arith.index_cast %swap3A_1043 : i32 to index
        %swap3A_1045 = arith.constant 112 : index
        %swap3A_1046 = tpu.vector_load %arg11[%swap3A_1044, %swap3A_1045] {strides = array<i32>} : memref<16x128xf32, #tpu.memory_space<vmem>>, vector<16xf32>,
        tpu.vector_store %arg11[%swap3A_1044, %swap3A_1045], %gather3A_1042 {strides = array<i32>} : memref<16x128xf32, #tpu.memory_space<vmem>>, vector<16xf32>,
        %add3A_1047 = arith.constant 6 : i32
        %add3A_1048 = vector.broadcast %add3A_1047 : i32 to vector<16xi32>
        %add3A_1049 = arith.addi %get3A_995, %add3A_1048 : vector<16xi32>
        %gather3A_1050 = tpu.vector_load_idx %arg9[%add3A_998, %add3A_1049] : memref<128x128xf32, #tpu.memory_space<vmem>>[vector<16xi32>, vector<16xi32>], vector<16xf32>,
        %swap3A_1051 = arith.constant 6 : i32
        %swap3A_1052 = arith.index_cast %swap3A_1051 : i32 to index
        %swap3A_1053 = arith.constant 112 : index
        %swap3A_1054 = tpu.vector_load %arg11[%swap3A_1052, %swap3A_1053] {strides = array<i32>} : memref<16x128xf32, #tpu.memory_space<vmem>>, vector<16xf32>,
        tpu.vector_store %arg11[%swap3A_1052, %swap3A_1053], %gather3A_1050 {strides = array<i32>} : memref<16x128xf32, #tpu.memory_space<vmem>>, vector<16xf32>,
        %add3A_1055 = arith.constant 7 : i32
        %add3A_1056 = vector.broadcast %add3A_1055 : i32 to vector<16xi32>
        %add3A_1057 = arith.addi %get3A_995, %add3A_1056 : vector<16xi32>
        %gather3A_1058 = tpu.vector_load_idx %arg9[%add3A_998, %add3A_1057] : memref<128x128xf32, #tpu.memory_space<vmem>>[vector<16xi32>, vector<16xi32>], vector<16xf32>,
        %swap3A_1059 = arith.constant 7 : i32
        %swap3A_1060 = arith.index_cast %swap3A_1059 : i32 to index
        %swap3A_1061 = arith.constant 112 : index
        %swap3A_1062 = tpu.vector_load %arg11[%swap3A_1060, %swap3A_1061] {strides = array<i32>} : memref<16x128xf32, #tpu.memory_space<vmem>>, vector<16xf32>,
        tpu.vector_store %arg11[%swap3A_1060, %swap3A_1061], %gather3A_1058 {strides = array<i32>} : memref<16x128xf32, #tpu.memory_space<vmem>>, vector<16xf32>,
        %add3A_1063 = arith.constant 8 : i32
        %add3A_1064 = vector.broadcast %add3A_1063 : i32 to vector<16xi32>
        %add3A_1065 = arith.addi %get3A_995, %add3A_1064 : vector<16xi32>
        %gather3A_1066 = tpu.vector_load_idx %arg9[%add3A_998, %add3A_1065] : memref<128x128xf32, #tpu.memory_space<vmem>>[vector<16xi32>, vector<16xi32>], vector<16xf32>,
        %swap3A_1067 = arith.constant 8 : i32
        %swap3A_1068 = arith.index_cast %swap3A_1067 : i32 to index
        %swap3A_1069 = arith.constant 112 : index
        %swap3A_1070 = tpu.vector_load %arg11[%swap3A_1068, %swap3A_1069] {strides = array<i32>} : memref<16x128xf32, #tpu.memory_space<vmem>>, vector<16xf32>,
        tpu.vector_store %arg11[%swap3A_1068, %swap3A_1069], %gather3A_1066 {strides = array<i32>} : memref<16x128xf32, #tpu.memory_space<vmem>>, vector<16xf32>,
        %add3A_1071 = arith.constant 9 : i32
        %add3A_1072 = vector.broadcast %add3A_1071 : i32 to vector<16xi32>
        %add3A_1073 = arith.addi %get3A_995, %add3A_1072 : vector<16xi32>
        %gather3A_1074 = tpu.vector_load_idx %arg9[%add3A_998, %add3A_1073] : memref<128x128xf32, #tpu.memory_space<vmem>>[vector<16xi32>, vector<16xi32>], vector<16xf32>,
        %swap3A_1075 = arith.constant 9 : i32
        %swap3A_1076 = arith.index_cast %swap3A_1075 : i32 to index
        %swap3A_1077 = arith.constant 112 : index
        %swap3A_1078 = tpu.vector_load %arg11[%swap3A_1076, %swap3A_1077] {strides = array<i32>} : memref<16x128xf32, #tpu.memory_space<vmem>>, vector<16xf32>,
        tpu.vector_store %arg11[%swap3A_1076, %swap3A_1077], %gather3A_1074 {strides = array<i32>} : memref<16x128xf32, #tpu.memory_space<vmem>>, vector<16xf32>,
        %add3A_1079 = arith.constant 10 : i32
        %add3A_1080 = vector.broadcast %add3A_1079 : i32 to vector<16xi32>
        %add3A_1081 = arith.addi %get3A_995, %add3A_1080 : vector<16xi32>
        %gather3A_1082 = tpu.vector_load_idx %arg9[%add3A_998, %add3A_1081] : memref<128x128xf32, #tpu.memory_space<vmem>>[vector<16xi32>, vector<16xi32>], vector<16xf32>,
        %swap3A_1083 = arith.constant 10 : i32
        %swap3A_1084 = arith.index_cast %swap3A_1083 : i32 to index
        %swap3A_1085 = arith.constant 112 : index
        %swap3A_1086 = tpu.vector_load %arg11[%swap3A_1084, %swap3A_1085] {strides = array<i32>} : memref<16x128xf32, #tpu.memory_space<vmem>>, vector<16xf32>,
        tpu.vector_store %arg11[%swap3A_1084, %swap3A_1085], %gather3A_1082 {strides = array<i32>} : memref<16x128xf32, #tpu.memory_space<vmem>>, vector<16xf32>,
        %add3A_1087 = arith.constant 11 : i32
        %add3A_1088 = vector.broadcast %add3A_1087 : i32 to vector<16xi32>
        %add3A_1089 = arith.addi %get3A_995, %add3A_1088 : vector<16xi32>
        %gather3A_1090 = tpu.vector_load_idx %arg9[%add3A_998, %add3A_1089] : memref<128x128xf32, #tpu.memory_space<vmem>>[vector<16xi32>, vector<16xi32>], vector<16xf32>,
        %swap3A_1091 = arith.constant 11 : i32
        %swap3A_1092 = arith.index_cast %swap3A_1091 : i32 to index
        %swap3A_1093 = arith.constant 112 : index
        %swap3A_1094 = tpu.vector_load %arg11[%swap3A_1092, %swap3A_1093] {strides = array<i32>} : memref<16x128xf32, #tpu.memory_space<vmem>>, vector<16xf32>,
        tpu.vector_store %arg11[%swap3A_1092, %swap3A_1093], %gather3A_1090 {strides = array<i32>} : memref<16x128xf32, #tpu.memory_space<vmem>>, vector<16xf32>,
        %add3A_1095 = arith.constant 12 : i32
        %add3A_1096 = vector.broadcast %add3A_1095 : i32 to vector<16xi32>
        %add3A_1097 = arith.addi %get3A_995, %add3A_1096 : vector<16xi32>
        %gather3A_1098 = tpu.vector_load_idx %arg9[%add3A_998, %add3A_1097] : memref<128x128xf32, #tpu.memory_space<vmem>>[vector<16xi32>, vector<16xi32>], vector<16xf32>,
        %swap3A_1099 = arith.constant 12 : i32
        %swap3A_1100 = arith.index_cast %swap3A_1099 : i32 to index
        %swap3A_1101 = arith.constant 112 : index
        %swap3A_1102 = tpu.vector_load %arg11[%swap3A_1100, %swap3A_1101] {strides = array<i32>} : memref<16x128xf32, #tpu.memory_space<vmem>>, vector<16xf32>,
        tpu.vector_store %arg11[%swap3A_1100, %swap3A_1101], %gather3A_1098 {strides = array<i32>} : memref<16x128xf32, #tpu.memory_space<vmem>>, vector<16xf32>,
        %add3A_1103 = arith.constant 13 : i32
        %add3A_1104 = vector.broadcast %add3A_1103 : i32 to vector<16xi32>
        %add3A_1105 = arith.addi %get3A_995, %add3A_1104 : vector<16xi32>
        %gather3A_1106 = tpu.vector_load_idx %arg9[%add3A_998, %add3A_1105] : memref<128x128xf32, #tpu.memory_space<vmem>>[vector<16xi32>, vector<16xi32>], vector<16xf32>,
        %swap3A_1107 = arith.constant 13 : i32
        %swap3A_1108 = arith.index_cast %swap3A_1107 : i32 to index
        %swap3A_1109 = arith.constant 112 : index
        %swap3A_1110 = tpu.vector_load %arg11[%swap3A_1108, %swap3A_1109] {strides = array<i32>} : memref<16x128xf32, #tpu.memory_space<vmem>>, vector<16xf32>,
        tpu.vector_store %arg11[%swap3A_1108, %swap3A_1109], %gather3A_1106 {strides = array<i32>} : memref<16x128xf32, #tpu.memory_space<vmem>>, vector<16xf32>,
        %add3A_1111 = arith.constant 14 : i32
        %add3A_1112 = vector.broadcast %add3A_1111 : i32 to vector<16xi32>
        %add3A_1113 = arith.addi %get3A_995, %add3A_1112 : vector<16xi32>
        %gather3A_1114 = tpu.vector_load_idx %arg9[%add3A_998, %add3A_1113] : memref<128x128xf32, #tpu.memory_space<vmem>>[vector<16xi32>, vector<16xi32>], vector<16xf32>,
        %swap3A_1115 = arith.constant 14 : i32
        %swap3A_1116 = arith.index_cast %swap3A_1115 : i32 to index
        %swap3A_1117 = arith.constant 112 : index
        %swap3A_1118 = tpu.vector_load %arg11[%swap3A_1116, %swap3A_1117] {strides = array<i32>} : memref<16x128xf32, #tpu.memory_space<vmem>>, vector<16xf32>,
        tpu.vector_store %arg11[%swap3A_1116, %swap3A_1117], %gather3A_1114 {strides = array<i32>} : memref<16x128xf32, #tpu.memory_space<vmem>>, vector<16xf32>,
        %add3A_1119 = arith.constant 15 : i32
        %add3A_1120 = vector.broadcast %add3A_1119 : i32 to vector<16xi32>
        %add3A_1121 = arith.addi %get3A_995, %add3A_1120 : vector<16xi32>
        %gather3A_1122 = tpu.vector_load_idx %arg9[%add3A_998, %add3A_1121] : memref<128x128xf32, #tpu.memory_space<vmem>>[vector<16xi32>, vector<16xi32>], vector<16xf32>,
        %swap3A_1123 = arith.constant 15 : i32
        %swap3A_1124 = arith.index_cast %swap3A_1123 : i32 to index
        %swap3A_1125 = arith.constant 112 : index
        %swap3A_1126 = tpu.vector_load %arg11[%swap3A_1124, %swap3A_1125] {strides = array<i32>} : memref<16x128xf32, #tpu.memory_space<vmem>>, vector<16xf32>,
        tpu.vector_store %arg11[%swap3A_1124, %swap3A_1125], %gather3A_1122 {strides = array<i32>} : memref<16x128xf32, #tpu.memory_space<vmem>>, vector<16xf32>,
        %ge3A = arith.constant 2 : i32
        %ge3A_1127 = arith.cmpi sge, %scan3A_31, %ge3A : i32
        %convert_element_type3A_1128 = arith.extui %ge3A_1127 : i1 to i32
        %cond3A_1129 = arith.constant 0 : i32
        %cond3A_1130 = arith.cmpi ne, %convert_element_type3A_1128, %cond3A_1129 : i32
        scf.if %cond3A_1130 {
          %dma_wait3A_1161 = arith.constant 0 : i32
          %dma_wait3A_1162 = arith.constant 0 : i32
          %dma_wait3A_1163 = tpu.memref_slice %arg2[%dma_wait3A_1161, %dma_wait3A_1162] : memref<3328x128xi32, #tpu.memory_space<hbm>> -> memref<16x128xi32, #tpu.memory_space<hbm>>
          %dma_wait3A_1164 = arith.constant 0 : i32
          %dma_wait3A_1165 = arith.constant 0 : i32
          %dma_wait3A_1166 = tpu.memref_slice %arg2[%dma_wait3A_1164, %dma_wait3A_1165] : memref<3328x128xi32, #tpu.memory_space<hbm>> -> memref<16x128xi32, #tpu.memory_space<hbm>>
          tpu.wait_dma2 semaphore(%arg14 : memref<!tpu.dma_semaphore, #tpu.memory_space<semaphore_mem>>) src(%dma_wait3A_1166 : memref<16x128xi32, #tpu.memory_space<hbm>>) dst(%arg11 : memref<16x128xf32, #tpu.memory_space<vmem>>)
        } else {
        }
        %dma_start3A_1131 = arith.constant 0 : i32
        %dma_start3A_1132 = arith.constant 0 : i32
        %dma_start3A_1133 = arith.constant 0 : i32
        %dma_start3A_1134 = tpu.memref_slice %arg11[%dma_start3A_1132, %dma_start3A_1133] : memref<16x128xf32, #tpu.memory_space<vmem>> -> memref<8x128xf32, #tpu.memory_space<vmem>>
        %dma_start3A_1135 = arith.constant 0 : i32
        %dma_start3A_1136 = arith.constant 0 : i32
        %dma_start3A_1137 = tpu.memref_slice %arg5[%div3A_33, %dma_start3A_1131, %rem3A_34, %dma_start3A_1135, %dma_start3A_1136] : memref<26x2x128x8x128xf32, #tpu.memory_space<hbm>> -> memref<1x1x1x8x128xf32, #tpu.memory_space<hbm>>
        %dma_start3A_1138 = tpu.memref_squeeze %dma_start3A_1137 : memref<1x1x1x8x128xf32, #tpu.memory_space<hbm>> -> memref<8x128xf32, #tpu.memory_space<hbm>>
        %dma_start3A_1139 = arith.constant 0 : i32
        %dma_start3A_1140 = arith.constant 0 : i32
        %dma_start3A_1141 = tpu.memref_slice %arg5[%div3A_33, %dma_start3A_1131, %rem3A_34, %dma_start3A_1139, %dma_start3A_1140] : memref<26x2x128x8x128xf32, #tpu.memory_space<hbm>> -> memref<1x1x1x8x128xf32, #tpu.memory_space<hbm>>
        %dma_start3A_1142 = tpu.memref_squeeze %dma_start3A_1141 : memref<1x1x1x8x128xf32, #tpu.memory_space<hbm>> -> memref<8x128xf32, #tpu.memory_space<hbm>>
        %dma_start3A_1143 = arith.constant 0 : i32
        %dma_start3A_1144 = arith.constant 0 : i32
        %dma_start3A_1145 = tpu.memref_slice %arg11[%dma_start3A_1143, %dma_start3A_1144] : memref<16x128xf32, #tpu.memory_space<vmem>> -> memref<8x128xf32, #tpu.memory_space<vmem>>
        tpu.enqueue_dma source(%dma_start3A_1145 : memref<8x128xf32, #tpu.memory_space<vmem>>) target(%dma_start3A_1142 : memref<8x128xf32, #tpu.memory_space<hbm>>) target_semaphore(%arg14 : memref<!tpu.dma_semaphore, #tpu.memory_space<semaphore_mem>>)
        %dma_start3A_1146 = arith.constant 1 : i32
        %dma_start3A_1147 = arith.constant 8 : i32
        %dma_start3A_1148 = arith.constant 0 : i32
        %dma_start3A_1149 = tpu.memref_slice %arg11[%dma_start3A_1147, %dma_start3A_1148] : memref<16x128xf32, #tpu.memory_space<vmem>> -> memref<8x128xf32, #tpu.memory_space<vmem>>
        %dma_start3A_1150 = arith.constant 0 : i32
        %dma_start3A_1151 = arith.constant 0 : i32
        %dma_start3A_1152 = tpu.memref_slice %arg5[%div3A_33, %dma_start3A_1146, %rem3A_34, %dma_start3A_1150, %dma_start3A_1151] : memref<26x2x128x8x128xf32, #tpu.memory_space<hbm>> -> memref<1x1x1x8x128xf32, #tpu.memory_space<hbm>>
        %dma_start3A_1153 = tpu.memref_squeeze %dma_start3A_1152 : memref<1x1x1x8x128xf32, #tpu.memory_space<hbm>> -> memref<8x128xf32, #tpu.memory_space<hbm>>
        %dma_start3A_1154 = arith.constant 0 : i32
        %dma_start3A_1155 = arith.constant 0 : i32
        %dma_start3A_1156 = tpu.memref_slice %arg5[%div3A_33, %dma_start3A_1146, %rem3A_34, %dma_start3A_1154, %dma_start3A_1155] : memref<26x2x128x8x128xf32, #tpu.memory_space<hbm>> -> memref<1x1x1x8x128xf32, #tpu.memory_space<hbm>>
        %dma_start3A_1157 = tpu.memref_squeeze %dma_start3A_1156 : memref<1x1x1x8x128xf32, #tpu.memory_space<hbm>> -> memref<8x128xf32, #tpu.memory_space<hbm>>
        %dma_start3A_1158 = arith.constant 8 : i32
        %dma_start3A_1159 = arith.constant 0 : i32
        %dma_start3A_1160 = tpu.memref_slice %arg11[%dma_start3A_1158, %dma_start3A_1159] : memref<16x128xf32, #tpu.memory_space<vmem>> -> memref<8x128xf32, #tpu.memory_space<vmem>>
        tpu.enqueue_dma source(%dma_start3A_1160 : memref<8x128xf32, #tpu.memory_space<vmem>>) target(%dma_start3A_1157 : memref<8x128xf32, #tpu.memory_space<hbm>>) target_semaphore(%arg14 : memref<!tpu.dma_semaphore, #tpu.memory_space<semaphore_mem>>)
      } else {
      }
      %rem3A_39 = arith.constant 2 : i32
      %rem3A_40 = arith.remsi %scan3A_31, %rem3A_39 : i32
      %eq3A_41 = arith.constant 1 : i32
      %eq3A_42 = arith.cmpi eq, %rem3A_40, %eq3A_41 : i32
      %convert_element_type3A_43 = arith.extui %eq3A_42 : i1 to i32
      %cond3A_44 = arith.constant 0 : i32
      %cond3A_45 = arith.cmpi ne, %convert_element_type3A_43, %cond3A_44 : i32
      scf.if %cond3A_45 {
        %add3A_46 = arith.constant 1 : i32
        %add3A_47 = arith.addi %scan3A_31, %add3A_46 : i32
        %lt3A = arith.constant 104 : i32
        %lt3A_48 = arith.cmpi slt, %add3A_47, %lt3A : i32
        %convert_element_type3A_49 = arith.extui %lt3A_48 : i1 to i32
        %cond3A_50 = arith.constant 0 : i32
        %cond3A_51 = arith.cmpi ne, %convert_element_type3A_49, %cond3A_50 : i32
        scf.if %cond3A_51 {
          %add3A_1161 = arith.constant 1 : i32
          %add3A_1162 = arith.addi %scan3A_31, %add3A_1161 : i32
          %dma_start3A_1163 = arith.constant 0 : i32
          %dma_start3A_1164 = tpu.memref_slice %arg6[%add3A_1162, %dma_start3A_1163] : memref<104x128xi32, #tpu.memory_space<vmem>> -> memref<1x128xi32, #tpu.memory_space<vmem>>
          %dma_start3A_1165 = tpu.memref_squeeze %dma_start3A_1164 : memref<1x128xi32, #tpu.memory_space<vmem>> -> memref<128xi32, #tpu.memory_space<vmem>>
          %dma_start3A_1166 = arith.constant 0 : i32
          %dma_start3A_1167 = arith.constant 0 : i32
          %dma_start3A_1168 = tpu.memref_slice %arg4[%dma_start3A_1166, %dma_start3A_1167] : memref<325000x128xf32, #tpu.memory_space<hbm>> -> memref<325000x128xf32, #tpu.memory_space<hbm>>
          tpu.enqueue_indirect_dma source(%dma_start3A_1168 : memref<325000x128xf32, #tpu.memory_space<hbm>>) target(%arg9 : memref<128x128xf32, #tpu.memory_space<vmem>>) offsets(%dma_start3A_1165 : memref<128xi32, #tpu.memory_space<vmem>>) semaphore(%arg13 : memref<!tpu.dma_semaphore, #tpu.memory_space<semaphore_mem>>)
        } else {
        }
        %dma_wait3A_52 = arith.constant 0 : i32
        %dma_wait3A_53 = arith.constant 0 : i32
        %dma_wait3A_54 = tpu.memref_slice %arg4[%dma_wait3A_52, %dma_wait3A_53] : memref<325000x128xf32, #tpu.memory_space<hbm>> -> memref<128x128xf32, #tpu.memory_space<hbm>>
        %dma_wait3A_55 = arith.constant 0 : i32
        %dma_wait3A_56 = arith.constant 0 : i32
        %dma_wait3A_57 = tpu.memref_slice %arg4[%dma_wait3A_55, %dma_wait3A_56] : memref<325000x128xf32, #tpu.memory_space<hbm>> -> memref<128x128xf32, #tpu.memory_space<hbm>>
        tpu.wait_dma2 semaphore(%arg13 : memref<!tpu.dma_semaphore, #tpu.memory_space<semaphore_mem>>) src(%dma_wait3A_57 : memref<128x128xf32, #tpu.memory_space<hbm>>) dst(%arg10 : memref<128x128xf32, #tpu.memory_space<vmem>>)
        %get3A = arith.index_cast %scan3A_31 : i32 to index
        %get3A_58 = arith.constant 0 : index
        %get3A_59 = tpu.vector_load %arg7[%get3A, %get3A_58] {strides = array<i32>} : memref<104x128xi32, #tpu.memory_space<vmem>>, vector<16xi32>,
        %add3A_60 = arith.constant 0 : i32
        %add3A_61 = vector.broadcast %add3A_60 : i32 to vector<16xi32>
        %add3A_62 = arith.addi %iota3A, %add3A_61 : vector<16xi32>
        %add3A_63 = arith.constant 0 : i32
        %add3A_64 = vector.broadcast %add3A_63 : i32 to vector<16xi32>
        %add3A_65 = arith.addi %get3A_59, %add3A_64 : vector<16xi32>
        %gather3A = tpu.vector_load_idx %arg10[%add3A_62, %add3A_65] : memref<128x128xf32, #tpu.memory_space<vmem>>[vector<16xi32>, vector<16xi32>], vector<16xf32>,
        %swap3A = arith.constant 0 : i32
        %swap3A_66 = arith.index_cast %swap3A : i32 to index
        %swap3A_67 = arith.constant 0 : index
        %swap3A_68 = tpu.vector_load %arg12[%swap3A_66, %swap3A_67] {strides = array<i32>} : memref<16x128xf32, #tpu.memory_space<vmem>>, vector<16xf32>,
        tpu.vector_store %arg12[%swap3A_66, %swap3A_67], %gather3A {strides = array<i32>} : memref<16x128xf32, #tpu.memory_space<vmem>>, vector<16xf32>,
        %add3A_69 = arith.constant 1 : i32
        %add3A_70 = vector.broadcast %add3A_69 : i32 to vector<16xi32>
        %add3A_71 = arith.addi %get3A_59, %add3A_70 : vector<16xi32>
        %gather3A_72 = tpu.vector_load_idx %arg10[%add3A_62, %add3A_71] : memref<128x128xf32, #tpu.memory_space<vmem>>[vector<16xi32>, vector<16xi32>], vector<16xf32>,
        %swap3A_73 = arith.constant 1 : i32
        %swap3A_74 = arith.index_cast %swap3A_73 : i32 to index
        %swap3A_75 = arith.constant 0 : index
        %swap3A_76 = tpu.vector_load %arg12[%swap3A_74, %swap3A_75] {strides = array<i32>} : memref<16x128xf32, #tpu.memory_space<vmem>>, vector<16xf32>,
        tpu.vector_store %arg12[%swap3A_74, %swap3A_75], %gather3A_72 {strides = array<i32>} : memref<16x128xf32, #tpu.memory_space<vmem>>, vector<16xf32>,
        %add3A_77 = arith.constant 2 : i32
        %add3A_78 = vector.broadcast %add3A_77 : i32 to vector<16xi32>
        %add3A_79 = arith.addi %get3A_59, %add3A_78 : vector<16xi32>
        %gather3A_80 = tpu.vector_load_idx %arg10[%add3A_62, %add3A_79] : memref<128x128xf32, #tpu.memory_space<vmem>>[vector<16xi32>, vector<16xi32>], vector<16xf32>,
        %swap3A_81 = arith.constant 2 : i32
        %swap3A_82 = arith.index_cast %swap3A_81 : i32 to index
        %swap3A_83 = arith.constant 0 : index
        %swap3A_84 = tpu.vector_load %arg12[%swap3A_82, %swap3A_83] {strides = array<i32>} : memref<16x128xf32, #tpu.memory_space<vmem>>, vector<16xf32>,
        tpu.vector_store %arg12[%swap3A_82, %swap3A_83], %gather3A_80 {strides = array<i32>} : memref<16x128xf32, #tpu.memory_space<vmem>>, vector<16xf32>,
        %add3A_85 = arith.constant 3 : i32
        %add3A_86 = vector.broadcast %add3A_85 : i32 to vector<16xi32>
        %add3A_87 = arith.addi %get3A_59, %add3A_86 : vector<16xi32>
        %gather3A_88 = tpu.vector_load_idx %arg10[%add3A_62, %add3A_87] : memref<128x128xf32, #tpu.memory_space<vmem>>[vector<16xi32>, vector<16xi32>], vector<16xf32>,
        %swap3A_89 = arith.constant 3 : i32
        %swap3A_90 = arith.index_cast %swap3A_89 : i32 to index
        %swap3A_91 = arith.constant 0 : index
        %swap3A_92 = tpu.vector_load %arg12[%swap3A_90, %swap3A_91] {strides = array<i32>} : memref<16x128xf32, #tpu.memory_space<vmem>>, vector<16xf32>,
        tpu.vector_store %arg12[%swap3A_90, %swap3A_91], %gather3A_88 {strides = array<i32>} : memref<16x128xf32, #tpu.memory_space<vmem>>, vector<16xf32>,
        %add3A_93 = arith.constant 4 : i32
        %add3A_94 = vector.broadcast %add3A_93 : i32 to vector<16xi32>
        %add3A_95 = arith.addi %get3A_59, %add3A_94 : vector<16xi32>
        %gather3A_96 = tpu.vector_load_idx %arg10[%add3A_62, %add3A_95] : memref<128x128xf32, #tpu.memory_space<vmem>>[vector<16xi32>, vector<16xi32>], vector<16xf32>,
        %swap3A_97 = arith.constant 4 : i32
        %swap3A_98 = arith.index_cast %swap3A_97 : i32 to index
        %swap3A_99 = arith.constant 0 : index
        %swap3A_100 = tpu.vector_load %arg12[%swap3A_98, %swap3A_99] {strides = array<i32>} : memref<16x128xf32, #tpu.memory_space<vmem>>, vector<16xf32>,
        tpu.vector_store %arg12[%swap3A_98, %swap3A_99], %gather3A_96 {strides = array<i32>} : memref<16x128xf32, #tpu.memory_space<vmem>>, vector<16xf32>,
        %add3A_101 = arith.constant 5 : i32
        %add3A_102 = vector.broadcast %add3A_101 : i32 to vector<16xi32>
        %add3A_103 = arith.addi %get3A_59, %add3A_102 : vector<16xi32>
        %gather3A_104 = tpu.vector_load_idx %arg10[%add3A_62, %add3A_103] : memref<128x128xf32, #tpu.memory_space<vmem>>[vector<16xi32>, vector<16xi32>], vector<16xf32>,
        %swap3A_105 = arith.constant 5 : i32
        %swap3A_106 = arith.index_cast %swap3A_105 : i32 to index
        %swap3A_107 = arith.constant 0 : index
        %swap3A_108 = tpu.vector_load %arg12[%swap3A_106, %swap3A_107] {strides = array<i32>} : memref<16x128xf32, #tpu.memory_space<vmem>>, vector<16xf32>,
        tpu.vector_store %arg12[%swap3A_106, %swap3A_107], %gather3A_104 {strides = array<i32>} : memref<16x128xf32, #tpu.memory_space<vmem>>, vector<16xf32>,
        %add3A_109 = arith.constant 6 : i32
        %add3A_110 = vector.broadcast %add3A_109 : i32 to vector<16xi32>
        %add3A_111 = arith.addi %get3A_59, %add3A_110 : vector<16xi32>
        %gather3A_112 = tpu.vector_load_idx %arg10[%add3A_62, %add3A_111] : memref<128x128xf32, #tpu.memory_space<vmem>>[vector<16xi32>, vector<16xi32>], vector<16xf32>,
        %swap3A_113 = arith.constant 6 : i32
        %swap3A_114 = arith.index_cast %swap3A_113 : i32 to index
        %swap3A_115 = arith.constant 0 : index
        %swap3A_116 = tpu.vector_load %arg12[%swap3A_114, %swap3A_115] {strides = array<i32>} : memref<16x128xf32, #tpu.memory_space<vmem>>, vector<16xf32>,
        tpu.vector_store %arg12[%swap3A_114, %swap3A_115], %gather3A_112 {strides = array<i32>} : memref<16x128xf32, #tpu.memory_space<vmem>>, vector<16xf32>,
        %add3A_117 = arith.constant 7 : i32
        %add3A_118 = vector.broadcast %add3A_117 : i32 to vector<16xi32>
        %add3A_119 = arith.addi %get3A_59, %add3A_118 : vector<16xi32>
        %gather3A_120 = tpu.vector_load_idx %arg10[%add3A_62, %add3A_119] : memref<128x128xf32, #tpu.memory_space<vmem>>[vector<16xi32>, vector<16xi32>], vector<16xf32>,
        %swap3A_121 = arith.constant 7 : i32
        %swap3A_122 = arith.index_cast %swap3A_121 : i32 to index
        %swap3A_123 = arith.constant 0 : index
        %swap3A_124 = tpu.vector_load %arg12[%swap3A_122, %swap3A_123] {strides = array<i32>} : memref<16x128xf32, #tpu.memory_space<vmem>>, vector<16xf32>,
        tpu.vector_store %arg12[%swap3A_122, %swap3A_123], %gather3A_120 {strides = array<i32>} : memref<16x128xf32, #tpu.memory_space<vmem>>, vector<16xf32>,
        %add3A_125 = arith.constant 8 : i32
        %add3A_126 = vector.broadcast %add3A_125 : i32 to vector<16xi32>
        %add3A_127 = arith.addi %get3A_59, %add3A_126 : vector<16xi32>
        %gather3A_128 = tpu.vector_load_idx %arg10[%add3A_62, %add3A_127] : memref<128x128xf32, #tpu.memory_space<vmem>>[vector<16xi32>, vector<16xi32>], vector<16xf32>,
        %swap3A_129 = arith.constant 8 : i32
        %swap3A_130 = arith.index_cast %swap3A_129 : i32 to index
        %swap3A_131 = arith.constant 0 : index
        %swap3A_132 = tpu.vector_load %arg12[%swap3A_130, %swap3A_131] {strides = array<i32>} : memref<16x128xf32, #tpu.memory_space<vmem>>, vector<16xf32>,
        tpu.vector_store %arg12[%swap3A_130, %swap3A_131], %gather3A_128 {strides = array<i32>} : memref<16x128xf32, #tpu.memory_space<vmem>>, vector<16xf32>,
        %add3A_133 = arith.constant 9 : i32
        %add3A_134 = vector.broadcast %add3A_133 : i32 to vector<16xi32>
        %add3A_135 = arith.addi %get3A_59, %add3A_134 : vector<16xi32>
        %gather3A_136 = tpu.vector_load_idx %arg10[%add3A_62, %add3A_135] : memref<128x128xf32, #tpu.memory_space<vmem>>[vector<16xi32>, vector<16xi32>], vector<16xf32>,
        %swap3A_137 = arith.constant 9 : i32
        %swap3A_138 = arith.index_cast %swap3A_137 : i32 to index
        %swap3A_139 = arith.constant 0 : index
        %swap3A_140 = tpu.vector_load %arg12[%swap3A_138, %swap3A_139] {strides = array<i32>} : memref<16x128xf32, #tpu.memory_space<vmem>>, vector<16xf32>,
        tpu.vector_store %arg12[%swap3A_138, %swap3A_139], %gather3A_136 {strides = array<i32>} : memref<16x128xf32, #tpu.memory_space<vmem>>, vector<16xf32>,
        %add3A_141 = arith.constant 10 : i32
        %add3A_142 = vector.broadcast %add3A_141 : i32 to vector<16xi32>
        %add3A_143 = arith.addi %get3A_59, %add3A_142 : vector<16xi32>
        %gather3A_144 = tpu.vector_load_idx %arg10[%add3A_62, %add3A_143] : memref<128x128xf32, #tpu.memory_space<vmem>>[vector<16xi32>, vector<16xi32>], vector<16xf32>,
        %swap3A_145 = arith.constant 10 : i32
        %swap3A_146 = arith.index_cast %swap3A_145 : i32 to index
        %swap3A_147 = arith.constant 0 : index
        %swap3A_148 = tpu.vector_load %arg12[%swap3A_146, %swap3A_147] {strides = array<i32>} : memref<16x128xf32, #tpu.memory_space<vmem>>, vector<16xf32>,
        tpu.vector_store %arg12[%swap3A_146, %swap3A_147], %gather3A_144 {strides = array<i32>} : memref<16x128xf32, #tpu.memory_space<vmem>>, vector<16xf32>,
        %add3A_149 = arith.constant 11 : i32
        %add3A_150 = vector.broadcast %add3A_149 : i32 to vector<16xi32>
        %add3A_151 = arith.addi %get3A_59, %add3A_150 : vector<16xi32>
        %gather3A_152 = tpu.vector_load_idx %arg10[%add3A_62, %add3A_151] : memref<128x128xf32, #tpu.memory_space<vmem>>[vector<16xi32>, vector<16xi32>], vector<16xf32>,
        %swap3A_153 = arith.constant 11 : i32
        %swap3A_154 = arith.index_cast %swap3A_153 : i32 to index
        %swap3A_155 = arith.constant 0 : index
        %swap3A_156 = tpu.vector_load %arg12[%swap3A_154, %swap3A_155] {strides = array<i32>} : memref<16x128xf32, #tpu.memory_space<vmem>>, vector<16xf32>,
        tpu.vector_store %arg12[%swap3A_154, %swap3A_155], %gather3A_152 {strides = array<i32>} : memref<16x128xf32, #tpu.memory_space<vmem>>, vector<16xf32>,
        %add3A_157 = arith.constant 12 : i32
        %add3A_158 = vector.broadcast %add3A_157 : i32 to vector<16xi32>
        %add3A_159 = arith.addi %get3A_59, %add3A_158 : vector<16xi32>
        %gather3A_160 = tpu.vector_load_idx %arg10[%add3A_62, %add3A_159] : memref<128x128xf32, #tpu.memory_space<vmem>>[vector<16xi32>, vector<16xi32>], vector<16xf32>,
        %swap3A_161 = arith.constant 12 : i32
        %swap3A_162 = arith.index_cast %swap3A_161 : i32 to index
        %swap3A_163 = arith.constant 0 : index
        %swap3A_164 = tpu.vector_load %arg12[%swap3A_162, %swap3A_163] {strides = array<i32>} : memref<16x128xf32, #tpu.memory_space<vmem>>, vector<16xf32>,
        tpu.vector_store %arg12[%swap3A_162, %swap3A_163], %gather3A_160 {strides = array<i32>} : memref<16x128xf32, #tpu.memory_space<vmem>>, vector<16xf32>,
        %add3A_165 = arith.constant 13 : i32
        %add3A_166 = vector.broadcast %add3A_165 : i32 to vector<16xi32>
        %add3A_167 = arith.addi %get3A_59, %add3A_166 : vector<16xi32>
        %gather3A_168 = tpu.vector_load_idx %arg10[%add3A_62, %add3A_167] : memref<128x128xf32, #tpu.memory_space<vmem>>[vector<16xi32>, vector<16xi32>], vector<16xf32>,
        %swap3A_169 = arith.constant 13 : i32
        %swap3A_170 = arith.index_cast %swap3A_169 : i32 to index
        %swap3A_171 = arith.constant 0 : index
        %swap3A_172 = tpu.vector_load %arg12[%swap3A_170, %swap3A_171] {strides = array<i32>} : memref<16x128xf32, #tpu.memory_space<vmem>>, vector<16xf32>,
        tpu.vector_store %arg12[%swap3A_170, %swap3A_171], %gather3A_168 {strides = array<i32>} : memref<16x128xf32, #tpu.memory_space<vmem>>, vector<16xf32>,
        %add3A_173 = arith.constant 14 : i32
        %add3A_174 = vector.broadcast %add3A_173 : i32 to vector<16xi32>
        %add3A_175 = arith.addi %get3A_59, %add3A_174 : vector<16xi32>
        %gather3A_176 = tpu.vector_load_idx %arg10[%add3A_62, %add3A_175] : memref<128x128xf32, #tpu.memory_space<vmem>>[vector<16xi32>, vector<16xi32>], vector<16xf32>,
        %swap3A_177 = arith.constant 14 : i32
        %swap3A_178 = arith.index_cast %swap3A_177 : i32 to index
        %swap3A_179 = arith.constant 0 : index
        %swap3A_180 = tpu.vector_load %arg12[%swap3A_178, %swap3A_179] {strides = array<i32>} : memref<16x128xf32, #tpu.memory_space<vmem>>, vector<16xf32>,
        tpu.vector_store %arg12[%swap3A_178, %swap3A_179], %gather3A_176 {strides = array<i32>} : memref<16x128xf32, #tpu.memory_space<vmem>>, vector<16xf32>,
        %add3A_181 = arith.constant 15 : i32
        %add3A_182 = vector.broadcast %add3A_181 : i32 to vector<16xi32>
        %add3A_183 = arith.addi %get3A_59, %add3A_182 : vector<16xi32>
        %gather3A_184 = tpu.vector_load_idx %arg10[%add3A_62, %add3A_183] : memref<128x128xf32, #tpu.memory_space<vmem>>[vector<16xi32>, vector<16xi32>], vector<16xf32>,
        %swap3A_185 = arith.constant 15 : i32
        %swap3A_186 = arith.index_cast %swap3A_185 : i32 to index
        %swap3A_187 = arith.constant 0 : index
        %swap3A_188 = tpu.vector_load %arg12[%swap3A_186, %swap3A_187] {strides = array<i32>} : memref<16x128xf32, #tpu.memory_space<vmem>>, vector<16xf32>,
        tpu.vector_store %arg12[%swap3A_186, %swap3A_187], %gather3A_184 {strides = array<i32>} : memref<16x128xf32, #tpu.memory_space<vmem>>, vector<16xf32>,
        %get3A_189 = arith.index_cast %scan3A_31 : i32 to index
        %get3A_190 = arith.constant 16 : index
        %get3A_191 = tpu.vector_load %arg7[%get3A_189, %get3A_190] {strides = array<i32>} : memref<104x128xi32, #tpu.memory_space<vmem>>, vector<16xi32>,
        %add3A_192 = arith.constant 16 : i32
        %add3A_193 = vector.broadcast %add3A_192 : i32 to vector<16xi32>
        %add3A_194 = arith.addi %iota3A, %add3A_193 : vector<16xi32>
        %add3A_195 = arith.constant 0 : i32
        %add3A_196 = vector.broadcast %add3A_195 : i32 to vector<16xi32>
        %add3A_197 = arith.addi %get3A_191, %add3A_196 : vector<16xi32>
        %gather3A_198 = tpu.vector_load_idx %arg10[%add3A_194, %add3A_197] : memref<128x128xf32, #tpu.memory_space<vmem>>[vector<16xi32>, vector<16xi32>], vector<16xf32>,
        %swap3A_199 = arith.constant 0 : i32
        %swap3A_200 = arith.index_cast %swap3A_199 : i32 to index
        %swap3A_201 = arith.constant 16 : index
        %swap3A_202 = tpu.vector_load %arg12[%swap3A_200, %swap3A_201] {strides = array<i32>} : memref<16x128xf32, #tpu.memory_space<vmem>>, vector<16xf32>,
        tpu.vector_store %arg12[%swap3A_200, %swap3A_201], %gather3A_198 {strides = array<i32>} : memref<16x128xf32, #tpu.memory_space<vmem>>, vector<16xf32>,
        %add3A_203 = arith.constant 1 : i32
        %add3A_204 = vector.broadcast %add3A_203 : i32 to vector<16xi32>
        %add3A_205 = arith.addi %get3A_191, %add3A_204 : vector<16xi32>
        %gather3A_206 = tpu.vector_load_idx %arg10[%add3A_194, %add3A_205] : memref<128x128xf32, #tpu.memory_space<vmem>>[vector<16xi32>, vector<16xi32>], vector<16xf32>,
        %swap3A_207 = arith.constant 1 : i32
        %swap3A_208 = arith.index_cast %swap3A_207 : i32 to index
        %swap3A_209 = arith.constant 16 : index
        %swap3A_210 = tpu.vector_load %arg12[%swap3A_208, %swap3A_209] {strides = array<i32>} : memref<16x128xf32, #tpu.memory_space<vmem>>, vector<16xf32>,
        tpu.vector_store %arg12[%swap3A_208, %swap3A_209], %gather3A_206 {strides = array<i32>} : memref<16x128xf32, #tpu.memory_space<vmem>>, vector<16xf32>,
        %add3A_211 = arith.constant 2 : i32
        %add3A_212 = vector.broadcast %add3A_211 : i32 to vector<16xi32>
        %add3A_213 = arith.addi %get3A_191, %add3A_212 : vector<16xi32>
        %gather3A_214 = tpu.vector_load_idx %arg10[%add3A_194, %add3A_213] : memref<128x128xf32, #tpu.memory_space<vmem>>[vector<16xi32>, vector<16xi32>], vector<16xf32>,
        %swap3A_215 = arith.constant 2 : i32
        %swap3A_216 = arith.index_cast %swap3A_215 : i32 to index
        %swap3A_217 = arith.constant 16 : index
        %swap3A_218 = tpu.vector_load %arg12[%swap3A_216, %swap3A_217] {strides = array<i32>} : memref<16x128xf32, #tpu.memory_space<vmem>>, vector<16xf32>,
        tpu.vector_store %arg12[%swap3A_216, %swap3A_217], %gather3A_214 {strides = array<i32>} : memref<16x128xf32, #tpu.memory_space<vmem>>, vector<16xf32>,
        %add3A_219 = arith.constant 3 : i32
        %add3A_220 = vector.broadcast %add3A_219 : i32 to vector<16xi32>
        %add3A_221 = arith.addi %get3A_191, %add3A_220 : vector<16xi32>
        %gather3A_222 = tpu.vector_load_idx %arg10[%add3A_194, %add3A_221] : memref<128x128xf32, #tpu.memory_space<vmem>>[vector<16xi32>, vector<16xi32>], vector<16xf32>,
        %swap3A_223 = arith.constant 3 : i32
        %swap3A_224 = arith.index_cast %swap3A_223 : i32 to index
        %swap3A_225 = arith.constant 16 : index
        %swap3A_226 = tpu.vector_load %arg12[%swap3A_224, %swap3A_225] {strides = array<i32>} : memref<16x128xf32, #tpu.memory_space<vmem>>, vector<16xf32>,
        tpu.vector_store %arg12[%swap3A_224, %swap3A_225], %gather3A_222 {strides = array<i32>} : memref<16x128xf32, #tpu.memory_space<vmem>>, vector<16xf32>,
        %add3A_227 = arith.constant 4 : i32
        %add3A_228 = vector.broadcast %add3A_227 : i32 to vector<16xi32>
        %add3A_229 = arith.addi %get3A_191, %add3A_228 : vector<16xi32>
        %gather3A_230 = tpu.vector_load_idx %arg10[%add3A_194, %add3A_229] : memref<128x128xf32, #tpu.memory_space<vmem>>[vector<16xi32>, vector<16xi32>], vector<16xf32>,
        %swap3A_231 = arith.constant 4 : i32
        %swap3A_232 = arith.index_cast %swap3A_231 : i32 to index
        %swap3A_233 = arith.constant 16 : index
        %swap3A_234 = tpu.vector_load %arg12[%swap3A_232, %swap3A_233] {strides = array<i32>} : memref<16x128xf32, #tpu.memory_space<vmem>>, vector<16xf32>,
        tpu.vector_store %arg12[%swap3A_232, %swap3A_233], %gather3A_230 {strides = array<i32>} : memref<16x128xf32, #tpu.memory_space<vmem>>, vector<16xf32>,
        %add3A_235 = arith.constant 5 : i32
        %add3A_236 = vector.broadcast %add3A_235 : i32 to vector<16xi32>
        %add3A_237 = arith.addi %get3A_191, %add3A_236 : vector<16xi32>
        %gather3A_238 = tpu.vector_load_idx %arg10[%add3A_194, %add3A_237] : memref<128x128xf32, #tpu.memory_space<vmem>>[vector<16xi32>, vector<16xi32>], vector<16xf32>,
        %swap3A_239 = arith.constant 5 : i32
        %swap3A_240 = arith.index_cast %swap3A_239 : i32 to index
        %swap3A_241 = arith.constant 16 : index
        %swap3A_242 = tpu.vector_load %arg12[%swap3A_240, %swap3A_241] {strides = array<i32>} : memref<16x128xf32, #tpu.memory_space<vmem>>, vector<16xf32>,
        tpu.vector_store %arg12[%swap3A_240, %swap3A_241], %gather3A_238 {strides = array<i32>} : memref<16x128xf32, #tpu.memory_space<vmem>>, vector<16xf32>,
        %add3A_243 = arith.constant 6 : i32
        %add3A_244 = vector.broadcast %add3A_243 : i32 to vector<16xi32>
        %add3A_245 = arith.addi %get3A_191, %add3A_244 : vector<16xi32>
        %gather3A_246 = tpu.vector_load_idx %arg10[%add3A_194, %add3A_245] : memref<128x128xf32, #tpu.memory_space<vmem>>[vector<16xi32>, vector<16xi32>], vector<16xf32>,
        %swap3A_247 = arith.constant 6 : i32
        %swap3A_248 = arith.index_cast %swap3A_247 : i32 to index
        %swap3A_249 = arith.constant 16 : index
        %swap3A_250 = tpu.vector_load %arg12[%swap3A_248, %swap3A_249] {strides = array<i32>} : memref<16x128xf32, #tpu.memory_space<vmem>>, vector<16xf32>,
        tpu.vector_store %arg12[%swap3A_248, %swap3A_249], %gather3A_246 {strides = array<i32>} : memref<16x128xf32, #tpu.memory_space<vmem>>, vector<16xf32>,
        %add3A_251 = arith.constant 7 : i32
        %add3A_252 = vector.broadcast %add3A_251 : i32 to vector<16xi32>
        %add3A_253 = arith.addi %get3A_191, %add3A_252 : vector<16xi32>
        %gather3A_254 = tpu.vector_load_idx %arg10[%add3A_194, %add3A_253] : memref<128x128xf32, #tpu.memory_space<vmem>>[vector<16xi32>, vector<16xi32>], vector<16xf32>,
        %swap3A_255 = arith.constant 7 : i32
        %swap3A_256 = arith.index_cast %swap3A_255 : i32 to index
        %swap3A_257 = arith.constant 16 : index
        %swap3A_258 = tpu.vector_load %arg12[%swap3A_256, %swap3A_257] {strides = array<i32>} : memref<16x128xf32, #tpu.memory_space<vmem>>, vector<16xf32>,
        tpu.vector_store %arg12[%swap3A_256, %swap3A_257], %gather3A_254 {strides = array<i32>} : memref<16x128xf32, #tpu.memory_space<vmem>>, vector<16xf32>,
        %add3A_259 = arith.constant 8 : i32
        %add3A_260 = vector.broadcast %add3A_259 : i32 to vector<16xi32>
        %add3A_261 = arith.addi %get3A_191, %add3A_260 : vector<16xi32>
        %gather3A_262 = tpu.vector_load_idx %arg10[%add3A_194, %add3A_261] : memref<128x128xf32, #tpu.memory_space<vmem>>[vector<16xi32>, vector<16xi32>], vector<16xf32>,
        %swap3A_263 = arith.constant 8 : i32
        %swap3A_264 = arith.index_cast %swap3A_263 : i32 to index
        %swap3A_265 = arith.constant 16 : index
        %swap3A_266 = tpu.vector_load %arg12[%swap3A_264, %swap3A_265] {strides = array<i32>} : memref<16x128xf32, #tpu.memory_space<vmem>>, vector<16xf32>,
        tpu.vector_store %arg12[%swap3A_264, %swap3A_265], %gather3A_262 {strides = array<i32>} : memref<16x128xf32, #tpu.memory_space<vmem>>, vector<16xf32>,
        %add3A_267 = arith.constant 9 : i32
        %add3A_268 = vector.broadcast %add3A_267 : i32 to vector<16xi32>
        %add3A_269 = arith.addi %get3A_191, %add3A_268 : vector<16xi32>
        %gather3A_270 = tpu.vector_load_idx %arg10[%add3A_194, %add3A_269] : memref<128x128xf32, #tpu.memory_space<vmem>>[vector<16xi32>, vector<16xi32>], vector<16xf32>,
        %swap3A_271 = arith.constant 9 : i32
        %swap3A_272 = arith.index_cast %swap3A_271 : i32 to index
        %swap3A_273 = arith.constant 16 : index
        %swap3A_274 = tpu.vector_load %arg12[%swap3A_272, %swap3A_273] {strides = array<i32>} : memref<16x128xf32, #tpu.memory_space<vmem>>, vector<16xf32>,
        tpu.vector_store %arg12[%swap3A_272, %swap3A_273], %gather3A_270 {strides = array<i32>} : memref<16x128xf32, #tpu.memory_space<vmem>>, vector<16xf32>,
        %add3A_275 = arith.constant 10 : i32
        %add3A_276 = vector.broadcast %add3A_275 : i32 to vector<16xi32>
        %add3A_277 = arith.addi %get3A_191, %add3A_276 : vector<16xi32>
        %gather3A_278 = tpu.vector_load_idx %arg10[%add3A_194, %add3A_277] : memref<128x128xf32, #tpu.memory_space<vmem>>[vector<16xi32>, vector<16xi32>], vector<16xf32>,
        %swap3A_279 = arith.constant 10 : i32
        %swap3A_280 = arith.index_cast %swap3A_279 : i32 to index
        %swap3A_281 = arith.constant 16 : index
        %swap3A_282 = tpu.vector_load %arg12[%swap3A_280, %swap3A_281] {strides = array<i32>} : memref<16x128xf32, #tpu.memory_space<vmem>>, vector<16xf32>,
        tpu.vector_store %arg12[%swap3A_280, %swap3A_281], %gather3A_278 {strides = array<i32>} : memref<16x128xf32, #tpu.memory_space<vmem>>, vector<16xf32>,
        %add3A_283 = arith.constant 11 : i32
        %add3A_284 = vector.broadcast %add3A_283 : i32 to vector<16xi32>
        %add3A_285 = arith.addi %get3A_191, %add3A_284 : vector<16xi32>
        %gather3A_286 = tpu.vector_load_idx %arg10[%add3A_194, %add3A_285] : memref<128x128xf32, #tpu.memory_space<vmem>>[vector<16xi32>, vector<16xi32>], vector<16xf32>,
        %swap3A_287 = arith.constant 11 : i32
        %swap3A_288 = arith.index_cast %swap3A_287 : i32 to index
        %swap3A_289 = arith.constant 16 : index
        %swap3A_290 = tpu.vector_load %arg12[%swap3A_288, %swap3A_289] {strides = array<i32>} : memref<16x128xf32, #tpu.memory_space<vmem>>, vector<16xf32>,
        tpu.vector_store %arg12[%swap3A_288, %swap3A_289], %gather3A_286 {strides = array<i32>} : memref<16x128xf32, #tpu.memory_space<vmem>>, vector<16xf32>,
        %add3A_291 = arith.constant 12 : i32
        %add3A_292 = vector.broadcast %add3A_291 : i32 to vector<16xi32>
        %add3A_293 = arith.addi %get3A_191, %add3A_292 : vector<16xi32>
        %gather3A_294 = tpu.vector_load_idx %arg10[%add3A_194, %add3A_293] : memref<128x128xf32, #tpu.memory_space<vmem>>[vector<16xi32>, vector<16xi32>], vector<16xf32>,
        %swap3A_295 = arith.constant 12 : i32
        %swap3A_296 = arith.index_cast %swap3A_295 : i32 to index
        %swap3A_297 = arith.constant 16 : index
        %swap3A_298 = tpu.vector_load %arg12[%swap3A_296, %swap3A_297] {strides = array<i32>} : memref<16x128xf32, #tpu.memory_space<vmem>>, vector<16xf32>,
        tpu.vector_store %arg12[%swap3A_296, %swap3A_297], %gather3A_294 {strides = array<i32>} : memref<16x128xf32, #tpu.memory_space<vmem>>, vector<16xf32>,
        %add3A_299 = arith.constant 13 : i32
        %add3A_300 = vector.broadcast %add3A_299 : i32 to vector<16xi32>
        %add3A_301 = arith.addi %get3A_191, %add3A_300 : vector<16xi32>
        %gather3A_302 = tpu.vector_load_idx %arg10[%add3A_194, %add3A_301] : memref<128x128xf32, #tpu.memory_space<vmem>>[vector<16xi32>, vector<16xi32>], vector<16xf32>,
        %swap3A_303 = arith.constant 13 : i32
        %swap3A_304 = arith.index_cast %swap3A_303 : i32 to index
        %swap3A_305 = arith.constant 16 : index
        %swap3A_306 = tpu.vector_load %arg12[%swap3A_304, %swap3A_305] {strides = array<i32>} : memref<16x128xf32, #tpu.memory_space<vmem>>, vector<16xf32>,
        tpu.vector_store %arg12[%swap3A_304, %swap3A_305], %gather3A_302 {strides = array<i32>} : memref<16x128xf32, #tpu.memory_space<vmem>>, vector<16xf32>,
        %add3A_307 = arith.constant 14 : i32
        %add3A_308 = vector.broadcast %add3A_307 : i32 to vector<16xi32>
        %add3A_309 = arith.addi %get3A_191, %add3A_308 : vector<16xi32>
        %gather3A_310 = tpu.vector_load_idx %arg10[%add3A_194, %add3A_309] : memref<128x128xf32, #tpu.memory_space<vmem>>[vector<16xi32>, vector<16xi32>], vector<16xf32>,
        %swap3A_311 = arith.constant 14 : i32
        %swap3A_312 = arith.index_cast %swap3A_311 : i32 to index
        %swap3A_313 = arith.constant 16 : index
        %swap3A_314 = tpu.vector_load %arg12[%swap3A_312, %swap3A_313] {strides = array<i32>} : memref<16x128xf32, #tpu.memory_space<vmem>>, vector<16xf32>,
        tpu.vector_store %arg12[%swap3A_312, %swap3A_313], %gather3A_310 {strides = array<i32>} : memref<16x128xf32, #tpu.memory_space<vmem>>, vector<16xf32>,
        %add3A_315 = arith.constant 15 : i32
        %add3A_316 = vector.broadcast %add3A_315 : i32 to vector<16xi32>
        %add3A_317 = arith.addi %get3A_191, %add3A_316 : vector<16xi32>
        %gather3A_318 = tpu.vector_load_idx %arg10[%add3A_194, %add3A_317] : memref<128x128xf32, #tpu.memory_space<vmem>>[vector<16xi32>, vector<16xi32>], vector<16xf32>,
        %swap3A_319 = arith.constant 15 : i32
        %swap3A_320 = arith.index_cast %swap3A_319 : i32 to index
        %swap3A_321 = arith.constant 16 : index
        %swap3A_322 = tpu.vector_load %arg12[%swap3A_320, %swap3A_321] {strides = array<i32>} : memref<16x128xf32, #tpu.memory_space<vmem>>, vector<16xf32>,
        tpu.vector_store %arg12[%swap3A_320, %swap3A_321], %gather3A_318 {strides = array<i32>} : memref<16x128xf32, #tpu.memory_space<vmem>>, vector<16xf32>,
        %get3A_323 = arith.index_cast %scan3A_31 : i32 to index
        %get3A_324 = arith.constant 32 : index
        %get3A_325 = tpu.vector_load %arg7[%get3A_323, %get3A_324] {strides = array<i32>} : memref<104x128xi32, #tpu.memory_space<vmem>>, vector<16xi32>,
        %add3A_326 = arith.constant 32 : i32
        %add3A_327 = vector.broadcast %add3A_326 : i32 to vector<16xi32>
        %add3A_328 = arith.addi %iota3A, %add3A_327 : vector<16xi32>
        %add3A_329 = arith.constant 0 : i32
        %add3A_330 = vector.broadcast %add3A_329 : i32 to vector<16xi32>
        %add3A_331 = arith.addi %get3A_325, %add3A_330 : vector<16xi32>
        %gather3A_332 = tpu.vector_load_idx %arg10[%add3A_328, %add3A_331] : memref<128x128xf32, #tpu.memory_space<vmem>>[vector<16xi32>, vector<16xi32>], vector<16xf32>,
        %swap3A_333 = arith.constant 0 : i32
        %swap3A_334 = arith.index_cast %swap3A_333 : i32 to index
        %swap3A_335 = arith.constant 32 : index
        %swap3A_336 = tpu.vector_load %arg12[%swap3A_334, %swap3A_335] {strides = array<i32>} : memref<16x128xf32, #tpu.memory_space<vmem>>, vector<16xf32>,
        tpu.vector_store %arg12[%swap3A_334, %swap3A_335], %gather3A_332 {strides = array<i32>} : memref<16x128xf32, #tpu.memory_space<vmem>>, vector<16xf32>,
        %add3A_337 = arith.constant 1 : i32
        %add3A_338 = vector.broadcast %add3A_337 : i32 to vector<16xi32>
        %add3A_339 = arith.addi %get3A_325, %add3A_338 : vector<16xi32>
        %gather3A_340 = tpu.vector_load_idx %arg10[%add3A_328, %add3A_339] : memref<128x128xf32, #tpu.memory_space<vmem>>[vector<16xi32>, vector<16xi32>], vector<16xf32>,
        %swap3A_341 = arith.constant 1 : i32
        %swap3A_342 = arith.index_cast %swap3A_341 : i32 to index
        %swap3A_343 = arith.constant 32 : index
        %swap3A_344 = tpu.vector_load %arg12[%swap3A_342, %swap3A_343] {strides = array<i32>} : memref<16x128xf32, #tpu.memory_space<vmem>>, vector<16xf32>,
        tpu.vector_store %arg12[%swap3A_342, %swap3A_343], %gather3A_340 {strides = array<i32>} : memref<16x128xf32, #tpu.memory_space<vmem>>, vector<16xf32>,
        %add3A_345 = arith.constant 2 : i32
        %add3A_346 = vector.broadcast %add3A_345 : i32 to vector<16xi32>
        %add3A_347 = arith.addi %get3A_325, %add3A_346 : vector<16xi32>
        %gather3A_348 = tpu.vector_load_idx %arg10[%add3A_328, %add3A_347] : memref<128x128xf32, #tpu.memory_space<vmem>>[vector<16xi32>, vector<16xi32>], vector<16xf32>,
        %swap3A_349 = arith.constant 2 : i32
        %swap3A_350 = arith.index_cast %swap3A_349 : i32 to index
        %swap3A_351 = arith.constant 32 : index
        %swap3A_352 = tpu.vector_load %arg12[%swap3A_350, %swap3A_351] {strides = array<i32>} : memref<16x128xf32, #tpu.memory_space<vmem>>, vector<16xf32>,
        tpu.vector_store %arg12[%swap3A_350, %swap3A_351], %gather3A_348 {strides = array<i32>} : memref<16x128xf32, #tpu.memory_space<vmem>>, vector<16xf32>,
        %add3A_353 = arith.constant 3 : i32
        %add3A_354 = vector.broadcast %add3A_353 : i32 to vector<16xi32>
        %add3A_355 = arith.addi %get3A_325, %add3A_354 : vector<16xi32>
        %gather3A_356 = tpu.vector_load_idx %arg10[%add3A_328, %add3A_355] : memref<128x128xf32, #tpu.memory_space<vmem>>[vector<16xi32>, vector<16xi32>], vector<16xf32>,
        %swap3A_357 = arith.constant 3 : i32
        %swap3A_358 = arith.index_cast %swap3A_357 : i32 to index
        %swap3A_359 = arith.constant 32 : index
        %swap3A_360 = tpu.vector_load %arg12[%swap3A_358, %swap3A_359] {strides = array<i32>} : memref<16x128xf32, #tpu.memory_space<vmem>>, vector<16xf32>,
        tpu.vector_store %arg12[%swap3A_358, %swap3A_359], %gather3A_356 {strides = array<i32>} : memref<16x128xf32, #tpu.memory_space<vmem>>, vector<16xf32>,
        %add3A_361 = arith.constant 4 : i32
        %add3A_362 = vector.broadcast %add3A_361 : i32 to vector<16xi32>
        %add3A_363 = arith.addi %get3A_325, %add3A_362 : vector<16xi32>
        %gather3A_364 = tpu.vector_load_idx %arg10[%add3A_328, %add3A_363] : memref<128x128xf32, #tpu.memory_space<vmem>>[vector<16xi32>, vector<16xi32>], vector<16xf32>,
        %swap3A_365 = arith.constant 4 : i32
        %swap3A_366 = arith.index_cast %swap3A_365 : i32 to index
        %swap3A_367 = arith.constant 32 : index
        %swap3A_368 = tpu.vector_load %arg12[%swap3A_366, %swap3A_367] {strides = array<i32>} : memref<16x128xf32, #tpu.memory_space<vmem>>, vector<16xf32>,
        tpu.vector_store %arg12[%swap3A_366, %swap3A_367], %gather3A_364 {strides = array<i32>} : memref<16x128xf32, #tpu.memory_space<vmem>>, vector<16xf32>,
        %add3A_369 = arith.constant 5 : i32
        %add3A_370 = vector.broadcast %add3A_369 : i32 to vector<16xi32>
        %add3A_371 = arith.addi %get3A_325, %add3A_370 : vector<16xi32>
        %gather3A_372 = tpu.vector_load_idx %arg10[%add3A_328, %add3A_371] : memref<128x128xf32, #tpu.memory_space<vmem>>[vector<16xi32>, vector<16xi32>], vector<16xf32>,
        %swap3A_373 = arith.constant 5 : i32
        %swap3A_374 = arith.index_cast %swap3A_373 : i32 to index
        %swap3A_375 = arith.constant 32 : index
        %swap3A_376 = tpu.vector_load %arg12[%swap3A_374, %swap3A_375] {strides = array<i32>} : memref<16x128xf32, #tpu.memory_space<vmem>>, vector<16xf32>,
        tpu.vector_store %arg12[%swap3A_374, %swap3A_375], %gather3A_372 {strides = array<i32>} : memref<16x128xf32, #tpu.memory_space<vmem>>, vector<16xf32>,
        %add3A_377 = arith.constant 6 : i32
        %add3A_378 = vector.broadcast %add3A_377 : i32 to vector<16xi32>
        %add3A_379 = arith.addi %get3A_325, %add3A_378 : vector<16xi32>
        %gather3A_380 = tpu.vector_load_idx %arg10[%add3A_328, %add3A_379] : memref<128x128xf32, #tpu.memory_space<vmem>>[vector<16xi32>, vector<16xi32>], vector<16xf32>,
        %swap3A_381 = arith.constant 6 : i32
        %swap3A_382 = arith.index_cast %swap3A_381 : i32 to index
        %swap3A_383 = arith.constant 32 : index
        %swap3A_384 = tpu.vector_load %arg12[%swap3A_382, %swap3A_383] {strides = array<i32>} : memref<16x128xf32, #tpu.memory_space<vmem>>, vector<16xf32>,
        tpu.vector_store %arg12[%swap3A_382, %swap3A_383], %gather3A_380 {strides = array<i32>} : memref<16x128xf32, #tpu.memory_space<vmem>>, vector<16xf32>,
        %add3A_385 = arith.constant 7 : i32
        %add3A_386 = vector.broadcast %add3A_385 : i32 to vector<16xi32>
        %add3A_387 = arith.addi %get3A_325, %add3A_386 : vector<16xi32>
        %gather3A_388 = tpu.vector_load_idx %arg10[%add3A_328, %add3A_387] : memref<128x128xf32, #tpu.memory_space<vmem>>[vector<16xi32>, vector<16xi32>], vector<16xf32>,
        %swap3A_389 = arith.constant 7 : i32
        %swap3A_390 = arith.index_cast %swap3A_389 : i32 to index
        %swap3A_391 = arith.constant 32 : index
        %swap3A_392 = tpu.vector_load %arg12[%swap3A_390, %swap3A_391] {strides = array<i32>} : memref<16x128xf32, #tpu.memory_space<vmem>>, vector<16xf32>,
        tpu.vector_store %arg12[%swap3A_390, %swap3A_391], %gather3A_388 {strides = array<i32>} : memref<16x128xf32, #tpu.memory_space<vmem>>, vector<16xf32>,
        %add3A_393 = arith.constant 8 : i32
        %add3A_394 = vector.broadcast %add3A_393 : i32 to vector<16xi32>
        %add3A_395 = arith.addi %get3A_325, %add3A_394 : vector<16xi32>
        %gather3A_396 = tpu.vector_load_idx %arg10[%add3A_328, %add3A_395] : memref<128x128xf32, #tpu.memory_space<vmem>>[vector<16xi32>, vector<16xi32>], vector<16xf32>,
        %swap3A_397 = arith.constant 8 : i32
        %swap3A_398 = arith.index_cast %swap3A_397 : i32 to index
        %swap3A_399 = arith.constant 32 : index
        %swap3A_400 = tpu.vector_load %arg12[%swap3A_398, %swap3A_399] {strides = array<i32>} : memref<16x128xf32, #tpu.memory_space<vmem>>, vector<16xf32>,
        tpu.vector_store %arg12[%swap3A_398, %swap3A_399], %gather3A_396 {strides = array<i32>} : memref<16x128xf32, #tpu.memory_space<vmem>>, vector<16xf32>,
        %add3A_401 = arith.constant 9 : i32
        %add3A_402 = vector.broadcast %add3A_401 : i32 to vector<16xi32>
        %add3A_403 = arith.addi %get3A_325, %add3A_402 : vector<16xi32>
        %gather3A_404 = tpu.vector_load_idx %arg10[%add3A_328, %add3A_403] : memref<128x128xf32, #tpu.memory_space<vmem>>[vector<16xi32>, vector<16xi32>], vector<16xf32>,
        %swap3A_405 = arith.constant 9 : i32
        %swap3A_406 = arith.index_cast %swap3A_405 : i32 to index
        %swap3A_407 = arith.constant 32 : index
        %swap3A_408 = tpu.vector_load %arg12[%swap3A_406, %swap3A_407] {strides = array<i32>} : memref<16x128xf32, #tpu.memory_space<vmem>>, vector<16xf32>,
        tpu.vector_store %arg12[%swap3A_406, %swap3A_407], %gather3A_404 {strides = array<i32>} : memref<16x128xf32, #tpu.memory_space<vmem>>, vector<16xf32>,
        %add3A_409 = arith.constant 10 : i32
        %add3A_410 = vector.broadcast %add3A_409 : i32 to vector<16xi32>
        %add3A_411 = arith.addi %get3A_325, %add3A_410 : vector<16xi32>
        %gather3A_412 = tpu.vector_load_idx %arg10[%add3A_328, %add3A_411] : memref<128x128xf32, #tpu.memory_space<vmem>>[vector<16xi32>, vector<16xi32>], vector<16xf32>,
        %swap3A_413 = arith.constant 10 : i32
        %swap3A_414 = arith.index_cast %swap3A_413 : i32 to index
        %swap3A_415 = arith.constant 32 : index
        %swap3A_416 = tpu.vector_load %arg12[%swap3A_414, %swap3A_415] {strides = array<i32>} : memref<16x128xf32, #tpu.memory_space<vmem>>, vector<16xf32>,
        tpu.vector_store %arg12[%swap3A_414, %swap3A_415], %gather3A_412 {strides = array<i32>} : memref<16x128xf32, #tpu.memory_space<vmem>>, vector<16xf32>,
        %add3A_417 = arith.constant 11 : i32
        %add3A_418 = vector.broadcast %add3A_417 : i32 to vector<16xi32>
        %add3A_419 = arith.addi %get3A_325, %add3A_418 : vector<16xi32>
        %gather3A_420 = tpu.vector_load_idx %arg10[%add3A_328, %add3A_419] : memref<128x128xf32, #tpu.memory_space<vmem>>[vector<16xi32>, vector<16xi32>], vector<16xf32>,
        %swap3A_421 = arith.constant 11 : i32
        %swap3A_422 = arith.index_cast %swap3A_421 : i32 to index
        %swap3A_423 = arith.constant 32 : index
        %swap3A_424 = tpu.vector_load %arg12[%swap3A_422, %swap3A_423] {strides = array<i32>} : memref<16x128xf32, #tpu.memory_space<vmem>>, vector<16xf32>,
        tpu.vector_store %arg12[%swap3A_422, %swap3A_423], %gather3A_420 {strides = array<i32>} : memref<16x128xf32, #tpu.memory_space<vmem>>, vector<16xf32>,
        %add3A_425 = arith.constant 12 : i32
        %add3A_426 = vector.broadcast %add3A_425 : i32 to vector<16xi32>
        %add3A_427 = arith.addi %get3A_325, %add3A_426 : vector<16xi32>
        %gather3A_428 = tpu.vector_load_idx %arg10[%add3A_328, %add3A_427] : memref<128x128xf32, #tpu.memory_space<vmem>>[vector<16xi32>, vector<16xi32>], vector<16xf32>,
        %swap3A_429 = arith.constant 12 : i32
        %swap3A_430 = arith.index_cast %swap3A_429 : i32 to index
        %swap3A_431 = arith.constant 32 : index
        %swap3A_432 = tpu.vector_load %arg12[%swap3A_430, %swap3A_431] {strides = array<i32>} : memref<16x128xf32, #tpu.memory_space<vmem>>, vector<16xf32>,
        tpu.vector_store %arg12[%swap3A_430, %swap3A_431], %gather3A_428 {strides = array<i32>} : memref<16x128xf32, #tpu.memory_space<vmem>>, vector<16xf32>,
        %add3A_433 = arith.constant 13 : i32
        %add3A_434 = vector.broadcast %add3A_433 : i32 to vector<16xi32>
        %add3A_435 = arith.addi %get3A_325, %add3A_434 : vector<16xi32>
        %gather3A_436 = tpu.vector_load_idx %arg10[%add3A_328, %add3A_435] : memref<128x128xf32, #tpu.memory_space<vmem>>[vector<16xi32>, vector<16xi32>], vector<16xf32>,
        %swap3A_437 = arith.constant 13 : i32
        %swap3A_438 = arith.index_cast %swap3A_437 : i32 to index
        %swap3A_439 = arith.constant 32 : index
        %swap3A_440 = tpu.vector_load %arg12[%swap3A_438, %swap3A_439] {strides = array<i32>} : memref<16x128xf32, #tpu.memory_space<vmem>>, vector<16xf32>,
        tpu.vector_store %arg12[%swap3A_438, %swap3A_439], %gather3A_436 {strides = array<i32>} : memref<16x128xf32, #tpu.memory_space<vmem>>, vector<16xf32>,
        %add3A_441 = arith.constant 14 : i32
        %add3A_442 = vector.broadcast %add3A_441 : i32 to vector<16xi32>
        %add3A_443 = arith.addi %get3A_325, %add3A_442 : vector<16xi32>
        %gather3A_444 = tpu.vector_load_idx %arg10[%add3A_328, %add3A_443] : memref<128x128xf32, #tpu.memory_space<vmem>>[vector<16xi32>, vector<16xi32>], vector<16xf32>,
        %swap3A_445 = arith.constant 14 : i32
        %swap3A_446 = arith.index_cast %swap3A_445 : i32 to index
        %swap3A_447 = arith.constant 32 : index
        %swap3A_448 = tpu.vector_load %arg12[%swap3A_446, %swap3A_447] {strides = array<i32>} : memref<16x128xf32, #tpu.memory_space<vmem>>, vector<16xf32>,
        tpu.vector_store %arg12[%swap3A_446, %swap3A_447], %gather3A_444 {strides = array<i32>} : memref<16x128xf32, #tpu.memory_space<vmem>>, vector<16xf32>,
        %add3A_449 = arith.constant 15 : i32
        %add3A_450 = vector.broadcast %add3A_449 : i32 to vector<16xi32>
        %add3A_451 = arith.addi %get3A_325, %add3A_450 : vector<16xi32>
        %gather3A_452 = tpu.vector_load_idx %arg10[%add3A_328, %add3A_451] : memref<128x128xf32, #tpu.memory_space<vmem>>[vector<16xi32>, vector<16xi32>], vector<16xf32>,
        %swap3A_453 = arith.constant 15 : i32
        %swap3A_454 = arith.index_cast %swap3A_453 : i32 to index
        %swap3A_455 = arith.constant 32 : index
        %swap3A_456 = tpu.vector_load %arg12[%swap3A_454, %swap3A_455] {strides = array<i32>} : memref<16x128xf32, #tpu.memory_space<vmem>>, vector<16xf32>,
        tpu.vector_store %arg12[%swap3A_454, %swap3A_455], %gather3A_452 {strides = array<i32>} : memref<16x128xf32, #tpu.memory_space<vmem>>, vector<16xf32>,
        %get3A_457 = arith.index_cast %scan3A_31 : i32 to index
        %get3A_458 = arith.constant 48 : index
        %get3A_459 = tpu.vector_load %arg7[%get3A_457, %get3A_458] {strides = array<i32>} : memref<104x128xi32, #tpu.memory_space<vmem>>, vector<16xi32>,
        %add3A_460 = arith.constant 48 : i32
        %add3A_461 = vector.broadcast %add3A_460 : i32 to vector<16xi32>
        %add3A_462 = arith.addi %iota3A, %add3A_461 : vector<16xi32>
        %add3A_463 = arith.constant 0 : i32
        %add3A_464 = vector.broadcast %add3A_463 : i32 to vector<16xi32>
        %add3A_465 = arith.addi %get3A_459, %add3A_464 : vector<16xi32>
        %gather3A_466 = tpu.vector_load_idx %arg10[%add3A_462, %add3A_465] : memref<128x128xf32, #tpu.memory_space<vmem>>[vector<16xi32>, vector<16xi32>], vector<16xf32>,
        %swap3A_467 = arith.constant 0 : i32
        %swap3A_468 = arith.index_cast %swap3A_467 : i32 to index
        %swap3A_469 = arith.constant 48 : index
        %swap3A_470 = tpu.vector_load %arg12[%swap3A_468, %swap3A_469] {strides = array<i32>} : memref<16x128xf32, #tpu.memory_space<vmem>>, vector<16xf32>,
        tpu.vector_store %arg12[%swap3A_468, %swap3A_469], %gather3A_466 {strides = array<i32>} : memref<16x128xf32, #tpu.memory_space<vmem>>, vector<16xf32>,
        %add3A_471 = arith.constant 1 : i32
        %add3A_472 = vector.broadcast %add3A_471 : i32 to vector<16xi32>
        %add3A_473 = arith.addi %get3A_459, %add3A_472 : vector<16xi32>
        %gather3A_474 = tpu.vector_load_idx %arg10[%add3A_462, %add3A_473] : memref<128x128xf32, #tpu.memory_space<vmem>>[vector<16xi32>, vector<16xi32>], vector<16xf32>,
        %swap3A_475 = arith.constant 1 : i32
        %swap3A_476 = arith.index_cast %swap3A_475 : i32 to index
        %swap3A_477 = arith.constant 48 : index
        %swap3A_478 = tpu.vector_load %arg12[%swap3A_476, %swap3A_477] {strides = array<i32>} : memref<16x128xf32, #tpu.memory_space<vmem>>, vector<16xf32>,
        tpu.vector_store %arg12[%swap3A_476, %swap3A_477], %gather3A_474 {strides = array<i32>} : memref<16x128xf32, #tpu.memory_space<vmem>>, vector<16xf32>,
        %add3A_479 = arith.constant 2 : i32
        %add3A_480 = vector.broadcast %add3A_479 : i32 to vector<16xi32>
        %add3A_481 = arith.addi %get3A_459, %add3A_480 : vector<16xi32>
        %gather3A_482 = tpu.vector_load_idx %arg10[%add3A_462, %add3A_481] : memref<128x128xf32, #tpu.memory_space<vmem>>[vector<16xi32>, vector<16xi32>], vector<16xf32>,
        %swap3A_483 = arith.constant 2 : i32
        %swap3A_484 = arith.index_cast %swap3A_483 : i32 to index
        %swap3A_485 = arith.constant 48 : index
        %swap3A_486 = tpu.vector_load %arg12[%swap3A_484, %swap3A_485] {strides = array<i32>} : memref<16x128xf32, #tpu.memory_space<vmem>>, vector<16xf32>,
        tpu.vector_store %arg12[%swap3A_484, %swap3A_485], %gather3A_482 {strides = array<i32>} : memref<16x128xf32, #tpu.memory_space<vmem>>, vector<16xf32>,
        %add3A_487 = arith.constant 3 : i32
        %add3A_488 = vector.broadcast %add3A_487 : i32 to vector<16xi32>
        %add3A_489 = arith.addi %get3A_459, %add3A_488 : vector<16xi32>
        %gather3A_490 = tpu.vector_load_idx %arg10[%add3A_462, %add3A_489] : memref<128x128xf32, #tpu.memory_space<vmem>>[vector<16xi32>, vector<16xi32>], vector<16xf32>,
        %swap3A_491 = arith.constant 3 : i32
        %swap3A_492 = arith.index_cast %swap3A_491 : i32 to index
        %swap3A_493 = arith.constant 48 : index
        %swap3A_494 = tpu.vector_load %arg12[%swap3A_492, %swap3A_493] {strides = array<i32>} : memref<16x128xf32, #tpu.memory_space<vmem>>, vector<16xf32>,
        tpu.vector_store %arg12[%swap3A_492, %swap3A_493], %gather3A_490 {strides = array<i32>} : memref<16x128xf32, #tpu.memory_space<vmem>>, vector<16xf32>,
        %add3A_495 = arith.constant 4 : i32
        %add3A_496 = vector.broadcast %add3A_495 : i32 to vector<16xi32>
        %add3A_497 = arith.addi %get3A_459, %add3A_496 : vector<16xi32>
        %gather3A_498 = tpu.vector_load_idx %arg10[%add3A_462, %add3A_497] : memref<128x128xf32, #tpu.memory_space<vmem>>[vector<16xi32>, vector<16xi32>], vector<16xf32>,
        %swap3A_499 = arith.constant 4 : i32
        %swap3A_500 = arith.index_cast %swap3A_499 : i32 to index
        %swap3A_501 = arith.constant 48 : index
        %swap3A_502 = tpu.vector_load %arg12[%swap3A_500, %swap3A_501] {strides = array<i32>} : memref<16x128xf32, #tpu.memory_space<vmem>>, vector<16xf32>,
        tpu.vector_store %arg12[%swap3A_500, %swap3A_501], %gather3A_498 {strides = array<i32>} : memref<16x128xf32, #tpu.memory_space<vmem>>, vector<16xf32>,
        %add3A_503 = arith.constant 5 : i32
        %add3A_504 = vector.broadcast %add3A_503 : i32 to vector<16xi32>
        %add3A_505 = arith.addi %get3A_459, %add3A_504 : vector<16xi32>
        %gather3A_506 = tpu.vector_load_idx %arg10[%add3A_462, %add3A_505] : memref<128x128xf32, #tpu.memory_space<vmem>>[vector<16xi32>, vector<16xi32>], vector<16xf32>,
        %swap3A_507 = arith.constant 5 : i32
        %swap3A_508 = arith.index_cast %swap3A_507 : i32 to index
        %swap3A_509 = arith.constant 48 : index
        %swap3A_510 = tpu.vector_load %arg12[%swap3A_508, %swap3A_509] {strides = array<i32>} : memref<16x128xf32, #tpu.memory_space<vmem>>, vector<16xf32>,
        tpu.vector_store %arg12[%swap3A_508, %swap3A_509], %gather3A_506 {strides = array<i32>} : memref<16x128xf32, #tpu.memory_space<vmem>>, vector<16xf32>,
        %add3A_511 = arith.constant 6 : i32
        %add3A_512 = vector.broadcast %add3A_511 : i32 to vector<16xi32>
        %add3A_513 = arith.addi %get3A_459, %add3A_512 : vector<16xi32>
        %gather3A_514 = tpu.vector_load_idx %arg10[%add3A_462, %add3A_513] : memref<128x128xf32, #tpu.memory_space<vmem>>[vector<16xi32>, vector<16xi32>], vector<16xf32>,
        %swap3A_515 = arith.constant 6 : i32
        %swap3A_516 = arith.index_cast %swap3A_515 : i32 to index
        %swap3A_517 = arith.constant 48 : index
        %swap3A_518 = tpu.vector_load %arg12[%swap3A_516, %swap3A_517] {strides = array<i32>} : memref<16x128xf32, #tpu.memory_space<vmem>>, vector<16xf32>,
        tpu.vector_store %arg12[%swap3A_516, %swap3A_517], %gather3A_514 {strides = array<i32>} : memref<16x128xf32, #tpu.memory_space<vmem>>, vector<16xf32>,
        %add3A_519 = arith.constant 7 : i32
        %add3A_520 = vector.broadcast %add3A_519 : i32 to vector<16xi32>
        %add3A_521 = arith.addi %get3A_459, %add3A_520 : vector<16xi32>
        %gather3A_522 = tpu.vector_load_idx %arg10[%add3A_462, %add3A_521] : memref<128x128xf32, #tpu.memory_space<vmem>>[vector<16xi32>, vector<16xi32>], vector<16xf32>,
        %swap3A_523 = arith.constant 7 : i32
        %swap3A_524 = arith.index_cast %swap3A_523 : i32 to index
        %swap3A_525 = arith.constant 48 : index
        %swap3A_526 = tpu.vector_load %arg12[%swap3A_524, %swap3A_525] {strides = array<i32>} : memref<16x128xf32, #tpu.memory_space<vmem>>, vector<16xf32>,
        tpu.vector_store %arg12[%swap3A_524, %swap3A_525], %gather3A_522 {strides = array<i32>} : memref<16x128xf32, #tpu.memory_space<vmem>>, vector<16xf32>,
        %add3A_527 = arith.constant 8 : i32
        %add3A_528 = vector.broadcast %add3A_527 : i32 to vector<16xi32>
        %add3A_529 = arith.addi %get3A_459, %add3A_528 : vector<16xi32>
        %gather3A_530 = tpu.vector_load_idx %arg10[%add3A_462, %add3A_529] : memref<128x128xf32, #tpu.memory_space<vmem>>[vector<16xi32>, vector<16xi32>], vector<16xf32>,
        %swap3A_531 = arith.constant 8 : i32
        %swap3A_532 = arith.index_cast %swap3A_531 : i32 to index
        %swap3A_533 = arith.constant 48 : index
        %swap3A_534 = tpu.vector_load %arg12[%swap3A_532, %swap3A_533] {strides = array<i32>} : memref<16x128xf32, #tpu.memory_space<vmem>>, vector<16xf32>,
        tpu.vector_store %arg12[%swap3A_532, %swap3A_533], %gather3A_530 {strides = array<i32>} : memref<16x128xf32, #tpu.memory_space<vmem>>, vector<16xf32>,
        %add3A_535 = arith.constant 9 : i32
        %add3A_536 = vector.broadcast %add3A_535 : i32 to vector<16xi32>
        %add3A_537 = arith.addi %get3A_459, %add3A_536 : vector<16xi32>
        %gather3A_538 = tpu.vector_load_idx %arg10[%add3A_462, %add3A_537] : memref<128x128xf32, #tpu.memory_space<vmem>>[vector<16xi32>, vector<16xi32>], vector<16xf32>,
        %swap3A_539 = arith.constant 9 : i32
        %swap3A_540 = arith.index_cast %swap3A_539 : i32 to index
        %swap3A_541 = arith.constant 48 : index
        %swap3A_542 = tpu.vector_load %arg12[%swap3A_540, %swap3A_541] {strides = array<i32>} : memref<16x128xf32, #tpu.memory_space<vmem>>, vector<16xf32>,
        tpu.vector_store %arg12[%swap3A_540, %swap3A_541], %gather3A_538 {strides = array<i32>} : memref<16x128xf32, #tpu.memory_space<vmem>>, vector<16xf32>,
        %add3A_543 = arith.constant 10 : i32
        %add3A_544 = vector.broadcast %add3A_543 : i32 to vector<16xi32>
        %add3A_545 = arith.addi %get3A_459, %add3A_544 : vector<16xi32>
        %gather3A_546 = tpu.vector_load_idx %arg10[%add3A_462, %add3A_545] : memref<128x128xf32, #tpu.memory_space<vmem>>[vector<16xi32>, vector<16xi32>], vector<16xf32>,
        %swap3A_547 = arith.constant 10 : i32
        %swap3A_548 = arith.index_cast %swap3A_547 : i32 to index
        %swap3A_549 = arith.constant 48 : index
        %swap3A_550 = tpu.vector_load %arg12[%swap3A_548, %swap3A_549] {strides = array<i32>} : memref<16x128xf32, #tpu.memory_space<vmem>>, vector<16xf32>,
        tpu.vector_store %arg12[%swap3A_548, %swap3A_549], %gather3A_546 {strides = array<i32>} : memref<16x128xf32, #tpu.memory_space<vmem>>, vector<16xf32>,
        %add3A_551 = arith.constant 11 : i32
        %add3A_552 = vector.broadcast %add3A_551 : i32 to vector<16xi32>
        %add3A_553 = arith.addi %get3A_459, %add3A_552 : vector<16xi32>
        %gather3A_554 = tpu.vector_load_idx %arg10[%add3A_462, %add3A_553] : memref<128x128xf32, #tpu.memory_space<vmem>>[vector<16xi32>, vector<16xi32>], vector<16xf32>,
        %swap3A_555 = arith.constant 11 : i32
        %swap3A_556 = arith.index_cast %swap3A_555 : i32 to index
        %swap3A_557 = arith.constant 48 : index
        %swap3A_558 = tpu.vector_load %arg12[%swap3A_556, %swap3A_557] {strides = array<i32>} : memref<16x128xf32, #tpu.memory_space<vmem>>, vector<16xf32>,
        tpu.vector_store %arg12[%swap3A_556, %swap3A_557], %gather3A_554 {strides = array<i32>} : memref<16x128xf32, #tpu.memory_space<vmem>>, vector<16xf32>,
        %add3A_559 = arith.constant 12 : i32
        %add3A_560 = vector.broadcast %add3A_559 : i32 to vector<16xi32>
        %add3A_561 = arith.addi %get3A_459, %add3A_560 : vector<16xi32>
        %gather3A_562 = tpu.vector_load_idx %arg10[%add3A_462, %add3A_561] : memref<128x128xf32, #tpu.memory_space<vmem>>[vector<16xi32>, vector<16xi32>], vector<16xf32>,
        %swap3A_563 = arith.constant 12 : i32
        %swap3A_564 = arith.index_cast %swap3A_563 : i32 to index
        %swap3A_565 = arith.constant 48 : index
        %swap3A_566 = tpu.vector_load %arg12[%swap3A_564, %swap3A_565] {strides = array<i32>} : memref<16x128xf32, #tpu.memory_space<vmem>>, vector<16xf32>,
        tpu.vector_store %arg12[%swap3A_564, %swap3A_565], %gather3A_562 {strides = array<i32>} : memref<16x128xf32, #tpu.memory_space<vmem>>, vector<16xf32>,
        %add3A_567 = arith.constant 13 : i32
        %add3A_568 = vector.broadcast %add3A_567 : i32 to vector<16xi32>
        %add3A_569 = arith.addi %get3A_459, %add3A_568 : vector<16xi32>
        %gather3A_570 = tpu.vector_load_idx %arg10[%add3A_462, %add3A_569] : memref<128x128xf32, #tpu.memory_space<vmem>>[vector<16xi32>, vector<16xi32>], vector<16xf32>,
        %swap3A_571 = arith.constant 13 : i32
        %swap3A_572 = arith.index_cast %swap3A_571 : i32 to index
        %swap3A_573 = arith.constant 48 : index
        %swap3A_574 = tpu.vector_load %arg12[%swap3A_572, %swap3A_573] {strides = array<i32>} : memref<16x128xf32, #tpu.memory_space<vmem>>, vector<16xf32>,
        tpu.vector_store %arg12[%swap3A_572, %swap3A_573], %gather3A_570 {strides = array<i32>} : memref<16x128xf32, #tpu.memory_space<vmem>>, vector<16xf32>,
        %add3A_575 = arith.constant 14 : i32
        %add3A_576 = vector.broadcast %add3A_575 : i32 to vector<16xi32>
        %add3A_577 = arith.addi %get3A_459, %add3A_576 : vector<16xi32>
        %gather3A_578 = tpu.vector_load_idx %arg10[%add3A_462, %add3A_577] : memref<128x128xf32, #tpu.memory_space<vmem>>[vector<16xi32>, vector<16xi32>], vector<16xf32>,
        %swap3A_579 = arith.constant 14 : i32
        %swap3A_580 = arith.index_cast %swap3A_579 : i32 to index
        %swap3A_581 = arith.constant 48 : index
        %swap3A_582 = tpu.vector_load %arg12[%swap3A_580, %swap3A_581] {strides = array<i32>} : memref<16x128xf32, #tpu.memory_space<vmem>>, vector<16xf32>,
        tpu.vector_store %arg12[%swap3A_580, %swap3A_581], %gather3A_578 {strides = array<i32>} : memref<16x128xf32, #tpu.memory_space<vmem>>, vector<16xf32>,
        %add3A_583 = arith.constant 15 : i32
        %add3A_584 = vector.broadcast %add3A_583 : i32 to vector<16xi32>
        %add3A_585 = arith.addi %get3A_459, %add3A_584 : vector<16xi32>
        %gather3A_586 = tpu.vector_load_idx %arg10[%add3A_462, %add3A_585] : memref<128x128xf32, #tpu.memory_space<vmem>>[vector<16xi32>, vector<16xi32>], vector<16xf32>,
        %swap3A_587 = arith.constant 15 : i32
        %swap3A_588 = arith.index_cast %swap3A_587 : i32 to index
        %swap3A_589 = arith.constant 48 : index
        %swap3A_590 = tpu.vector_load %arg12[%swap3A_588, %swap3A_589] {strides = array<i32>} : memref<16x128xf32, #tpu.memory_space<vmem>>, vector<16xf32>,
        tpu.vector_store %arg12[%swap3A_588, %swap3A_589], %gather3A_586 {strides = array<i32>} : memref<16x128xf32, #tpu.memory_space<vmem>>, vector<16xf32>,
        %get3A_591 = arith.index_cast %scan3A_31 : i32 to index
        %get3A_592 = arith.constant 64 : index
        %get3A_593 = tpu.vector_load %arg7[%get3A_591, %get3A_592] {strides = array<i32>} : memref<104x128xi32, #tpu.memory_space<vmem>>, vector<16xi32>,
        %add3A_594 = arith.constant 64 : i32
        %add3A_595 = vector.broadcast %add3A_594 : i32 to vector<16xi32>
        %add3A_596 = arith.addi %iota3A, %add3A_595 : vector<16xi32>
        %add3A_597 = arith.constant 0 : i32
        %add3A_598 = vector.broadcast %add3A_597 : i32 to vector<16xi32>
        %add3A_599 = arith.addi %get3A_593, %add3A_598 : vector<16xi32>
        %gather3A_600 = tpu.vector_load_idx %arg10[%add3A_596, %add3A_599] : memref<128x128xf32, #tpu.memory_space<vmem>>[vector<16xi32>, vector<16xi32>], vector<16xf32>,
        %swap3A_601 = arith.constant 0 : i32
        %swap3A_602 = arith.index_cast %swap3A_601 : i32 to index
        %swap3A_603 = arith.constant 64 : index
        %swap3A_604 = tpu.vector_load %arg12[%swap3A_602, %swap3A_603] {strides = array<i32>} : memref<16x128xf32, #tpu.memory_space<vmem>>, vector<16xf32>,
        tpu.vector_store %arg12[%swap3A_602, %swap3A_603], %gather3A_600 {strides = array<i32>} : memref<16x128xf32, #tpu.memory_space<vmem>>, vector<16xf32>,
        %add3A_605 = arith.constant 1 : i32
        %add3A_606 = vector.broadcast %add3A_605 : i32 to vector<16xi32>
        %add3A_607 = arith.addi %get3A_593, %add3A_606 : vector<16xi32>
        %gather3A_608 = tpu.vector_load_idx %arg10[%add3A_596, %add3A_607] : memref<128x128xf32, #tpu.memory_space<vmem>>[vector<16xi32>, vector<16xi32>], vector<16xf32>,
        %swap3A_609 = arith.constant 1 : i32
        %swap3A_610 = arith.index_cast %swap3A_609 : i32 to index
        %swap3A_611 = arith.constant 64 : index
        %swap3A_612 = tpu.vector_load %arg12[%swap3A_610, %swap3A_611] {strides = array<i32>} : memref<16x128xf32, #tpu.memory_space<vmem>>, vector<16xf32>,
        tpu.vector_store %arg12[%swap3A_610, %swap3A_611], %gather3A_608 {strides = array<i32>} : memref<16x128xf32, #tpu.memory_space<vmem>>, vector<16xf32>,
        %add3A_613 = arith.constant 2 : i32
        %add3A_614 = vector.broadcast %add3A_613 : i32 to vector<16xi32>
        %add3A_615 = arith.addi %get3A_593, %add3A_614 : vector<16xi32>
        %gather3A_616 = tpu.vector_load_idx %arg10[%add3A_596, %add3A_615] : memref<128x128xf32, #tpu.memory_space<vmem>>[vector<16xi32>, vector<16xi32>], vector<16xf32>,
        %swap3A_617 = arith.constant 2 : i32
        %swap3A_618 = arith.index_cast %swap3A_617 : i32 to index
        %swap3A_619 = arith.constant 64 : index
        %swap3A_620 = tpu.vector_load %arg12[%swap3A_618, %swap3A_619] {strides = array<i32>} : memref<16x128xf32, #tpu.memory_space<vmem>>, vector<16xf32>,
        tpu.vector_store %arg12[%swap3A_618, %swap3A_619], %gather3A_616 {strides = array<i32>} : memref<16x128xf32, #tpu.memory_space<vmem>>, vector<16xf32>,
        %add3A_621 = arith.constant 3 : i32
        %add3A_622 = vector.broadcast %add3A_621 : i32 to vector<16xi32>
        %add3A_623 = arith.addi %get3A_593, %add3A_622 : vector<16xi32>
        %gather3A_624 = tpu.vector_load_idx %arg10[%add3A_596, %add3A_623] : memref<128x128xf32, #tpu.memory_space<vmem>>[vector<16xi32>, vector<16xi32>], vector<16xf32>,
        %swap3A_625 = arith.constant 3 : i32
        %swap3A_626 = arith.index_cast %swap3A_625 : i32 to index
        %swap3A_627 = arith.constant 64 : index
        %swap3A_628 = tpu.vector_load %arg12[%swap3A_626, %swap3A_627] {strides = array<i32>} : memref<16x128xf32, #tpu.memory_space<vmem>>, vector<16xf32>,
        tpu.vector_store %arg12[%swap3A_626, %swap3A_627], %gather3A_624 {strides = array<i32>} : memref<16x128xf32, #tpu.memory_space<vmem>>, vector<16xf32>,
        %add3A_629 = arith.constant 4 : i32
        %add3A_630 = vector.broadcast %add3A_629 : i32 to vector<16xi32>
        %add3A_631 = arith.addi %get3A_593, %add3A_630 : vector<16xi32>
        %gather3A_632 = tpu.vector_load_idx %arg10[%add3A_596, %add3A_631] : memref<128x128xf32, #tpu.memory_space<vmem>>[vector<16xi32>, vector<16xi32>], vector<16xf32>,
        %swap3A_633 = arith.constant 4 : i32
        %swap3A_634 = arith.index_cast %swap3A_633 : i32 to index
        %swap3A_635 = arith.constant 64 : index
        %swap3A_636 = tpu.vector_load %arg12[%swap3A_634, %swap3A_635] {strides = array<i32>} : memref<16x128xf32, #tpu.memory_space<vmem>>, vector<16xf32>,
        tpu.vector_store %arg12[%swap3A_634, %swap3A_635], %gather3A_632 {strides = array<i32>} : memref<16x128xf32, #tpu.memory_space<vmem>>, vector<16xf32>,
        %add3A_637 = arith.constant 5 : i32
        %add3A_638 = vector.broadcast %add3A_637 : i32 to vector<16xi32>
        %add3A_639 = arith.addi %get3A_593, %add3A_638 : vector<16xi32>
        %gather3A_640 = tpu.vector_load_idx %arg10[%add3A_596, %add3A_639] : memref<128x128xf32, #tpu.memory_space<vmem>>[vector<16xi32>, vector<16xi32>], vector<16xf32>,
        %swap3A_641 = arith.constant 5 : i32
        %swap3A_642 = arith.index_cast %swap3A_641 : i32 to index
        %swap3A_643 = arith.constant 64 : index
        %swap3A_644 = tpu.vector_load %arg12[%swap3A_642, %swap3A_643] {strides = array<i32>} : memref<16x128xf32, #tpu.memory_space<vmem>>, vector<16xf32>,
        tpu.vector_store %arg12[%swap3A_642, %swap3A_643], %gather3A_640 {strides = array<i32>} : memref<16x128xf32, #tpu.memory_space<vmem>>, vector<16xf32>,
        %add3A_645 = arith.constant 6 : i32
        %add3A_646 = vector.broadcast %add3A_645 : i32 to vector<16xi32>
        %add3A_647 = arith.addi %get3A_593, %add3A_646 : vector<16xi32>
        %gather3A_648 = tpu.vector_load_idx %arg10[%add3A_596, %add3A_647] : memref<128x128xf32, #tpu.memory_space<vmem>>[vector<16xi32>, vector<16xi32>], vector<16xf32>,
        %swap3A_649 = arith.constant 6 : i32
        %swap3A_650 = arith.index_cast %swap3A_649 : i32 to index
        %swap3A_651 = arith.constant 64 : index
        %swap3A_652 = tpu.vector_load %arg12[%swap3A_650, %swap3A_651] {strides = array<i32>} : memref<16x128xf32, #tpu.memory_space<vmem>>, vector<16xf32>,
        tpu.vector_store %arg12[%swap3A_650, %swap3A_651], %gather3A_648 {strides = array<i32>} : memref<16x128xf32, #tpu.memory_space<vmem>>, vector<16xf32>,
        %add3A_653 = arith.constant 7 : i32
        %add3A_654 = vector.broadcast %add3A_653 : i32 to vector<16xi32>
        %add3A_655 = arith.addi %get3A_593, %add3A_654 : vector<16xi32>
        %gather3A_656 = tpu.vector_load_idx %arg10[%add3A_596, %add3A_655] : memref<128x128xf32, #tpu.memory_space<vmem>>[vector<16xi32>, vector<16xi32>], vector<16xf32>,
        %swap3A_657 = arith.constant 7 : i32
        %swap3A_658 = arith.index_cast %swap3A_657 : i32 to index
        %swap3A_659 = arith.constant 64 : index
        %swap3A_660 = tpu.vector_load %arg12[%swap3A_658, %swap3A_659] {strides = array<i32>} : memref<16x128xf32, #tpu.memory_space<vmem>>, vector<16xf32>,
        tpu.vector_store %arg12[%swap3A_658, %swap3A_659], %gather3A_656 {strides = array<i32>} : memref<16x128xf32, #tpu.memory_space<vmem>>, vector<16xf32>,
        %add3A_661 = arith.constant 8 : i32
        %add3A_662 = vector.broadcast %add3A_661 : i32 to vector<16xi32>
        %add3A_663 = arith.addi %get3A_593, %add3A_662 : vector<16xi32>
        %gather3A_664 = tpu.vector_load_idx %arg10[%add3A_596, %add3A_663] : memref<128x128xf32, #tpu.memory_space<vmem>>[vector<16xi32>, vector<16xi32>], vector<16xf32>,
        %swap3A_665 = arith.constant 8 : i32
        %swap3A_666 = arith.index_cast %swap3A_665 : i32 to index
        %swap3A_667 = arith.constant 64 : index
        %swap3A_668 = tpu.vector_load %arg12[%swap3A_666, %swap3A_667] {strides = array<i32>} : memref<16x128xf32, #tpu.memory_space<vmem>>, vector<16xf32>,
        tpu.vector_store %arg12[%swap3A_666, %swap3A_667], %gather3A_664 {strides = array<i32>} : memref<16x128xf32, #tpu.memory_space<vmem>>, vector<16xf32>,
        %add3A_669 = arith.constant 9 : i32
        %add3A_670 = vector.broadcast %add3A_669 : i32 to vector<16xi32>
        %add3A_671 = arith.addi %get3A_593, %add3A_670 : vector<16xi32>
        %gather3A_672 = tpu.vector_load_idx %arg10[%add3A_596, %add3A_671] : memref<128x128xf32, #tpu.memory_space<vmem>>[vector<16xi32>, vector<16xi32>], vector<16xf32>,
        %swap3A_673 = arith.constant 9 : i32
        %swap3A_674 = arith.index_cast %swap3A_673 : i32 to index
        %swap3A_675 = arith.constant 64 : index
        %swap3A_676 = tpu.vector_load %arg12[%swap3A_674, %swap3A_675] {strides = array<i32>} : memref<16x128xf32, #tpu.memory_space<vmem>>, vector<16xf32>,
        tpu.vector_store %arg12[%swap3A_674, %swap3A_675], %gather3A_672 {strides = array<i32>} : memref<16x128xf32, #tpu.memory_space<vmem>>, vector<16xf32>,
        %add3A_677 = arith.constant 10 : i32
        %add3A_678 = vector.broadcast %add3A_677 : i32 to vector<16xi32>
        %add3A_679 = arith.addi %get3A_593, %add3A_678 : vector<16xi32>
        %gather3A_680 = tpu.vector_load_idx %arg10[%add3A_596, %add3A_679] : memref<128x128xf32, #tpu.memory_space<vmem>>[vector<16xi32>, vector<16xi32>], vector<16xf32>,
        %swap3A_681 = arith.constant 10 : i32
        %swap3A_682 = arith.index_cast %swap3A_681 : i32 to index
        %swap3A_683 = arith.constant 64 : index
        %swap3A_684 = tpu.vector_load %arg12[%swap3A_682, %swap3A_683] {strides = array<i32>} : memref<16x128xf32, #tpu.memory_space<vmem>>, vector<16xf32>,
        tpu.vector_store %arg12[%swap3A_682, %swap3A_683], %gather3A_680 {strides = array<i32>} : memref<16x128xf32, #tpu.memory_space<vmem>>, vector<16xf32>,
        %add3A_685 = arith.constant 11 : i32
        %add3A_686 = vector.broadcast %add3A_685 : i32 to vector<16xi32>
        %add3A_687 = arith.addi %get3A_593, %add3A_686 : vector<16xi32>
        %gather3A_688 = tpu.vector_load_idx %arg10[%add3A_596, %add3A_687] : memref<128x128xf32, #tpu.memory_space<vmem>>[vector<16xi32>, vector<16xi32>], vector<16xf32>,
        %swap3A_689 = arith.constant 11 : i32
        %swap3A_690 = arith.index_cast %swap3A_689 : i32 to index
        %swap3A_691 = arith.constant 64 : index
        %swap3A_692 = tpu.vector_load %arg12[%swap3A_690, %swap3A_691] {strides = array<i32>} : memref<16x128xf32, #tpu.memory_space<vmem>>, vector<16xf32>,
        tpu.vector_store %arg12[%swap3A_690, %swap3A_691], %gather3A_688 {strides = array<i32>} : memref<16x128xf32, #tpu.memory_space<vmem>>, vector<16xf32>,
        %add3A_693 = arith.constant 12 : i32
        %add3A_694 = vector.broadcast %add3A_693 : i32 to vector<16xi32>
        %add3A_695 = arith.addi %get3A_593, %add3A_694 : vector<16xi32>
        %gather3A_696 = tpu.vector_load_idx %arg10[%add3A_596, %add3A_695] : memref<128x128xf32, #tpu.memory_space<vmem>>[vector<16xi32>, vector<16xi32>], vector<16xf32>,
        %swap3A_697 = arith.constant 12 : i32
        %swap3A_698 = arith.index_cast %swap3A_697 : i32 to index
        %swap3A_699 = arith.constant 64 : index
        %swap3A_700 = tpu.vector_load %arg12[%swap3A_698, %swap3A_699] {strides = array<i32>} : memref<16x128xf32, #tpu.memory_space<vmem>>, vector<16xf32>,
        tpu.vector_store %arg12[%swap3A_698, %swap3A_699], %gather3A_696 {strides = array<i32>} : memref<16x128xf32, #tpu.memory_space<vmem>>, vector<16xf32>,
        %add3A_701 = arith.constant 13 : i32
        %add3A_702 = vector.broadcast %add3A_701 : i32 to vector<16xi32>
        %add3A_703 = arith.addi %get3A_593, %add3A_702 : vector<16xi32>
        %gather3A_704 = tpu.vector_load_idx %arg10[%add3A_596, %add3A_703] : memref<128x128xf32, #tpu.memory_space<vmem>>[vector<16xi32>, vector<16xi32>], vector<16xf32>,
        %swap3A_705 = arith.constant 13 : i32
        %swap3A_706 = arith.index_cast %swap3A_705 : i32 to index
        %swap3A_707 = arith.constant 64 : index
        %swap3A_708 = tpu.vector_load %arg12[%swap3A_706, %swap3A_707] {strides = array<i32>} : memref<16x128xf32, #tpu.memory_space<vmem>>, vector<16xf32>,
        tpu.vector_store %arg12[%swap3A_706, %swap3A_707], %gather3A_704 {strides = array<i32>} : memref<16x128xf32, #tpu.memory_space<vmem>>, vector<16xf32>,
        %add3A_709 = arith.constant 14 : i32
        %add3A_710 = vector.broadcast %add3A_709 : i32 to vector<16xi32>
        %add3A_711 = arith.addi %get3A_593, %add3A_710 : vector<16xi32>
        %gather3A_712 = tpu.vector_load_idx %arg10[%add3A_596, %add3A_711] : memref<128x128xf32, #tpu.memory_space<vmem>>[vector<16xi32>, vector<16xi32>], vector<16xf32>,
        %swap3A_713 = arith.constant 14 : i32
        %swap3A_714 = arith.index_cast %swap3A_713 : i32 to index
        %swap3A_715 = arith.constant 64 : index
        %swap3A_716 = tpu.vector_load %arg12[%swap3A_714, %swap3A_715] {strides = array<i32>} : memref<16x128xf32, #tpu.memory_space<vmem>>, vector<16xf32>,
        tpu.vector_store %arg12[%swap3A_714, %swap3A_715], %gather3A_712 {strides = array<i32>} : memref<16x128xf32, #tpu.memory_space<vmem>>, vector<16xf32>,
        %add3A_717 = arith.constant 15 : i32
        %add3A_718 = vector.broadcast %add3A_717 : i32 to vector<16xi32>
        %add3A_719 = arith.addi %get3A_593, %add3A_718 : vector<16xi32>
        %gather3A_720 = tpu.vector_load_idx %arg10[%add3A_596, %add3A_719] : memref<128x128xf32, #tpu.memory_space<vmem>>[vector<16xi32>, vector<16xi32>], vector<16xf32>,
        %swap3A_721 = arith.constant 15 : i32
        %swap3A_722 = arith.index_cast %swap3A_721 : i32 to index
        %swap3A_723 = arith.constant 64 : index
        %swap3A_724 = tpu.vector_load %arg12[%swap3A_722, %swap3A_723] {strides = array<i32>} : memref<16x128xf32, #tpu.memory_space<vmem>>, vector<16xf32>,
        tpu.vector_store %arg12[%swap3A_722, %swap3A_723], %gather3A_720 {strides = array<i32>} : memref<16x128xf32, #tpu.memory_space<vmem>>, vector<16xf32>,
        %get3A_725 = arith.index_cast %scan3A_31 : i32 to index
        %get3A_726 = arith.constant 80 : index
        %get3A_727 = tpu.vector_load %arg7[%get3A_725, %get3A_726] {strides = array<i32>} : memref<104x128xi32, #tpu.memory_space<vmem>>, vector<16xi32>,
        %add3A_728 = arith.constant 80 : i32
        %add3A_729 = vector.broadcast %add3A_728 : i32 to vector<16xi32>
        %add3A_730 = arith.addi %iota3A, %add3A_729 : vector<16xi32>
        %add3A_731 = arith.constant 0 : i32
        %add3A_732 = vector.broadcast %add3A_731 : i32 to vector<16xi32>
        %add3A_733 = arith.addi %get3A_727, %add3A_732 : vector<16xi32>
        %gather3A_734 = tpu.vector_load_idx %arg10[%add3A_730, %add3A_733] : memref<128x128xf32, #tpu.memory_space<vmem>>[vector<16xi32>, vector<16xi32>], vector<16xf32>,
        %swap3A_735 = arith.constant 0 : i32
        %swap3A_736 = arith.index_cast %swap3A_735 : i32 to index
        %swap3A_737 = arith.constant 80 : index
        %swap3A_738 = tpu.vector_load %arg12[%swap3A_736, %swap3A_737] {strides = array<i32>} : memref<16x128xf32, #tpu.memory_space<vmem>>, vector<16xf32>,
        tpu.vector_store %arg12[%swap3A_736, %swap3A_737], %gather3A_734 {strides = array<i32>} : memref<16x128xf32, #tpu.memory_space<vmem>>, vector<16xf32>,
        %add3A_739 = arith.constant 1 : i32
        %add3A_740 = vector.broadcast %add3A_739 : i32 to vector<16xi32>
        %add3A_741 = arith.addi %get3A_727, %add3A_740 : vector<16xi32>
        %gather3A_742 = tpu.vector_load_idx %arg10[%add3A_730, %add3A_741] : memref<128x128xf32, #tpu.memory_space<vmem>>[vector<16xi32>, vector<16xi32>], vector<16xf32>,
        %swap3A_743 = arith.constant 1 : i32
        %swap3A_744 = arith.index_cast %swap3A_743 : i32 to index
        %swap3A_745 = arith.constant 80 : index
        %swap3A_746 = tpu.vector_load %arg12[%swap3A_744, %swap3A_745] {strides = array<i32>} : memref<16x128xf32, #tpu.memory_space<vmem>>, vector<16xf32>,
        tpu.vector_store %arg12[%swap3A_744, %swap3A_745], %gather3A_742 {strides = array<i32>} : memref<16x128xf32, #tpu.memory_space<vmem>>, vector<16xf32>,
        %add3A_747 = arith.constant 2 : i32
        %add3A_748 = vector.broadcast %add3A_747 : i32 to vector<16xi32>
        %add3A_749 = arith.addi %get3A_727, %add3A_748 : vector<16xi32>
        %gather3A_750 = tpu.vector_load_idx %arg10[%add3A_730, %add3A_749] : memref<128x128xf32, #tpu.memory_space<vmem>>[vector<16xi32>, vector<16xi32>], vector<16xf32>,
        %swap3A_751 = arith.constant 2 : i32
        %swap3A_752 = arith.index_cast %swap3A_751 : i32 to index
        %swap3A_753 = arith.constant 80 : index
        %swap3A_754 = tpu.vector_load %arg12[%swap3A_752, %swap3A_753] {strides = array<i32>} : memref<16x128xf32, #tpu.memory_space<vmem>>, vector<16xf32>,
        tpu.vector_store %arg12[%swap3A_752, %swap3A_753], %gather3A_750 {strides = array<i32>} : memref<16x128xf32, #tpu.memory_space<vmem>>, vector<16xf32>,
        %add3A_755 = arith.constant 3 : i32
        %add3A_756 = vector.broadcast %add3A_755 : i32 to vector<16xi32>
        %add3A_757 = arith.addi %get3A_727, %add3A_756 : vector<16xi32>
        %gather3A_758 = tpu.vector_load_idx %arg10[%add3A_730, %add3A_757] : memref<128x128xf32, #tpu.memory_space<vmem>>[vector<16xi32>, vector<16xi32>], vector<16xf32>,
        %swap3A_759 = arith.constant 3 : i32
        %swap3A_760 = arith.index_cast %swap3A_759 : i32 to index
        %swap3A_761 = arith.constant 80 : index
        %swap3A_762 = tpu.vector_load %arg12[%swap3A_760, %swap3A_761] {strides = array<i32>} : memref<16x128xf32, #tpu.memory_space<vmem>>, vector<16xf32>,
        tpu.vector_store %arg12[%swap3A_760, %swap3A_761], %gather3A_758 {strides = array<i32>} : memref<16x128xf32, #tpu.memory_space<vmem>>, vector<16xf32>,
        %add3A_763 = arith.constant 4 : i32
        %add3A_764 = vector.broadcast %add3A_763 : i32 to vector<16xi32>
        %add3A_765 = arith.addi %get3A_727, %add3A_764 : vector<16xi32>
        %gather3A_766 = tpu.vector_load_idx %arg10[%add3A_730, %add3A_765] : memref<128x128xf32, #tpu.memory_space<vmem>>[vector<16xi32>, vector<16xi32>], vector<16xf32>,
        %swap3A_767 = arith.constant 4 : i32
        %swap3A_768 = arith.index_cast %swap3A_767 : i32 to index
        %swap3A_769 = arith.constant 80 : index
        %swap3A_770 = tpu.vector_load %arg12[%swap3A_768, %swap3A_769] {strides = array<i32>} : memref<16x128xf32, #tpu.memory_space<vmem>>, vector<16xf32>,
        tpu.vector_store %arg12[%swap3A_768, %swap3A_769], %gather3A_766 {strides = array<i32>} : memref<16x128xf32, #tpu.memory_space<vmem>>, vector<16xf32>,
        %add3A_771 = arith.constant 5 : i32
        %add3A_772 = vector.broadcast %add3A_771 : i32 to vector<16xi32>
        %add3A_773 = arith.addi %get3A_727, %add3A_772 : vector<16xi32>
        %gather3A_774 = tpu.vector_load_idx %arg10[%add3A_730, %add3A_773] : memref<128x128xf32, #tpu.memory_space<vmem>>[vector<16xi32>, vector<16xi32>], vector<16xf32>,
        %swap3A_775 = arith.constant 5 : i32
        %swap3A_776 = arith.index_cast %swap3A_775 : i32 to index
        %swap3A_777 = arith.constant 80 : index
        %swap3A_778 = tpu.vector_load %arg12[%swap3A_776, %swap3A_777] {strides = array<i32>} : memref<16x128xf32, #tpu.memory_space<vmem>>, vector<16xf32>,
        tpu.vector_store %arg12[%swap3A_776, %swap3A_777], %gather3A_774 {strides = array<i32>} : memref<16x128xf32, #tpu.memory_space<vmem>>, vector<16xf32>,
        %add3A_779 = arith.constant 6 : i32
        %add3A_780 = vector.broadcast %add3A_779 : i32 to vector<16xi32>
        %add3A_781 = arith.addi %get3A_727, %add3A_780 : vector<16xi32>
        %gather3A_782 = tpu.vector_load_idx %arg10[%add3A_730, %add3A_781] : memref<128x128xf32, #tpu.memory_space<vmem>>[vector<16xi32>, vector<16xi32>], vector<16xf32>,
        %swap3A_783 = arith.constant 6 : i32
        %swap3A_784 = arith.index_cast %swap3A_783 : i32 to index
        %swap3A_785 = arith.constant 80 : index
        %swap3A_786 = tpu.vector_load %arg12[%swap3A_784, %swap3A_785] {strides = array<i32>} : memref<16x128xf32, #tpu.memory_space<vmem>>, vector<16xf32>,
        tpu.vector_store %arg12[%swap3A_784, %swap3A_785], %gather3A_782 {strides = array<i32>} : memref<16x128xf32, #tpu.memory_space<vmem>>, vector<16xf32>,
        %add3A_787 = arith.constant 7 : i32
        %add3A_788 = vector.broadcast %add3A_787 : i32 to vector<16xi32>
        %add3A_789 = arith.addi %get3A_727, %add3A_788 : vector<16xi32>
        %gather3A_790 = tpu.vector_load_idx %arg10[%add3A_730, %add3A_789] : memref<128x128xf32, #tpu.memory_space<vmem>>[vector<16xi32>, vector<16xi32>], vector<16xf32>,
        %swap3A_791 = arith.constant 7 : i32
        %swap3A_792 = arith.index_cast %swap3A_791 : i32 to index
        %swap3A_793 = arith.constant 80 : index
        %swap3A_794 = tpu.vector_load %arg12[%swap3A_792, %swap3A_793] {strides = array<i32>} : memref<16x128xf32, #tpu.memory_space<vmem>>, vector<16xf32>,
        tpu.vector_store %arg12[%swap3A_792, %swap3A_793], %gather3A_790 {strides = array<i32>} : memref<16x128xf32, #tpu.memory_space<vmem>>, vector<16xf32>,
        %add3A_795 = arith.constant 8 : i32
        %add3A_796 = vector.broadcast %add3A_795 : i32 to vector<16xi32>
        %add3A_797 = arith.addi %get3A_727, %add3A_796 : vector<16xi32>
        %gather3A_798 = tpu.vector_load_idx %arg10[%add3A_730, %add3A_797] : memref<128x128xf32, #tpu.memory_space<vmem>>[vector<16xi32>, vector<16xi32>], vector<16xf32>,
        %swap3A_799 = arith.constant 8 : i32
        %swap3A_800 = arith.index_cast %swap3A_799 : i32 to index
        %swap3A_801 = arith.constant 80 : index
        %swap3A_802 = tpu.vector_load %arg12[%swap3A_800, %swap3A_801] {strides = array<i32>} : memref<16x128xf32, #tpu.memory_space<vmem>>, vector<16xf32>,
        tpu.vector_store %arg12[%swap3A_800, %swap3A_801], %gather3A_798 {strides = array<i32>} : memref<16x128xf32, #tpu.memory_space<vmem>>, vector<16xf32>,
        %add3A_803 = arith.constant 9 : i32
        %add3A_804 = vector.broadcast %add3A_803 : i32 to vector<16xi32>
        %add3A_805 = arith.addi %get3A_727, %add3A_804 : vector<16xi32>
        %gather3A_806 = tpu.vector_load_idx %arg10[%add3A_730, %add3A_805] : memref<128x128xf32, #tpu.memory_space<vmem>>[vector<16xi32>, vector<16xi32>], vector<16xf32>,
        %swap3A_807 = arith.constant 9 : i32
        %swap3A_808 = arith.index_cast %swap3A_807 : i32 to index
        %swap3A_809 = arith.constant 80 : index
        %swap3A_810 = tpu.vector_load %arg12[%swap3A_808, %swap3A_809] {strides = array<i32>} : memref<16x128xf32, #tpu.memory_space<vmem>>, vector<16xf32>,
        tpu.vector_store %arg12[%swap3A_808, %swap3A_809], %gather3A_806 {strides = array<i32>} : memref<16x128xf32, #tpu.memory_space<vmem>>, vector<16xf32>,
        %add3A_811 = arith.constant 10 : i32
        %add3A_812 = vector.broadcast %add3A_811 : i32 to vector<16xi32>
        %add3A_813 = arith.addi %get3A_727, %add3A_812 : vector<16xi32>
        %gather3A_814 = tpu.vector_load_idx %arg10[%add3A_730, %add3A_813] : memref<128x128xf32, #tpu.memory_space<vmem>>[vector<16xi32>, vector<16xi32>], vector<16xf32>,
        %swap3A_815 = arith.constant 10 : i32
        %swap3A_816 = arith.index_cast %swap3A_815 : i32 to index
        %swap3A_817 = arith.constant 80 : index
        %swap3A_818 = tpu.vector_load %arg12[%swap3A_816, %swap3A_817] {strides = array<i32>} : memref<16x128xf32, #tpu.memory_space<vmem>>, vector<16xf32>,
        tpu.vector_store %arg12[%swap3A_816, %swap3A_817], %gather3A_814 {strides = array<i32>} : memref<16x128xf32, #tpu.memory_space<vmem>>, vector<16xf32>,
        %add3A_819 = arith.constant 11 : i32
        %add3A_820 = vector.broadcast %add3A_819 : i32 to vector<16xi32>
        %add3A_821 = arith.addi %get3A_727, %add3A_820 : vector<16xi32>
        %gather3A_822 = tpu.vector_load_idx %arg10[%add3A_730, %add3A_821] : memref<128x128xf32, #tpu.memory_space<vmem>>[vector<16xi32>, vector<16xi32>], vector<16xf32>,
        %swap3A_823 = arith.constant 11 : i32
        %swap3A_824 = arith.index_cast %swap3A_823 : i32 to index
        %swap3A_825 = arith.constant 80 : index
        %swap3A_826 = tpu.vector_load %arg12[%swap3A_824, %swap3A_825] {strides = array<i32>} : memref<16x128xf32, #tpu.memory_space<vmem>>, vector<16xf32>,
        tpu.vector_store %arg12[%swap3A_824, %swap3A_825], %gather3A_822 {strides = array<i32>} : memref<16x128xf32, #tpu.memory_space<vmem>>, vector<16xf32>,
        %add3A_827 = arith.constant 12 : i32
        %add3A_828 = vector.broadcast %add3A_827 : i32 to vector<16xi32>
        %add3A_829 = arith.addi %get3A_727, %add3A_828 : vector<16xi32>
        %gather3A_830 = tpu.vector_load_idx %arg10[%add3A_730, %add3A_829] : memref<128x128xf32, #tpu.memory_space<vmem>>[vector<16xi32>, vector<16xi32>], vector<16xf32>,
        %swap3A_831 = arith.constant 12 : i32
        %swap3A_832 = arith.index_cast %swap3A_831 : i32 to index
        %swap3A_833 = arith.constant 80 : index
        %swap3A_834 = tpu.vector_load %arg12[%swap3A_832, %swap3A_833] {strides = array<i32>} : memref<16x128xf32, #tpu.memory_space<vmem>>, vector<16xf32>,
        tpu.vector_store %arg12[%swap3A_832, %swap3A_833], %gather3A_830 {strides = array<i32>} : memref<16x128xf32, #tpu.memory_space<vmem>>, vector<16xf32>,
        %add3A_835 = arith.constant 13 : i32
        %add3A_836 = vector.broadcast %add3A_835 : i32 to vector<16xi32>
        %add3A_837 = arith.addi %get3A_727, %add3A_836 : vector<16xi32>
        %gather3A_838 = tpu.vector_load_idx %arg10[%add3A_730, %add3A_837] : memref<128x128xf32, #tpu.memory_space<vmem>>[vector<16xi32>, vector<16xi32>], vector<16xf32>,
        %swap3A_839 = arith.constant 13 : i32
        %swap3A_840 = arith.index_cast %swap3A_839 : i32 to index
        %swap3A_841 = arith.constant 80 : index
        %swap3A_842 = tpu.vector_load %arg12[%swap3A_840, %swap3A_841] {strides = array<i32>} : memref<16x128xf32, #tpu.memory_space<vmem>>, vector<16xf32>,
        tpu.vector_store %arg12[%swap3A_840, %swap3A_841], %gather3A_838 {strides = array<i32>} : memref<16x128xf32, #tpu.memory_space<vmem>>, vector<16xf32>,
        %add3A_843 = arith.constant 14 : i32
        %add3A_844 = vector.broadcast %add3A_843 : i32 to vector<16xi32>
        %add3A_845 = arith.addi %get3A_727, %add3A_844 : vector<16xi32>
        %gather3A_846 = tpu.vector_load_idx %arg10[%add3A_730, %add3A_845] : memref<128x128xf32, #tpu.memory_space<vmem>>[vector<16xi32>, vector<16xi32>], vector<16xf32>,
        %swap3A_847 = arith.constant 14 : i32
        %swap3A_848 = arith.index_cast %swap3A_847 : i32 to index
        %swap3A_849 = arith.constant 80 : index
        %swap3A_850 = tpu.vector_load %arg12[%swap3A_848, %swap3A_849] {strides = array<i32>} : memref<16x128xf32, #tpu.memory_space<vmem>>, vector<16xf32>,
        tpu.vector_store %arg12[%swap3A_848, %swap3A_849], %gather3A_846 {strides = array<i32>} : memref<16x128xf32, #tpu.memory_space<vmem>>, vector<16xf32>,
        %add3A_851 = arith.constant 15 : i32
        %add3A_852 = vector.broadcast %add3A_851 : i32 to vector<16xi32>
        %add3A_853 = arith.addi %get3A_727, %add3A_852 : vector<16xi32>
        %gather3A_854 = tpu.vector_load_idx %arg10[%add3A_730, %add3A_853] : memref<128x128xf32, #tpu.memory_space<vmem>>[vector<16xi32>, vector<16xi32>], vector<16xf32>,
        %swap3A_855 = arith.constant 15 : i32
        %swap3A_856 = arith.index_cast %swap3A_855 : i32 to index
        %swap3A_857 = arith.constant 80 : index
        %swap3A_858 = tpu.vector_load %arg12[%swap3A_856, %swap3A_857] {strides = array<i32>} : memref<16x128xf32, #tpu.memory_space<vmem>>, vector<16xf32>,
        tpu.vector_store %arg12[%swap3A_856, %swap3A_857], %gather3A_854 {strides = array<i32>} : memref<16x128xf32, #tpu.memory_space<vmem>>, vector<16xf32>,
        %get3A_859 = arith.index_cast %scan3A_31 : i32 to index
        %get3A_860 = arith.constant 96 : index
        %get3A_861 = tpu.vector_load %arg7[%get3A_859, %get3A_860] {strides = array<i32>} : memref<104x128xi32, #tpu.memory_space<vmem>>, vector<16xi32>,
        %add3A_862 = arith.constant 96 : i32
        %add3A_863 = vector.broadcast %add3A_862 : i32 to vector<16xi32>
        %add3A_864 = arith.addi %iota3A, %add3A_863 : vector<16xi32>
        %add3A_865 = arith.constant 0 : i32
        %add3A_866 = vector.broadcast %add3A_865 : i32 to vector<16xi32>
        %add3A_867 = arith.addi %get3A_861, %add3A_866 : vector<16xi32>
        %gather3A_868 = tpu.vector_load_idx %arg10[%add3A_864, %add3A_867] : memref<128x128xf32, #tpu.memory_space<vmem>>[vector<16xi32>, vector<16xi32>], vector<16xf32>,
        %swap3A_869 = arith.constant 0 : i32
        %swap3A_870 = arith.index_cast %swap3A_869 : i32 to index
        %swap3A_871 = arith.constant 96 : index
        %swap3A_872 = tpu.vector_load %arg12[%swap3A_870, %swap3A_871] {strides = array<i32>} : memref<16x128xf32, #tpu.memory_space<vmem>>, vector<16xf32>,
        tpu.vector_store %arg12[%swap3A_870, %swap3A_871], %gather3A_868 {strides = array<i32>} : memref<16x128xf32, #tpu.memory_space<vmem>>, vector<16xf32>,
        %add3A_873 = arith.constant 1 : i32
        %add3A_874 = vector.broadcast %add3A_873 : i32 to vector<16xi32>
        %add3A_875 = arith.addi %get3A_861, %add3A_874 : vector<16xi32>
        %gather3A_876 = tpu.vector_load_idx %arg10[%add3A_864, %add3A_875] : memref<128x128xf32, #tpu.memory_space<vmem>>[vector<16xi32>, vector<16xi32>], vector<16xf32>,
        %swap3A_877 = arith.constant 1 : i32
        %swap3A_878 = arith.index_cast %swap3A_877 : i32 to index
        %swap3A_879 = arith.constant 96 : index
        %swap3A_880 = tpu.vector_load %arg12[%swap3A_878, %swap3A_879] {strides = array<i32>} : memref<16x128xf32, #tpu.memory_space<vmem>>, vector<16xf32>,
        tpu.vector_store %arg12[%swap3A_878, %swap3A_879], %gather3A_876 {strides = array<i32>} : memref<16x128xf32, #tpu.memory_space<vmem>>, vector<16xf32>,
        %add3A_881 = arith.constant 2 : i32
        %add3A_882 = vector.broadcast %add3A_881 : i32 to vector<16xi32>
        %add3A_883 = arith.addi %get3A_861, %add3A_882 : vector<16xi32>
        %gather3A_884 = tpu.vector_load_idx %arg10[%add3A_864, %add3A_883] : memref<128x128xf32, #tpu.memory_space<vmem>>[vector<16xi32>, vector<16xi32>], vector<16xf32>,
        %swap3A_885 = arith.constant 2 : i32
        %swap3A_886 = arith.index_cast %swap3A_885 : i32 to index
        %swap3A_887 = arith.constant 96 : index
        %swap3A_888 = tpu.vector_load %arg12[%swap3A_886, %swap3A_887] {strides = array<i32>} : memref<16x128xf32, #tpu.memory_space<vmem>>, vector<16xf32>,
        tpu.vector_store %arg12[%swap3A_886, %swap3A_887], %gather3A_884 {strides = array<i32>} : memref<16x128xf32, #tpu.memory_space<vmem>>, vector<16xf32>,
        %add3A_889 = arith.constant 3 : i32
        %add3A_890 = vector.broadcast %add3A_889 : i32 to vector<16xi32>
        %add3A_891 = arith.addi %get3A_861, %add3A_890 : vector<16xi32>
        %gather3A_892 = tpu.vector_load_idx %arg10[%add3A_864, %add3A_891] : memref<128x128xf32, #tpu.memory_space<vmem>>[vector<16xi32>, vector<16xi32>], vector<16xf32>,
        %swap3A_893 = arith.constant 3 : i32
        %swap3A_894 = arith.index_cast %swap3A_893 : i32 to index
        %swap3A_895 = arith.constant 96 : index
        %swap3A_896 = tpu.vector_load %arg12[%swap3A_894, %swap3A_895] {strides = array<i32>} : memref<16x128xf32, #tpu.memory_space<vmem>>, vector<16xf32>,
        tpu.vector_store %arg12[%swap3A_894, %swap3A_895], %gather3A_892 {strides = array<i32>} : memref<16x128xf32, #tpu.memory_space<vmem>>, vector<16xf32>,
        %add3A_897 = arith.constant 4 : i32
        %add3A_898 = vector.broadcast %add3A_897 : i32 to vector<16xi32>
        %add3A_899 = arith.addi %get3A_861, %add3A_898 : vector<16xi32>
        %gather3A_900 = tpu.vector_load_idx %arg10[%add3A_864, %add3A_899] : memref<128x128xf32, #tpu.memory_space<vmem>>[vector<16xi32>, vector<16xi32>], vector<16xf32>,
        %swap3A_901 = arith.constant 4 : i32
        %swap3A_902 = arith.index_cast %swap3A_901 : i32 to index
        %swap3A_903 = arith.constant 96 : index
        %swap3A_904 = tpu.vector_load %arg12[%swap3A_902, %swap3A_903] {strides = array<i32>} : memref<16x128xf32, #tpu.memory_space<vmem>>, vector<16xf32>,
        tpu.vector_store %arg12[%swap3A_902, %swap3A_903], %gather3A_900 {strides = array<i32>} : memref<16x128xf32, #tpu.memory_space<vmem>>, vector<16xf32>,
        %add3A_905 = arith.constant 5 : i32
        %add3A_906 = vector.broadcast %add3A_905 : i32 to vector<16xi32>
        %add3A_907 = arith.addi %get3A_861, %add3A_906 : vector<16xi32>
        %gather3A_908 = tpu.vector_load_idx %arg10[%add3A_864, %add3A_907] : memref<128x128xf32, #tpu.memory_space<vmem>>[vector<16xi32>, vector<16xi32>], vector<16xf32>,
        %swap3A_909 = arith.constant 5 : i32
        %swap3A_910 = arith.index_cast %swap3A_909 : i32 to index
        %swap3A_911 = arith.constant 96 : index
        %swap3A_912 = tpu.vector_load %arg12[%swap3A_910, %swap3A_911] {strides = array<i32>} : memref<16x128xf32, #tpu.memory_space<vmem>>, vector<16xf32>,
        tpu.vector_store %arg12[%swap3A_910, %swap3A_911], %gather3A_908 {strides = array<i32>} : memref<16x128xf32, #tpu.memory_space<vmem>>, vector<16xf32>,
        %add3A_913 = arith.constant 6 : i32
        %add3A_914 = vector.broadcast %add3A_913 : i32 to vector<16xi32>
        %add3A_915 = arith.addi %get3A_861, %add3A_914 : vector<16xi32>
        %gather3A_916 = tpu.vector_load_idx %arg10[%add3A_864, %add3A_915] : memref<128x128xf32, #tpu.memory_space<vmem>>[vector<16xi32>, vector<16xi32>], vector<16xf32>,
        %swap3A_917 = arith.constant 6 : i32
        %swap3A_918 = arith.index_cast %swap3A_917 : i32 to index
        %swap3A_919 = arith.constant 96 : index
        %swap3A_920 = tpu.vector_load %arg12[%swap3A_918, %swap3A_919] {strides = array<i32>} : memref<16x128xf32, #tpu.memory_space<vmem>>, vector<16xf32>,
        tpu.vector_store %arg12[%swap3A_918, %swap3A_919], %gather3A_916 {strides = array<i32>} : memref<16x128xf32, #tpu.memory_space<vmem>>, vector<16xf32>,
        %add3A_921 = arith.constant 7 : i32
        %add3A_922 = vector.broadcast %add3A_921 : i32 to vector<16xi32>
        %add3A_923 = arith.addi %get3A_861, %add3A_922 : vector<16xi32>
        %gather3A_924 = tpu.vector_load_idx %arg10[%add3A_864, %add3A_923] : memref<128x128xf32, #tpu.memory_space<vmem>>[vector<16xi32>, vector<16xi32>], vector<16xf32>,
        %swap3A_925 = arith.constant 7 : i32
        %swap3A_926 = arith.index_cast %swap3A_925 : i32 to index
        %swap3A_927 = arith.constant 96 : index
        %swap3A_928 = tpu.vector_load %arg12[%swap3A_926, %swap3A_927] {strides = array<i32>} : memref<16x128xf32, #tpu.memory_space<vmem>>, vector<16xf32>,
        tpu.vector_store %arg12[%swap3A_926, %swap3A_927], %gather3A_924 {strides = array<i32>} : memref<16x128xf32, #tpu.memory_space<vmem>>, vector<16xf32>,
        %add3A_929 = arith.constant 8 : i32
        %add3A_930 = vector.broadcast %add3A_929 : i32 to vector<16xi32>
        %add3A_931 = arith.addi %get3A_861, %add3A_930 : vector<16xi32>
        %gather3A_932 = tpu.vector_load_idx %arg10[%add3A_864, %add3A_931] : memref<128x128xf32, #tpu.memory_space<vmem>>[vector<16xi32>, vector<16xi32>], vector<16xf32>,
        %swap3A_933 = arith.constant 8 : i32
        %swap3A_934 = arith.index_cast %swap3A_933 : i32 to index
        %swap3A_935 = arith.constant 96 : index
        %swap3A_936 = tpu.vector_load %arg12[%swap3A_934, %swap3A_935] {strides = array<i32>} : memref<16x128xf32, #tpu.memory_space<vmem>>, vector<16xf32>,
        tpu.vector_store %arg12[%swap3A_934, %swap3A_935], %gather3A_932 {strides = array<i32>} : memref<16x128xf32, #tpu.memory_space<vmem>>, vector<16xf32>,
        %add3A_937 = arith.constant 9 : i32
        %add3A_938 = vector.broadcast %add3A_937 : i32 to vector<16xi32>
        %add3A_939 = arith.addi %get3A_861, %add3A_938 : vector<16xi32>
        %gather3A_940 = tpu.vector_load_idx %arg10[%add3A_864, %add3A_939] : memref<128x128xf32, #tpu.memory_space<vmem>>[vector<16xi32>, vector<16xi32>], vector<16xf32>,
        %swap3A_941 = arith.constant 9 : i32
        %swap3A_942 = arith.index_cast %swap3A_941 : i32 to index
        %swap3A_943 = arith.constant 96 : index
        %swap3A_944 = tpu.vector_load %arg12[%swap3A_942, %swap3A_943] {strides = array<i32>} : memref<16x128xf32, #tpu.memory_space<vmem>>, vector<16xf32>,
        tpu.vector_store %arg12[%swap3A_942, %swap3A_943], %gather3A_940 {strides = array<i32>} : memref<16x128xf32, #tpu.memory_space<vmem>>, vector<16xf32>,
        %add3A_945 = arith.constant 10 : i32
        %add3A_946 = vector.broadcast %add3A_945 : i32 to vector<16xi32>
        %add3A_947 = arith.addi %get3A_861, %add3A_946 : vector<16xi32>
        %gather3A_948 = tpu.vector_load_idx %arg10[%add3A_864, %add3A_947] : memref<128x128xf32, #tpu.memory_space<vmem>>[vector<16xi32>, vector<16xi32>], vector<16xf32>,
        %swap3A_949 = arith.constant 10 : i32
        %swap3A_950 = arith.index_cast %swap3A_949 : i32 to index
        %swap3A_951 = arith.constant 96 : index
        %swap3A_952 = tpu.vector_load %arg12[%swap3A_950, %swap3A_951] {strides = array<i32>} : memref<16x128xf32, #tpu.memory_space<vmem>>, vector<16xf32>,
        tpu.vector_store %arg12[%swap3A_950, %swap3A_951], %gather3A_948 {strides = array<i32>} : memref<16x128xf32, #tpu.memory_space<vmem>>, vector<16xf32>,
        %add3A_953 = arith.constant 11 : i32
        %add3A_954 = vector.broadcast %add3A_953 : i32 to vector<16xi32>
        %add3A_955 = arith.addi %get3A_861, %add3A_954 : vector<16xi32>
        %gather3A_956 = tpu.vector_load_idx %arg10[%add3A_864, %add3A_955] : memref<128x128xf32, #tpu.memory_space<vmem>>[vector<16xi32>, vector<16xi32>], vector<16xf32>,
        %swap3A_957 = arith.constant 11 : i32
        %swap3A_958 = arith.index_cast %swap3A_957 : i32 to index
        %swap3A_959 = arith.constant 96 : index
        %swap3A_960 = tpu.vector_load %arg12[%swap3A_958, %swap3A_959] {strides = array<i32>} : memref<16x128xf32, #tpu.memory_space<vmem>>, vector<16xf32>,
        tpu.vector_store %arg12[%swap3A_958, %swap3A_959], %gather3A_956 {strides = array<i32>} : memref<16x128xf32, #tpu.memory_space<vmem>>, vector<16xf32>,
        %add3A_961 = arith.constant 12 : i32
        %add3A_962 = vector.broadcast %add3A_961 : i32 to vector<16xi32>
        %add3A_963 = arith.addi %get3A_861, %add3A_962 : vector<16xi32>
        %gather3A_964 = tpu.vector_load_idx %arg10[%add3A_864, %add3A_963] : memref<128x128xf32, #tpu.memory_space<vmem>>[vector<16xi32>, vector<16xi32>], vector<16xf32>,
        %swap3A_965 = arith.constant 12 : i32
        %swap3A_966 = arith.index_cast %swap3A_965 : i32 to index
        %swap3A_967 = arith.constant 96 : index
        %swap3A_968 = tpu.vector_load %arg12[%swap3A_966, %swap3A_967] {strides = array<i32>} : memref<16x128xf32, #tpu.memory_space<vmem>>, vector<16xf32>,
        tpu.vector_store %arg12[%swap3A_966, %swap3A_967], %gather3A_964 {strides = array<i32>} : memref<16x128xf32, #tpu.memory_space<vmem>>, vector<16xf32>,
        %add3A_969 = arith.constant 13 : i32
        %add3A_970 = vector.broadcast %add3A_969 : i32 to vector<16xi32>
        %add3A_971 = arith.addi %get3A_861, %add3A_970 : vector<16xi32>
        %gather3A_972 = tpu.vector_load_idx %arg10[%add3A_864, %add3A_971] : memref<128x128xf32, #tpu.memory_space<vmem>>[vector<16xi32>, vector<16xi32>], vector<16xf32>,
        %swap3A_973 = arith.constant 13 : i32
        %swap3A_974 = arith.index_cast %swap3A_973 : i32 to index
        %swap3A_975 = arith.constant 96 : index
        %swap3A_976 = tpu.vector_load %arg12[%swap3A_974, %swap3A_975] {strides = array<i32>} : memref<16x128xf32, #tpu.memory_space<vmem>>, vector<16xf32>,
        tpu.vector_store %arg12[%swap3A_974, %swap3A_975], %gather3A_972 {strides = array<i32>} : memref<16x128xf32, #tpu.memory_space<vmem>>, vector<16xf32>,
        %add3A_977 = arith.constant 14 : i32
        %add3A_978 = vector.broadcast %add3A_977 : i32 to vector<16xi32>
        %add3A_979 = arith.addi %get3A_861, %add3A_978 : vector<16xi32>
        %gather3A_980 = tpu.vector_load_idx %arg10[%add3A_864, %add3A_979] : memref<128x128xf32, #tpu.memory_space<vmem>>[vector<16xi32>, vector<16xi32>], vector<16xf32>,
        %swap3A_981 = arith.constant 14 : i32
        %swap3A_982 = arith.index_cast %swap3A_981 : i32 to index
        %swap3A_983 = arith.constant 96 : index
        %swap3A_984 = tpu.vector_load %arg12[%swap3A_982, %swap3A_983] {strides = array<i32>} : memref<16x128xf32, #tpu.memory_space<vmem>>, vector<16xf32>,
        tpu.vector_store %arg12[%swap3A_982, %swap3A_983], %gather3A_980 {strides = array<i32>} : memref<16x128xf32, #tpu.memory_space<vmem>>, vector<16xf32>,
        %add3A_985 = arith.constant 15 : i32
        %add3A_986 = vector.broadcast %add3A_985 : i32 to vector<16xi32>
        %add3A_987 = arith.addi %get3A_861, %add3A_986 : vector<16xi32>
        %gather3A_988 = tpu.vector_load_idx %arg10[%add3A_864, %add3A_987] : memref<128x128xf32, #tpu.memory_space<vmem>>[vector<16xi32>, vector<16xi32>], vector<16xf32>,
        %swap3A_989 = arith.constant 15 : i32
        %swap3A_990 = arith.index_cast %swap3A_989 : i32 to index
        %swap3A_991 = arith.constant 96 : index
        %swap3A_992 = tpu.vector_load %arg12[%swap3A_990, %swap3A_991] {strides = array<i32>} : memref<16x128xf32, #tpu.memory_space<vmem>>, vector<16xf32>,
        tpu.vector_store %arg12[%swap3A_990, %swap3A_991], %gather3A_988 {strides = array<i32>} : memref<16x128xf32, #tpu.memory_space<vmem>>, vector<16xf32>,
        %get3A_993 = arith.index_cast %scan3A_31 : i32 to index
        %get3A_994 = arith.constant 112 : index
        %get3A_995 = tpu.vector_load %arg7[%get3A_993, %get3A_994] {strides = array<i32>} : memref<104x128xi32, #tpu.memory_space<vmem>>, vector<16xi32>,
        %add3A_996 = arith.constant 112 : i32
        %add3A_997 = vector.broadcast %add3A_996 : i32 to vector<16xi32>
        %add3A_998 = arith.addi %iota3A, %add3A_997 : vector<16xi32>
        %add3A_999 = arith.constant 0 : i32
        %add3A_1000 = vector.broadcast %add3A_999 : i32 to vector<16xi32>
        %add3A_1001 = arith.addi %get3A_995, %add3A_1000 : vector<16xi32>
        %gather3A_1002 = tpu.vector_load_idx %arg10[%add3A_998, %add3A_1001] : memref<128x128xf32, #tpu.memory_space<vmem>>[vector<16xi32>, vector<16xi32>], vector<16xf32>,
        %swap3A_1003 = arith.constant 0 : i32
        %swap3A_1004 = arith.index_cast %swap3A_1003 : i32 to index
        %swap3A_1005 = arith.constant 112 : index
        %swap3A_1006 = tpu.vector_load %arg12[%swap3A_1004, %swap3A_1005] {strides = array<i32>} : memref<16x128xf32, #tpu.memory_space<vmem>>, vector<16xf32>,
        tpu.vector_store %arg12[%swap3A_1004, %swap3A_1005], %gather3A_1002 {strides = array<i32>} : memref<16x128xf32, #tpu.memory_space<vmem>>, vector<16xf32>,
        %add3A_1007 = arith.constant 1 : i32
        %add3A_1008 = vector.broadcast %add3A_1007 : i32 to vector<16xi32>
        %add3A_1009 = arith.addi %get3A_995, %add3A_1008 : vector<16xi32>
        %gather3A_1010 = tpu.vector_load_idx %arg10[%add3A_998, %add3A_1009] : memref<128x128xf32, #tpu.memory_space<vmem>>[vector<16xi32>, vector<16xi32>], vector<16xf32>,
        %swap3A_1011 = arith.constant 1 : i32
        %swap3A_1012 = arith.index_cast %swap3A_1011 : i32 to index
        %swap3A_1013 = arith.constant 112 : index
        %swap3A_1014 = tpu.vector_load %arg12[%swap3A_1012, %swap3A_1013] {strides = array<i32>} : memref<16x128xf32, #tpu.memory_space<vmem>>, vector<16xf32>,
        tpu.vector_store %arg12[%swap3A_1012, %swap3A_1013], %gather3A_1010 {strides = array<i32>} : memref<16x128xf32, #tpu.memory_space<vmem>>, vector<16xf32>,
        %add3A_1015 = arith.constant 2 : i32
        %add3A_1016 = vector.broadcast %add3A_1015 : i32 to vector<16xi32>
        %add3A_1017 = arith.addi %get3A_995, %add3A_1016 : vector<16xi32>
        %gather3A_1018 = tpu.vector_load_idx %arg10[%add3A_998, %add3A_1017] : memref<128x128xf32, #tpu.memory_space<vmem>>[vector<16xi32>, vector<16xi32>], vector<16xf32>,
        %swap3A_1019 = arith.constant 2 : i32
        %swap3A_1020 = arith.index_cast %swap3A_1019 : i32 to index
        %swap3A_1021 = arith.constant 112 : index
        %swap3A_1022 = tpu.vector_load %arg12[%swap3A_1020, %swap3A_1021] {strides = array<i32>} : memref<16x128xf32, #tpu.memory_space<vmem>>, vector<16xf32>,
        tpu.vector_store %arg12[%swap3A_1020, %swap3A_1021], %gather3A_1018 {strides = array<i32>} : memref<16x128xf32, #tpu.memory_space<vmem>>, vector<16xf32>,
        %add3A_1023 = arith.constant 3 : i32
        %add3A_1024 = vector.broadcast %add3A_1023 : i32 to vector<16xi32>
        %add3A_1025 = arith.addi %get3A_995, %add3A_1024 : vector<16xi32>
        %gather3A_1026 = tpu.vector_load_idx %arg10[%add3A_998, %add3A_1025] : memref<128x128xf32, #tpu.memory_space<vmem>>[vector<16xi32>, vector<16xi32>], vector<16xf32>,
        %swap3A_1027 = arith.constant 3 : i32
        %swap3A_1028 = arith.index_cast %swap3A_1027 : i32 to index
        %swap3A_1029 = arith.constant 112 : index
        %swap3A_1030 = tpu.vector_load %arg12[%swap3A_1028, %swap3A_1029] {strides = array<i32>} : memref<16x128xf32, #tpu.memory_space<vmem>>, vector<16xf32>,
        tpu.vector_store %arg12[%swap3A_1028, %swap3A_1029], %gather3A_1026 {strides = array<i32>} : memref<16x128xf32, #tpu.memory_space<vmem>>, vector<16xf32>,
        %add3A_1031 = arith.constant 4 : i32
        %add3A_1032 = vector.broadcast %add3A_1031 : i32 to vector<16xi32>
        %add3A_1033 = arith.addi %get3A_995, %add3A_1032 : vector<16xi32>
        %gather3A_1034 = tpu.vector_load_idx %arg10[%add3A_998, %add3A_1033] : memref<128x128xf32, #tpu.memory_space<vmem>>[vector<16xi32>, vector<16xi32>], vector<16xf32>,
        %swap3A_1035 = arith.constant 4 : i32
        %swap3A_1036 = arith.index_cast %swap3A_1035 : i32 to index
        %swap3A_1037 = arith.constant 112 : index
        %swap3A_1038 = tpu.vector_load %arg12[%swap3A_1036, %swap3A_1037] {strides = array<i32>} : memref<16x128xf32, #tpu.memory_space<vmem>>, vector<16xf32>,
        tpu.vector_store %arg12[%swap3A_1036, %swap3A_1037], %gather3A_1034 {strides = array<i32>} : memref<16x128xf32, #tpu.memory_space<vmem>>, vector<16xf32>,
        %add3A_1039 = arith.constant 5 : i32
        %add3A_1040 = vector.broadcast %add3A_1039 : i32 to vector<16xi32>
        %add3A_1041 = arith.addi %get3A_995, %add3A_1040 : vector<16xi32>
        %gather3A_1042 = tpu.vector_load_idx %arg10[%add3A_998, %add3A_1041] : memref<128x128xf32, #tpu.memory_space<vmem>>[vector<16xi32>, vector<16xi32>], vector<16xf32>,
        %swap3A_1043 = arith.constant 5 : i32
        %swap3A_1044 = arith.index_cast %swap3A_1043 : i32 to index
        %swap3A_1045 = arith.constant 112 : index
        %swap3A_1046 = tpu.vector_load %arg12[%swap3A_1044, %swap3A_1045] {strides = array<i32>} : memref<16x128xf32, #tpu.memory_space<vmem>>, vector<16xf32>,
        tpu.vector_store %arg12[%swap3A_1044, %swap3A_1045], %gather3A_1042 {strides = array<i32>} : memref<16x128xf32, #tpu.memory_space<vmem>>, vector<16xf32>,
        %add3A_1047 = arith.constant 6 : i32
        %add3A_1048 = vector.broadcast %add3A_1047 : i32 to vector<16xi32>
        %add3A_1049 = arith.addi %get3A_995, %add3A_1048 : vector<16xi32>
        %gather3A_1050 = tpu.vector_load_idx %arg10[%add3A_998, %add3A_1049] : memref<128x128xf32, #tpu.memory_space<vmem>>[vector<16xi32>, vector<16xi32>], vector<16xf32>,
        %swap3A_1051 = arith.constant 6 : i32
        %swap3A_1052 = arith.index_cast %swap3A_1051 : i32 to index
        %swap3A_1053 = arith.constant 112 : index
        %swap3A_1054 = tpu.vector_load %arg12[%swap3A_1052, %swap3A_1053] {strides = array<i32>} : memref<16x128xf32, #tpu.memory_space<vmem>>, vector<16xf32>,
        tpu.vector_store %arg12[%swap3A_1052, %swap3A_1053], %gather3A_1050 {strides = array<i32>} : memref<16x128xf32, #tpu.memory_space<vmem>>, vector<16xf32>,
        %add3A_1055 = arith.constant 7 : i32
        %add3A_1056 = vector.broadcast %add3A_1055 : i32 to vector<16xi32>
        %add3A_1057 = arith.addi %get3A_995, %add3A_1056 : vector<16xi32>
        %gather3A_1058 = tpu.vector_load_idx %arg10[%add3A_998, %add3A_1057] : memref<128x128xf32, #tpu.memory_space<vmem>>[vector<16xi32>, vector<16xi32>], vector<16xf32>,
        %swap3A_1059 = arith.constant 7 : i32
        %swap3A_1060 = arith.index_cast %swap3A_1059 : i32 to index
        %swap3A_1061 = arith.constant 112 : index
        %swap3A_1062 = tpu.vector_load %arg12[%swap3A_1060, %swap3A_1061] {strides = array<i32>} : memref<16x128xf32, #tpu.memory_space<vmem>>, vector<16xf32>,
        tpu.vector_store %arg12[%swap3A_1060, %swap3A_1061], %gather3A_1058 {strides = array<i32>} : memref<16x128xf32, #tpu.memory_space<vmem>>, vector<16xf32>,
        %add3A_1063 = arith.constant 8 : i32
        %add3A_1064 = vector.broadcast %add3A_1063 : i32 to vector<16xi32>
        %add3A_1065 = arith.addi %get3A_995, %add3A_1064 : vector<16xi32>
        %gather3A_1066 = tpu.vector_load_idx %arg10[%add3A_998, %add3A_1065] : memref<128x128xf32, #tpu.memory_space<vmem>>[vector<16xi32>, vector<16xi32>], vector<16xf32>,
        %swap3A_1067 = arith.constant 8 : i32
        %swap3A_1068 = arith.index_cast %swap3A_1067 : i32 to index
        %swap3A_1069 = arith.constant 112 : index
        %swap3A_1070 = tpu.vector_load %arg12[%swap3A_1068, %swap3A_1069] {strides = array<i32>} : memref<16x128xf32, #tpu.memory_space<vmem>>, vector<16xf32>,
        tpu.vector_store %arg12[%swap3A_1068, %swap3A_1069], %gather3A_1066 {strides = array<i32>} : memref<16x128xf32, #tpu.memory_space<vmem>>, vector<16xf32>,
        %add3A_1071 = arith.constant 9 : i32
        %add3A_1072 = vector.broadcast %add3A_1071 : i32 to vector<16xi32>
        %add3A_1073 = arith.addi %get3A_995, %add3A_1072 : vector<16xi32>
        %gather3A_1074 = tpu.vector_load_idx %arg10[%add3A_998, %add3A_1073] : memref<128x128xf32, #tpu.memory_space<vmem>>[vector<16xi32>, vector<16xi32>], vector<16xf32>,
        %swap3A_1075 = arith.constant 9 : i32
        %swap3A_1076 = arith.index_cast %swap3A_1075 : i32 to index
        %swap3A_1077 = arith.constant 112 : index
        %swap3A_1078 = tpu.vector_load %arg12[%swap3A_1076, %swap3A_1077] {strides = array<i32>} : memref<16x128xf32, #tpu.memory_space<vmem>>, vector<16xf32>,
        tpu.vector_store %arg12[%swap3A_1076, %swap3A_1077], %gather3A_1074 {strides = array<i32>} : memref<16x128xf32, #tpu.memory_space<vmem>>, vector<16xf32>,
        %add3A_1079 = arith.constant 10 : i32
        %add3A_1080 = vector.broadcast %add3A_1079 : i32 to vector<16xi32>
        %add3A_1081 = arith.addi %get3A_995, %add3A_1080 : vector<16xi32>
        %gather3A_1082 = tpu.vector_load_idx %arg10[%add3A_998, %add3A_1081] : memref<128x128xf32, #tpu.memory_space<vmem>>[vector<16xi32>, vector<16xi32>], vector<16xf32>,
        %swap3A_1083 = arith.constant 10 : i32
        %swap3A_1084 = arith.index_cast %swap3A_1083 : i32 to index
        %swap3A_1085 = arith.constant 112 : index
        %swap3A_1086 = tpu.vector_load %arg12[%swap3A_1084, %swap3A_1085] {strides = array<i32>} : memref<16x128xf32, #tpu.memory_space<vmem>>, vector<16xf32>,
        tpu.vector_store %arg12[%swap3A_1084, %swap3A_1085], %gather3A_1082 {strides = array<i32>} : memref<16x128xf32, #tpu.memory_space<vmem>>, vector<16xf32>,
        %add3A_1087 = arith.constant 11 : i32
        %add3A_1088 = vector.broadcast %add3A_1087 : i32 to vector<16xi32>
        %add3A_1089 = arith.addi %get3A_995, %add3A_1088 : vector<16xi32>
        %gather3A_1090 = tpu.vector_load_idx %arg10[%add3A_998, %add3A_1089] : memref<128x128xf32, #tpu.memory_space<vmem>>[vector<16xi32>, vector<16xi32>], vector<16xf32>,
        %swap3A_1091 = arith.constant 11 : i32
        %swap3A_1092 = arith.index_cast %swap3A_1091 : i32 to index
        %swap3A_1093 = arith.constant 112 : index
        %swap3A_1094 = tpu.vector_load %arg12[%swap3A_1092, %swap3A_1093] {strides = array<i32>} : memref<16x128xf32, #tpu.memory_space<vmem>>, vector<16xf32>,
        tpu.vector_store %arg12[%swap3A_1092, %swap3A_1093], %gather3A_1090 {strides = array<i32>} : memref<16x128xf32, #tpu.memory_space<vmem>>, vector<16xf32>,
        %add3A_1095 = arith.constant 12 : i32
        %add3A_1096 = vector.broadcast %add3A_1095 : i32 to vector<16xi32>
        %add3A_1097 = arith.addi %get3A_995, %add3A_1096 : vector<16xi32>
        %gather3A_1098 = tpu.vector_load_idx %arg10[%add3A_998, %add3A_1097] : memref<128x128xf32, #tpu.memory_space<vmem>>[vector<16xi32>, vector<16xi32>], vector<16xf32>,
        %swap3A_1099 = arith.constant 12 : i32
        %swap3A_1100 = arith.index_cast %swap3A_1099 : i32 to index
        %swap3A_1101 = arith.constant 112 : index
        %swap3A_1102 = tpu.vector_load %arg12[%swap3A_1100, %swap3A_1101] {strides = array<i32>} : memref<16x128xf32, #tpu.memory_space<vmem>>, vector<16xf32>,
        tpu.vector_store %arg12[%swap3A_1100, %swap3A_1101], %gather3A_1098 {strides = array<i32>} : memref<16x128xf32, #tpu.memory_space<vmem>>, vector<16xf32>,
        %add3A_1103 = arith.constant 13 : i32
        %add3A_1104 = vector.broadcast %add3A_1103 : i32 to vector<16xi32>
        %add3A_1105 = arith.addi %get3A_995, %add3A_1104 : vector<16xi32>
        %gather3A_1106 = tpu.vector_load_idx %arg10[%add3A_998, %add3A_1105] : memref<128x128xf32, #tpu.memory_space<vmem>>[vector<16xi32>, vector<16xi32>], vector<16xf32>,
        %swap3A_1107 = arith.constant 13 : i32
        %swap3A_1108 = arith.index_cast %swap3A_1107 : i32 to index
        %swap3A_1109 = arith.constant 112 : index
        %swap3A_1110 = tpu.vector_load %arg12[%swap3A_1108, %swap3A_1109] {strides = array<i32>} : memref<16x128xf32, #tpu.memory_space<vmem>>, vector<16xf32>,
        tpu.vector_store %arg12[%swap3A_1108, %swap3A_1109], %gather3A_1106 {strides = array<i32>} : memref<16x128xf32, #tpu.memory_space<vmem>>, vector<16xf32>,
        %add3A_1111 = arith.constant 14 : i32
        %add3A_1112 = vector.broadcast %add3A_1111 : i32 to vector<16xi32>
        %add3A_1113 = arith.addi %get3A_995, %add3A_1112 : vector<16xi32>
        %gather3A_1114 = tpu.vector_load_idx %arg10[%add3A_998, %add3A_1113] : memref<128x128xf32, #tpu.memory_space<vmem>>[vector<16xi32>, vector<16xi32>], vector<16xf32>,
        %swap3A_1115 = arith.constant 14 : i32
        %swap3A_1116 = arith.index_cast %swap3A_1115 : i32 to index
        %swap3A_1117 = arith.constant 112 : index
        %swap3A_1118 = tpu.vector_load %arg12[%swap3A_1116, %swap3A_1117] {strides = array<i32>} : memref<16x128xf32, #tpu.memory_space<vmem>>, vector<16xf32>,
        tpu.vector_store %arg12[%swap3A_1116, %swap3A_1117], %gather3A_1114 {strides = array<i32>} : memref<16x128xf32, #tpu.memory_space<vmem>>, vector<16xf32>,
        %add3A_1119 = arith.constant 15 : i32
        %add3A_1120 = vector.broadcast %add3A_1119 : i32 to vector<16xi32>
        %add3A_1121 = arith.addi %get3A_995, %add3A_1120 : vector<16xi32>
        %gather3A_1122 = tpu.vector_load_idx %arg10[%add3A_998, %add3A_1121] : memref<128x128xf32, #tpu.memory_space<vmem>>[vector<16xi32>, vector<16xi32>], vector<16xf32>,
        %swap3A_1123 = arith.constant 15 : i32
        %swap3A_1124 = arith.index_cast %swap3A_1123 : i32 to index
        %swap3A_1125 = arith.constant 112 : index
        %swap3A_1126 = tpu.vector_load %arg12[%swap3A_1124, %swap3A_1125] {strides = array<i32>} : memref<16x128xf32, #tpu.memory_space<vmem>>, vector<16xf32>,
        tpu.vector_store %arg12[%swap3A_1124, %swap3A_1125], %gather3A_1122 {strides = array<i32>} : memref<16x128xf32, #tpu.memory_space<vmem>>, vector<16xf32>,
        %ge3A = arith.constant 2 : i32
        %ge3A_1127 = arith.cmpi sge, %scan3A_31, %ge3A : i32
        %convert_element_type3A_1128 = arith.extui %ge3A_1127 : i1 to i32
        %cond3A_1129 = arith.constant 0 : i32
        %cond3A_1130 = arith.cmpi ne, %convert_element_type3A_1128, %cond3A_1129 : i32
        scf.if %cond3A_1130 {
          %dma_wait3A_1161 = arith.constant 0 : i32
          %dma_wait3A_1162 = arith.constant 0 : i32
          %dma_wait3A_1163 = tpu.memref_slice %arg2[%dma_wait3A_1161, %dma_wait3A_1162] : memref<3328x128xi32, #tpu.memory_space<hbm>> -> memref<16x128xi32, #tpu.memory_space<hbm>>
          %dma_wait3A_1164 = arith.constant 0 : i32
          %dma_wait3A_1165 = arith.constant 0 : i32
          %dma_wait3A_1166 = tpu.memref_slice %arg2[%dma_wait3A_1164, %dma_wait3A_1165] : memref<3328x128xi32, #tpu.memory_space<hbm>> -> memref<16x128xi32, #tpu.memory_space<hbm>>
          tpu.wait_dma2 semaphore(%arg14 : memref<!tpu.dma_semaphore, #tpu.memory_space<semaphore_mem>>) src(%dma_wait3A_1166 : memref<16x128xi32, #tpu.memory_space<hbm>>) dst(%arg12 : memref<16x128xf32, #tpu.memory_space<vmem>>)
        } else {
        }
        %dma_start3A_1131 = arith.constant 0 : i32
        %dma_start3A_1132 = arith.constant 0 : i32
        %dma_start3A_1133 = arith.constant 0 : i32
        %dma_start3A_1134 = tpu.memref_slice %arg12[%dma_start3A_1132, %dma_start3A_1133] : memref<16x128xf32, #tpu.memory_space<vmem>> -> memref<8x128xf32, #tpu.memory_space<vmem>>
        %dma_start3A_1135 = arith.constant 0 : i32
        %dma_start3A_1136 = arith.constant 0 : i32
        %dma_start3A_1137 = tpu.memref_slice %arg5[%div3A_33, %dma_start3A_1131, %rem3A_34, %dma_start3A_1135, %dma_start3A_1136] : memref<26x2x128x8x128xf32, #tpu.memory_space<hbm>> -> memref<1x1x1x8x128xf32, #tpu.memory_space<hbm>>
        %dma_start3A_1138 = tpu.memref_squeeze %dma_start3A_1137 : memref<1x1x1x8x128xf32, #tpu.memory_space<hbm>> -> memref<8x128xf32, #tpu.memory_space<hbm>>
        %dma_start3A_1139 = arith.constant 0 : i32
        %dma_start3A_1140 = arith.constant 0 : i32
        %dma_start3A_1141 = tpu.memref_slice %arg5[%div3A_33, %dma_start3A_1131, %rem3A_34, %dma_start3A_1139, %dma_start3A_1140] : memref<26x2x128x8x128xf32, #tpu.memory_space<hbm>> -> memref<1x1x1x8x128xf32, #tpu.memory_space<hbm>>
        %dma_start3A_1142 = tpu.memref_squeeze %dma_start3A_1141 : memref<1x1x1x8x128xf32, #tpu.memory_space<hbm>> -> memref<8x128xf32, #tpu.memory_space<hbm>>
        %dma_start3A_1143 = arith.constant 0 : i32
        %dma_start3A_1144 = arith.constant 0 : i32
        %dma_start3A_1145 = tpu.memref_slice %arg12[%dma_start3A_1143, %dma_start3A_1144] : memref<16x128xf32, #tpu.memory_space<vmem>> -> memref<8x128xf32, #tpu.memory_space<vmem>>
        tpu.enqueue_dma source(%dma_start3A_1145 : memref<8x128xf32, #tpu.memory_space<vmem>>) target(%dma_start3A_1142 : memref<8x128xf32, #tpu.memory_space<hbm>>) target_semaphore(%arg14 : memref<!tpu.dma_semaphore, #tpu.memory_space<semaphore_mem>>)
        %dma_start3A_1146 = arith.constant 1 : i32
        %dma_start3A_1147 = arith.constant 8 : i32
        %dma_start3A_1148 = arith.constant 0 : i32
        %dma_start3A_1149 = tpu.memref_slice %arg12[%dma_start3A_1147, %dma_start3A_1148] : memref<16x128xf32, #tpu.memory_space<vmem>> -> memref<8x128xf32, #tpu.memory_space<vmem>>
        %dma_start3A_1150 = arith.constant 0 : i32
        %dma_start3A_1151 = arith.constant 0 : i32
        %dma_start3A_1152 = tpu.memref_slice %arg5[%div3A_33, %dma_start3A_1146, %rem3A_34, %dma_start3A_1150, %dma_start3A_1151] : memref<26x2x128x8x128xf32, #tpu.memory_space<hbm>> -> memref<1x1x1x8x128xf32, #tpu.memory_space<hbm>>
        %dma_start3A_1153 = tpu.memref_squeeze %dma_start3A_1152 : memref<1x1x1x8x128xf32, #tpu.memory_space<hbm>> -> memref<8x128xf32, #tpu.memory_space<hbm>>
        %dma_start3A_1154 = arith.constant 0 : i32
        %dma_start3A_1155 = arith.constant 0 : i32
        %dma_start3A_1156 = tpu.memref_slice %arg5[%div3A_33, %dma_start3A_1146, %rem3A_34, %dma_start3A_1154, %dma_start3A_1155] : memref<26x2x128x8x128xf32, #tpu.memory_space<hbm>> -> memref<1x1x1x8x128xf32, #tpu.memory_space<hbm>>
        %dma_start3A_1157 = tpu.memref_squeeze %dma_start3A_1156 : memref<1x1x1x8x128xf32, #tpu.memory_space<hbm>> -> memref<8x128xf32, #tpu.memory_space<hbm>>
        %dma_start3A_1158 = arith.constant 8 : i32
        %dma_start3A_1159 = arith.constant 0 : i32
        %dma_start3A_1160 = tpu.memref_slice %arg12[%dma_start3A_1158, %dma_start3A_1159] : memref<16x128xf32, #tpu.memory_space<vmem>> -> memref<8x128xf32, #tpu.memory_space<vmem>>
        tpu.enqueue_dma source(%dma_start3A_1160 : memref<8x128xf32, #tpu.memory_space<vmem>>) target(%dma_start3A_1157 : memref<8x128xf32, #tpu.memory_space<hbm>>) target_semaphore(%arg14 : memref<!tpu.dma_semaphore, #tpu.memory_space<semaphore_mem>>)
      } else {
      }
    }
    %scan3A_19 = arith.constant 104 : i32
    %dma_wait3A = arith.constant 0 : i32
    %dma_wait3A_20 = arith.constant 0 : i32
    %dma_wait3A_21 = tpu.memref_slice %arg2[%dma_wait3A, %dma_wait3A_20] : memref<3328x128xi32, #tpu.memory_space<hbm>> -> memref<16x128xi32, #tpu.memory_space<hbm>>
    %dma_wait3A_22 = arith.constant 0 : i32
    %dma_wait3A_23 = arith.constant 0 : i32
    %dma_wait3A_24 = tpu.memref_slice %arg2[%dma_wait3A_22, %dma_wait3A_23] : memref<3328x128xi32, #tpu.memory_space<hbm>> -> memref<16x128xi32, #tpu.memory_space<hbm>>
    tpu.wait_dma2 semaphore(%arg14 : memref<!tpu.dma_semaphore, #tpu.memory_space<semaphore_mem>>) src(%dma_wait3A_24 : memref<16x128xi32, #tpu.memory_space<hbm>>) dst(%arg11 : memref<16x128xf32, #tpu.memory_space<vmem>>)
    %dma_wait3A_25 = arith.constant 0 : i32
    %dma_wait3A_26 = arith.constant 0 : i32
    %dma_wait3A_27 = tpu.memref_slice %arg2[%dma_wait3A_25, %dma_wait3A_26] : memref<3328x128xi32, #tpu.memory_space<hbm>> -> memref<16x128xi32, #tpu.memory_space<hbm>>
    %dma_wait3A_28 = arith.constant 0 : i32
    %dma_wait3A_29 = arith.constant 0 : i32
    %dma_wait3A_30 = tpu.memref_slice %arg2[%dma_wait3A_28, %dma_wait3A_29] : memref<3328x128xi32, #tpu.memory_space<hbm>> -> memref<16x128xi32, #tpu.memory_space<hbm>>
    tpu.wait_dma2 semaphore(%arg14 : memref<!tpu.dma_semaphore, #tpu.memory_space<semaphore_mem>>) src(%dma_wait3A_30 : memref<16x128xi32, #tpu.memory_space<hbm>>) dst(%arg12 : memref<16x128xf32, #tpu.memory_space<vmem>>)
    return
  }
}

</mosaic_0001>

<sc_bundles>
// kernel: kernel.4.cloned.1.call-start
scs
__scs_entry_jumppad:
0x0: {  	(pc) =	sbr.rel $0x88, $3  }
0x1: {  	(tag) =	ssettag $0x0;
	lr =	simm.s32 $0x1  }
0x2: {  	[smem:$0x3F9E] =	sst lr;
	_ =	strace $0xD0000000  }
0x3: {  	_ = 	snop  }
0x4: {  	_ = 	snop  }
0x5: {  	_ = 	snop  }
0x6: {  	_ = 	snop  }
0x7: {  	_ = 	snop  }
__scs_overlays_trampoline_lowered:
0x8: {  	[smem:$0x3FAD] =	sst s0  }
0x9: {  	[smem:$0x3FAE] =	sst s1  }
0xa: {  	[smem:$0x3FAF] =	sst s2  }
0xb: {  	[smem:$0x3FB0] =	sst s3  }
0xc: {  	[smem:$0x3FB1] =	sst s4  }
0xd: {  	[smem:$0x3FB2] =	sst s5  }
0xe: {  	[smem:$0x3FB3] =	sst s6  }
0xf: {  	[smem:$0x3FB4] =	sst s7  }
0x10: {  	[smem:$0x3FB5] =	sst s8  }
0x11: {  	[smem:$0x3FB6] =	sst s9;
	s0 =	simm.s32 @!p0 $0x0  }
0x12: {  	s1 =	sld [smem:$0x3F9C];
	s0 =	simm.s32 @p0 $0x1  }
0x13: {  	[smem:$0x3FB7] =	sst s0;
	s0 =	simm.s32 @!p1 $0x0  }
0x14: {  	s2 =	sld [smem:$0x3F9B];
	s0 =	simm.s32 @p1 $0x1  }
0x15: {  	[smem:$0x3FB8] =	sst s0;
	s0 =	simm.s32 @!p2 $0x0  }
0x16: {  	s3 =	sld [smem:$0x3FDB];
	s0 =	simm.s32 @p2 $0x1  }
0x17: {  	s4 =	simm.s32 $0x1BF5;
	[smem:$0x3FBA] =	sst s0  }
0x18: {  	s0 =	sld [smem:$0x3F9D];
	_ =	swait.ge [sflag:s4], $0x0  }
0x19: {  	s7 =	sld [smem:$0x3F9E]  }
0x1a: {  	s8 =	sadd.s32 $0xFFFFE003, lr  }
0x1b: {  	s9 =	sadd.s32 $0xFFFFFEF7, lr;
	s5 =	simm.s32 $0xFFFFFFFF;
	p2 =	slt.u32 s8, $0xFFFFF086  }
0x1c: {  	p1 =	slt.u32 s9, $0xF7A;
	s5 =	simm.s32 @!p2 $0x0  }
0x1d: {  	s5 =	simm.s32 @p1 $0x1;
	p0 =	seq.s32 s7, s2  }
0x1e: {  	s7 =	smul.u32 @!p0 $0xF7A, s2;
	p2 =	seq.s32 @!p0 s5, $0x0  }
0x1f: {  	s9 =	smul.u32 $0xF7A, s1;
	s8 =	simm.s32 @!p0 $0x1BF5;
	p2 =	por !p2, p0  }
0x20: {  	[sflag:s8] =	ssyncset.s32 @!p0 $0xFFFFF086;
	s6 =	sadd.s32 @!p0 s3, s7;
	s7 =	simm.s32 @!p0 $0x108  }
0x21: {  	s3 =	sadd.s32 s3, s9;
	s6 =	sadd.s32 @!p0 $0x88, s6;
	s7 =	simm.s32 @p2 $0x1082  }
0x22: {  	[simem:s7], [sflag:s8] =	dma.local @!p0 [hbm:s6], $0xF7A  }
0x23: {  	s9 =	sor.u32 $0xD0000000, s2;
	s6 =	simm.s32 $0x108;
	_ =	swait.ge @!p0 [sflag:s8], $0x0  }
0x24: {  	s3 =	sadd.s32 $0x88, s3;
	s6 =	simm.s32 @!p1 $0x1082;
	[sflag:s4] =	ssyncset.s32 $0xFFFFF086  }
0x25: {  	[simem:s6], [sflag:s4] =	dma.local [hbm:s3], $0xF7A  }
0x26: {  	[smem:$0x3F9E] =	sst s1;
	(tag) =	ssettag s2;
	_ =	strace s9  }
0x27: {  	s1 =	sld [smem:$0x3FAE]  }
0x28: {  	s2 =	sld [smem:$0x3FAF]  }
0x29: {  	s4 =	sld [smem:$0x3FB1]  }
0x2a: {  	p0 =	seq.s32 s5, $0x0;
	s5 =	sld [smem:$0x3FB2]  }
0x2b: {  	s6 =	sld [smem:$0x3FB3]  }
0x2c: {  	s7 =	sld [smem:$0x3FB4]  }
0x2d: {  	s3 =	simm.s32 $0x108;
	s8 =	sld [smem:$0x3FB5]  }
0x2e: {  	s3 =	simm.s32 @!p0 $0x1082;
	s9 =	sld [smem:$0x3FB6]  }
0x2f: {  	lr =	sadd.s32 s0, s3;
	s0 =	sld [smem:$0x3FAD]  }
0x30: {  	s3 =	sld [smem:$0x3FB0]  }
0x31: {  	[smem:$0x3FB9] =	sst s10  }
0x32: {  	s10 =	sld [smem:$0x3FB7];
	_ =	sdelay $0x3  }
0x33: {  	p0 =	seq.s32 s10, $0x1;
	s10 =	sld [smem:$0x3FB9];
	_ =	sdelay $0x3  }
0x34: {  	[smem:$0x3FB9] =	sst s10  }
0x35: {  	s10 =	sld [smem:$0x3FB8];
	_ =	sdelay $0x3  }
0x36: {  	p1 =	seq.s32 s10, $0x1;
	s10 =	sld [smem:$0x3FB9];
	_ =	sdelay $0x3  }
0x37: {  	[smem:$0x3FB9] =	sst s10  }
0x38: {  	s10 =	sld [smem:$0x3FBA]  }
0x39: {  	_ = 	snop;
	(pc) =	sbr.ind lr, $3  }
0x3a: {  	_ = 	snop  }
0x3b: {  	_ = 	snop  }
0x3c: {  	p2 =	seq.s32 s10, $0x1;
	s10 =	sld [smem:$0x3FB9]  }
0x3d: {  	_ =	shalt  }
0x3e: {  	_ =	shalt  }
0x3f: {  	_ =	shalt  }
0x40: {  	_ =	shalt  }
0x41: {  	_ =	shalt  }
0x42: {  	_ =	shalt  }
0x43: {  	_ =	shalt  }
0x44: {  	_ =	shalt  }
0x45: {  	_ =	shalt  }
0x46: {  	_ =	shalt  }
0x47: {  	_ =	shalt  }
0x48: {  	_ =	shalt  }
0x49: {  	_ =	shalt  }
0x4a: {  	_ =	shalt  }
0x4b: {  	_ =	shalt  }
0x4c: {  	_ =	shalt  }
0x4d: {  	_ =	shalt  }
0x4e: {  	_ =	shalt  }
0x4f: {  	_ =	shalt  }
0x50: {  	_ =	shalt  }
0x51: {  	_ =	shalt  }
0x52: {  	_ =	shalt  }
0x53: {  	_ =	shalt  }
0x54: {  	_ =	shalt  }
0x55: {  	_ =	shalt  }
0x56: {  	_ =	shalt  }
0x57: {  	_ =	shalt  }
0x58: {  	_ =	shalt  }
0x59: {  	_ =	shalt  }
0x5a: {  	_ =	shalt  }
0x5b: {  	_ =	shalt  }
0x5c: {  	_ =	shalt  }
0x5d: {  	_ =	shalt  }
0x5e: {  	_ =	shalt  }
0x5f: {  	_ =	shalt  }
0x60: {  	_ =	shalt  }
0x61: {  	_ =	shalt  }
0x62: {  	_ =	shalt  }
0x63: {  	_ =	shalt  }
0x64: {  	_ =	shalt  }
0x65: {  	_ =	shalt  }
0x66: {  	_ =	shalt  }
0x67: {  	_ =	shalt  }
0x68: {  	_ =	shalt  }
0x69: {  	_ =	shalt  }
0x6a: {  	_ =	shalt  }
0x6b: {  	_ =	shalt  }
0x6c: {  	_ =	shalt  }
0x6d: {  	_ =	shalt  }
0x6e: {  	_ =	shalt  }
0x6f: {  	_ =	shalt  }
0x70: {  	_ =	shalt  }
0x71: {  	_ =	shalt  }
0x72: {  	_ =	shalt  }
0x73: {  	_ =	shalt  }
0x74: {  	_ =	shalt  }
0x75: {  	_ =	shalt  }
0x76: {  	_ =	shalt  }
0x77: {  	_ =	shalt  }
0x78: {  	_ =	shalt  }
0x79: {  	_ =	shalt  }
0x7a: {  	_ =	shalt  }
0x7b: {  	_ =	shalt  }
0x7c: {  	_ =	shalt  }
0x7d: {  	_ =	shalt  }
0x7e: {  	_ =	shalt  }
0x7f: {  	_ =	shalt  }
0x80: {  	_ =	shalt  }
0x81: {  	_ =	shalt  }
0x82: {  	_ =	shalt  }
0x83: {  	_ =	shalt  }
0x84: {  	_ =	shalt  }
0x85: {  	_ =	shalt  }
0x86: {  	_ =	shalt  }
0x87: {  	_ =	shalt  }
.Lfunc_end0:
.L_simem_size_0:
called_computation_lowered:
.L_overlay_start_0:
0x88: {  	s2 =	sld [smem:$0x3FD9]  }
0x89: {  	s3 =	sld [smem:$0x3FFE];
	_ =	sdelay $0x1  }
0x8a: {  	s1 =	srdreg.scid  }
0x8b: {  	s0 =	sand.u32 $0x1, s1  }
0x8c: {  	s17 =	sshll.u32 s0, $0xA;
	s2 =	sadd.s32 s3, s2  }
0x8d: {  	s2 =	sadd.s32 s2, s17  }
0x8e: {  	[smem:$0x3FC5] =	sst s2  }
0x8f: {  	_ = 	snop  }
0x90: {  	s2 =	sld [smem:$0x3FC8]  }
0x91: {  	s18 =	sld [smem:$0x3FD0];
	(tm) =	ssettm $0x1  }
0x92: {  	s4 =	sld [smem:$0x3FFB];
	_ =	sdelay $0x3  }
0x93: {  	_ =	strace s4  }
0x94: {  	s4 =	sld [smem:$0x3FFC];
	_ =	sdelay $0x3  }
0x95: {  	_ =	strace s4  }
0x96: {  	s4 =	sld [smem:$0x3FFD];
	_ =	sdelay $0x3  }
0x97: {  	_ =	strace s4  }
0x98: {  	_ =	strace $0x8FFFFFFF  }
0x99: {  	s19 =	sld [smem:$0x3FDB];
	_ =	sdelay $0x1  }
0x9a: {  	s5 =	simm.s32 $_scs_section_size  }
0x9b: {  	s6 =	simm.s32 $_size__tile_overlayer_lowered;
	s7 =	simm.s32 $_tile_overlayer_lowered  }
0x9c: {  	s22 =	simm.s32 $0x1BFF;
	s21 =	sshll.u32 s7, $0x1;
	s4 =	sadd.s32 s5, s19  }
0x9d: {  	s8 =	simm.s32 $0x0;
	s20 =	sshll.u32 s6, $0x1;
	s6 =	sadd.s32 s21, s4  }
0x9e: {  	[timem:s8], [sflag:s22] =	dma.local [hbm:s6], s20  }
0x9f: {  	_ =	swait.ge [sflag:s22], s20  }
0xa0: {  	s5 =	ssub.s32 $0x0, s20;
	[sflag:s22] =	ssyncset.done $0x0  }
0xa1: {  	[sflag:s22] =	ssyncadd.s32 s5;
	_ =	sdelay $0x1  }
0xa2: {  	s23 =	simm.s32 $0x1B8B  }
0xa3: {  	_ =	swait.ge [sflag:s23], $0x1  }
0xa4: {  	[sflag:s23] =	ssyncset.done $0x0  }
0xa5: {  	s25 =	simm.s32 $0x1B8E;
	s24 =	sld [smem:$0x3FFE];
	[sflag:s23] =	ssyncadd.s32 $0xFFFFFFFF  }
0xa6: {  	s26 =	simm.s32 $execute0_lowered;
	[smem:$0x3FD2] =	sst s25  }
0xa7: {  	s6 =	sshll.u32 s26, $0x1;
	_ =	strace $0x80000046;
	[dreg:$0x1] =	wrdreg $0xFFFFFFFF  }
0xa8: {  	s28 =	simm.s32 $_size_execute0_lowered;
	s4 =	sadd.s32 s4, s6;
	[dreg:$0x0] =	wrdreg $0x0  }
0xa9: {  	s6 =	sshll.u32 s28, $0x1;
	[dreg:$0x2] =	wrdreg s4  }
0xaa: {  	[dreg:$0x3] =	wrdreg s6  }
0xab: {  	[dreg:$0x4] =	wrdreg $0xC0  }
0xac: {  	_ =	task [dreg:s8], $0x5FFFF  }
0xad: {  	[dreg:$0x1] =	wrdreg $0xFFFFFFFF  }
0xae: {  	[dreg:$0x0] =	wrdreg $0x60  }
0xaf: {  	[dreg:$0x2] =	wrdreg s2  }
0xb0: {  	[dreg:$0x3] =	wrdreg s18  }
0xb1: {  	[dreg:$0x4] =	wrdreg s24  }
0xb2: {  	[dreg:$0x5] =	wrdreg $0x9  }
0xb3: {  	_ =	task.clear_ibuf [dreg:s8], $0x6FFFF;
	_ =	strace $0x90000046  }
0xb4: {  	s29 =	simm.s32 $0x9;
	_ =	strace $0x80000048  }
0xb5: {  	_ =	swait.ge [sflag:s29], $0x1  }
0xb6: {  	[sflag:s29] =	ssyncadd.s32 $0xFFFFFFFF  }
0xb7: {  	_ =	strace $0x90000048  }
0xb8: {  	_ =	sfence  }
0xb9: {  	s30 =	sld [smem:$0x0];
	_ =	sdelay $0x2  }
0xba: {  	s31 =	sshll.u32 s1, $0xD;
	s1 =	sshrl.u32 s1, $0x2  }
0xbb: {  	s3 =	sand.u32 $0x4000, s31;
	s1 =	sadd.s32 s1, s30  }
0xbc: {  	s0 =	sor.u32 s3, s0;
	s1 =	sshll.u32 s1, $0x11  }
0xbd: {  	s0 =	sor.u32 s1, s0  }
0xbe: {  	s0 =	sadd.s32 $0x8F2B, s0  }
0xbf: {  	[sflag:s0] =	ssyncadd.remote.s32 $0x1  }
0xc0: {  	_ =	sfence.sel $0xFFFF  }
0xc1: {  	[dreg:$0x0] =	wrdreg $0xFFFFFFFF;
	(pc) =	sbr.abs _section_cstart, $3  }
0xc2: {  	[dreg:$0x1] =	wrdreg $0xFFFFFFFF  }
0xc3: {  	_ =	task.clear_ibuf [dreg:s8], $0x2FFFF;
	_ =	strace $0x9FFFFFFF  }
0xc4: {  	(tm) =	ssettm $0x7FFFFFFF  }
0xc5: {  	_ =	shalt  }
tec
execute0_lowered:
.L_overlay_start_1:
0x0: {  	(tag) =	ssettag $0x1  }
0x1: {  	s1 =	rddreg [dreg:$0x0]  }
0x2: {  	s2 =	rddreg [dreg:$0x1]  }
0x3: {  	s14 =	rddreg [dreg:$0x2];
	s4 =	simm.s32 $0x0  }
0x4: {  	s5 =	srdreg.scid;
	s3 =	stileid.u32;
	s16 =	simm.s32 $0x1000  }
0x5: {  	v0 =	vlaneseq.u32;
	s17 =	simm.s32 $0x2000;
	s18 =	simm.s32 $0x3000;
	s19 =	simm.s32 $0x4000  }
0x6: {  	s20 =	simm.s32 $0x5000;
	s21 =	simm.s32 $0x1;
	s22 =	simm.s32 $0x2;
	v1 =	vand.u32 $0x7, v0  }
0x7: {  	s23 =	simm.s32 $0x0;
	[smem:$0x7FF] =	sst s4;
	s6 =	sand.u32 $0x1, s5;
	v2 =	vshrl.u32 v0, $0x3;
	v0 =	vmul.u32 $0x10, v1  }
0x8: {  	s7 =	sshll.u32 s3, $0x1;
	s5 =	sadd.s32 $0xC00, s14;
	s14 =	sadd.s32 $0x4F6400, s14;
	v1 =	vmul.u32 $0x80, v2  }
0x9: {  	_ =	strace $0x80000047;
	s8 =	ssub.s32 $0x2, s6;
	s6 =	sor.u32 s6, s7;
	v2 =	vor.u32 $0x1, v0;
	v3 =	vor.u32 $0x2, v0;
	v4 =	vor.u32 $0x3, v0  }
0xa: {  	s7 =	sadd.s32 $0x27AC80, s1;
	s9 =	sshrl.u32 s8, $0x1;
	s10 =	sshll.u32 s6, $0x9;
	v5 =	vor.u32 $0x4, v0;
	v6 =	vor.u32 $0x5, v0;
	v7 =	vor.u32 $0x6, v0  }
0xb: {  	p0 =	sne.s32 s6, $0x0;
	s15 =	ssub.s32 s8, s9;
	s8 =	sadd.s32 s1, s10;
	v8 =	vor.u32 $0x7, v0;
	v9 =	vor.u32 $0x8, v0;
	v10 =	vor.u32 $0x9, v0  }
0xc: {  	s9 =	sadd.s32 s10, s7;
	v11 =	vor.u32 $0xA, v0;
	v12 =	vor.u32 $0xB, v0;
	v13 =	vor.u32 $0xC, v0;
	s10 =	sadd.s32 $0x4000, s8;
	s11 =	sadd.s32 $0x27EC80, s8  }
0xd: {  	v14 =	vor.u32 $0xD, v0;
	v15 =	vor.u32 $0xE, v0;
	v16 =	vor.u32 $0xF, v0;
	s12 =	sadd.s32 $0x8000, s8;
	s13 =	sadd.s32 $0x282C80, s8;
	s15 =	smax.u32 s15, $0x1  }
.LBB2_1:
0xe: {  	[tilespmem:s4], [sflag:$0x1] =	stream.linear.gather [hbm4b:s8+s4], $0x1000, $0x38;
	[tilespmem:$0x10000] =	vst v63  }
0xf: {  	_ = 	snop  }
0x10: {  	[tilespmem:s16], [sflag:$0x1] =	stream.linear.gather [hbm4b:s9+s4], $0x1000, $0x38;
	[tilespmem:$0x10000] =	vst v63  }
0x11: {  	_ = 	snop  }
0x12: {  	[tilespmem:s17], [sflag:$0x1] =	stream.linear.gather [hbm4b:s10+s4], $0x1000, $0x38;
	[tilespmem:$0x10000] =	vst v63  }
0x13: {  	_ = 	snop  }
0x14: {  	[tilespmem:s18], [sflag:$0x1] =	stream.linear.gather [hbm4b:s11+s4], $0x1000, $0x38;
	[tilespmem:$0x10000] =	vst v63  }
0x15: {  	_ = 	snop  }
0x16: {  	[tilespmem:s19], [sflag:$0x1] =	stream.linear.gather [hbm4b:s12+s4], $0x1000, $0x38;
	[tilespmem:$0x10000] =	vst v63  }
0x17: {  	s24 =	simm.s32 $0x0  }
0x18: {  	[tilespmem:s20], [sflag:$0x1] =	stream.linear.gather [hbm4b:s13+s4], $0x1000, $0x38;
	[tilespmem:$0x10000] =	vst v63  }
.LBB2_2:
0x19: {  	s25 =	sshll.u32 s24, $0x5;
	s26 =	sand.u32 $0x3, s24  }
0x1a: {  	s25 =	sor.u32 s6, s25;
	p1 =	sne.s32 s26, $0x0  }
0x1b: {  	p2 =	sgt.u32 @!p1 s25, $0x13D5  }
0x1c: {  	p1 =	por p1, p2  }
.Ltmp0:
0x1d: {  	_ = 	snop;
	(pc) =	sbr.rel @p1 .LBB2_6-.Ltmp0, $1  }
0x1e: {  	_ =	sdelay $0x3  }
0x1f: {  	s26 =	sor.u32 $0x60, s25  }
0x20: {  	p1 =	sgt.u32 s26, $0x13D5  }
0x21: {  	s26 =	sshll.u32 @!p1 s26, $0x9  }
0x22: {  	s29 =	simm.s32 @!p1 $0x0;
	s30 =	simm.s32 @!p1 $0x6000;
	s28 =	sadd.s32 @!p1 s1, s26  }
0x23: {  	[tilespmem:s30], [sflag:$0x1] =	stream.linear.gather @!p1 [hbm4b:s28+s29], $0x1000, $0x38;
	[tilespmem:$0x10000] =	vst v63  }
0x24: {  	s26 =	sadd.s32 @!p1 s26, s7;
	s28 =	simm.s32 @!p1 $0x7000  }
0x25: {  	[tilespmem:s28], [sflag:$0x1] =	stream.linear.gather @!p1 [hbm4b:s26+s29], $0x1000, $0x38;
	[tilespmem:$0x10000] =	vst v63  }
0x26: {  	_ =	swait.ge [sflag:s21], $0x1000  }
0x27: {  	[sflag:s21] =	ssyncset.done $0x0  }
0x28: {  	[sflag:s21] =	ssyncadd.s32 $0xFFFFF000  }
0x29: {  	_ =	swait.ge [sflag:s21], $0x1000  }
0x2a: {  	p1 =	slt.u32 s24, $0x4;
	[sflag:s21] =	ssyncset.done $0x0  }
0x2b: {  	s28 =	simm.s32 $0x0;
	s26 =	simm.s32 @!p1 $0x2;
	[sflag:s21] =	ssyncadd.s32 $0xFFFFF000  }
0x2c: {  	v17 =	vmov s28;
	_ =	swait.ge @!p1 [sflag:s26], $0x2000  }
0x2d: {  	s29 =	sand.u32 $0x70, s28;
	s30 =	sand.u32 $0xC00, s28;
	v17 =	vshll.u32 v17, $0x7;
	[sflag:s26] =	ssyncset.done @!p1 $0x0  }
0x2e: {  	s29 =	sor.u32 s29, s30;
	v17 =	vor.u32 v1, v17;
	[sflag:s26] =	ssyncadd.s32 @!p1 $0xFFFFE000  }
0x2f: {  	v19 =	vor.u32 v0, v17;
	v18 =	vld [tilespmem:s29+$0x0];
	_ =	sdelay $0x3  }
0x30: {  	s26 =	simm.s32 $0x8000  }
0x31: {  	[tilespmem:v19+s26+$0x0] =	vst.idx.msk $0xffff, v18  }
0x32: {  	v19 =	vor.u32 v2, v17;
	v18 =	vld [tilespmem:s29+$0x80];
	_ =	sdelay $0x4  }
0x33: {  	[tilespmem:v19+s26+$0x0] =	vst.idx.msk $0xffff, v18  }
0x34: {  	v19 =	vor.u32 v3, v17;
	v18 =	vld [tilespmem:s29+$0x100];
	_ =	sdelay $0x4  }
0x35: {  	[tilespmem:v19+s26+$0x0] =	vst.idx.msk $0xffff, v18  }
0x36: {  	v19 =	vor.u32 v4, v17;
	v18 =	vld [tilespmem:s29+$0x180];
	_ =	sdelay $0x4  }
0x37: {  	[tilespmem:v19+s26+$0x0] =	vst.idx.msk $0xffff, v18  }
0x38: {  	v19 =	vor.u32 v5, v17;
	v18 =	vld [tilespmem:s29+$0x200];
	_ =	sdelay $0x4  }
0x39: {  	[tilespmem:v19+s26+$0x0] =	vst.idx.msk $0xffff, v18  }
0x3a: {  	v19 =	vor.u32 v6, v17;
	v18 =	vld [tilespmem:s29+$0x280];
	_ =	sdelay $0x4  }
0x3b: {  	[tilespmem:v19+s26+$0x0] =	vst.idx.msk $0xffff, v18  }
0x3c: {  	v19 =	vor.u32 v7, v17;
	v18 =	vld [tilespmem:s29+$0x300];
	_ =	sdelay $0x3  }
0x3d: {  	s28 =	sor.u32 s28, s28  }
0x3e: {  	s28 =	sor.u32 $0x380, s28;
	[tilespmem:v19+s26+$0x0] =	vst.idx.msk $0xffff, v18  }
0x3f: {  	v19 =	vor.u32 v8, v17;
	v18 =	vld [tilespmem:s28+$0x0];
	_ =	sdelay $0x4  }
0x40: {  	[tilespmem:v19+s26+$0x0] =	vst.idx.msk $0xffff, v18  }
0x41: {  	v19 =	vor.u32 v9, v17;
	v18 =	vld [tilespmem:s29+$0x1000];
	_ =	sdelay $0x4  }
0x42: {  	[tilespmem:v19+s26+$0x0] =	vst.idx.msk $0xffff, v18  }
0x43: {  	v19 =	vor.u32 v10, v17;
	v18 =	vld [tilespmem:s29+$0x1080];
	_ =	sdelay $0x4  }
0x44: {  	[tilespmem:v19+s26+$0x0] =	vst.idx.msk $0xffff, v18  }
0x45: {  	v19 =	vor.u32 v11, v17;
	v18 =	vld [tilespmem:s29+$0x1100];
	_ =	sdelay $0x4  }
0x46: {  	[tilespmem:v19+s26+$0x0] =	vst.idx.msk $0xffff, v18  }
0x47: {  	v19 =	vor.u32 v12, v17;
	v18 =	vld [tilespmem:s29+$0x1180];
	_ =	sdelay $0x4  }
0x48: {  	[tilespmem:v19+s26+$0x0] =	vst.idx.msk $0xffff, v18  }
0x49: {  	v19 =	vor.u32 v13, v17;
	v18 =	vld [tilespmem:s29+$0x1200];
	_ =	sdelay $0x4  }
0x4a: {  	[tilespmem:v19+s26+$0x0] =	vst.idx.msk $0xffff, v18  }
0x4b: {  	v19 =	vor.u32 v14, v17;
	v18 =	vld [tilespmem:s29+$0x1280];
	_ =	sdelay $0x4  }
0x4c: {  	[tilespmem:v19+s26+$0x0] =	vst.idx.msk $0xffff, v18  }
0x4d: {  	v19 =	vor.u32 v15, v17;
	v18 =	vld [tilespmem:s29+$0x1300];
	_ =	sdelay $0x4  }
0x4e: {  	[tilespmem:v19+s26+$0x0] =	vst.idx.msk $0xffff, v18  }
0x4f: {  	v19 =	vor.u32 v16, v17;
	v18 =	vld [tilespmem:s29+$0x1380];
	_ =	sdelay $0x1  }
0x50: {  	s28 =	simm.s32 $0x2  }
0x51: {  	s30 =	simm.s32 $0x4;
	v17 =	vmov s28;
	s28 =	simm.s32 $0x80;
	s29 =	simm.s32 $0x10  }
.LBB2_4:
0x52: {  	p1 =	seq.s32 s30, $0x3E;
	v17 =	vshll.u32 v17, $0x7;
	s31 =	sand.u32 $0x70, s29;
	s0 =	sand.u32 $0xC00, s28  }
0x53: {  	s31 =	sor.u32 s31, s0;
	v17 =	vor.u32 v1, v17;
	[tilespmem:v19+s26+$0x0] =	vst.idx.msk $0xffff, v18  }
0x54: {  	v18 =	vld [tilespmem:s31+$0x0];
	v19 =	vor.u32 v0, v17;
	_ =	sdelay $0x4  }
0x55: {  	[tilespmem:v19+s26+$0x0] =	vst.idx.msk $0xffff, v18  }
0x56: {  	v19 =	vor.u32 v2, v17;
	v18 =	vld [tilespmem:s31+$0x80];
	_ =	sdelay $0x4  }
0x57: {  	[tilespmem:v19+s26+$0x0] =	vst.idx.msk $0xffff, v18  }
0x58: {  	v19 =	vor.u32 v3, v17;
	v18 =	vld [tilespmem:s31+$0x100];
	_ =	sdelay $0x4  }
0x59: {  	[tilespmem:v19+s26+$0x0] =	vst.idx.msk $0xffff, v18  }
0x5a: {  	v19 =	vor.u32 v4, v17;
	v18 =	vld [tilespmem:s31+$0x180];
	_ =	sdelay $0x4  }
0x5b: {  	[tilespmem:v19+s26+$0x0] =	vst.idx.msk $0xffff, v18  }
0x5c: {  	v19 =	vor.u32 v5, v17;
	v18 =	vld [tilespmem:s31+$0x200];
	_ =	sdelay $0x4  }
0x5d: {  	[tilespmem:v19+s26+$0x0] =	vst.idx.msk $0xffff, v18  }
0x5e: {  	v19 =	vor.u32 v6, v17;
	v18 =	vld [tilespmem:s31+$0x280];
	_ =	sdelay $0x4  }
0x5f: {  	[tilespmem:v19+s26+$0x0] =	vst.idx.msk $0xffff, v18  }
0x60: {  	v19 =	vor.u32 v7, v17;
	v18 =	vld [tilespmem:s31+$0x300];
	_ =	sdelay $0x3  }
0x61: {  	s0 =	sor.u32 s28, s29  }
0x62: {  	s0 =	sor.u32 $0x380, s0;
	[tilespmem:v19+s26+$0x0] =	vst.idx.msk $0xffff, v18  }
0x63: {  	v19 =	vor.u32 v8, v17;
	v18 =	vld [tilespmem:s0+$0x0];
	_ =	sdelay $0x4  }
0x64: {  	[tilespmem:v19+s26+$0x0] =	vst.idx.msk $0xffff, v18  }
0x65: {  	v19 =	vor.u32 v9, v17;
	v18 =	vld [tilespmem:s31+$0x1000];
	_ =	sdelay $0x4  }
0x66: {  	[tilespmem:v19+s26+$0x0] =	vst.idx.msk $0xffff, v18  }
0x67: {  	v19 =	vor.u32 v10, v17;
	v18 =	vld [tilespmem:s31+$0x1080];
	_ =	sdelay $0x4  }
0x68: {  	[tilespmem:v19+s26+$0x0] =	vst.idx.msk $0xffff, v18  }
0x69: {  	v19 =	vor.u32 v11, v17;
	v18 =	vld [tilespmem:s31+$0x1100];
	_ =	sdelay $0x4  }
0x6a: {  	[tilespmem:v19+s26+$0x0] =	vst.idx.msk $0xffff, v18  }
0x6b: {  	v19 =	vor.u32 v12, v17;
	v18 =	vld [tilespmem:s31+$0x1180];
	_ =	sdelay $0x4  }
0x6c: {  	[tilespmem:v19+s26+$0x0] =	vst.idx.msk $0xffff, v18  }
0x6d: {  	v19 =	vor.u32 v13, v17;
	v18 =	vld [tilespmem:s31+$0x1200];
	_ =	sdelay $0x4  }
0x6e: {  	[tilespmem:v19+s26+$0x0] =	vst.idx.msk $0xffff, v18  }
0x6f: {  	v19 =	vor.u32 v14, v17;
	v18 =	vld [tilespmem:s31+$0x1280];
	_ =	sdelay $0x4  }
0x70: {  	[tilespmem:v19+s26+$0x0] =	vst.idx.msk $0xffff, v18  }
0x71: {  	v19 =	vor.u32 v15, v17;
	v18 =	vld [tilespmem:s31+$0x1300];
	_ =	sdelay $0x4  }
.Ltmp1:
0x72: {  	[tilespmem:v19+s26+$0x0] =	vst.idx.msk $0xffff, v18;
	(pc) =	sbr.rel @!p1 .LBB2_4-.Ltmp1, $2  }
0x73: {  	v19 =	vor.u32 v16, v17;
	v18 =	vld [tilespmem:s31+$0x1380];
	_ =	sdelay $0x2  }
0x74: {  	s28 =	sadd.s32 $0x80, s28;
	s29 =	sadd.s32 $0x10, s29;
	v17 =	vmov s30;
	s30 =	sadd.s32 $0x2, s30  }
0x75: {  	_ =	sdelay $0x2  }
0x76: {  	v17 =	vshll.u32 v17, $0x7;
	s0 =	sand.u32 $0x70, s29;
	s30 =	sand.u32 $0xC00, s28  }
0x77: {  	s0 =	sor.u32 s0, s30;
	v17 =	vor.u32 v1, v17;
	[tilespmem:v19+s26+$0x0] =	vst.idx.msk $0xffff, v18  }
0x78: {  	v18 =	vld [tilespmem:s0+$0x0];
	v19 =	vor.u32 v0, v17;
	_ =	sdelay $0x3  }
0x79: {  	s26 =	simm.s32 $0x8000  }
0x7a: {  	[tilespmem:v19+s26+$0x0] =	vst.idx.msk $0xffff, v18  }
0x7b: {  	v19 =	vor.u32 v2, v17;
	v18 =	vld [tilespmem:s0+$0x80];
	_ =	sdelay $0x4  }
0x7c: {  	[tilespmem:v19+s26+$0x0] =	vst.idx.msk $0xffff, v18  }
0x7d: {  	v19 =	vor.u32 v3, v17;
	v18 =	vld [tilespmem:s0+$0x100];
	_ =	sdelay $0x4  }
0x7e: {  	[tilespmem:v19+s26+$0x0] =	vst.idx.msk $0xffff, v18  }
0x7f: {  	v19 =	vor.u32 v4, v17;
	v18 =	vld [tilespmem:s0+$0x180];
	_ =	sdelay $0x4  }
0x80: {  	[tilespmem:v19+s26+$0x0] =	vst.idx.msk $0xffff, v18  }
0x81: {  	v19 =	vor.u32 v5, v17;
	v18 =	vld [tilespmem:s0+$0x200];
	_ =	sdelay $0x4  }
0x82: {  	[tilespmem:v19+s26+$0x0] =	vst.idx.msk $0xffff, v18  }
0x83: {  	v19 =	vor.u32 v6, v17;
	v18 =	vld [tilespmem:s0+$0x280];
	_ =	sdelay $0x4  }
0x84: {  	[tilespmem:v19+s26+$0x0] =	vst.idx.msk $0xffff, v18  }
0x85: {  	v19 =	vor.u32 v7, v17;
	v18 =	vld [tilespmem:s0+$0x300];
	_ =	sdelay $0x3  }
0x86: {  	s31 =	sor.u32 s28, s29  }
0x87: {  	s28 =	sor.u32 $0x380, s31;
	[tilespmem:v19+s26+$0x0] =	vst.idx.msk $0xffff, v18  }
0x88: {  	v19 =	vor.u32 v8, v17;
	v18 =	vld [tilespmem:s28+$0x0];
	_ =	sdelay $0x4  }
0x89: {  	[tilespmem:v19+s26+$0x0] =	vst.idx.msk $0xffff, v18  }
0x8a: {  	v19 =	vor.u32 v9, v17;
	v18 =	vld [tilespmem:s0+$0x1000];
	_ =	sdelay $0x4  }
0x8b: {  	[tilespmem:v19+s26+$0x0] =	vst.idx.msk $0xffff, v18  }
0x8c: {  	v19 =	vor.u32 v10, v17;
	v18 =	vld [tilespmem:s0+$0x1080];
	_ =	sdelay $0x4  }
0x8d: {  	[tilespmem:v19+s26+$0x0] =	vst.idx.msk $0xffff, v18  }
0x8e: {  	v19 =	vor.u32 v11, v17;
	v18 =	vld [tilespmem:s0+$0x1100];
	_ =	sdelay $0x4  }
0x8f: {  	[tilespmem:v19+s26+$0x0] =	vst.idx.msk $0xffff, v18  }
0x90: {  	v19 =	vor.u32 v12, v17;
	v18 =	vld [tilespmem:s0+$0x1180];
	_ =	sdelay $0x4  }
0x91: {  	[tilespmem:v19+s26+$0x0] =	vst.idx.msk $0xffff, v18  }
0x92: {  	v19 =	vor.u32 v13, v17;
	v18 =	vld [tilespmem:s0+$0x1200];
	_ =	sdelay $0x4  }
0x93: {  	[tilespmem:v19+s26+$0x0] =	vst.idx.msk $0xffff, v18  }
0x94: {  	v19 =	vor.u32 v14, v17;
	v18 =	vld [tilespmem:s0+$0x1280];
	_ =	sdelay $0x4  }
0x95: {  	[tilespmem:v19+s26+$0x0] =	vst.idx.msk $0xffff, v18  }
0x96: {  	v19 =	vor.u32 v15, v17;
	v18 =	vld [tilespmem:s0+$0x1300];
	_ =	sdelay $0x4  }
0x97: {  	[tilespmem:v19+s26+$0x0] =	vst.idx.msk $0xffff, v18  }
0x98: {  	v17 =	vor.u32 v16, v17;
	v18 =	vld [tilespmem:s0+$0x1380]  }
.Ltmp2:
0x99: {  	_ = 	snop;
	(pc) =	sbr.rel .LBB2_18-.Ltmp2, $2  }
0x9a: {  	_ =	sdelay $0x2  }
0x9b: {  	[tilespmem:v17+s26+$0x0] =	vst.idx.msk $0xffff, v18  }
.LBB2_6:
0x9c: {  	p1 =	sne.s32 s26, $0x1  }
0x9d: {  	p2 =	sgt.u32 @!p1 s25, $0x13D5  }
0x9e: {  	p1 =	por p1, p2  }
.Ltmp3:
0x9f: {  	_ = 	snop;
	(pc) =	sbr.rel @p1 .LBB2_10-.Ltmp3, $1  }
0xa0: {  	_ =	sdelay $0x3  }
0xa1: {  	p1 =	sgt.u32 s25, $0x1375  }
0xa2: {  	s0 =	sshll.u32 @!p1 s25, $0x9  }
0xa3: {  	s0 =	sand.u32 @!p1 $0x1FFFFE00, s0  }
0xa4: {  	s0 =	sadd.s32 @!p1 s1, s0  }
0xa5: {  	s28 =	simm.s32 @!p1 $0x0;
	s26 =	sadd.s32 @!p1 $0xC000, s0  }
0xa6: {  	[tilespmem:s28], [sflag:$0x1] =	stream.linear.gather @!p1 [hbm4b:s26+s28], $0x1000, $0x38;
	[tilespmem:$0x10000] =	vst v63  }
0xa7: {  	s0 =	sadd.s32 @!p1 $0x286C80, s0;
	s26 =	simm.s32 @!p1 $0x1000  }
0xa8: {  	[tilespmem:s26], [sflag:$0x1] =	stream.linear.gather @!p1 [hbm4b:s0+s28], $0x1000, $0x38;
	[tilespmem:$0x10000] =	vst v63  }
0xa9: {  	_ =	swait.ge [sflag:s21], $0x1000  }
0xaa: {  	[sflag:s21] =	ssyncset.done $0x0  }
0xab: {  	[sflag:s21] =	ssyncadd.s32 $0xFFFFF000  }
0xac: {  	_ =	swait.ge [sflag:s21], $0x1000  }
0xad: {  	p1 =	slt.u32 s24, $0x4;
	[sflag:s21] =	ssyncset.done $0x0  }
0xae: {  	s28 =	simm.s32 $0x0;
	s0 =	simm.s32 @!p1 $0x2;
	[sflag:s21] =	ssyncadd.s32 $0xFFFFF000  }
0xaf: {  	v17 =	vmov s28;
	_ =	swait.ge @!p1 [sflag:s0], $0x2000  }
0xb0: {  	s31 =	sand.u32 $0x70, s28;
	s29 =	sand.u32 $0xC00, s28;
	v17 =	vshll.u32 v17, $0x7;
	[sflag:s0] =	ssyncset.done @!p1 $0x0  }
0xb1: {  	s31 =	sor.u32 s31, s29;
	v17 =	vor.u32 v1, v17;
	[sflag:s0] =	ssyncadd.s32 @!p1 $0xFFFFE000  }
0xb2: {  	v19 =	vor.u32 v0, v17;
	v18 =	vld [tilespmem:s31+$0x2000];
	_ =	sdelay $0x3  }
0xb3: {  	s26 =	simm.s32 $0xA000  }
0xb4: {  	[tilespmem:v19+s26+$0x0] =	vst.idx.msk $0xffff, v18  }
0xb5: {  	v19 =	vor.u32 v2, v17;
	v18 =	vld [tilespmem:s31+$0x2080];
	_ =	sdelay $0x4  }
0xb6: {  	[tilespmem:v19+s26+$0x0] =	vst.idx.msk $0xffff, v18  }
0xb7: {  	v19 =	vor.u32 v3, v17;
	v18 =	vld [tilespmem:s31+$0x2100];
	_ =	sdelay $0x4  }
0xb8: {  	[tilespmem:v19+s26+$0x0] =	vst.idx.msk $0xffff, v18  }
0xb9: {  	v19 =	vor.u32 v4, v17;
	v18 =	vld [tilespmem:s31+$0x2180];
	_ =	sdelay $0x4  }
0xba: {  	[tilespmem:v19+s26+$0x0] =	vst.idx.msk $0xffff, v18  }
0xbb: {  	v19 =	vor.u32 v5, v17;
	v18 =	vld [tilespmem:s31+$0x2200];
	_ =	sdelay $0x4  }
0xbc: {  	[tilespmem:v19+s26+$0x0] =	vst.idx.msk $0xffff, v18  }
0xbd: {  	v19 =	vor.u32 v6, v17;
	v18 =	vld [tilespmem:s31+$0x2280];
	_ =	sdelay $0x4  }
0xbe: {  	[tilespmem:v19+s26+$0x0] =	vst.idx.msk $0xffff, v18  }
0xbf: {  	v19 =	vor.u32 v7, v17;
	v18 =	vld [tilespmem:s31+$0x2300];
	_ =	sdelay $0x3  }
0xc0: {  	s28 =	sor.u32 s28, s28  }
0xc1: {  	s28 =	sor.u32 $0x380, s28;
	[tilespmem:v19+s26+$0x0] =	vst.idx.msk $0xffff, v18  }
0xc2: {  	v19 =	vor.u32 v8, v17;
	v18 =	vld [tilespmem:s28+$0x2000];
	_ =	sdelay $0x4  }
0xc3: {  	[tilespmem:v19+s26+$0x0] =	vst.idx.msk $0xffff, v18  }
0xc4: {  	v19 =	vor.u32 v9, v17;
	v18 =	vld [tilespmem:s31+$0x3000];
	_ =	sdelay $0x4  }
0xc5: {  	[tilespmem:v19+s26+$0x0] =	vst.idx.msk $0xffff, v18  }
0xc6: {  	v19 =	vor.u32 v10, v17;
	v18 =	vld [tilespmem:s31+$0x3080];
	_ =	sdelay $0x4  }
0xc7: {  	[tilespmem:v19+s26+$0x0] =	vst.idx.msk $0xffff, v18  }
0xc8: {  	v19 =	vor.u32 v11, v17;
	v18 =	vld [tilespmem:s31+$0x3100];
	_ =	sdelay $0x4  }
0xc9: {  	[tilespmem:v19+s26+$0x0] =	vst.idx.msk $0xffff, v18  }
0xca: {  	v19 =	vor.u32 v12, v17;
	v18 =	vld [tilespmem:s31+$0x3180];
	_ =	sdelay $0x4  }
0xcb: {  	[tilespmem:v19+s26+$0x0] =	vst.idx.msk $0xffff, v18  }
0xcc: {  	v19 =	vor.u32 v13, v17;
	v18 =	vld [tilespmem:s31+$0x3200];
	_ =	sdelay $0x4  }
0xcd: {  	[tilespmem:v19+s26+$0x0] =	vst.idx.msk $0xffff, v18  }
0xce: {  	v19 =	vor.u32 v14, v17;
	v18 =	vld [tilespmem:s31+$0x3280];
	_ =	sdelay $0x4  }
0xcf: {  	[tilespmem:v19+s26+$0x0] =	vst.idx.msk $0xffff, v18  }
0xd0: {  	v19 =	vor.u32 v15, v17;
	v18 =	vld [tilespmem:s31+$0x3300];
	_ =	sdelay $0x4  }
0xd1: {  	[tilespmem:v19+s26+$0x0] =	vst.idx.msk $0xffff, v18  }
0xd2: {  	v19 =	vor.u32 v16, v17;
	v18 =	vld [tilespmem:s31+$0x3380];
	_ =	sdelay $0x1  }
0xd3: {  	s28 =	simm.s32 $0x2  }
0xd4: {  	s30 =	simm.s32 $0x4;
	s29 =	simm.s32 $0x10;
	v17 =	vmov s28;
	s28 =	simm.s32 $0x80  }
.LBB2_8:
0xd5: {  	p1 =	seq.s32 s30, $0x3E;
	v17 =	vshll.u32 v17, $0x7;
	s0 =	sand.u32 $0x70, s29;
	s31 =	sand.u32 $0xC00, s28  }
0xd6: {  	s31 =	sor.u32 s0, s31;
	v17 =	vor.u32 v1, v17;
	[tilespmem:v19+s26+$0x0] =	vst.idx.msk $0xffff, v18  }
0xd7: {  	v18 =	vld [tilespmem:s31+$0x2000];
	v19 =	vor.u32 v0, v17;
	_ =	sdelay $0x4  }
0xd8: {  	[tilespmem:v19+s26+$0x0] =	vst.idx.msk $0xffff, v18  }
0xd9: {  	v19 =	vor.u32 v2, v17;
	v18 =	vld [tilespmem:s31+$0x2080];
	_ =	sdelay $0x4  }
0xda: {  	[tilespmem:v19+s26+$0x0] =	vst.idx.msk $0xffff, v18  }
0xdb: {  	v19 =	vor.u32 v3, v17;
	v18 =	vld [tilespmem:s31+$0x2100];
	_ =	sdelay $0x4  }
0xdc: {  	[tilespmem:v19+s26+$0x0] =	vst.idx.msk $0xffff, v18  }
0xdd: {  	v19 =	vor.u32 v4, v17;
	v18 =	vld [tilespmem:s31+$0x2180];
	_ =	sdelay $0x4  }
0xde: {  	[tilespmem:v19+s26+$0x0] =	vst.idx.msk $0xffff, v18  }
0xdf: {  	v19 =	vor.u32 v5, v17;
	v18 =	vld [tilespmem:s31+$0x2200];
	_ =	sdelay $0x4  }
0xe0: {  	[tilespmem:v19+s26+$0x0] =	vst.idx.msk $0xffff, v18  }
0xe1: {  	v19 =	vor.u32 v6, v17;
	v18 =	vld [tilespmem:s31+$0x2280];
	_ =	sdelay $0x4  }
0xe2: {  	[tilespmem:v19+s26+$0x0] =	vst.idx.msk $0xffff, v18  }
0xe3: {  	v19 =	vor.u32 v7, v17;
	v18 =	vld [tilespmem:s31+$0x2300];
	_ =	sdelay $0x3  }
0xe4: {  	s0 =	sor.u32 s28, s29  }
0xe5: {  	s0 =	sor.u32 $0x380, s0;
	[tilespmem:v19+s26+$0x0] =	vst.idx.msk $0xffff, v18  }
0xe6: {  	v19 =	vor.u32 v8, v17;
	v18 =	vld [tilespmem:s0+$0x2000];
	_ =	sdelay $0x4  }
0xe7: {  	[tilespmem:v19+s26+$0x0] =	vst.idx.msk $0xffff, v18  }
0xe8: {  	v19 =	vor.u32 v9, v17;
	v18 =	vld [tilespmem:s31+$0x3000];
	_ =	sdelay $0x4  }
0xe9: {  	[tilespmem:v19+s26+$0x0] =	vst.idx.msk $0xffff, v18  }
0xea: {  	v19 =	vor.u32 v10, v17;
	v18 =	vld [tilespmem:s31+$0x3080];
	_ =	sdelay $0x4  }
0xeb: {  	[tilespmem:v19+s26+$0x0] =	vst.idx.msk $0xffff, v18  }
0xec: {  	v19 =	vor.u32 v11, v17;
	v18 =	vld [tilespmem:s31+$0x3100];
	_ =	sdelay $0x4  }
0xed: {  	[tilespmem:v19+s26+$0x0] =	vst.idx.msk $0xffff, v18  }
0xee: {  	v19 =	vor.u32 v12, v17;
	v18 =	vld [tilespmem:s31+$0x3180];
	_ =	sdelay $0x4  }
0xef: {  	[tilespmem:v19+s26+$0x0] =	vst.idx.msk $0xffff, v18  }
0xf0: {  	v19 =	vor.u32 v13, v17;
	v18 =	vld [tilespmem:s31+$0x3200];
	_ =	sdelay $0x4  }
0xf1: {  	[tilespmem:v19+s26+$0x0] =	vst.idx.msk $0xffff, v18  }
0xf2: {  	v19 =	vor.u32 v14, v17;
	v18 =	vld [tilespmem:s31+$0x3280];
	_ =	sdelay $0x4  }
0xf3: {  	[tilespmem:v19+s26+$0x0] =	vst.idx.msk $0xffff, v18  }
0xf4: {  	v19 =	vor.u32 v15, v17;
	v18 =	vld [tilespmem:s31+$0x3300];
	_ =	sdelay $0x4  }
.Ltmp4:
0xf5: {  	[tilespmem:v19+s26+$0x0] =	vst.idx.msk $0xffff, v18;
	(pc) =	sbr.rel @!p1 .LBB2_8-.Ltmp4, $2  }
0xf6: {  	v19 =	vor.u32 v16, v17;
	v18 =	vld [tilespmem:s31+$0x3380];
	_ =	sdelay $0x2  }
0xf7: {  	s28 =	sadd.s32 $0x80, s28;
	s29 =	sadd.s32 $0x10, s29;
	v17 =	vmov s30;
	s30 =	sadd.s32 $0x2, s30  }
0xf8: {  	_ =	sdelay $0x2  }
0xf9: {  	v17 =	vshll.u32 v17, $0x7;
	s0 =	sand.u32 $0x70, s29;
	s30 =	sand.u32 $0xC00, s28  }
0xfa: {  	s0 =	sor.u32 s0, s30;
	v17 =	vor.u32 v1, v17;
	[tilespmem:v19+s26+$0x0] =	vst.idx.msk $0xffff, v18  }
0xfb: {  	v18 =	vld [tilespmem:s0+$0x2000];
	v19 =	vor.u32 v0, v17;
	_ =	sdelay $0x3  }
0xfc: {  	s26 =	simm.s32 $0xA000  }
0xfd: {  	[tilespmem:v19+s26+$0x0] =	vst.idx.msk $0xffff, v18  }
0xfe: {  	v19 =	vor.u32 v2, v17;
	v18 =	vld [tilespmem:s0+$0x2080];
	_ =	sdelay $0x4  }
0xff: {  	[tilespmem:v19+s26+$0x0] =	vst.idx.msk $0xffff, v18  }
0x100: {  	v19 =	vor.u32 v3, v17;
	v18 =	vld [tilespmem:s0+$0x2100];
	_ =	sdelay $0x4  }
0x101: {  	[tilespmem:v19+s26+$0x0] =	vst.idx.msk $0xffff, v18  }
0x102: {  	v19 =	vor.u32 v4, v17;
	v18 =	vld [tilespmem:s0+$0x2180];
	_ =	sdelay $0x4  }
0x103: {  	[tilespmem:v19+s26+$0x0] =	vst.idx.msk $0xffff, v18  }
0x104: {  	v19 =	vor.u32 v5, v17;
	v18 =	vld [tilespmem:s0+$0x2200];
	_ =	sdelay $0x4  }
0x105: {  	[tilespmem:v19+s26+$0x0] =	vst.idx.msk $0xffff, v18  }
0x106: {  	v19 =	vor.u32 v6, v17;
	v18 =	vld [tilespmem:s0+$0x2280];
	_ =	sdelay $0x4  }
0x107: {  	[tilespmem:v19+s26+$0x0] =	vst.idx.msk $0xffff, v18  }
0x108: {  	v19 =	vor.u32 v7, v17;
	v18 =	vld [tilespmem:s0+$0x2300];
	_ =	sdelay $0x3  }
0x109: {  	s31 =	sor.u32 s28, s29  }
0x10a: {  	s28 =	sor.u32 $0x380, s31;
	[tilespmem:v19+s26+$0x0] =	vst.idx.msk $0xffff, v18  }
0x10b: {  	v19 =	vor.u32 v8, v17;
	v18 =	vld [tilespmem:s28+$0x2000];
	_ =	sdelay $0x4  }
0x10c: {  	[tilespmem:v19+s26+$0x0] =	vst.idx.msk $0xffff, v18  }
0x10d: {  	v19 =	vor.u32 v9, v17;
	v18 =	vld [tilespmem:s0+$0x3000];
	_ =	sdelay $0x4  }
0x10e: {  	[tilespmem:v19+s26+$0x0] =	vst.idx.msk $0xffff, v18  }
0x10f: {  	v19 =	vor.u32 v10, v17;
	v18 =	vld [tilespmem:s0+$0x3080];
	_ =	sdelay $0x4  }
0x110: {  	[tilespmem:v19+s26+$0x0] =	vst.idx.msk $0xffff, v18  }
0x111: {  	v19 =	vor.u32 v11, v17;
	v18 =	vld [tilespmem:s0+$0x3100];
	_ =	sdelay $0x4  }
0x112: {  	[tilespmem:v19+s26+$0x0] =	vst.idx.msk $0xffff, v18  }
0x113: {  	v19 =	vor.u32 v12, v17;
	v18 =	vld [tilespmem:s0+$0x3180];
	_ =	sdelay $0x4  }
0x114: {  	[tilespmem:v19+s26+$0x0] =	vst.idx.msk $0xffff, v18  }
0x115: {  	v19 =	vor.u32 v13, v17;
	v18 =	vld [tilespmem:s0+$0x3200];
	_ =	sdelay $0x4  }
0x116: {  	[tilespmem:v19+s26+$0x0] =	vst.idx.msk $0xffff, v18  }
0x117: {  	v19 =	vor.u32 v14, v17;
	v18 =	vld [tilespmem:s0+$0x3280];
	_ =	sdelay $0x4  }
0x118: {  	[tilespmem:v19+s26+$0x0] =	vst.idx.msk $0xffff, v18  }
0x119: {  	v19 =	vor.u32 v15, v17;
	v18 =	vld [tilespmem:s0+$0x3300];
	_ =	sdelay $0x4  }
0x11a: {  	[tilespmem:v19+s26+$0x0] =	vst.idx.msk $0xffff, v18  }
0x11b: {  	v17 =	vor.u32 v16, v17;
	v18 =	vld [tilespmem:s0+$0x3380]  }
.Ltmp5:
0x11c: {  	_ = 	snop;
	(pc) =	sbr.rel .LBB2_18-.Ltmp5, $2  }
0x11d: {  	_ =	sdelay $0x2  }
0x11e: {  	[tilespmem:v17+s26+$0x0] =	vst.idx.msk $0xffff, v18  }
.LBB2_10:
0x11f: {  	p1 =	sne.s32 s26, $0x2  }
0x120: {  	p2 =	sgt.u32 @!p1 s25, $0x13D5  }
0x121: {  	p1 =	por p1, p2  }
.Ltmp6:
0x122: {  	_ = 	snop;
	(pc) =	sbr.rel @p1 .LBB2_14-.Ltmp6, $1  }
0x123: {  	_ =	sdelay $0x3  }
0x124: {  	p1 =	sgt.u32 s25, $0x1375  }
0x125: {  	s0 =	sshll.u32 @!p1 s25, $0x9  }
0x126: {  	s0 =	sand.u32 @!p1 $0x1FFFFE00, s0  }
0x127: {  	s0 =	sadd.s32 @!p1 s1, s0  }
0x128: {  	s28 =	simm.s32 @!p1 $0x0;
	s29 =	simm.s32 @!p1 $0x2000;
	s26 =	sadd.s32 @!p1 $0xC000, s0  }
0x129: {  	[tilespmem:s29], [sflag:$0x1] =	stream.linear.gather @!p1 [hbm4b:s26+s28], $0x1000, $0x38;
	[tilespmem:$0x10000] =	vst v63  }
0x12a: {  	s0 =	sadd.s32 @!p1 $0x286C80, s0;
	s26 =	simm.s32 @!p1 $0x3000  }
0x12b: {  	[tilespmem:s26], [sflag:$0x1] =	stream.linear.gather @!p1 [hbm4b:s0+s28], $0x1000, $0x38;
	[tilespmem:$0x10000] =	vst v63  }
0x12c: {  	_ =	swait.ge [sflag:s21], $0x1000  }
0x12d: {  	[sflag:s21] =	ssyncset.done $0x0  }
0x12e: {  	[sflag:s21] =	ssyncadd.s32 $0xFFFFF000  }
0x12f: {  	_ =	swait.ge [sflag:s21], $0x1000  }
0x130: {  	p1 =	slt.u32 s24, $0x4;
	[sflag:s21] =	ssyncset.done $0x0  }
0x131: {  	s28 =	simm.s32 $0x0;
	s0 =	simm.s32 @!p1 $0x2;
	[sflag:s21] =	ssyncadd.s32 $0xFFFFF000  }
0x132: {  	v17 =	vmov s28;
	_ =	swait.ge @!p1 [sflag:s0], $0x2000  }
0x133: {  	s31 =	sand.u32 $0x70, s28;
	s29 =	sand.u32 $0xC00, s28;
	v17 =	vshll.u32 v17, $0x7;
	[sflag:s0] =	ssyncset.done @!p1 $0x0  }
0x134: {  	s31 =	sor.u32 s31, s29;
	v17 =	vor.u32 v1, v17;
	[sflag:s0] =	ssyncadd.s32 @!p1 $0xFFFFE000  }
0x135: {  	v19 =	vor.u32 v0, v17;
	v18 =	vld [tilespmem:s31+$0x4000];
	_ =	sdelay $0x3  }
0x136: {  	s26 =	simm.s32 $0xC000  }
0x137: {  	[tilespmem:v19+s26+$0x0] =	vst.idx.msk $0xffff, v18  }
0x138: {  	v19 =	vor.u32 v2, v17;
	v18 =	vld [tilespmem:s31+$0x4080];
	_ =	sdelay $0x4  }
0x139: {  	[tilespmem:v19+s26+$0x0] =	vst.idx.msk $0xffff, v18  }
0x13a: {  	v19 =	vor.u32 v3, v17;
	v18 =	vld [tilespmem:s31+$0x4100];
	_ =	sdelay $0x4  }
0x13b: {  	[tilespmem:v19+s26+$0x0] =	vst.idx.msk $0xffff, v18  }
0x13c: {  	v19 =	vor.u32 v4, v17;
	v18 =	vld [tilespmem:s31+$0x4180];
	_ =	sdelay $0x4  }
0x13d: {  	[tilespmem:v19+s26+$0x0] =	vst.idx.msk $0xffff, v18  }
0x13e: {  	v19 =	vor.u32 v5, v17;
	v18 =	vld [tilespmem:s31+$0x4200];
	_ =	sdelay $0x4  }
0x13f: {  	[tilespmem:v19+s26+$0x0] =	vst.idx.msk $0xffff, v18  }
0x140: {  	v19 =	vor.u32 v6, v17;
	v18 =	vld [tilespmem:s31+$0x4280];
	_ =	sdelay $0x4  }
0x141: {  	[tilespmem:v19+s26+$0x0] =	vst.idx.msk $0xffff, v18  }
0x142: {  	v19 =	vor.u32 v7, v17;
	v18 =	vld [tilespmem:s31+$0x4300];
	_ =	sdelay $0x3  }
0x143: {  	s28 =	sor.u32 s28, s28  }
0x144: {  	s28 =	sor.u32 $0x380, s28;
	[tilespmem:v19+s26+$0x0] =	vst.idx.msk $0xffff, v18  }
0x145: {  	v19 =	vor.u32 v8, v17;
	v18 =	vld [tilespmem:s28+$0x4000];
	_ =	sdelay $0x4  }
0x146: {  	[tilespmem:v19+s26+$0x0] =	vst.idx.msk $0xffff, v18  }
0x147: {  	v19 =	vor.u32 v9, v17;
	v18 =	vld [tilespmem:s31+$0x5000];
	_ =	sdelay $0x4  }
0x148: {  	[tilespmem:v19+s26+$0x0] =	vst.idx.msk $0xffff, v18  }
0x149: {  	v19 =	vor.u32 v10, v17;
	v18 =	vld [tilespmem:s31+$0x5080];
	_ =	sdelay $0x4  }
0x14a: {  	[tilespmem:v19+s26+$0x0] =	vst.idx.msk $0xffff, v18  }
0x14b: {  	v19 =	vor.u32 v11, v17;
	v18 =	vld [tilespmem:s31+$0x5100];
	_ =	sdelay $0x4  }
0x14c: {  	[tilespmem:v19+s26+$0x0] =	vst.idx.msk $0xffff, v18  }
0x14d: {  	v19 =	vor.u32 v12, v17;
	v18 =	vld [tilespmem:s31+$0x5180];
	_ =	sdelay $0x4  }
0x14e: {  	[tilespmem:v19+s26+$0x0] =	vst.idx.msk $0xffff, v18  }
0x14f: {  	v19 =	vor.u32 v13, v17;
	v18 =	vld [tilespmem:s31+$0x5200];
	_ =	sdelay $0x4  }
0x150: {  	[tilespmem:v19+s26+$0x0] =	vst.idx.msk $0xffff, v18  }
0x151: {  	v19 =	vor.u32 v14, v17;
	v18 =	vld [tilespmem:s31+$0x5280];
	_ =	sdelay $0x4  }
0x152: {  	[tilespmem:v19+s26+$0x0] =	vst.idx.msk $0xffff, v18  }
0x153: {  	v19 =	vor.u32 v15, v17;
	v18 =	vld [tilespmem:s31+$0x5300];
	_ =	sdelay $0x4  }
0x154: {  	[tilespmem:v19+s26+$0x0] =	vst.idx.msk $0xffff, v18  }
0x155: {  	v19 =	vor.u32 v16, v17;
	v18 =	vld [tilespmem:s31+$0x5380];
	_ =	sdelay $0x1  }
0x156: {  	s28 =	simm.s32 $0x2  }
0x157: {  	s30 =	simm.s32 $0x4;
	s29 =	simm.s32 $0x10;
	v17 =	vmov s28;
	s28 =	simm.s32 $0x80  }
.LBB2_12:
0x158: {  	p1 =	seq.s32 s30, $0x3E;
	v17 =	vshll.u32 v17, $0x7;
	s0 =	sand.u32 $0x70, s29;
	s31 =	sand.u32 $0xC00, s28  }
0x159: {  	s31 =	sor.u32 s0, s31;
	v17 =	vor.u32 v1, v17;
	[tilespmem:v19+s26+$0x0] =	vst.idx.msk $0xffff, v18  }
0x15a: {  	v18 =	vld [tilespmem:s31+$0x4000];
	v19 =	vor.u32 v0, v17;
	_ =	sdelay $0x4  }
0x15b: {  	[tilespmem:v19+s26+$0x0] =	vst.idx.msk $0xffff, v18  }
0x15c: {  	v19 =	vor.u32 v2, v17;
	v18 =	vld [tilespmem:s31+$0x4080];
	_ =	sdelay $0x4  }
0x15d: {  	[tilespmem:v19+s26+$0x0] =	vst.idx.msk $0xffff, v18  }
0x15e: {  	v19 =	vor.u32 v3, v17;
	v18 =	vld [tilespmem:s31+$0x4100];
	_ =	sdelay $0x4  }
0x15f: {  	[tilespmem:v19+s26+$0x0] =	vst.idx.msk $0xffff, v18  }
0x160: {  	v19 =	vor.u32 v4, v17;
	v18 =	vld [tilespmem:s31+$0x4180];
	_ =	sdelay $0x4  }
0x161: {  	[tilespmem:v19+s26+$0x0] =	vst.idx.msk $0xffff, v18  }
0x162: {  	v19 =	vor.u32 v5, v17;
	v18 =	vld [tilespmem:s31+$0x4200];
	_ =	sdelay $0x4  }
0x163: {  	[tilespmem:v19+s26+$0x0] =	vst.idx.msk $0xffff, v18  }
0x164: {  	v19 =	vor.u32 v6, v17;
	v18 =	vld [tilespmem:s31+$0x4280];
	_ =	sdelay $0x4  }
0x165: {  	[tilespmem:v19+s26+$0x0] =	vst.idx.msk $0xffff, v18  }
0x166: {  	v19 =	vor.u32 v7, v17;
	v18 =	vld [tilespmem:s31+$0x4300];
	_ =	sdelay $0x3  }
0x167: {  	s0 =	sor.u32 s28, s29  }
0x168: {  	s0 =	sor.u32 $0x380, s0;
	[tilespmem:v19+s26+$0x0] =	vst.idx.msk $0xffff, v18  }
0x169: {  	v19 =	vor.u32 v8, v17;
	v18 =	vld [tilespmem:s0+$0x4000];
	_ =	sdelay $0x4  }
0x16a: {  	[tilespmem:v19+s26+$0x0] =	vst.idx.msk $0xffff, v18  }
0x16b: {  	v19 =	vor.u32 v9, v17;
	v18 =	vld [tilespmem:s31+$0x5000];
	_ =	sdelay $0x4  }
0x16c: {  	[tilespmem:v19+s26+$0x0] =	vst.idx.msk $0xffff, v18  }
0x16d: {  	v19 =	vor.u32 v10, v17;
	v18 =	vld [tilespmem:s31+$0x5080];
	_ =	sdelay $0x4  }
0x16e: {  	[tilespmem:v19+s26+$0x0] =	vst.idx.msk $0xffff, v18  }
0x16f: {  	v19 =	vor.u32 v11, v17;
	v18 =	vld [tilespmem:s31+$0x5100];
	_ =	sdelay $0x4  }
0x170: {  	[tilespmem:v19+s26+$0x0] =	vst.idx.msk $0xffff, v18  }
0x171: {  	v19 =	vor.u32 v12, v17;
	v18 =	vld [tilespmem:s31+$0x5180];
	_ =	sdelay $0x4  }
0x172: {  	[tilespmem:v19+s26+$0x0] =	vst.idx.msk $0xffff, v18  }
0x173: {  	v19 =	vor.u32 v13, v17;
	v18 =	vld [tilespmem:s31+$0x5200];
	_ =	sdelay $0x4  }
0x174: {  	[tilespmem:v19+s26+$0x0] =	vst.idx.msk $0xffff, v18  }
0x175: {  	v19 =	vor.u32 v14, v17;
	v18 =	vld [tilespmem:s31+$0x5280];
	_ =	sdelay $0x4  }
0x176: {  	[tilespmem:v19+s26+$0x0] =	vst.idx.msk $0xffff, v18  }
0x177: {  	v19 =	vor.u32 v15, v17;
	v18 =	vld [tilespmem:s31+$0x5300];
	_ =	sdelay $0x4  }
.Ltmp7:
0x178: {  	[tilespmem:v19+s26+$0x0] =	vst.idx.msk $0xffff, v18;
	(pc) =	sbr.rel @!p1 .LBB2_12-.Ltmp7, $2  }
0x179: {  	v19 =	vor.u32 v16, v17;
	v18 =	vld [tilespmem:s31+$0x5380];
	_ =	sdelay $0x2  }
0x17a: {  	s28 =	sadd.s32 $0x80, s28;
	s29 =	sadd.s32 $0x10, s29;
	v17 =	vmov s30;
	s30 =	sadd.s32 $0x2, s30  }
0x17b: {  	_ =	sdelay $0x2  }
0x17c: {  	v17 =	vshll.u32 v17, $0x7;
	s0 =	sand.u32 $0x70, s29;
	s30 =	sand.u32 $0xC00, s28  }
0x17d: {  	s0 =	sor.u32 s0, s30;
	v17 =	vor.u32 v1, v17;
	[tilespmem:v19+s26+$0x0] =	vst.idx.msk $0xffff, v18  }
0x17e: {  	v18 =	vld [tilespmem:s0+$0x4000];
	v19 =	vor.u32 v0, v17;
	_ =	sdelay $0x3  }
0x17f: {  	s26 =	simm.s32 $0xC000  }
0x180: {  	[tilespmem:v19+s26+$0x0] =	vst.idx.msk $0xffff, v18  }
0x181: {  	v19 =	vor.u32 v2, v17;
	v18 =	vld [tilespmem:s0+$0x4080];
	_ =	sdelay $0x4  }
0x182: {  	[tilespmem:v19+s26+$0x0] =	vst.idx.msk $0xffff, v18  }
0x183: {  	v19 =	vor.u32 v3, v17;
	v18 =	vld [tilespmem:s0+$0x4100];
	_ =	sdelay $0x4  }
0x184: {  	[tilespmem:v19+s26+$0x0] =	vst.idx.msk $0xffff, v18  }
0x185: {  	v19 =	vor.u32 v4, v17;
	v18 =	vld [tilespmem:s0+$0x4180];
	_ =	sdelay $0x4  }
0x186: {  	[tilespmem:v19+s26+$0x0] =	vst.idx.msk $0xffff, v18  }
0x187: {  	v19 =	vor.u32 v5, v17;
	v18 =	vld [tilespmem:s0+$0x4200];
	_ =	sdelay $0x4  }
0x188: {  	[tilespmem:v19+s26+$0x0] =	vst.idx.msk $0xffff, v18  }
0x189: {  	v19 =	vor.u32 v6, v17;
	v18 =	vld [tilespmem:s0+$0x4280];
	_ =	sdelay $0x4  }
0x18a: {  	[tilespmem:v19+s26+$0x0] =	vst.idx.msk $0xffff, v18  }
0x18b: {  	v19 =	vor.u32 v7, v17;
	v18 =	vld [tilespmem:s0+$0x4300];
	_ =	sdelay $0x3  }
0x18c: {  	s31 =	sor.u32 s28, s29  }
0x18d: {  	s28 =	sor.u32 $0x380, s31;
	[tilespmem:v19+s26+$0x0] =	vst.idx.msk $0xffff, v18  }
0x18e: {  	v19 =	vor.u32 v8, v17;
	v18 =	vld [tilespmem:s28+$0x4000];
	_ =	sdelay $0x4  }
0x18f: {  	[tilespmem:v19+s26+$0x0] =	vst.idx.msk $0xffff, v18  }
0x190: {  	v19 =	vor.u32 v9, v17;
	v18 =	vld [tilespmem:s0+$0x5000];
	_ =	sdelay $0x4  }
0x191: {  	[tilespmem:v19+s26+$0x0] =	vst.idx.msk $0xffff, v18  }
0x192: {  	v19 =	vor.u32 v10, v17;
	v18 =	vld [tilespmem:s0+$0x5080];
	_ =	sdelay $0x4  }
0x193: {  	[tilespmem:v19+s26+$0x0] =	vst.idx.msk $0xffff, v18  }
0x194: {  	v19 =	vor.u32 v11, v17;
	v18 =	vld [tilespmem:s0+$0x5100];
	_ =	sdelay $0x4  }
0x195: {  	[tilespmem:v19+s26+$0x0] =	vst.idx.msk $0xffff, v18  }
0x196: {  	v19 =	vor.u32 v12, v17;
	v18 =	vld [tilespmem:s0+$0x5180];
	_ =	sdelay $0x4  }
0x197: {  	[tilespmem:v19+s26+$0x0] =	vst.idx.msk $0xffff, v18  }
0x198: {  	v19 =	vor.u32 v13, v17;
	v18 =	vld [tilespmem:s0+$0x5200];
	_ =	sdelay $0x4  }
0x199: {  	[tilespmem:v19+s26+$0x0] =	vst.idx.msk $0xffff, v18  }
0x19a: {  	v19 =	vor.u32 v14, v17;
	v18 =	vld [tilespmem:s0+$0x5280];
	_ =	sdelay $0x4  }
0x19b: {  	[tilespmem:v19+s26+$0x0] =	vst.idx.msk $0xffff, v18  }
0x19c: {  	v19 =	vor.u32 v15, v17;
	v18 =	vld [tilespmem:s0+$0x5300];
	_ =	sdelay $0x4  }
0x19d: {  	[tilespmem:v19+s26+$0x0] =	vst.idx.msk $0xffff, v18  }
0x19e: {  	v17 =	vor.u32 v16, v17;
	v18 =	vld [tilespmem:s0+$0x5380]  }
.Ltmp8:
0x19f: {  	_ = 	snop;
	(pc) =	sbr.rel .LBB2_18-.Ltmp8, $2  }
0x1a0: {  	_ =	sdelay $0x2  }
0x1a1: {  	[tilespmem:v17+s26+$0x0] =	vst.idx.msk $0xffff, v18  }
.LBB2_14:
0x1a2: {  	p1 =	sne.s32 s26, $0x3  }
0x1a3: {  	p2 =	sgt.u32 @!p1 s25, $0x13D5  }
0x1a4: {  	p1 =	por p1, p2  }
.Ltmp9:
0x1a5: {  	_ = 	snop;
	(pc) =	sbr.rel @p1 .LBB2_19-.Ltmp9, $1  }
0x1a6: {  	_ =	sdelay $0x3  }
0x1a7: {  	p1 =	sgt.u32 s25, $0x1375  }
0x1a8: {  	s0 =	sshll.u32 @!p1 s25, $0x9  }
0x1a9: {  	s0 =	sand.u32 @!p1 $0x1FFFFE00, s0  }
0x1aa: {  	s0 =	sadd.s32 @!p1 s1, s0  }
0x1ab: {  	s28 =	simm.s32 @!p1 $0x0;
	s29 =	simm.s32 @!p1 $0x4000;
	s26 =	sadd.s32 @!p1 $0xC000, s0  }
0x1ac: {  	[tilespmem:s29], [sflag:$0x1] =	stream.linear.gather @!p1 [hbm4b:s26+s28], $0x1000, $0x38;
	[tilespmem:$0x10000] =	vst v63  }
0x1ad: {  	s0 =	sadd.s32 @!p1 $0x286C80, s0;
	s26 =	simm.s32 @!p1 $0x5000  }
0x1ae: {  	[tilespmem:s26], [sflag:$0x1] =	stream.linear.gather @!p1 [hbm4b:s0+s28], $0x1000, $0x38;
	[tilespmem:$0x10000] =	vst v63  }
0x1af: {  	_ =	swait.ge [sflag:s21], $0x1000  }
0x1b0: {  	[sflag:s21] =	ssyncset.done $0x0  }
0x1b1: {  	[sflag:s21] =	ssyncadd.s32 $0xFFFFF000  }
0x1b2: {  	_ =	swait.ge [sflag:s21], $0x1000  }
0x1b3: {  	p1 =	slt.u32 s24, $0x4;
	[sflag:s21] =	ssyncset.done $0x0  }
0x1b4: {  	s28 =	simm.s32 $0x0;
	s0 =	simm.s32 @!p1 $0x2;
	[sflag:s21] =	ssyncadd.s32 $0xFFFFF000  }
0x1b5: {  	v17 =	vmov s28;
	_ =	swait.ge @!p1 [sflag:s0], $0x2000  }
0x1b6: {  	s31 =	sand.u32 $0x70, s28;
	s29 =	sand.u32 $0xC00, s28;
	v17 =	vshll.u32 v17, $0x7;
	[sflag:s0] =	ssyncset.done @!p1 $0x0  }
0x1b7: {  	s31 =	sor.u32 s31, s29;
	v17 =	vor.u32 v1, v17;
	[sflag:s0] =	ssyncadd.s32 @!p1 $0xFFFFE000  }
0x1b8: {  	v19 =	vor.u32 v0, v17;
	v18 =	vld [tilespmem:s31+$0x6000];
	_ =	sdelay $0x3  }
0x1b9: {  	s26 =	simm.s32 $0xE000  }
0x1ba: {  	[tilespmem:v19+s26+$0x0] =	vst.idx.msk $0xffff, v18  }
0x1bb: {  	v19 =	vor.u32 v2, v17;
	v18 =	vld [tilespmem:s31+$0x6080];
	_ =	sdelay $0x4  }
0x1bc: {  	[tilespmem:v19+s26+$0x0] =	vst.idx.msk $0xffff, v18  }
0x1bd: {  	v19 =	vor.u32 v3, v17;
	v18 =	vld [tilespmem:s31+$0x6100];
	_ =	sdelay $0x4  }
0x1be: {  	[tilespmem:v19+s26+$0x0] =	vst.idx.msk $0xffff, v18  }
0x1bf: {  	v19 =	vor.u32 v4, v17;
	v18 =	vld [tilespmem:s31+$0x6180];
	_ =	sdelay $0x4  }
0x1c0: {  	[tilespmem:v19+s26+$0x0] =	vst.idx.msk $0xffff, v18  }
0x1c1: {  	v19 =	vor.u32 v5, v17;
	v18 =	vld [tilespmem:s31+$0x6200];
	_ =	sdelay $0x4  }
0x1c2: {  	[tilespmem:v19+s26+$0x0] =	vst.idx.msk $0xffff, v18  }
0x1c3: {  	v19 =	vor.u32 v6, v17;
	v18 =	vld [tilespmem:s31+$0x6280];
	_ =	sdelay $0x4  }
0x1c4: {  	[tilespmem:v19+s26+$0x0] =	vst.idx.msk $0xffff, v18  }
0x1c5: {  	v19 =	vor.u32 v7, v17;
	v18 =	vld [tilespmem:s31+$0x6300];
	_ =	sdelay $0x3  }
0x1c6: {  	s28 =	sor.u32 s28, s28  }
0x1c7: {  	s28 =	sor.u32 $0x380, s28;
	[tilespmem:v19+s26+$0x0] =	vst.idx.msk $0xffff, v18  }
0x1c8: {  	v19 =	vor.u32 v8, v17;
	v18 =	vld [tilespmem:s28+$0x6000];
	_ =	sdelay $0x4  }
0x1c9: {  	[tilespmem:v19+s26+$0x0] =	vst.idx.msk $0xffff, v18  }
0x1ca: {  	v19 =	vor.u32 v9, v17;
	v18 =	vld [tilespmem:s31+$0x7000];
	_ =	sdelay $0x4  }
0x1cb: {  	[tilespmem:v19+s26+$0x0] =	vst.idx.msk $0xffff, v18  }
0x1cc: {  	v19 =	vor.u32 v10, v17;
	v18 =	vld [tilespmem:s31+$0x7080];
	_ =	sdelay $0x4  }
0x1cd: {  	[tilespmem:v19+s26+$0x0] =	vst.idx.msk $0xffff, v18  }
0x1ce: {  	v19 =	vor.u32 v11, v17;
	v18 =	vld [tilespmem:s31+$0x7100];
	_ =	sdelay $0x4  }
0x1cf: {  	[tilespmem:v19+s26+$0x0] =	vst.idx.msk $0xffff, v18  }
0x1d0: {  	v19 =	vor.u32 v12, v17;
	v18 =	vld [tilespmem:s31+$0x7180];
	_ =	sdelay $0x4  }
0x1d1: {  	[tilespmem:v19+s26+$0x0] =	vst.idx.msk $0xffff, v18  }
0x1d2: {  	v19 =	vor.u32 v13, v17;
	v18 =	vld [tilespmem:s31+$0x7200];
	_ =	sdelay $0x4  }
0x1d3: {  	[tilespmem:v19+s26+$0x0] =	vst.idx.msk $0xffff, v18  }
0x1d4: {  	v19 =	vor.u32 v14, v17;
	v18 =	vld [tilespmem:s31+$0x7280];
	_ =	sdelay $0x4  }
0x1d5: {  	[tilespmem:v19+s26+$0x0] =	vst.idx.msk $0xffff, v18  }
0x1d6: {  	v19 =	vor.u32 v15, v17;
	v18 =	vld [tilespmem:s31+$0x7300];
	_ =	sdelay $0x4  }
0x1d7: {  	[tilespmem:v19+s26+$0x0] =	vst.idx.msk $0xffff, v18  }
0x1d8: {  	v19 =	vor.u32 v16, v17;
	v18 =	vld [tilespmem:s31+$0x7380];
	_ =	sdelay $0x1  }
0x1d9: {  	s28 =	simm.s32 $0x2  }
0x1da: {  	s30 =	simm.s32 $0x4;
	s29 =	simm.s32 $0x10;
	v17 =	vmov s28;
	s28 =	simm.s32 $0x80  }
.LBB2_16:
0x1db: {  	p1 =	sne.s32 s30, $0x3E;
	v17 =	vshll.u32 v17, $0x7;
	s0 =	sand.u32 $0x70, s29;
	s31 =	sand.u32 $0xC00, s28  }
0x1dc: {  	s31 =	sor.u32 s0, s31;
	v17 =	vor.u32 v1, v17;
	[tilespmem:v19+s26+$0x0] =	vst.idx.msk $0xffff, v18  }
0x1dd: {  	v18 =	vld [tilespmem:s31+$0x6000];
	v19 =	vor.u32 v0, v17;
	_ =	sdelay $0x4  }
0x1de: {  	[tilespmem:v19+s26+$0x0] =	vst.idx.msk $0xffff, v18  }
0x1df: {  	v19 =	vor.u32 v2, v17;
	v18 =	vld [tilespmem:s31+$0x6080];
	_ =	sdelay $0x4  }
0x1e0: {  	[tilespmem:v19+s26+$0x0] =	vst.idx.msk $0xffff, v18  }
0x1e1: {  	v19 =	vor.u32 v3, v17;
	v18 =	vld [tilespmem:s31+$0x6100];
	_ =	sdelay $0x4  }
0x1e2: {  	[tilespmem:v19+s26+$0x0] =	vst.idx.msk $0xffff, v18  }
0x1e3: {  	v19 =	vor.u32 v4, v17;
	v18 =	vld [tilespmem:s31+$0x6180];
	_ =	sdelay $0x4  }
0x1e4: {  	[tilespmem:v19+s26+$0x0] =	vst.idx.msk $0xffff, v18  }
0x1e5: {  	v19 =	vor.u32 v5, v17;
	v18 =	vld [tilespmem:s31+$0x6200];
	_ =	sdelay $0x4  }
0x1e6: {  	[tilespmem:v19+s26+$0x0] =	vst.idx.msk $0xffff, v18  }
0x1e7: {  	v19 =	vor.u32 v6, v17;
	v18 =	vld [tilespmem:s31+$0x6280];
	_ =	sdelay $0x4  }
0x1e8: {  	[tilespmem:v19+s26+$0x0] =	vst.idx.msk $0xffff, v18  }
0x1e9: {  	v19 =	vor.u32 v7, v17;
	v18 =	vld [tilespmem:s31+$0x6300];
	_ =	sdelay $0x3  }
0x1ea: {  	s0 =	sor.u32 s28, s29  }
0x1eb: {  	s0 =	sor.u32 $0x380, s0;
	[tilespmem:v19+s26+$0x0] =	vst.idx.msk $0xffff, v18  }
0x1ec: {  	v19 =	vor.u32 v8, v17;
	v18 =	vld [tilespmem:s0+$0x6000];
	_ =	sdelay $0x4  }
0x1ed: {  	[tilespmem:v19+s26+$0x0] =	vst.idx.msk $0xffff, v18  }
0x1ee: {  	v19 =	vor.u32 v9, v17;
	v18 =	vld [tilespmem:s31+$0x7000];
	_ =	sdelay $0x4  }
0x1ef: {  	[tilespmem:v19+s26+$0x0] =	vst.idx.msk $0xffff, v18  }
0x1f0: {  	v19 =	vor.u32 v10, v17;
	v18 =	vld [tilespmem:s31+$0x7080];
	_ =	sdelay $0x4  }
0x1f1: {  	[tilespmem:v19+s26+$0x0] =	vst.idx.msk $0xffff, v18  }
0x1f2: {  	v19 =	vor.u32 v11, v17;
	v18 =	vld [tilespmem:s31+$0x7100];
	_ =	sdelay $0x4  }
0x1f3: {  	[tilespmem:v19+s26+$0x0] =	vst.idx.msk $0xffff, v18  }
0x1f4: {  	v19 =	vor.u32 v12, v17;
	v18 =	vld [tilespmem:s31+$0x7180];
	_ =	sdelay $0x4  }
0x1f5: {  	[tilespmem:v19+s26+$0x0] =	vst.idx.msk $0xffff, v18  }
0x1f6: {  	v19 =	vor.u32 v13, v17;
	v18 =	vld [tilespmem:s31+$0x7200];
	_ =	sdelay $0x4  }
0x1f7: {  	[tilespmem:v19+s26+$0x0] =	vst.idx.msk $0xffff, v18  }
0x1f8: {  	v19 =	vor.u32 v14, v17;
	v18 =	vld [tilespmem:s31+$0x7280];
	_ =	sdelay $0x4  }
0x1f9: {  	[tilespmem:v19+s26+$0x0] =	vst.idx.msk $0xffff, v18  }
0x1fa: {  	v19 =	vor.u32 v15, v17;
	v18 =	vld [tilespmem:s31+$0x7300];
	_ =	sdelay $0x4  }
.Ltmp10:
0x1fb: {  	[tilespmem:v19+s26+$0x0] =	vst.idx.msk $0xffff, v18;
	(pc) =	sbr.rel @p1 .LBB2_16-.Ltmp10, $2  }
0x1fc: {  	v19 =	vor.u32 v16, v17;
	v18 =	vld [tilespmem:s31+$0x7380];
	_ =	sdelay $0x2  }
0x1fd: {  	s28 =	sadd.s32 $0x80, s28;
	s29 =	sadd.s32 $0x10, s29;
	v17 =	vmov s30;
	s30 =	sadd.s32 $0x2, s30  }
0x1fe: {  	_ =	sdelay $0x2  }
0x1ff: {  	v17 =	vshll.u32 v17, $0x7;
	s0 =	sand.u32 $0x70, s29;
	s30 =	sand.u32 $0xC00, s28  }
0x200: {  	s0 =	sor.u32 s0, s30;
	v17 =	vor.u32 v1, v17;
	[tilespmem:v19+s26+$0x0] =	vst.idx.msk $0xffff, v18  }
0x201: {  	v18 =	vld [tilespmem:s0+$0x6000];
	v19 =	vor.u32 v0, v17;
	_ =	sdelay $0x3  }
0x202: {  	s26 =	simm.s32 $0xE000  }
0x203: {  	[tilespmem:v19+s26+$0x0] =	vst.idx.msk $0xffff, v18  }
0x204: {  	v19 =	vor.u32 v2, v17;
	v18 =	vld [tilespmem:s0+$0x6080];
	_ =	sdelay $0x4  }
0x205: {  	[tilespmem:v19+s26+$0x0] =	vst.idx.msk $0xffff, v18  }
0x206: {  	v19 =	vor.u32 v3, v17;
	v18 =	vld [tilespmem:s0+$0x6100];
	_ =	sdelay $0x4  }
0x207: {  	[tilespmem:v19+s26+$0x0] =	vst.idx.msk $0xffff, v18  }
0x208: {  	v19 =	vor.u32 v4, v17;
	v18 =	vld [tilespmem:s0+$0x6180];
	_ =	sdelay $0x4  }
0x209: {  	[tilespmem:v19+s26+$0x0] =	vst.idx.msk $0xffff, v18  }
0x20a: {  	v19 =	vor.u32 v5, v17;
	v18 =	vld [tilespmem:s0+$0x6200];
	_ =	sdelay $0x4  }
0x20b: {  	[tilespmem:v19+s26+$0x0] =	vst.idx.msk $0xffff, v18  }
0x20c: {  	v19 =	vor.u32 v6, v17;
	v18 =	vld [tilespmem:s0+$0x6280];
	_ =	sdelay $0x4  }
0x20d: {  	[tilespmem:v19+s26+$0x0] =	vst.idx.msk $0xffff, v18  }
0x20e: {  	v19 =	vor.u32 v7, v17;
	v18 =	vld [tilespmem:s0+$0x6300];
	_ =	sdelay $0x3  }
0x20f: {  	s31 =	sor.u32 s28, s29  }
0x210: {  	s28 =	sor.u32 $0x380, s31;
	[tilespmem:v19+s26+$0x0] =	vst.idx.msk $0xffff, v18  }
0x211: {  	v19 =	vor.u32 v8, v17;
	v18 =	vld [tilespmem:s28+$0x6000];
	_ =	sdelay $0x4  }
0x212: {  	[tilespmem:v19+s26+$0x0] =	vst.idx.msk $0xffff, v18  }
0x213: {  	v19 =	vor.u32 v9, v17;
	v18 =	vld [tilespmem:s0+$0x7000];
	_ =	sdelay $0x4  }
0x214: {  	[tilespmem:v19+s26+$0x0] =	vst.idx.msk $0xffff, v18  }
0x215: {  	v19 =	vor.u32 v10, v17;
	v18 =	vld [tilespmem:s0+$0x7080];
	_ =	sdelay $0x4  }
0x216: {  	[tilespmem:v19+s26+$0x0] =	vst.idx.msk $0xffff, v18  }
0x217: {  	v19 =	vor.u32 v11, v17;
	v18 =	vld [tilespmem:s0+$0x7100];
	_ =	sdelay $0x4  }
0x218: {  	[tilespmem:v19+s26+$0x0] =	vst.idx.msk $0xffff, v18  }
0x219: {  	v19 =	vor.u32 v12, v17;
	v18 =	vld [tilespmem:s0+$0x7180];
	_ =	sdelay $0x4  }
0x21a: {  	[tilespmem:v19+s26+$0x0] =	vst.idx.msk $0xffff, v18  }
0x21b: {  	v19 =	vor.u32 v13, v17;
	v18 =	vld [tilespmem:s0+$0x7200];
	_ =	sdelay $0x4  }
0x21c: {  	[tilespmem:v19+s26+$0x0] =	vst.idx.msk $0xffff, v18  }
0x21d: {  	v19 =	vor.u32 v14, v17;
	v18 =	vld [tilespmem:s0+$0x7280];
	_ =	sdelay $0x4  }
0x21e: {  	[tilespmem:v19+s26+$0x0] =	vst.idx.msk $0xffff, v18  }
0x21f: {  	v19 =	vor.u32 v15, v17;
	v18 =	vld [tilespmem:s0+$0x7300];
	_ =	sdelay $0x4  }
0x220: {  	[tilespmem:v19+s26+$0x0] =	vst.idx.msk $0xffff, v18  }
0x221: {  	v17 =	vor.u32 v16, v17;
	v18 =	vld [tilespmem:s0+$0x7380];
	_ =	sdelay $0x4  }
0x222: {  	[tilespmem:v17+s26+$0x0] =	vst.idx.msk $0xffff, v18  }
.LBB2_18:
0x223: {  	s0 =	sshll.u32 s25, $0xA  }
0x224: {  	s0 =	sadd.s32 s5, s0  }
0x225: {  	[hbm4b:s0+s4] =	stream.linear.scatter [tilespmem:s26], [sflag:$0x2], $0x2000, $0x38;
	[tilespmem:$0x10000] =	vst v63  }
.LBB2_19:
0x226: {  	s24 =	sadd.s32 $0x1, s24  }
0x227: {  	p1 =	sne.s32 s24, $0x9F  }
.Ltmp11:
0x228: {  	_ = 	snop;
	(pc) =	sbr.rel @p1 .LBB2_2-.Ltmp11, $1  }
0x229: {  	_ =	sdelay $0x3  }
0x22a: {  	_ =	swait.ge [sflag:s22], $0x2000  }
0x22b: {  	[sflag:s22] =	ssyncset.done $0x0  }
0x22c: {  	[sflag:s22] =	ssyncadd.s32 $0xFFFFE000  }
0x22d: {  	_ =	swait.ge [sflag:s22], $0x2000  }
0x22e: {  	[sflag:s22] =	ssyncset.done $0x0  }
0x22f: {  	[sflag:s22] =	ssyncadd.s32 $0xFFFFE000  }
0x230: {  	_ =	swait.ge [sflag:s22], $0x2000  }
0x231: {  	[sflag:s22] =	ssyncset.done $0x0  }
0x232: {  	[sflag:s22] =	ssyncadd.s32 $0xFFFFE000  }
0x233: {  	_ =	swait.ge [sflag:s22], $0x2000  }
0x234: {  	s0 =	simm.s32 @!p0 $0x0;
	[sflag:s22] =	ssyncset.done $0x0  }
0x235: {  	s24 =	simm.s32 @!p0 $0x8000;
	s25 =	simm.s32 @!p0 $0x3;
	[sflag:s22] =	ssyncadd.s32 $0xFFFFE000  }
0x236: {  	[tilespmem:s24], [sflag:$0x3] =	stream.linear.gather @!p0 [hbm4b:s2+s0], $0x400, $0x38;
	[tilespmem:$0x10000] =	vst v63  }
0x237: {  	s23 =	sadd.s32 $0x1, s23;
	_ =	swait.ge @!p0 [sflag:s25], $0x400  }
0x238: {  	p1 =	sne.s32 s23, s15;
	[sflag:s25] =	ssyncset.done @!p0 $0x0  }
.Ltmp12:
0x239: {  	[sflag:s25] =	ssyncadd.s32 @!p0 $0xFFFFFC00;
	(pc) =	sbr.rel @p1 .LBB2_1-.Ltmp12, $4  }
0x23a: {  	[hbm4b:s14+s0] =	stream.linear.scatter @!p0 [tilespmem:s24], [sflag:$0x3], $0x400, $0x38;
	[tilespmem:$0x10000] =	vst v63  }
0x23b: {  	_ =	swait.ge @!p0 [sflag:s25], $0x400  }
0x23c: {  	[sflag:s25] =	ssyncset.done @!p0 $0x0  }
0x23d: {  	[sflag:s25] =	ssyncadd.s32 @!p0 $0xFFFFFC00  }
0x23e: {  	_ =	sfence.sel $0x180000  }
0x23f: {  	[bflag:$0x0] =	sbarrier.arrive $0xFFFF  }
0x240: {  	_ =	strace $0x90000047  }
0x241: {  	[bflag:$0x2] =	sbarrier.arrive $0xFFFF  }
0x242: {  	p0 =	sne.s32 s3, $0x0;
	s0 =	rddreg [dreg:$0x3]  }
0x243: {  	s0 =	sadd.s32 @!p0 $0x100000, s0  }
0x244: {  	[sflag:s0] =	ssyncadd.tile.s32 @!p0 $0x1;
	_ =	shalt  }
.Lfunc_end2:
_tile_overlayer_lowered:
.L_overlay_start_2:
0x245: {  	(tag) =	ssettag $0x2  }
0x246: {  	s0 =	rddreg [dreg:$0x0];
	s2 =	stileid.u32  }
0x247: {  	s1 =	rddreg [dreg:$0x1];
	p0 =	sne.s32 s2, $0x0  }
0x248: {  	s3 =	rddreg [dreg:$0x2];
	[bflag:$0x3] =	sbarrier.arrive $0xFFFF;
	s2 =	simm.s32 @!p0 $0x1C03  }
0x249: {  	[timem:s3], [sflag:s2] =	dma.local @!p0 [hbm:s0], s1  }
0x24a: {  	s0 =	simm.s32 @!p0 $0x3  }
0x24b: {  	_ =	swait.ge @!p0 [sflag:s0], s1  }
0x24c: {  	s1 =	ssub.s32 @!p0 $0x0, s1;
	[sflag:s0] =	ssyncset.done @!p0 $0x0  }
0x24d: {  	[sflag:s0] =	ssyncadd.s32 @!p0 s1  }
0x24e: {  	[bflag:$0x3] =	sbarrier.arrive $0xFFFF  }
0x24f: {  	_ =	shalt  }

// kernel: kernel.7.cloned.1.call-start
scs
__scs_entry_jumppad:
0x0: {  	(pc) =	sbr.rel $0x88, $3  }
0x1: {  	(tag) =	ssettag $0x0;
	lr =	simm.s32 $0x1  }
0x2: {  	[smem:$0x3F9E] =	sst lr;
	_ =	strace $0xD0000000  }
0x3: {  	_ = 	snop  }
0x4: {  	_ = 	snop  }
0x5: {  	_ = 	snop  }
0x6: {  	_ = 	snop  }
0x7: {  	_ = 	snop  }
__scs_overlays_trampoline_lowered:
0x8: {  	[smem:$0x3FAD] =	sst s0  }
0x9: {  	[smem:$0x3FAE] =	sst s1  }
0xa: {  	[smem:$0x3FAF] =	sst s2  }
0xb: {  	[smem:$0x3FB0] =	sst s3  }
0xc: {  	[smem:$0x3FB1] =	sst s4  }
0xd: {  	[smem:$0x3FB2] =	sst s5  }
0xe: {  	[smem:$0x3FB3] =	sst s6  }
0xf: {  	[smem:$0x3FB4] =	sst s7  }
0x10: {  	[smem:$0x3FB5] =	sst s8  }
0x11: {  	[smem:$0x3FB6] =	sst s9;
	s0 =	simm.s32 @!p0 $0x0  }
0x12: {  	s1 =	sld [smem:$0x3F9C];
	s0 =	simm.s32 @p0 $0x1  }
0x13: {  	[smem:$0x3FB7] =	sst s0;
	s0 =	simm.s32 @!p1 $0x0  }
0x14: {  	s2 =	sld [smem:$0x3F9B];
	s0 =	simm.s32 @p1 $0x1  }
0x15: {  	[smem:$0x3FB8] =	sst s0;
	s0 =	simm.s32 @!p2 $0x0  }
0x16: {  	s3 =	sld [smem:$0x3FDB];
	s0 =	simm.s32 @p2 $0x1  }
0x17: {  	s4 =	simm.s32 $0x1BF5;
	[smem:$0x3FBA] =	sst s0  }
0x18: {  	s0 =	sld [smem:$0x3F9D];
	_ =	swait.ge [sflag:s4], $0x0  }
0x19: {  	s7 =	sld [smem:$0x3F9E]  }
0x1a: {  	s8 =	sadd.s32 $0xFFFFE003, lr  }
0x1b: {  	s9 =	sadd.s32 $0xFFFFFEF7, lr;
	s5 =	simm.s32 $0xFFFFFFFF;
	p2 =	slt.u32 s8, $0xFFFFF086  }
0x1c: {  	p1 =	slt.u32 s9, $0xF7A;
	s5 =	simm.s32 @!p2 $0x0  }
0x1d: {  	s5 =	simm.s32 @p1 $0x1;
	p0 =	seq.s32 s7, s2  }
0x1e: {  	s7 =	smul.u32 @!p0 $0xF7A, s2;
	p2 =	seq.s32 @!p0 s5, $0x0  }
0x1f: {  	s9 =	smul.u32 $0xF7A, s1;
	s8 =	simm.s32 @!p0 $0x1BF5;
	p2 =	por !p2, p0  }
0x20: {  	[sflag:s8] =	ssyncset.s32 @!p0 $0xFFFFF086;
	s6 =	sadd.s32 @!p0 s3, s7;
	s7 =	simm.s32 @!p0 $0x108  }
0x21: {  	s3 =	sadd.s32 s3, s9;
	s6 =	sadd.s32 @!p0 $0x88, s6;
	s7 =	simm.s32 @p2 $0x1082  }
0x22: {  	[simem:s7], [sflag:s8] =	dma.local @!p0 [hbm:s6], $0xF7A  }
0x23: {  	s9 =	sor.u32 $0xD0000000, s2;
	s6 =	simm.s32 $0x108;
	_ =	swait.ge @!p0 [sflag:s8], $0x0  }
0x24: {  	s3 =	sadd.s32 $0x88, s3;
	s6 =	simm.s32 @!p1 $0x1082;
	[sflag:s4] =	ssyncset.s32 $0xFFFFF086  }
0x25: {  	[simem:s6], [sflag:s4] =	dma.local [hbm:s3], $0xF7A  }
0x26: {  	[smem:$0x3F9E] =	sst s1;
	(tag) =	ssettag s2;
	_ =	strace s9  }
0x27: {  	s1 =	sld [smem:$0x3FAE]  }
0x28: {  	s2 =	sld [smem:$0x3FAF]  }
0x29: {  	s4 =	sld [smem:$0x3FB1]  }
0x2a: {  	p0 =	seq.s32 s5, $0x0;
	s5 =	sld [smem:$0x3FB2]  }
0x2b: {  	s6 =	sld [smem:$0x3FB3]  }
0x2c: {  	s7 =	sld [smem:$0x3FB4]  }
0x2d: {  	s3 =	simm.s32 $0x108;
	s8 =	sld [smem:$0x3FB5]  }
0x2e: {  	s3 =	simm.s32 @!p0 $0x1082;
	s9 =	sld [smem:$0x3FB6]  }
0x2f: {  	lr =	sadd.s32 s0, s3;
	s0 =	sld [smem:$0x3FAD]  }
0x30: {  	s3 =	sld [smem:$0x3FB0]  }
0x31: {  	[smem:$0x3FB9] =	sst s10  }
0x32: {  	s10 =	sld [smem:$0x3FB7];
	_ =	sdelay $0x3  }
0x33: {  	p0 =	seq.s32 s10, $0x1;
	s10 =	sld [smem:$0x3FB9];
	_ =	sdelay $0x3  }
0x34: {  	[smem:$0x3FB9] =	sst s10  }
0x35: {  	s10 =	sld [smem:$0x3FB8];
	_ =	sdelay $0x3  }
0x36: {  	p1 =	seq.s32 s10, $0x1;
	s10 =	sld [smem:$0x3FB9];
	_ =	sdelay $0x3  }
0x37: {  	[smem:$0x3FB9] =	sst s10  }
0x38: {  	s10 =	sld [smem:$0x3FBA]  }
0x39: {  	_ = 	snop;
	(pc) =	sbr.ind lr, $3  }
0x3a: {  	_ = 	snop  }
0x3b: {  	_ = 	snop  }
0x3c: {  	p2 =	seq.s32 s10, $0x1;
	s10 =	sld [smem:$0x3FB9]  }
0x3d: {  	_ =	shalt  }
0x3e: {  	_ =	shalt  }
0x3f: {  	_ =	shalt  }
0x40: {  	_ =	shalt  }
0x41: {  	_ =	shalt  }
0x42: {  	_ =	shalt  }
0x43: {  	_ =	shalt  }
0x44: {  	_ =	shalt  }
0x45: {  	_ =	shalt  }
0x46: {  	_ =	shalt  }
0x47: {  	_ =	shalt  }
0x48: {  	_ =	shalt  }
0x49: {  	_ =	shalt  }
0x4a: {  	_ =	shalt  }
0x4b: {  	_ =	shalt  }
0x4c: {  	_ =	shalt  }
0x4d: {  	_ =	shalt  }
0x4e: {  	_ =	shalt  }
0x4f: {  	_ =	shalt  }
0x50: {  	_ =	shalt  }
0x51: {  	_ =	shalt  }
0x52: {  	_ =	shalt  }
0x53: {  	_ =	shalt  }
0x54: {  	_ =	shalt  }
0x55: {  	_ =	shalt  }
0x56: {  	_ =	shalt  }
0x57: {  	_ =	shalt  }
0x58: {  	_ =	shalt  }
0x59: {  	_ =	shalt  }
0x5a: {  	_ =	shalt  }
0x5b: {  	_ =	shalt  }
0x5c: {  	_ =	shalt  }
0x5d: {  	_ =	shalt  }
0x5e: {  	_ =	shalt  }
0x5f: {  	_ =	shalt  }
0x60: {  	_ =	shalt  }
0x61: {  	_ =	shalt  }
0x62: {  	_ =	shalt  }
0x63: {  	_ =	shalt  }
0x64: {  	_ =	shalt  }
0x65: {  	_ =	shalt  }
0x66: {  	_ =	shalt  }
0x67: {  	_ =	shalt  }
0x68: {  	_ =	shalt  }
0x69: {  	_ =	shalt  }
0x6a: {  	_ =	shalt  }
0x6b: {  	_ =	shalt  }
0x6c: {  	_ =	shalt  }
0x6d: {  	_ =	shalt  }
0x6e: {  	_ =	shalt  }
0x6f: {  	_ =	shalt  }
0x70: {  	_ =	shalt  }
0x71: {  	_ =	shalt  }
0x72: {  	_ =	shalt  }
0x73: {  	_ =	shalt  }
0x74: {  	_ =	shalt  }
0x75: {  	_ =	shalt  }
0x76: {  	_ =	shalt  }
0x77: {  	_ =	shalt  }
0x78: {  	_ =	shalt  }
0x79: {  	_ =	shalt  }
0x7a: {  	_ =	shalt  }
0x7b: {  	_ =	shalt  }
0x7c: {  	_ =	shalt  }
0x7d: {  	_ =	shalt  }
0x7e: {  	_ =	shalt  }
0x7f: {  	_ =	shalt  }
0x80: {  	_ =	shalt  }
0x81: {  	_ =	shalt  }
0x82: {  	_ =	shalt  }
0x83: {  	_ =	shalt  }
0x84: {  	_ =	shalt  }
0x85: {  	_ =	shalt  }
0x86: {  	_ =	shalt  }
0x87: {  	_ =	shalt  }
.Lfunc_end0:
.L_simem_size_0:
called_computation.1_lowered:
.L_overlay_start_0:
0x88: {  	s2 =	sld [smem:$0x3FD9]  }
0x89: {  	s3 =	sld [smem:$0x3FFE];
	_ =	sdelay $0x1  }
0x8a: {  	s1 =	srdreg.scid  }
0x8b: {  	s0 =	sand.u32 $0x1, s1  }
0x8c: {  	s17 =	sshll.u32 s0, $0xA;
	s2 =	sadd.s32 s3, s2  }
0x8d: {  	s2 =	sadd.s32 s2, s17  }
0x8e: {  	[smem:$0x3FC5] =	sst s2  }
0x8f: {  	_ = 	snop  }
0x90: {  	s2 =	sld [smem:$0x3FD0];
	(tm) =	ssettm $0x1  }
0x91: {  	s18 =	sld [smem:$0x3FFB];
	_ =	sdelay $0x3  }
0x92: {  	_ =	strace s18  }
0x93: {  	s3 =	sld [smem:$0x3FFC];
	_ =	sdelay $0x3  }
0x94: {  	_ =	strace s3  }
0x95: {  	s3 =	sld [smem:$0x3FFD];
	_ =	sdelay $0x3  }
0x96: {  	_ =	strace s3  }
0x97: {  	_ =	strace $0x8FFFFFFF  }
0x98: {  	s19 =	sld [smem:$0x3FDB];
	_ =	sdelay $0x1  }
0x99: {  	s4 =	simm.s32 $_scs_section_size  }
0x9a: {  	s5 =	simm.s32 $_size__tile_overlayer_lowered;
	s6 =	simm.s32 $_tile_overlayer_lowered  }
0x9b: {  	s22 =	simm.s32 $0x1BFF;
	s21 =	sshll.u32 s6, $0x1;
	s3 =	sadd.s32 s4, s19  }
0x9c: {  	s7 =	simm.s32 $0x0;
	s20 =	sshll.u32 s5, $0x1;
	s5 =	sadd.s32 s21, s3  }
0x9d: {  	[timem:s7], [sflag:s22] =	dma.local [hbm:s5], s20  }
0x9e: {  	_ =	swait.ge [sflag:s22], s20  }
0x9f: {  	s4 =	ssub.s32 $0x0, s20;
	[sflag:s22] =	ssyncset.done $0x0  }
0xa0: {  	[sflag:s22] =	ssyncadd.s32 s4;
	_ =	sdelay $0x1  }
0xa1: {  	s23 =	simm.s32 $0x1B8B  }
0xa2: {  	_ =	swait.ge [sflag:s23], $0x1  }
0xa3: {  	[sflag:s23] =	ssyncset.done $0x0  }
0xa4: {  	s25 =	simm.s32 $0x1B8E;
	s24 =	sld [smem:$0x3FFE];
	[sflag:s23] =	ssyncadd.s32 $0xFFFFFFFF  }
0xa5: {  	s26 =	simm.s32 $execute0_lowered;
	[smem:$0x3FD2] =	sst s25  }
0xa6: {  	s5 =	sshll.u32 s26, $0x1;
	_ =	strace $0x80000049;
	[dreg:$0x1] =	wrdreg $0xFFFFFFFF  }
0xa7: {  	s28 =	simm.s32 $_size_execute0_lowered;
	s3 =	sadd.s32 s3, s5;
	[dreg:$0x0] =	wrdreg $0x0  }
0xa8: {  	s5 =	sshll.u32 s28, $0x1;
	[dreg:$0x2] =	wrdreg s3  }
0xa9: {  	[dreg:$0x3] =	wrdreg s5  }
0xaa: {  	[dreg:$0x4] =	wrdreg $0xC0  }
0xab: {  	_ =	task [dreg:s7], $0x5FFFF  }
0xac: {  	[dreg:$0x1] =	wrdreg $0xFFFFFFFF  }
0xad: {  	[dreg:$0x0] =	wrdreg $0x60  }
0xae: {  	[dreg:$0x2] =	wrdreg s24  }
0xaf: {  	[dreg:$0x3] =	wrdreg s2  }
0xb0: {  	[dreg:$0x4] =	wrdreg $0x9  }
0xb1: {  	_ =	task.clear_ibuf [dreg:s7], $0x5FFFF;
	_ =	strace $0x90000049  }
0xb2: {  	s29 =	simm.s32 $0x9;
	_ =	strace $0x8000004B  }
0xb3: {  	_ =	swait.ge [sflag:s29], $0x1  }
0xb4: {  	[sflag:s29] =	ssyncadd.s32 $0xFFFFFFFF  }
0xb5: {  	_ =	strace $0x9000004B  }
0xb6: {  	_ =	sfence  }
0xb7: {  	s30 =	sld [smem:$0x0];
	_ =	sdelay $0x2  }
0xb8: {  	s31 =	sshll.u32 s1, $0xD;
	s1 =	sshrl.u32 s1, $0x2  }
0xb9: {  	s3 =	sand.u32 $0x4000, s31;
	s1 =	sadd.s32 s1, s30  }
0xba: {  	s0 =	sor.u32 s3, s0;
	s1 =	sshll.u32 s1, $0x11  }
0xbb: {  	s0 =	sor.u32 s1, s0  }
0xbc: {  	s0 =	sadd.s32 $0x8F2B, s0  }
0xbd: {  	[sflag:s0] =	ssyncadd.remote.s32 $0x1  }
0xbe: {  	_ =	sfence.sel $0xFFFF  }
0xbf: {  	[dreg:$0x0] =	wrdreg $0xFFFFFFFF;
	(pc) =	sbr.abs _section_cstart, $3  }
0xc0: {  	[dreg:$0x1] =	wrdreg $0xFFFFFFFF  }
0xc1: {  	_ =	task.clear_ibuf [dreg:s7], $0x2FFFF;
	_ =	strace $0x9FFFFFFF  }
0xc2: {  	(tm) =	ssettm $0x7FFFFFFF  }
0xc3: {  	_ =	shalt  }
tec
execute0_lowered:
.L_overlay_start_1:
0x0: {  	(tag) =	ssettag $0x1  }
0x1: {  	v0 =	vlaneseq.u32  }
0x2: {  	v0 =	vmul.u32 $0x80, v0;
	_ =	sdelay $0x1  }
0x3: {  	v56 =	vor.u32 $0x1, v0;
	v57 =	vor.u32 $0x2, v0;
	v3 =	vor.u32 $0x3, v0  }
0x4: {  	v4 =	vor.u32 $0x4, v0;
	v5 =	vor.u32 $0x5, v0;
	v6 =	vor.u32 $0x6, v0  }
0x5: {  	v9 =	vor.u32 $0x9, v0;
	v10 =	vor.u32 $0xA, v0;
	v11 =	vor.u32 $0xB, v0  }
0x6: {  	v12 =	vor.u32 $0xC, v0;
	v13 =	vor.u32 $0xD, v0;
	v14 =	vor.u32 $0xE, v0  }
0x7: {  	s1 =	srdreg.scid;
	v15 =	vor.u32 $0xF, v0;
	v16 =	vor.u32 $0x800, v0;
	v17 =	vor.u32 $0x801, v0  }
0x8: {  	s0 =	stileid.u32;
	s5 =	rddreg [dreg:$0x0];
	v18 =	vor.u32 $0x802, v0;
	v19 =	vor.u32 $0x803, v0;
	v20 =	vor.u32 $0x804, v0  }
0x9: {  	s2 =	rddreg [dreg:$0x1];
	s3 =	simm.s32 $0x0;
	s9 =	smul.u32 $0xD0, s0;
	v21 =	vor.u32 $0x805, v0;
	v22 =	vor.u32 $0x806, v0;
	v23 =	vor.u32 $0x807, v0  }
0xa: {  	s16 =	simm.s32 $0x1;
	s17 =	simm.s32 $0xA880;
	s11 =	smul.u32 $0x6800, s0;
	v24 =	vor.u32 $0x808, v0;
	v25 =	vor.u32 $0x809, v0;
	v26 =	vor.u32 $0x80A, v0  }
0xb: {  	s18 =	simm.s32 $0x2;
	s8 =	sand.u32 $0x1, s1;
	s14 =	smul.u32 $0xD000, s0;
	v27 =	vor.u32 $0x80B, v0;
	v28 =	vor.u32 $0x80C, v0;
	v29 =	vor.u32 $0x80D, v0  }
0xc: {  	s19 =	simm.s32 $0x0;
	s1 =	rddreg [dreg:$0x2];
	s10 =	smul.u32 $0x68, s8;
	v30 =	vor.u32 $0x80E, v0;
	v31 =	vor.u32 $0x80F, v0;
	v32 =	vor.u32 $0x1000, v0  }
0xd: {  	s31 =	sshll.u32 s0, $0x1;
	[smem:$0x7FF] =	sst s3;
	s12 =	smul.u32 $0x3400, s8;
	v33 =	vor.u32 $0x1001, v0;
	v34 =	vor.u32 $0x1002, v0;
	v35 =	vor.u32 $0x1003, v0  }
0xe: {  	s4 =	sor.u32 s8, s31;
	s7 =	ssub.s32 $0x2, s8;
	s15 =	smul.u32 $0x6800, s8;
	v36 =	vor.u32 $0x1004, v0;
	v37 =	vor.u32 $0x1005, v0;
	v38 =	vor.u32 $0x1006, v0  }
0xf: {  	_ =	strace $0x8000004A;
	s4 =	smul.u32 $0x680, s4;
	s13 =	sshrl.u32 s7, $0x1;
	v39 =	vor.u32 $0x1007, v0;
	v40 =	vor.u32 $0x1008, v0;
	v41 =	vor.u32 $0x1009, v0  }
.Ltmp0:
0x10: {  	v42 =	vor.u32 $0x100A, v0;
	v43 =	vor.u32 $0x100B, v0;
	v44 =	vor.u32 $0x100C, v0;
	s13 =	ssub.s32 s7, s13;
	s7 =	sadd.s32 $0x4000, s2;
	(pc) =	sbr.rel .LBB2_1-.Ltmp0, $4  }
0x11: {  	v45 =	vor.u32 $0x100D, v0;
	v46 =	vor.u32 $0x100E, v0;
	v47 =	vor.u32 $0x100F, v0;
	s9 =	sadd.s32 s10, s9;
	s10 =	sadd.s32 s12, s11;
	s11 =	sadd.s32 s15, s14  }
0x12: {  	v48 =	vor.u32 $0x1800, v0;
	v49 =	vor.u32 $0x1801, v0;
	v50 =	vor.u32 $0x1802, v0;
	s12 =	simm.s32 $0x3;
	s14 =	simm.s32 $0x80;
	s15 =	simm.s32 $0x6880  }
0x13: {  	v7 =	vor.u32 $0x7, v0;
	v51 =	vor.u32 $0x1803, v0;
	v52 =	vor.u32 $0x1804, v0;
	[tilespmem:$0x1FFE0] =	vst v56;
	s6 =	sadd.s32 s4, s5;
	s4 =	sadd.s32 $0x503600, s5;
	s5 =	sadd.s32 $0xC00, s5  }
0x14: {  	v8 =	vor.u32 $0x8, v0;
	v53 =	vor.u32 $0x1805, v0;
	v54 =	vor.u32 $0x1806, v0;
	[tilespmem:$0x1FFF0] =	vst v57;
	s8 =	smax.u32 s13, $0x1;
	s13 =	simm.s32 $0x6800;
	s6 =	sadd.s32 $0x4F6600, s6  }
.LBB2_9:
0x15: {  	s19 =	sadd.s32 $0x1, s19  }
0x16: {  	_ =	swait.ge [sflag:s18], $0x800;
	p0 =	sne.s32 s19, s8  }
.Ltmp1:
0x17: {  	[sflag:s18] =	ssyncset.done $0x0;
	(pc) =	sbr.rel @!p0 .LBB2_10-.Ltmp1, $4  }
0x18: {  	[sflag:s18] =	ssyncadd.s32 $0xFFFFF800  }
0x19: {  	_ =	swait.ge [sflag:s18], $0x800  }
0x1a: {  	[sflag:s18] =	ssyncset.done $0x0  }
0x1b: {  	[sflag:s18] =	ssyncadd.s32 $0xFFFFF800  }
.LBB2_1:
0x1c: {  	[tilespmem:s3], [sflag:$0x3] =	stream.linear.gather [hbm4b:s6+s3], $0x3400, $0x38;
	[tilespmem:$0xF880] =	vst v63  }
0x1d: {  	_ =	swait.ge [sflag:s12], $0x3400  }
0x1e: {  	[sflag:s12] =	ssyncset.done $0x0  }
0x1f: {  	[sflag:s12] =	ssyncadd.s32 $0xFFFFCC00  }
0x20: {  	[tilespmem:s13], [sflag:$0x3] =	stream.linear.gather [hbm4b:s4+s3], $0x80, $0x38;
	[tilespmem:$0xF880] =	vst v63  }
0x21: {  	_ =	swait.ge [sflag:s12], $0x80  }
0x22: {  	s20 =	sshrl.u32 s9, $0x7;
	[sflag:s12] =	ssyncset.done $0x0  }
0x23: {  	v55 =	vmov s20;
	s20 =	simm.s32 $0x0;
	[sflag:s12] =	ssyncadd.s32 $0xFFFFFF80  }
0x24: {  	v56 =	vld [tilespmem:s20+$0x0]  }
0x25: {  	v58 =	vld [tilespmem:s20+$0x10]  }
0x26: {  	v57 =	vld [tilespmem:s20+$0x70]  }
0x27: {  	v59 =	vld [tilespmem:s20+$0x60]  }
0x28: {  	v55 =	vld.idx.msk [tilespmem:v55+s13+$0x0], $0xffff  }
0x29: {  	s21 =	simm.s32 $0x200;
	s22 =	smov.u32 s9;
	v60 =	vld [tilespmem:s20+$0x50]  }
.LBB2_2:
0x2a: {  	p0 =	sne.s32 s21, $0xCE00  }
0x2b: {  	s22 =	sadd.s32 $0x1, s22;
	s23 =	smov.u32 s21;
	s21 =	sadd.s32 $0x200, s21  }
0x2c: {  	_ =	sdelay $0x1  }
0x2d: {  	v58 =	vadd.s32 v55, v58;
	v61 =	vld [tilespmem:s20+$0x40];
	v59 =	vadd.s32 v55, v59;
	v60 =	vadd.s32 v55, v60  }
0x2e: {  	v62 =	vshll.u32 v58, $0x4;
	v2 =	vshrl.u32 v59, $0x3;
	v63 =	vld [tilespmem:s20+$0x30];
	v1 =	vshll.u32 v60, $0x4  }
0x2f: {  	v60 =	vshrl.u32 v60, $0x3;
	v1 =	vand.u32 $0x70, v1;
	[tilespmem:s20+$0x60] =	vst v2  }
0x30: {  	v2 =	vand.u32 $0x70, v62;
	v62 =	vld [tilespmem:s20+$0x20];
	[tilespmem:s20+$0x3450] =	vst v1;
	v1 =	vshll.u32 v59, $0x4  }
0x31: {  	v58 =	vshrl.u32 v58, $0x3;
	[tilespmem:s20+$0x3410] =	vst v2;
	v1 =	vand.u32 $0x70, v1  }
0x32: {  	v2 =	vadd.s32 v55, v56;
	v56 =	vadd.s32 v55, v57;
	[tilespmem:s20+$0x10] =	vst v58;
	v58 =	vadd.s32 v55, v61  }
0x33: {  	s24 =	sshrl.u32 s22, $0x7;
	v57 =	vshrl.u32 v2, $0x3;
	v59 =	vadd.s32 v55, v63;
	v61 =	vshll.u32 v58, $0x4;
	[tilespmem:s20+$0x3460] =	vst v1  }
0x34: {  	v1 =	vmov s24;
	v63 =	vshrl.u32 v56, $0x3;
	[tilespmem:s20+$0x0] =	vst v57;
	v57 =	vshll.u32 v59, $0x4  }
0x35: {  	v2 =	vshll.u32 v2, $0x4;
	v55 =	vadd.s32 v55, v62;
	[tilespmem:s20+$0x70] =	vst v63;
	v62 =	vshll.u32 v56, $0x4  }
0x36: {  	v56 =	vshrl.u32 v59, $0x3;
	v63 =	vshrl.u32 v55, $0x3;
	v55 =	vshll.u32 v55, $0x4;
	[tilespmem:s20+$0x50] =	vst v60  }
0x37: {  	s23 =	sshra.s32 s23, $0x2;
	v59 =	vand.u32 $0x70, v57;
	v60 =	vand.u32 $0x70, v61;
	v55 =	vand.u32 $0x70, v55;
	[tilespmem:s20+$0x30] =	vst v56  }
0x38: {  	v2 =	vand.u32 $0x70, v2;
	v57 =	vshrl.u32 v58, $0x3;
	v56 =	vld [tilespmem:s23+$0x0];
	[tilespmem:s20+$0x20] =	vst v63  }
0x39: {  	v61 =	vand.u32 $0x70, v62;
	v58 =	vld [tilespmem:s23+$0x10];
	[tilespmem:s20+$0x40] =	vst v57  }
0x3a: {  	v57 =	vld [tilespmem:s23+$0x70];
	[tilespmem:s20+$0x3430] =	vst v59  }
0x3b: {  	[tilespmem:s20+$0x3400] =	vst v2  }
.Ltmp2:
0x3c: {  	[tilespmem:s20+$0x3470] =	vst v61;
	(pc) =	sbr.rel @p0 .LBB2_2-.Ltmp2, $4  }
0x3d: {  	v59 =	vld [tilespmem:s23+$0x60];
	[tilespmem:s20+$0x3440] =	vst v60  }
0x3e: {  	[tilespmem:s20+$0x3420] =	vst v55;
	s20 =	smov.u32 s23  }
0x3f: {  	v55 =	vld.idx.msk [tilespmem:v1+s13+$0x0], $0xffff  }
0x40: {  	v60 =	vld [tilespmem:s20+$0x50]  }
0x41: {  	_ =	sdelay $0x2  }
0x42: {  	v2 =	vadd.s32 v55, v59  }
0x43: {  	v58 =	vadd.s32 v55, v58;
	v59 =	vadd.s32 v55, v60;
	v61 =	vshrl.u32 v2, $0x3  }
0x44: {  	v2 =	vshll.u32 v2, $0x4;
	[tilespmem:s20+$0x60] =	vst v61;
	v61 =	vshll.u32 v58, $0x4;
	v58 =	vshrl.u32 v58, $0x3  }
0x45: {  	v63 =	vld [tilespmem:s20+$0x20];
	v62 =	vshll.u32 v59, $0x4;
	v2 =	vand.u32 $0x70, v2;
	[tilespmem:s20+$0x10] =	vst v58  }
0x46: {  	v1 =	vld [tilespmem:s20+$0x40];
	v62 =	vand.u32 $0x70, v62;
	[tilespmem:s20+$0x3460] =	vst v2  }
0x47: {  	v57 =	vadd.s32 v55, v57;
	v61 =	vand.u32 $0x70, v61;
	[tilespmem:s20+$0x3450] =	vst v62  }
0x48: {  	v2 =	vshrl.u32 v57, $0x3;
	[tilespmem:s20+$0x3410] =	vst v61  }
0x49: {  	v56 =	vadd.s32 v55, v56;
	v58 =	vshrl.u32 v59, $0x3;
	[tilespmem:s20+$0x70] =	vst v2  }
0x4a: {  	v60 =	vld [tilespmem:s20+$0x30];
	v62 =	vshrl.u32 v56, $0x3;
	v2 =	vadd.s32 v55, v63;
	[tilespmem:s20+$0x50] =	vst v58  }
0x4b: {  	v1 =	vadd.s32 v55, v1;
	[tilespmem:s20+$0x0] =	vst v62;
	v63 =	vshrl.u32 v2, $0x3  }
0x4c: {  	v56 =	vshll.u32 v56, $0x4;
	v62 =	vshrl.u32 v1, $0x3;
	[tilespmem:s20+$0x20] =	vst v63  }
0x4d: {  	v56 =	vand.u32 $0x70, v56;
	v1 =	vshll.u32 v1, $0x4;
	[tilespmem:s20+$0x40] =	vst v62  }
0x4e: {  	v2 =	vshll.u32 v2, $0x4;
	[tilespmem:s20+$0x3400] =	vst v56;
	v1 =	vand.u32 $0x70, v1  }
0x4f: {  	v59 =	vadd.s32 v55, v60;
	v2 =	vand.u32 $0x70, v2;
	[tilespmem:s20+$0x3440] =	vst v1  }
.Ltmp3:
0x50: {  	v63 =	vshll.u32 v57, $0x4;
	v60 =	vshrl.u32 v59, $0x3;
	[tilespmem:s20+$0x3420] =	vst v2;
	(pc) =	sbr.rel .LBB2_4-.Ltmp3, $4  }
0x51: {  	v61 =	vshll.u32 v59, $0x4;
	v55 =	vand.u32 $0x70, v63;
	[tilespmem:s20+$0x30] =	vst v60  }
0x52: {  	s21 =	smov.u32 s11;
	v58 =	vand.u32 $0x70, v61;
	[tilespmem:s20+$0x3470] =	vst v55  }
0x53: {  	s22 =	smov.u32 s10;
	s23 =	simm.s32 $0x0;
	v56 =	vld [tilespmem:$0x1FFE0];
	[tilespmem:s20+$0x3430] =	vst v58;
	s20 =	simm.s32 $0x0  }
0x54: {  	v57 =	vld [tilespmem:$0x1FFF0];
	[tilespmem:s15], [sflag:$0x1] =	stream.indirect.gather [hbm4b:s5+s14], $0x80, s20, s14, $0xb8  }
.LBB2_7:
0x55: {  	_ =	swait.ge [sflag:s18], $0x800  }
0x56: {  	[sflag:s18] =	ssyncset.done $0x0  }
0x57: {  	[sflag:s18] =	ssyncadd.s32 $0xFFFFF800  }
.LBB2_8:
0x58: {  	s20 =	sadd.s32 $0x200, s20  }
0x59: {  	s26 =	sand.u32 $0x7FFF8000, s21;
	s28 =	sand.u32 $0x3F80, s22;
	p0 =	sne.s32 s20, $0xD000  }
.Ltmp4:
0x5a: {  	s26 =	sor.u32 s28, s26;
	(pc) =	sbr.rel @!p0 .LBB2_9-.Ltmp4, $4  }
0x5b: {  	s23 =	sadd.s32 $0x1, s23;
	s28 =	sadd.s32 s2, s26  }
0x5c: {  	[hbm4b:s28+s3] =	stream.linear.scatter [tilespmem:s25], [sflag:$0x2], $0x400, $0x38;
	[tilespmem:$0xF880] =	vst v63  }
0x5d: {  	s22 =	sadd.s32 $0x80, s22;
	s21 =	sadd.s32 $0x100, s21;
	s31 =	sadd.s32 s26, s7  }
0x5e: {  	[hbm4b:s31+s3] =	stream.linear.scatter [tilespmem:s24], [sflag:$0x2], $0x400, $0x38;
	[tilespmem:$0xF880] =	vst v63  }
.LBB2_4:
0x5f: {  	s24 =	sand.u32 $0x1, s23  }
0x60: {  	p0 =	seq.s32 s24, $0x1  }
.Ltmp5:
0x61: {  	_ = 	snop;
	(pc) =	sbr.rel @!p0 .LBB2_5-.Ltmp5, $1  }
0x62: {  	_ =	sdelay $0x3  }
0x63: {  	p0 =	seq.s32 s20, $0xCE00  }
0x64: {  	s24 =	sshra.s32 @!p0 s20, $0x2  }
0x65: {  	s25 =	simm.s32 @!p0 $0x80;
	s26 =	simm.s32 @!p0 $0x6880;
	s24 =	sadd.s32 @!p0 $0x80, s24  }
0x66: {  	[tilespmem:s26], [sflag:$0x1] =	stream.indirect.gather @!p0 [hbm4b:s5+s25], $0x80, s24, s25, $0xb8;
	[tilespmem:$0xF880] =	vst v63  }
0x67: {  	s24 =	smov.u32 s20;
	_ =	swait.ge [sflag:s16], $0x4000  }
0x68: {  	s24 =	simm.s32 @p0 $0xCE00;
	[sflag:s16] =	ssyncset.done $0x0  }
0x69: {  	s24 =	sshra.s32 s24, $0x2;
	[sflag:s16] =	ssyncadd.s32 $0xFFFFC000  }
0x6a: {  	v1 =	vld [tilespmem:s24+$0x3400];
	_ =	sdelay $0x4  }
0x6b: {  	v2 =	vadd.s32 v0, v1;
	_ =	sdelay $0x4  }
0x6c: {  	v2 =	vld.idx.msk [tilespmem:v2+s17+$0x0], $0xffff  }
0x6d: {  	v55 =	vadd.s32 v56, v1;
	_ =	sdelay $0x3  }
0x6e: {  	[tilespmem:$0xF080] =	vst v2  }
0x6f: {  	v2 =	vld.idx.msk [tilespmem:v55+s17+$0x0], $0xffff  }
0x70: {  	v62 =	vadd.s32 v57, v1;
	_ =	sdelay $0x3  }
0x71: {  	[tilespmem:$0xF100] =	vst v2  }
0x72: {  	v2 =	vld.idx.msk [tilespmem:v62+s17+$0x0], $0xffff  }
0x73: {  	v63 =	vadd.s32 v3, v1;
	_ =	sdelay $0x3  }
0x74: {  	[tilespmem:$0xF180] =	vst v2  }
0x75: {  	v2 =	vld.idx.msk [tilespmem:v63+s17+$0x0], $0xffff  }
0x76: {  	v58 =	vadd.s32 v4, v1;
	_ =	sdelay $0x3  }
0x77: {  	[tilespmem:$0xF200] =	vst v2  }
0x78: {  	v2 =	vld.idx.msk [tilespmem:v58+s17+$0x0], $0xffff  }
0x79: {  	v59 =	vadd.s32 v5, v1;
	_ =	sdelay $0x3  }
0x7a: {  	[tilespmem:$0xF280] =	vst v2  }
0x7b: {  	v2 =	vld.idx.msk [tilespmem:v59+s17+$0x0], $0xffff  }
0x7c: {  	v60 =	vadd.s32 v6, v1;
	_ =	sdelay $0x3  }
0x7d: {  	[tilespmem:$0xF300] =	vst v2  }
0x7e: {  	v2 =	vld.idx.msk [tilespmem:v60+s17+$0x0], $0xffff  }
0x7f: {  	v61 =	vadd.s32 v7, v1;
	_ =	sdelay $0x3  }
0x80: {  	[tilespmem:$0xF380] =	vst v2  }
0x81: {  	v2 =	vld.idx.msk [tilespmem:v61+s17+$0x0], $0xffff  }
0x82: {  	v62 =	vadd.s32 v8, v1;
	_ =	sdelay $0x3  }
0x83: {  	[tilespmem:$0xF400] =	vst v2  }
0x84: {  	v2 =	vld.idx.msk [tilespmem:v62+s17+$0x0], $0xffff  }
0x85: {  	v63 =	vadd.s32 v9, v1;
	_ =	sdelay $0x3  }
0x86: {  	[tilespmem:$0xF480] =	vst v2  }
0x87: {  	v2 =	vld.idx.msk [tilespmem:v63+s17+$0x0], $0xffff  }
0x88: {  	v58 =	vadd.s32 v10, v1;
	_ =	sdelay $0x3  }
0x89: {  	[tilespmem:$0xF500] =	vst v2  }
0x8a: {  	v2 =	vld.idx.msk [tilespmem:v58+s17+$0x0], $0xffff  }
0x8b: {  	v59 =	vadd.s32 v11, v1;
	_ =	sdelay $0x3  }
0x8c: {  	[tilespmem:$0xF580] =	vst v2  }
0x8d: {  	v2 =	vld.idx.msk [tilespmem:v59+s17+$0x0], $0xffff  }
0x8e: {  	v60 =	vadd.s32 v12, v1;
	_ =	sdelay $0x3  }
0x8f: {  	[tilespmem:$0xF600] =	vst v2  }
0x90: {  	v2 =	vld.idx.msk [tilespmem:v60+s17+$0x0], $0xffff  }
0x91: {  	v61 =	vadd.s32 v13, v1;
	_ =	sdelay $0x3  }
0x92: {  	[tilespmem:$0xF680] =	vst v2  }
0x93: {  	v2 =	vld.idx.msk [tilespmem:v61+s17+$0x0], $0xffff  }
0x94: {  	v62 =	vadd.s32 v14, v1;
	_ =	sdelay $0x3  }
0x95: {  	[tilespmem:$0xF700] =	vst v2  }
0x96: {  	v2 =	vld.idx.msk [tilespmem:v62+s17+$0x0], $0xffff  }
0x97: {  	v1 =	vadd.s32 v15, v1;
	_ =	sdelay $0x3  }
0x98: {  	[tilespmem:$0xF780] =	vst v2  }
0x99: {  	v1 =	vld.idx.msk [tilespmem:v1+s17+$0x0], $0xffff;
	_ =	sdelay $0x4  }
0x9a: {  	[tilespmem:$0xF800] =	vst v1  }
0x9b: {  	v1 =	vld [tilespmem:s24+$0x3410];
	_ =	sdelay $0x4  }
0x9c: {  	v2 =	vadd.s32 v16, v1;
	_ =	sdelay $0x4  }
0x9d: {  	v2 =	vld.idx.msk [tilespmem:v2+s17+$0x0], $0xffff  }
0x9e: {  	v63 =	vadd.s32 v17, v1;
	_ =	sdelay $0x3  }
0x9f: {  	[tilespmem:$0xF090] =	vst v2  }
0xa0: {  	v2 =	vld.idx.msk [tilespmem:v63+s17+$0x0], $0xffff  }
0xa1: {  	v58 =	vadd.s32 v18, v1;
	_ =	sdelay $0x3  }
0xa2: {  	[tilespmem:$0xF110] =	vst v2  }
0xa3: {  	v2 =	vld.idx.msk [tilespmem:v58+s17+$0x0], $0xffff  }
0xa4: {  	v59 =	vadd.s32 v19, v1;
	_ =	sdelay $0x3  }
0xa5: {  	[tilespmem:$0xF190] =	vst v2  }
0xa6: {  	v2 =	vld.idx.msk [tilespmem:v59+s17+$0x0], $0xffff  }
0xa7: {  	v60 =	vadd.s32 v20, v1;
	_ =	sdelay $0x3  }
0xa8: {  	[tilespmem:$0xF210] =	vst v2  }
0xa9: {  	v2 =	vld.idx.msk [tilespmem:v60+s17+$0x0], $0xffff  }
0xaa: {  	v61 =	vadd.s32 v21, v1;
	_ =	sdelay $0x3  }
0xab: {  	[tilespmem:$0xF290] =	vst v2  }
0xac: {  	v2 =	vld.idx.msk [tilespmem:v61+s17+$0x0], $0xffff  }
0xad: {  	v62 =	vadd.s32 v22, v1;
	_ =	sdelay $0x3  }
0xae: {  	[tilespmem:$0xF310] =	vst v2  }
0xaf: {  	v2 =	vld.idx.msk [tilespmem:v62+s17+$0x0], $0xffff  }
0xb0: {  	v63 =	vadd.s32 v23, v1;
	_ =	sdelay $0x3  }
0xb1: {  	[tilespmem:$0xF390] =	vst v2  }
0xb2: {  	v2 =	vld.idx.msk [tilespmem:v63+s17+$0x0], $0xffff  }
0xb3: {  	v58 =	vadd.s32 v24, v1;
	_ =	sdelay $0x3  }
0xb4: {  	[tilespmem:$0xF410] =	vst v2  }
0xb5: {  	v2 =	vld.idx.msk [tilespmem:v58+s17+$0x0], $0xffff  }
0xb6: {  	v59 =	vadd.s32 v25, v1;
	_ =	sdelay $0x3  }
0xb7: {  	[tilespmem:$0xF490] =	vst v2  }
0xb8: {  	v2 =	vld.idx.msk [tilespmem:v59+s17+$0x0], $0xffff  }
0xb9: {  	v60 =	vadd.s32 v26, v1;
	_ =	sdelay $0x3  }
0xba: {  	[tilespmem:$0xF510] =	vst v2  }
0xbb: {  	v2 =	vld.idx.msk [tilespmem:v60+s17+$0x0], $0xffff  }
0xbc: {  	v61 =	vadd.s32 v27, v1;
	_ =	sdelay $0x3  }
0xbd: {  	[tilespmem:$0xF590] =	vst v2  }
0xbe: {  	v2 =	vld.idx.msk [tilespmem:v61+s17+$0x0], $0xffff  }
0xbf: {  	v62 =	vadd.s32 v28, v1;
	_ =	sdelay $0x3  }
0xc0: {  	[tilespmem:$0xF610] =	vst v2  }
0xc1: {  	v2 =	vld.idx.msk [tilespmem:v62+s17+$0x0], $0xffff  }
0xc2: {  	v63 =	vadd.s32 v29, v1;
	_ =	sdelay $0x3  }
0xc3: {  	[tilespmem:$0xF690] =	vst v2  }
0xc4: {  	v2 =	vld.idx.msk [tilespmem:v63+s17+$0x0], $0xffff  }
0xc5: {  	v58 =	vadd.s32 v30, v1;
	_ =	sdelay $0x3  }
0xc6: {  	[tilespmem:$0xF710] =	vst v2  }
0xc7: {  	v2 =	vld.idx.msk [tilespmem:v58+s17+$0x0], $0xffff  }
0xc8: {  	v1 =	vadd.s32 v31, v1;
	_ =	sdelay $0x3  }
0xc9: {  	[tilespmem:$0xF790] =	vst v2  }
0xca: {  	v1 =	vld.idx.msk [tilespmem:v1+s17+$0x0], $0xffff;
	_ =	sdelay $0x4  }
0xcb: {  	[tilespmem:$0xF810] =	vst v1  }
0xcc: {  	v1 =	vld [tilespmem:s24+$0x3420];
	_ =	sdelay $0x4  }
0xcd: {  	v2 =	vadd.s32 v32, v1;
	_ =	sdelay $0x4  }
0xce: {  	v2 =	vld.idx.msk [tilespmem:v2+s17+$0x0], $0xffff  }
0xcf: {  	v59 =	vadd.s32 v33, v1;
	_ =	sdelay $0x3  }
0xd0: {  	[tilespmem:$0xF0A0] =	vst v2  }
0xd1: {  	v2 =	vld.idx.msk [tilespmem:v59+s17+$0x0], $0xffff  }
0xd2: {  	v60 =	vadd.s32 v34, v1;
	_ =	sdelay $0x3  }
0xd3: {  	[tilespmem:$0xF120] =	vst v2  }
0xd4: {  	v2 =	vld.idx.msk [tilespmem:v60+s17+$0x0], $0xffff  }
0xd5: {  	v61 =	vadd.s32 v35, v1;
	_ =	sdelay $0x3  }
0xd6: {  	[tilespmem:$0xF1A0] =	vst v2  }
0xd7: {  	v2 =	vld.idx.msk [tilespmem:v61+s17+$0x0], $0xffff  }
0xd8: {  	v62 =	vadd.s32 v36, v1;
	_ =	sdelay $0x3  }
0xd9: {  	[tilespmem:$0xF220] =	vst v2  }
0xda: {  	v2 =	vld.idx.msk [tilespmem:v62+s17+$0x0], $0xffff  }
0xdb: {  	v63 =	vadd.s32 v37, v1;
	_ =	sdelay $0x3  }
0xdc: {  	[tilespmem:$0xF2A0] =	vst v2  }
0xdd: {  	v2 =	vld.idx.msk [tilespmem:v63+s17+$0x0], $0xffff  }
0xde: {  	v58 =	vadd.s32 v38, v1;
	_ =	sdelay $0x3  }
0xdf: {  	[tilespmem:$0xF320] =	vst v2  }
0xe0: {  	v2 =	vld.idx.msk [tilespmem:v58+s17+$0x0], $0xffff  }
0xe1: {  	v59 =	vadd.s32 v39, v1;
	_ =	sdelay $0x3  }
0xe2: {  	[tilespmem:$0xF3A0] =	vst v2  }
0xe3: {  	v2 =	vld.idx.msk [tilespmem:v59+s17+$0x0], $0xffff  }
0xe4: {  	v60 =	vadd.s32 v40, v1;
	_ =	sdelay $0x3  }
0xe5: {  	[tilespmem:$0xF420] =	vst v2  }
0xe6: {  	v2 =	vld.idx.msk [tilespmem:v60+s17+$0x0], $0xffff  }
0xe7: {  	v61 =	vadd.s32 v41, v1;
	_ =	sdelay $0x3  }
0xe8: {  	[tilespmem:$0xF4A0] =	vst v2  }
0xe9: {  	v2 =	vld.idx.msk [tilespmem:v61+s17+$0x0], $0xffff  }
0xea: {  	v62 =	vadd.s32 v42, v1;
	_ =	sdelay $0x3  }
0xeb: {  	[tilespmem:$0xF520] =	vst v2  }
0xec: {  	v2 =	vld.idx.msk [tilespmem:v62+s17+$0x0], $0xffff  }
0xed: {  	v63 =	vadd.s32 v43, v1;
	_ =	sdelay $0x3  }
0xee: {  	[tilespmem:$0xF5A0] =	vst v2  }
0xef: {  	v2 =	vld.idx.msk [tilespmem:v63+s17+$0x0], $0xffff  }
0xf0: {  	v58 =	vadd.s32 v44, v1;
	_ =	sdelay $0x3  }
0xf1: {  	[tilespmem:$0xF620] =	vst v2  }
0xf2: {  	v2 =	vld.idx.msk [tilespmem:v58+s17+$0x0], $0xffff  }
0xf3: {  	v59 =	vadd.s32 v45, v1;
	_ =	sdelay $0x3  }
0xf4: {  	[tilespmem:$0xF6A0] =	vst v2  }
0xf5: {  	v2 =	vld.idx.msk [tilespmem:v59+s17+$0x0], $0xffff  }
0xf6: {  	v60 =	vadd.s32 v46, v1;
	_ =	sdelay $0x3  }
0xf7: {  	[tilespmem:$0xF720] =	vst v2  }
0xf8: {  	v2 =	vld.idx.msk [tilespmem:v60+s17+$0x0], $0xffff  }
0xf9: {  	v1 =	vadd.s32 v47, v1;
	_ =	sdelay $0x3  }
0xfa: {  	[tilespmem:$0xF7A0] =	vst v2  }
0xfb: {  	v1 =	vld.idx.msk [tilespmem:v1+s17+$0x0], $0xffff;
	_ =	sdelay $0x4  }
0xfc: {  	[tilespmem:$0xF820] =	vst v1  }
0xfd: {  	v1 =	vld [tilespmem:s24+$0x3430];
	_ =	sdelay $0x4  }
0xfe: {  	v2 =	vadd.s32 v48, v1;
	_ =	sdelay $0x4  }
0xff: {  	v2 =	vld.idx.msk [tilespmem:v2+s17+$0x0], $0xffff  }
0x100: {  	v61 =	vadd.s32 v49, v1;
	_ =	sdelay $0x3  }
0x101: {  	[tilespmem:$0xF0B0] =	vst v2  }
0x102: {  	v2 =	vld.idx.msk [tilespmem:v61+s17+$0x0], $0xffff  }
0x103: {  	v62 =	vadd.s32 v50, v1;
	_ =	sdelay $0x3  }
0x104: {  	[tilespmem:$0xF130] =	vst v2  }
0x105: {  	v2 =	vld.idx.msk [tilespmem:v62+s17+$0x0], $0xffff  }
0x106: {  	v63 =	vadd.s32 v51, v1;
	_ =	sdelay $0x3  }
0x107: {  	[tilespmem:$0xF1B0] =	vst v2  }
0x108: {  	v2 =	vld.idx.msk [tilespmem:v63+s17+$0x0], $0xffff  }
0x109: {  	v58 =	vadd.s32 v52, v1;
	_ =	sdelay $0x3  }
0x10a: {  	[tilespmem:$0xF230] =	vst v2  }
0x10b: {  	v2 =	vld.idx.msk [tilespmem:v58+s17+$0x0], $0xffff  }
0x10c: {  	v59 =	vadd.s32 v53, v1;
	_ =	sdelay $0x3  }
0x10d: {  	[tilespmem:$0xF2B0] =	vst v2  }
0x10e: {  	v2 =	vld.idx.msk [tilespmem:v59+s17+$0x0], $0xffff  }
0x10f: {  	v60 =	vadd.s32 v54, v1;
	_ =	sdelay $0x3  }
0x110: {  	[tilespmem:$0xF330] =	vst v2  }
0x111: {  	v61 =	vor.u32 $0x1807, v0;
	v2 =	vld.idx.msk [tilespmem:v60+s17+$0x0], $0xffff  }
0x112: {  	v55 =	vadd.s32 v61, v1;
	_ =	sdelay $0x3  }
0x113: {  	[tilespmem:$0xF3B0] =	vst v2  }
0x114: {  	v62 =	vor.u32 $0x1808, v0;
	v2 =	vld.idx.msk [tilespmem:v55+s17+$0x0], $0xffff  }
0x115: {  	v55 =	vadd.s32 v62, v1;
	_ =	sdelay $0x3  }
0x116: {  	[tilespmem:$0xF430] =	vst v2  }
0x117: {  	v63 =	vor.u32 $0x1809, v0;
	v2 =	vld.idx.msk [tilespmem:v55+s17+$0x0], $0xffff  }
0x118: {  	v55 =	vadd.s32 v63, v1;
	_ =	sdelay $0x3  }
0x119: {  	[tilespmem:$0xF4B0] =	vst v2  }
0x11a: {  	v58 =	vor.u32 $0x180A, v0;
	v2 =	vld.idx.msk [tilespmem:v55+s17+$0x0], $0xffff  }
0x11b: {  	v55 =	vadd.s32 v58, v1;
	_ =	sdelay $0x3  }
0x11c: {  	[tilespmem:$0xF530] =	vst v2  }
0x11d: {  	v59 =	vor.u32 $0x180B, v0;
	v2 =	vld.idx.msk [tilespmem:v55+s17+$0x0], $0xffff  }
0x11e: {  	v55 =	vadd.s32 v59, v1;
	_ =	sdelay $0x3  }
0x11f: {  	[tilespmem:$0xF5B0] =	vst v2  }
0x120: {  	v60 =	vor.u32 $0x180C, v0;
	v2 =	vld.idx.msk [tilespmem:v55+s17+$0x0], $0xffff  }
0x121: {  	v55 =	vadd.s32 v60, v1;
	_ =	sdelay $0x3  }
0x122: {  	[tilespmem:$0xF630] =	vst v2  }
0x123: {  	v61 =	vor.u32 $0x180D, v0;
	v2 =	vld.idx.msk [tilespmem:v55+s17+$0x0], $0xffff  }
0x124: {  	v55 =	vadd.s32 v61, v1;
	_ =	sdelay $0x3  }
0x125: {  	[tilespmem:$0xF6B0] =	vst v2  }
0x126: {  	v62 =	vor.u32 $0x180E, v0;
	v2 =	vld.idx.msk [tilespmem:v55+s17+$0x0], $0xffff  }
0x127: {  	v55 =	vadd.s32 v62, v1;
	_ =	sdelay $0x3  }
0x128: {  	[tilespmem:$0xF730] =	vst v2  }
0x129: {  	v63 =	vor.u32 $0x180F, v0;
	v2 =	vld.idx.msk [tilespmem:v55+s17+$0x0], $0xffff  }
0x12a: {  	v1 =	vadd.s32 v63, v1;
	_ =	sdelay $0x3  }
0x12b: {  	[tilespmem:$0xF7B0] =	vst v2  }
0x12c: {  	v1 =	vld.idx.msk [tilespmem:v1+s17+$0x0], $0xffff;
	_ =	sdelay $0x4  }
0x12d: {  	[tilespmem:$0xF830] =	vst v1  }
0x12e: {  	v1 =	vld [tilespmem:s24+$0x3440];
	_ =	sdelay $0x3  }
0x12f: {  	v2 =	vor.u32 $0x2000, v0  }
0x130: {  	v2 =	vadd.s32 v2, v1;
	_ =	sdelay $0x4  }
0x131: {  	v58 =	vor.u32 $0x2001, v0;
	v2 =	vld.idx.msk [tilespmem:v2+s17+$0x0], $0xffff  }
0x132: {  	v55 =	vadd.s32 v58, v1;
	_ =	sdelay $0x3  }
0x133: {  	[tilespmem:$0xF0C0] =	vst v2  }
0x134: {  	v59 =	vor.u32 $0x2002, v0;
	v2 =	vld.idx.msk [tilespmem:v55+s17+$0x0], $0xffff  }
0x135: {  	v55 =	vadd.s32 v59, v1;
	_ =	sdelay $0x3  }
0x136: {  	[tilespmem:$0xF140] =	vst v2  }
0x137: {  	v60 =	vor.u32 $0x2003, v0;
	v2 =	vld.idx.msk [tilespmem:v55+s17+$0x0], $0xffff  }
0x138: {  	v55 =	vadd.s32 v60, v1;
	_ =	sdelay $0x3  }
0x139: {  	[tilespmem:$0xF1C0] =	vst v2  }
0x13a: {  	v61 =	vor.u32 $0x2004, v0;
	v2 =	vld.idx.msk [tilespmem:v55+s17+$0x0], $0xffff  }
0x13b: {  	v55 =	vadd.s32 v61, v1;
	_ =	sdelay $0x3  }
0x13c: {  	[tilespmem:$0xF240] =	vst v2  }
0x13d: {  	v62 =	vor.u32 $0x2005, v0;
	v2 =	vld.idx.msk [tilespmem:v55+s17+$0x0], $0xffff  }
0x13e: {  	v55 =	vadd.s32 v62, v1;
	_ =	sdelay $0x3  }
0x13f: {  	[tilespmem:$0xF2C0] =	vst v2  }
0x140: {  	v63 =	vor.u32 $0x2006, v0;
	v2 =	vld.idx.msk [tilespmem:v55+s17+$0x0], $0xffff  }
0x141: {  	v55 =	vadd.s32 v63, v1;
	_ =	sdelay $0x3  }
0x142: {  	[tilespmem:$0xF340] =	vst v2  }
0x143: {  	v58 =	vor.u32 $0x2007, v0;
	v2 =	vld.idx.msk [tilespmem:v55+s17+$0x0], $0xffff  }
0x144: {  	v55 =	vadd.s32 v58, v1;
	_ =	sdelay $0x3  }
0x145: {  	[tilespmem:$0xF3C0] =	vst v2  }
0x146: {  	v59 =	vor.u32 $0x2008, v0;
	v2 =	vld.idx.msk [tilespmem:v55+s17+$0x0], $0xffff  }
0x147: {  	v55 =	vadd.s32 v59, v1;
	_ =	sdelay $0x3  }
0x148: {  	[tilespmem:$0xF440] =	vst v2  }
0x149: {  	v60 =	vor.u32 $0x2009, v0;
	v2 =	vld.idx.msk [tilespmem:v55+s17+$0x0], $0xffff  }
0x14a: {  	v55 =	vadd.s32 v60, v1;
	_ =	sdelay $0x3  }
0x14b: {  	[tilespmem:$0xF4C0] =	vst v2  }
0x14c: {  	v61 =	vor.u32 $0x200A, v0;
	v2 =	vld.idx.msk [tilespmem:v55+s17+$0x0], $0xffff  }
0x14d: {  	v55 =	vadd.s32 v61, v1;
	_ =	sdelay $0x3  }
0x14e: {  	[tilespmem:$0xF540] =	vst v2  }
0x14f: {  	v62 =	vor.u32 $0x200B, v0;
	v2 =	vld.idx.msk [tilespmem:v55+s17+$0x0], $0xffff  }
0x150: {  	v55 =	vadd.s32 v62, v1;
	_ =	sdelay $0x3  }
0x151: {  	[tilespmem:$0xF5C0] =	vst v2  }
0x152: {  	v63 =	vor.u32 $0x200C, v0;
	v2 =	vld.idx.msk [tilespmem:v55+s17+$0x0], $0xffff  }
0x153: {  	v55 =	vadd.s32 v63, v1;
	_ =	sdelay $0x3  }
0x154: {  	[tilespmem:$0xF640] =	vst v2  }
0x155: {  	v58 =	vor.u32 $0x200D, v0;
	v2 =	vld.idx.msk [tilespmem:v55+s17+$0x0], $0xffff  }
0x156: {  	v55 =	vadd.s32 v58, v1;
	_ =	sdelay $0x3  }
0x157: {  	[tilespmem:$0xF6C0] =	vst v2  }
0x158: {  	v59 =	vor.u32 $0x200E, v0;
	v2 =	vld.idx.msk [tilespmem:v55+s17+$0x0], $0xffff  }
0x159: {  	v55 =	vadd.s32 v59, v1;
	_ =	sdelay $0x3  }
0x15a: {  	[tilespmem:$0xF740] =	vst v2  }
0x15b: {  	v60 =	vor.u32 $0x200F, v0;
	v2 =	vld.idx.msk [tilespmem:v55+s17+$0x0], $0xffff  }
0x15c: {  	v1 =	vadd.s32 v60, v1;
	_ =	sdelay $0x3  }
0x15d: {  	[tilespmem:$0xF7C0] =	vst v2  }
0x15e: {  	v1 =	vld.idx.msk [tilespmem:v1+s17+$0x0], $0xffff;
	_ =	sdelay $0x4  }
0x15f: {  	[tilespmem:$0xF840] =	vst v1  }
0x160: {  	v1 =	vld [tilespmem:s24+$0x3450];
	_ =	sdelay $0x3  }
0x161: {  	v2 =	vor.u32 $0x2800, v0  }
0x162: {  	v2 =	vadd.s32 v2, v1;
	_ =	sdelay $0x4  }
0x163: {  	v61 =	vor.u32 $0x2801, v0;
	v2 =	vld.idx.msk [tilespmem:v2+s17+$0x0], $0xffff  }
0x164: {  	v55 =	vadd.s32 v61, v1;
	_ =	sdelay $0x3  }
0x165: {  	[tilespmem:$0xF0D0] =	vst v2  }
0x166: {  	v62 =	vor.u32 $0x2802, v0;
	v2 =	vld.idx.msk [tilespmem:v55+s17+$0x0], $0xffff  }
0x167: {  	v55 =	vadd.s32 v62, v1;
	_ =	sdelay $0x3  }
0x168: {  	[tilespmem:$0xF150] =	vst v2  }
0x169: {  	v63 =	vor.u32 $0x2803, v0;
	v2 =	vld.idx.msk [tilespmem:v55+s17+$0x0], $0xffff  }
0x16a: {  	v55 =	vadd.s32 v63, v1;
	_ =	sdelay $0x3  }
0x16b: {  	[tilespmem:$0xF1D0] =	vst v2  }
0x16c: {  	v58 =	vor.u32 $0x2804, v0;
	v2 =	vld.idx.msk [tilespmem:v55+s17+$0x0], $0xffff  }
0x16d: {  	v55 =	vadd.s32 v58, v1;
	_ =	sdelay $0x3  }
0x16e: {  	[tilespmem:$0xF250] =	vst v2  }
0x16f: {  	v59 =	vor.u32 $0x2805, v0;
	v2 =	vld.idx.msk [tilespmem:v55+s17+$0x0], $0xffff  }
0x170: {  	v55 =	vadd.s32 v59, v1;
	_ =	sdelay $0x3  }
0x171: {  	[tilespmem:$0xF2D0] =	vst v2  }
0x172: {  	v60 =	vor.u32 $0x2806, v0;
	v2 =	vld.idx.msk [tilespmem:v55+s17+$0x0], $0xffff  }
0x173: {  	v55 =	vadd.s32 v60, v1;
	_ =	sdelay $0x3  }
0x174: {  	[tilespmem:$0xF350] =	vst v2  }
0x175: {  	v61 =	vor.u32 $0x2807, v0;
	v2 =	vld.idx.msk [tilespmem:v55+s17+$0x0], $0xffff  }
0x176: {  	v55 =	vadd.s32 v61, v1;
	_ =	sdelay $0x3  }
0x177: {  	[tilespmem:$0xF3D0] =	vst v2  }
0x178: {  	v62 =	vor.u32 $0x2808, v0;
	v2 =	vld.idx.msk [tilespmem:v55+s17+$0x0], $0xffff  }
0x179: {  	v55 =	vadd.s32 v62, v1;
	_ =	sdelay $0x3  }
0x17a: {  	[tilespmem:$0xF450] =	vst v2  }
0x17b: {  	v63 =	vor.u32 $0x2809, v0;
	v2 =	vld.idx.msk [tilespmem:v55+s17+$0x0], $0xffff  }
0x17c: {  	v55 =	vadd.s32 v63, v1;
	_ =	sdelay $0x3  }
0x17d: {  	[tilespmem:$0xF4D0] =	vst v2  }
0x17e: {  	v58 =	vor.u32 $0x280A, v0;
	v2 =	vld.idx.msk [tilespmem:v55+s17+$0x0], $0xffff  }
0x17f: {  	v55 =	vadd.s32 v58, v1;
	_ =	sdelay $0x3  }
0x180: {  	[tilespmem:$0xF550] =	vst v2  }
0x181: {  	v59 =	vor.u32 $0x280B, v0;
	v2 =	vld.idx.msk [tilespmem:v55+s17+$0x0], $0xffff  }
0x182: {  	v55 =	vadd.s32 v59, v1;
	_ =	sdelay $0x3  }
0x183: {  	[tilespmem:$0xF5D0] =	vst v2  }
0x184: {  	v60 =	vor.u32 $0x280C, v0;
	v2 =	vld.idx.msk [tilespmem:v55+s17+$0x0], $0xffff  }
0x185: {  	v55 =	vadd.s32 v60, v1;
	_ =	sdelay $0x3  }
0x186: {  	[tilespmem:$0xF650] =	vst v2  }
0x187: {  	v61 =	vor.u32 $0x280D, v0;
	v2 =	vld.idx.msk [tilespmem:v55+s17+$0x0], $0xffff  }
0x188: {  	v55 =	vadd.s32 v61, v1;
	_ =	sdelay $0x3  }
0x189: {  	[tilespmem:$0xF6D0] =	vst v2  }
0x18a: {  	v62 =	vor.u32 $0x280E, v0;
	v2 =	vld.idx.msk [tilespmem:v55+s17+$0x0], $0xffff  }
0x18b: {  	v55 =	vadd.s32 v62, v1;
	_ =	sdelay $0x3  }
0x18c: {  	[tilespmem:$0xF750] =	vst v2  }
0x18d: {  	v63 =	vor.u32 $0x280F, v0;
	v2 =	vld.idx.msk [tilespmem:v55+s17+$0x0], $0xffff  }
0x18e: {  	v1 =	vadd.s32 v63, v1;
	_ =	sdelay $0x3  }
0x18f: {  	[tilespmem:$0xF7D0] =	vst v2  }
0x190: {  	v1 =	vld.idx.msk [tilespmem:v1+s17+$0x0], $0xffff;
	_ =	sdelay $0x4  }
0x191: {  	[tilespmem:$0xF850] =	vst v1  }
0x192: {  	v1 =	vld [tilespmem:s24+$0x3460];
	_ =	sdelay $0x3  }
0x193: {  	v2 =	vor.u32 $0x3000, v0  }
0x194: {  	v2 =	vadd.s32 v2, v1;
	_ =	sdelay $0x4  }
0x195: {  	v58 =	vor.u32 $0x3001, v0;
	v2 =	vld.idx.msk [tilespmem:v2+s17+$0x0], $0xffff  }
0x196: {  	v55 =	vadd.s32 v58, v1;
	_ =	sdelay $0x3  }
0x197: {  	[tilespmem:$0xF0E0] =	vst v2  }
0x198: {  	v59 =	vor.u32 $0x3002, v0;
	v2 =	vld.idx.msk [tilespmem:v55+s17+$0x0], $0xffff  }
0x199: {  	v55 =	vadd.s32 v59, v1;
	_ =	sdelay $0x3  }
0x19a: {  	[tilespmem:$0xF160] =	vst v2  }
0x19b: {  	v60 =	vor.u32 $0x3003, v0;
	v2 =	vld.idx.msk [tilespmem:v55+s17+$0x0], $0xffff  }
0x19c: {  	v55 =	vadd.s32 v60, v1;
	_ =	sdelay $0x3  }
0x19d: {  	[tilespmem:$0xF1E0] =	vst v2  }
0x19e: {  	v61 =	vor.u32 $0x3004, v0;
	v2 =	vld.idx.msk [tilespmem:v55+s17+$0x0], $0xffff  }
0x19f: {  	v55 =	vadd.s32 v61, v1;
	_ =	sdelay $0x3  }
0x1a0: {  	[tilespmem:$0xF260] =	vst v2  }
0x1a1: {  	v62 =	vor.u32 $0x3005, v0;
	v2 =	vld.idx.msk [tilespmem:v55+s17+$0x0], $0xffff  }
0x1a2: {  	v55 =	vadd.s32 v62, v1;
	_ =	sdelay $0x3  }
0x1a3: {  	[tilespmem:$0xF2E0] =	vst v2  }
0x1a4: {  	v63 =	vor.u32 $0x3006, v0;
	v2 =	vld.idx.msk [tilespmem:v55+s17+$0x0], $0xffff  }
0x1a5: {  	v55 =	vadd.s32 v63, v1;
	_ =	sdelay $0x3  }
0x1a6: {  	[tilespmem:$0xF360] =	vst v2  }
0x1a7: {  	v58 =	vor.u32 $0x3007, v0;
	v2 =	vld.idx.msk [tilespmem:v55+s17+$0x0], $0xffff  }
0x1a8: {  	v55 =	vadd.s32 v58, v1;
	_ =	sdelay $0x3  }
0x1a9: {  	[tilespmem:$0xF3E0] =	vst v2  }
0x1aa: {  	v59 =	vor.u32 $0x3008, v0;
	v2 =	vld.idx.msk [tilespmem:v55+s17+$0x0], $0xffff  }
0x1ab: {  	v55 =	vadd.s32 v59, v1;
	_ =	sdelay $0x3  }
0x1ac: {  	[tilespmem:$0xF460] =	vst v2  }
0x1ad: {  	v60 =	vor.u32 $0x3009, v0;
	v2 =	vld.idx.msk [tilespmem:v55+s17+$0x0], $0xffff  }
0x1ae: {  	v55 =	vadd.s32 v60, v1;
	_ =	sdelay $0x3  }
0x1af: {  	[tilespmem:$0xF4E0] =	vst v2  }
0x1b0: {  	v61 =	vor.u32 $0x300A, v0;
	v2 =	vld.idx.msk [tilespmem:v55+s17+$0x0], $0xffff  }
0x1b1: {  	v55 =	vadd.s32 v61, v1;
	_ =	sdelay $0x3  }
0x1b2: {  	[tilespmem:$0xF560] =	vst v2  }
0x1b3: {  	v62 =	vor.u32 $0x300B, v0;
	v2 =	vld.idx.msk [tilespmem:v55+s17+$0x0], $0xffff  }
0x1b4: {  	v55 =	vadd.s32 v62, v1;
	_ =	sdelay $0x3  }
0x1b5: {  	[tilespmem:$0xF5E0] =	vst v2  }
0x1b6: {  	v63 =	vor.u32 $0x300C, v0;
	v2 =	vld.idx.msk [tilespmem:v55+s17+$0x0], $0xffff  }
0x1b7: {  	v55 =	vadd.s32 v63, v1;
	_ =	sdelay $0x3  }
0x1b8: {  	[tilespmem:$0xF660] =	vst v2  }
0x1b9: {  	v58 =	vor.u32 $0x300D, v0;
	v2 =	vld.idx.msk [tilespmem:v55+s17+$0x0], $0xffff  }
0x1ba: {  	v55 =	vadd.s32 v58, v1;
	_ =	sdelay $0x3  }
0x1bb: {  	[tilespmem:$0xF6E0] =	vst v2  }
0x1bc: {  	v59 =	vor.u32 $0x300E, v0;
	v2 =	vld.idx.msk [tilespmem:v55+s17+$0x0], $0xffff  }
0x1bd: {  	v55 =	vadd.s32 v59, v1;
	_ =	sdelay $0x3  }
0x1be: {  	[tilespmem:$0xF760] =	vst v2  }
0x1bf: {  	v60 =	vor.u32 $0x300F, v0;
	v2 =	vld.idx.msk [tilespmem:v55+s17+$0x0], $0xffff  }
0x1c0: {  	v1 =	vadd.s32 v60, v1;
	_ =	sdelay $0x3  }
0x1c1: {  	[tilespmem:$0xF7E0] =	vst v2  }
0x1c2: {  	v1 =	vld.idx.msk [tilespmem:v1+s17+$0x0], $0xffff;
	_ =	sdelay $0x4  }
0x1c3: {  	[tilespmem:$0xF860] =	vst v1  }
0x1c4: {  	v1 =	vld [tilespmem:s24+$0x3470];
	_ =	sdelay $0x3  }
0x1c5: {  	v2 =	vor.u32 $0x3800, v0  }
0x1c6: {  	v2 =	vadd.s32 v2, v1;
	_ =	sdelay $0x4  }
0x1c7: {  	v61 =	vor.u32 $0x3801, v0;
	v2 =	vld.idx.msk [tilespmem:v2+s17+$0x0], $0xffff  }
0x1c8: {  	v55 =	vadd.s32 v61, v1;
	_ =	sdelay $0x3  }
0x1c9: {  	[tilespmem:$0xF0F0] =	vst v2  }
0x1ca: {  	v62 =	vor.u32 $0x3802, v0;
	v2 =	vld.idx.msk [tilespmem:v55+s17+$0x0], $0xffff  }
0x1cb: {  	v55 =	vadd.s32 v62, v1;
	_ =	sdelay $0x3  }
0x1cc: {  	[tilespmem:$0xF170] =	vst v2  }
0x1cd: {  	v63 =	vor.u32 $0x3803, v0;
	v2 =	vld.idx.msk [tilespmem:v55+s17+$0x0], $0xffff  }
0x1ce: {  	v55 =	vadd.s32 v63, v1;
	_ =	sdelay $0x3  }
0x1cf: {  	[tilespmem:$0xF1F0] =	vst v2  }
0x1d0: {  	v58 =	vor.u32 $0x3804, v0;
	v2 =	vld.idx.msk [tilespmem:v55+s17+$0x0], $0xffff  }
0x1d1: {  	v55 =	vadd.s32 v58, v1;
	_ =	sdelay $0x3  }
0x1d2: {  	[tilespmem:$0xF270] =	vst v2  }
0x1d3: {  	v59 =	vor.u32 $0x3805, v0;
	v2 =	vld.idx.msk [tilespmem:v55+s17+$0x0], $0xffff  }
0x1d4: {  	v55 =	vadd.s32 v59, v1;
	_ =	sdelay $0x3  }
0x1d5: {  	[tilespmem:$0xF2F0] =	vst v2  }
0x1d6: {  	v60 =	vor.u32 $0x3806, v0;
	v2 =	vld.idx.msk [tilespmem:v55+s17+$0x0], $0xffff  }
0x1d7: {  	v55 =	vadd.s32 v60, v1;
	_ =	sdelay $0x3  }
0x1d8: {  	[tilespmem:$0xF370] =	vst v2  }
0x1d9: {  	v61 =	vor.u32 $0x3807, v0;
	v2 =	vld.idx.msk [tilespmem:v55+s17+$0x0], $0xffff  }
0x1da: {  	v55 =	vadd.s32 v61, v1;
	_ =	sdelay $0x3  }
0x1db: {  	[tilespmem:$0xF3F0] =	vst v2  }
0x1dc: {  	v62 =	vor.u32 $0x3808, v0;
	v2 =	vld.idx.msk [tilespmem:v55+s17+$0x0], $0xffff  }
0x1dd: {  	v55 =	vadd.s32 v62, v1;
	_ =	sdelay $0x3  }
0x1de: {  	[tilespmem:$0xF470] =	vst v2  }
0x1df: {  	v63 =	vor.u32 $0x3809, v0;
	v2 =	vld.idx.msk [tilespmem:v55+s17+$0x0], $0xffff  }
0x1e0: {  	v55 =	vadd.s32 v63, v1;
	_ =	sdelay $0x3  }
0x1e1: {  	[tilespmem:$0xF4F0] =	vst v2  }
0x1e2: {  	v58 =	vor.u32 $0x380A, v0;
	v2 =	vld.idx.msk [tilespmem:v55+s17+$0x0], $0xffff  }
0x1e3: {  	v55 =	vadd.s32 v58, v1;
	_ =	sdelay $0x3  }
0x1e4: {  	[tilespmem:$0xF570] =	vst v2  }
0x1e5: {  	v59 =	vor.u32 $0x380B, v0;
	v2 =	vld.idx.msk [tilespmem:v55+s17+$0x0], $0xffff  }
0x1e6: {  	v55 =	vadd.s32 v59, v1;
	_ =	sdelay $0x3  }
0x1e7: {  	[tilespmem:$0xF5F0] =	vst v2  }
0x1e8: {  	v60 =	vor.u32 $0x380C, v0;
	v2 =	vld.idx.msk [tilespmem:v55+s17+$0x0], $0xffff  }
0x1e9: {  	v55 =	vadd.s32 v60, v1;
	_ =	sdelay $0x3  }
0x1ea: {  	[tilespmem:$0xF670] =	vst v2  }
0x1eb: {  	v61 =	vor.u32 $0x380D, v0;
	v2 =	vld.idx.msk [tilespmem:v55+s17+$0x0], $0xffff  }
0x1ec: {  	v55 =	vadd.s32 v61, v1;
	_ =	sdelay $0x3  }
0x1ed: {  	[tilespmem:$0xF6F0] =	vst v2  }
0x1ee: {  	v62 =	vor.u32 $0x380E, v0;
	v2 =	vld.idx.msk [tilespmem:v55+s17+$0x0], $0xffff  }
0x1ef: {  	v55 =	vadd.s32 v62, v1;
	_ =	sdelay $0x3  }
0x1f0: {  	[tilespmem:$0xF770] =	vst v2  }
0x1f1: {  	v63 =	vor.u32 $0x380F, v0;
	v2 =	vld.idx.msk [tilespmem:v55+s17+$0x0], $0xffff  }
0x1f2: {  	v1 =	vadd.s32 v63, v1;
	_ =	sdelay $0x3  }
0x1f3: {  	[tilespmem:$0xF7F0] =	vst v2  }
0x1f4: {  	p0 =	slt.u32 s23, $0x2;
	v1 =	vld.idx.msk [tilespmem:v1+s17+$0x0], $0xffff  }
.Ltmp6:
0x1f5: {  	_ = 	snop;
	(pc) =	sbr.rel @p0 .LBB2_8-.Ltmp6, $4  }
.Ltmp7:
0x1f6: {  	_ = 	snop;
	(pc) =	sbr.rel @!p0 .LBB2_7-.Ltmp7, $4  }
0x1f7: {  	_ = 	snop  }
0x1f8: {  	_ = 	snop  }
0x1f9: {  	s25 =	simm.s32 $0xF080;
	s24 =	simm.s32 $0xF480;
	[tilespmem:$0xF870] =	vst v1  }
0x1fa: {  	_ = 	snop  }
.LBB2_5:
0x1fb: {  	s24 =	sshra.s32 s20, $0x2  }
0x1fc: {  	s25 =	sadd.s32 $0x80, s24  }
0x1fd: {  	[tilespmem:s17], [sflag:$0x1] =	stream.indirect.gather [hbm4b:s5+s14], $0x80, s25, s14, $0xb8;
	[tilespmem:$0xF880] =	vst v63  }
0x1fe: {  	_ =	swait.ge [sflag:s16], $0x4000  }
0x1ff: {  	[sflag:s16] =	ssyncset.done $0x0  }
0x200: {  	[sflag:s16] =	ssyncadd.s32 $0xFFFFC000  }
0x201: {  	v1 =	vld [tilespmem:s24+$0x3400];
	_ =	sdelay $0x4  }
0x202: {  	v2 =	vadd.s32 v0, v1;
	_ =	sdelay $0x4  }
0x203: {  	v2 =	vld.idx.msk [tilespmem:v2+s15+$0x0], $0xffff  }
0x204: {  	v55 =	vadd.s32 v56, v1;
	_ =	sdelay $0x3  }
0x205: {  	[tilespmem:$0xE880] =	vst v2  }
0x206: {  	v2 =	vld.idx.msk [tilespmem:v55+s15+$0x0], $0xffff  }
0x207: {  	v62 =	vadd.s32 v57, v1;
	_ =	sdelay $0x3  }
0x208: {  	[tilespmem:$0xE900] =	vst v2  }
0x209: {  	v2 =	vld.idx.msk [tilespmem:v62+s15+$0x0], $0xffff  }
0x20a: {  	v63 =	vadd.s32 v3, v1;
	_ =	sdelay $0x3  }
0x20b: {  	[tilespmem:$0xE980] =	vst v2  }
0x20c: {  	v2 =	vld.idx.msk [tilespmem:v63+s15+$0x0], $0xffff  }
0x20d: {  	v58 =	vadd.s32 v4, v1;
	_ =	sdelay $0x3  }
0x20e: {  	[tilespmem:$0xEA00] =	vst v2  }
0x20f: {  	v2 =	vld.idx.msk [tilespmem:v58+s15+$0x0], $0xffff  }
0x210: {  	v59 =	vadd.s32 v5, v1;
	_ =	sdelay $0x3  }
0x211: {  	[tilespmem:$0xEA80] =	vst v2  }
0x212: {  	v2 =	vld.idx.msk [tilespmem:v59+s15+$0x0], $0xffff  }
0x213: {  	v60 =	vadd.s32 v6, v1;
	_ =	sdelay $0x3  }
0x214: {  	[tilespmem:$0xEB00] =	vst v2  }
0x215: {  	v2 =	vld.idx.msk [tilespmem:v60+s15+$0x0], $0xffff  }
0x216: {  	v61 =	vadd.s32 v7, v1;
	_ =	sdelay $0x3  }
0x217: {  	[tilespmem:$0xEB80] =	vst v2  }
0x218: {  	v2 =	vld.idx.msk [tilespmem:v61+s15+$0x0], $0xffff  }
0x219: {  	v62 =	vadd.s32 v8, v1;
	_ =	sdelay $0x3  }
0x21a: {  	[tilespmem:$0xEC00] =	vst v2  }
0x21b: {  	v2 =	vld.idx.msk [tilespmem:v62+s15+$0x0], $0xffff  }
0x21c: {  	v63 =	vadd.s32 v9, v1;
	_ =	sdelay $0x3  }
0x21d: {  	[tilespmem:$0xEC80] =	vst v2  }
0x21e: {  	v2 =	vld.idx.msk [tilespmem:v63+s15+$0x0], $0xffff  }
0x21f: {  	v58 =	vadd.s32 v10, v1;
	_ =	sdelay $0x3  }
0x220: {  	[tilespmem:$0xED00] =	vst v2  }
0x221: {  	v2 =	vld.idx.msk [tilespmem:v58+s15+$0x0], $0xffff  }
0x222: {  	v59 =	vadd.s32 v11, v1;
	_ =	sdelay $0x3  }
0x223: {  	[tilespmem:$0xED80] =	vst v2  }
0x224: {  	v2 =	vld.idx.msk [tilespmem:v59+s15+$0x0], $0xffff  }
0x225: {  	v60 =	vadd.s32 v12, v1;
	_ =	sdelay $0x3  }
0x226: {  	[tilespmem:$0xEE00] =	vst v2  }
0x227: {  	v2 =	vld.idx.msk [tilespmem:v60+s15+$0x0], $0xffff  }
0x228: {  	v61 =	vadd.s32 v13, v1;
	_ =	sdelay $0x3  }
0x229: {  	[tilespmem:$0xEE80] =	vst v2  }
0x22a: {  	v2 =	vld.idx.msk [tilespmem:v61+s15+$0x0], $0xffff  }
0x22b: {  	v62 =	vadd.s32 v14, v1;
	_ =	sdelay $0x3  }
0x22c: {  	[tilespmem:$0xEF00] =	vst v2  }
0x22d: {  	v2 =	vld.idx.msk [tilespmem:v62+s15+$0x0], $0xffff  }
0x22e: {  	v1 =	vadd.s32 v15, v1;
	_ =	sdelay $0x3  }
0x22f: {  	[tilespmem:$0xEF80] =	vst v2  }
0x230: {  	v1 =	vld.idx.msk [tilespmem:v1+s15+$0x0], $0xffff;
	_ =	sdelay $0x4  }
0x231: {  	[tilespmem:$0xF000] =	vst v1  }
0x232: {  	v1 =	vld [tilespmem:s24+$0x3410];
	_ =	sdelay $0x4  }
0x233: {  	v2 =	vadd.s32 v16, v1;
	_ =	sdelay $0x4  }
0x234: {  	v2 =	vld.idx.msk [tilespmem:v2+s15+$0x0], $0xffff  }
0x235: {  	v63 =	vadd.s32 v17, v1;
	_ =	sdelay $0x3  }
0x236: {  	[tilespmem:$0xE890] =	vst v2  }
0x237: {  	v2 =	vld.idx.msk [tilespmem:v63+s15+$0x0], $0xffff  }
0x238: {  	v58 =	vadd.s32 v18, v1;
	_ =	sdelay $0x3  }
0x239: {  	[tilespmem:$0xE910] =	vst v2  }
0x23a: {  	v2 =	vld.idx.msk [tilespmem:v58+s15+$0x0], $0xffff  }
0x23b: {  	v59 =	vadd.s32 v19, v1;
	_ =	sdelay $0x3  }
0x23c: {  	[tilespmem:$0xE990] =	vst v2  }
0x23d: {  	v2 =	vld.idx.msk [tilespmem:v59+s15+$0x0], $0xffff  }
0x23e: {  	v60 =	vadd.s32 v20, v1;
	_ =	sdelay $0x3  }
0x23f: {  	[tilespmem:$0xEA10] =	vst v2  }
0x240: {  	v2 =	vld.idx.msk [tilespmem:v60+s15+$0x0], $0xffff  }
0x241: {  	v61 =	vadd.s32 v21, v1;
	_ =	sdelay $0x3  }
0x242: {  	[tilespmem:$0xEA90] =	vst v2  }
0x243: {  	v2 =	vld.idx.msk [tilespmem:v61+s15+$0x0], $0xffff  }
0x244: {  	v62 =	vadd.s32 v22, v1;
	_ =	sdelay $0x3  }
0x245: {  	[tilespmem:$0xEB10] =	vst v2  }
0x246: {  	v2 =	vld.idx.msk [tilespmem:v62+s15+$0x0], $0xffff  }
0x247: {  	v63 =	vadd.s32 v23, v1;
	_ =	sdelay $0x3  }
0x248: {  	[tilespmem:$0xEB90] =	vst v2  }
0x249: {  	v2 =	vld.idx.msk [tilespmem:v63+s15+$0x0], $0xffff  }
0x24a: {  	v58 =	vadd.s32 v24, v1;
	_ =	sdelay $0x3  }
0x24b: {  	[tilespmem:$0xEC10] =	vst v2  }
0x24c: {  	v2 =	vld.idx.msk [tilespmem:v58+s15+$0x0], $0xffff  }
0x24d: {  	v59 =	vadd.s32 v25, v1;
	_ =	sdelay $0x3  }
0x24e: {  	[tilespmem:$0xEC90] =	vst v2  }
0x24f: {  	v2 =	vld.idx.msk [tilespmem:v59+s15+$0x0], $0xffff  }
0x250: {  	v60 =	vadd.s32 v26, v1;
	_ =	sdelay $0x3  }
0x251: {  	[tilespmem:$0xED10] =	vst v2  }
0x252: {  	v2 =	vld.idx.msk [tilespmem:v60+s15+$0x0], $0xffff  }
0x253: {  	v61 =	vadd.s32 v27, v1;
	_ =	sdelay $0x3  }
0x254: {  	[tilespmem:$0xED90] =	vst v2  }
0x255: {  	v2 =	vld.idx.msk [tilespmem:v61+s15+$0x0], $0xffff  }
0x256: {  	v62 =	vadd.s32 v28, v1;
	_ =	sdelay $0x3  }
0x257: {  	[tilespmem:$0xEE10] =	vst v2  }
0x258: {  	v2 =	vld.idx.msk [tilespmem:v62+s15+$0x0], $0xffff  }
0x259: {  	v63 =	vadd.s32 v29, v1;
	_ =	sdelay $0x3  }
0x25a: {  	[tilespmem:$0xEE90] =	vst v2  }
0x25b: {  	v2 =	vld.idx.msk [tilespmem:v63+s15+$0x0], $0xffff  }
0x25c: {  	v58 =	vadd.s32 v30, v1;
	_ =	sdelay $0x3  }
0x25d: {  	[tilespmem:$0xEF10] =	vst v2  }
0x25e: {  	v2 =	vld.idx.msk [tilespmem:v58+s15+$0x0], $0xffff  }
0x25f: {  	v1 =	vadd.s32 v31, v1;
	_ =	sdelay $0x3  }
0x260: {  	[tilespmem:$0xEF90] =	vst v2  }
0x261: {  	v1 =	vld.idx.msk [tilespmem:v1+s15+$0x0], $0xffff;
	_ =	sdelay $0x4  }
0x262: {  	[tilespmem:$0xF010] =	vst v1  }
0x263: {  	v1 =	vld [tilespmem:s24+$0x3420];
	_ =	sdelay $0x4  }
0x264: {  	v2 =	vadd.s32 v32, v1;
	_ =	sdelay $0x4  }
0x265: {  	v2 =	vld.idx.msk [tilespmem:v2+s15+$0x0], $0xffff  }
0x266: {  	v59 =	vadd.s32 v33, v1;
	_ =	sdelay $0x3  }
0x267: {  	[tilespmem:$0xE8A0] =	vst v2  }
0x268: {  	v2 =	vld.idx.msk [tilespmem:v59+s15+$0x0], $0xffff  }
0x269: {  	v60 =	vadd.s32 v34, v1;
	_ =	sdelay $0x3  }
0x26a: {  	[tilespmem:$0xE920] =	vst v2  }
0x26b: {  	v2 =	vld.idx.msk [tilespmem:v60+s15+$0x0], $0xffff  }
0x26c: {  	v61 =	vadd.s32 v35, v1;
	_ =	sdelay $0x3  }
0x26d: {  	[tilespmem:$0xE9A0] =	vst v2  }
0x26e: {  	v2 =	vld.idx.msk [tilespmem:v61+s15+$0x0], $0xffff  }
0x26f: {  	v62 =	vadd.s32 v36, v1;
	_ =	sdelay $0x3  }
0x270: {  	[tilespmem:$0xEA20] =	vst v2  }
0x271: {  	v2 =	vld.idx.msk [tilespmem:v62+s15+$0x0], $0xffff  }
0x272: {  	v63 =	vadd.s32 v37, v1;
	_ =	sdelay $0x3  }
0x273: {  	[tilespmem:$0xEAA0] =	vst v2  }
0x274: {  	v2 =	vld.idx.msk [tilespmem:v63+s15+$0x0], $0xffff  }
0x275: {  	v58 =	vadd.s32 v38, v1;
	_ =	sdelay $0x3  }
0x276: {  	[tilespmem:$0xEB20] =	vst v2  }
0x277: {  	v2 =	vld.idx.msk [tilespmem:v58+s15+$0x0], $0xffff  }
0x278: {  	v59 =	vadd.s32 v39, v1;
	_ =	sdelay $0x3  }
0x279: {  	[tilespmem:$0xEBA0] =	vst v2  }
0x27a: {  	v2 =	vld.idx.msk [tilespmem:v59+s15+$0x0], $0xffff  }
0x27b: {  	v60 =	vadd.s32 v40, v1;
	_ =	sdelay $0x3  }
0x27c: {  	[tilespmem:$0xEC20] =	vst v2  }
0x27d: {  	v2 =	vld.idx.msk [tilespmem:v60+s15+$0x0], $0xffff  }
0x27e: {  	v61 =	vadd.s32 v41, v1;
	_ =	sdelay $0x3  }
0x27f: {  	[tilespmem:$0xECA0] =	vst v2  }
0x280: {  	v2 =	vld.idx.msk [tilespmem:v61+s15+$0x0], $0xffff  }
0x281: {  	v62 =	vadd.s32 v42, v1;
	_ =	sdelay $0x3  }
0x282: {  	[tilespmem:$0xED20] =	vst v2  }
0x283: {  	v2 =	vld.idx.msk [tilespmem:v62+s15+$0x0], $0xffff  }
0x284: {  	v63 =	vadd.s32 v43, v1;
	_ =	sdelay $0x3  }
0x285: {  	[tilespmem:$0xEDA0] =	vst v2  }
0x286: {  	v2 =	vld.idx.msk [tilespmem:v63+s15+$0x0], $0xffff  }
0x287: {  	v58 =	vadd.s32 v44, v1;
	_ =	sdelay $0x3  }
0x288: {  	[tilespmem:$0xEE20] =	vst v2  }
0x289: {  	v2 =	vld.idx.msk [tilespmem:v58+s15+$0x0], $0xffff  }
0x28a: {  	v59 =	vadd.s32 v45, v1;
	_ =	sdelay $0x3  }
0x28b: {  	[tilespmem:$0xEEA0] =	vst v2  }
0x28c: {  	v2 =	vld.idx.msk [tilespmem:v59+s15+$0x0], $0xffff  }
0x28d: {  	v60 =	vadd.s32 v46, v1;
	_ =	sdelay $0x3  }
0x28e: {  	[tilespmem:$0xEF20] =	vst v2  }
0x28f: {  	v2 =	vld.idx.msk [tilespmem:v60+s15+$0x0], $0xffff  }
0x290: {  	v1 =	vadd.s32 v47, v1;
	_ =	sdelay $0x3  }
0x291: {  	[tilespmem:$0xEFA0] =	vst v2  }
0x292: {  	v1 =	vld.idx.msk [tilespmem:v1+s15+$0x0], $0xffff;
	_ =	sdelay $0x4  }
0x293: {  	[tilespmem:$0xF020] =	vst v1  }
0x294: {  	v1 =	vld [tilespmem:s24+$0x3430];
	_ =	sdelay $0x4  }
0x295: {  	v2 =	vadd.s32 v48, v1;
	_ =	sdelay $0x4  }
0x296: {  	v2 =	vld.idx.msk [tilespmem:v2+s15+$0x0], $0xffff  }
0x297: {  	v61 =	vadd.s32 v49, v1;
	_ =	sdelay $0x3  }
0x298: {  	[tilespmem:$0xE8B0] =	vst v2  }
0x299: {  	v2 =	vld.idx.msk [tilespmem:v61+s15+$0x0], $0xffff  }
0x29a: {  	v62 =	vadd.s32 v50, v1;
	_ =	sdelay $0x3  }
0x29b: {  	[tilespmem:$0xE930] =	vst v2  }
0x29c: {  	v2 =	vld.idx.msk [tilespmem:v62+s15+$0x0], $0xffff  }
0x29d: {  	v63 =	vadd.s32 v51, v1;
	_ =	sdelay $0x3  }
0x29e: {  	[tilespmem:$0xE9B0] =	vst v2  }
0x29f: {  	v2 =	vld.idx.msk [tilespmem:v63+s15+$0x0], $0xffff  }
0x2a0: {  	v58 =	vadd.s32 v52, v1;
	_ =	sdelay $0x3  }
0x2a1: {  	[tilespmem:$0xEA30] =	vst v2  }
0x2a2: {  	v2 =	vld.idx.msk [tilespmem:v58+s15+$0x0], $0xffff  }
0x2a3: {  	v59 =	vadd.s32 v53, v1;
	_ =	sdelay $0x3  }
0x2a4: {  	[tilespmem:$0xEAB0] =	vst v2  }
0x2a5: {  	v2 =	vld.idx.msk [tilespmem:v59+s15+$0x0], $0xffff  }
0x2a6: {  	v60 =	vadd.s32 v54, v1;
	_ =	sdelay $0x3  }
0x2a7: {  	[tilespmem:$0xEB30] =	vst v2  }
0x2a8: {  	v61 =	vor.u32 $0x1807, v0;
	v2 =	vld.idx.msk [tilespmem:v60+s15+$0x0], $0xffff  }
0x2a9: {  	v55 =	vadd.s32 v61, v1;
	_ =	sdelay $0x3  }
0x2aa: {  	[tilespmem:$0xEBB0] =	vst v2  }
0x2ab: {  	v62 =	vor.u32 $0x1808, v0;
	v2 =	vld.idx.msk [tilespmem:v55+s15+$0x0], $0xffff  }
0x2ac: {  	v55 =	vadd.s32 v62, v1;
	_ =	sdelay $0x3  }
0x2ad: {  	[tilespmem:$0xEC30] =	vst v2  }
0x2ae: {  	v63 =	vor.u32 $0x1809, v0;
	v2 =	vld.idx.msk [tilespmem:v55+s15+$0x0], $0xffff  }
0x2af: {  	v55 =	vadd.s32 v63, v1;
	_ =	sdelay $0x3  }
0x2b0: {  	[tilespmem:$0xECB0] =	vst v2  }
0x2b1: {  	v58 =	vor.u32 $0x180A, v0;
	v2 =	vld.idx.msk [tilespmem:v55+s15+$0x0], $0xffff  }
0x2b2: {  	v55 =	vadd.s32 v58, v1;
	_ =	sdelay $0x3  }
0x2b3: {  	[tilespmem:$0xED30] =	vst v2  }
0x2b4: {  	v59 =	vor.u32 $0x180B, v0;
	v2 =	vld.idx.msk [tilespmem:v55+s15+$0x0], $0xffff  }
0x2b5: {  	v55 =	vadd.s32 v59, v1;
	_ =	sdelay $0x3  }
0x2b6: {  	[tilespmem:$0xEDB0] =	vst v2  }
0x2b7: {  	v60 =	vor.u32 $0x180C, v0;
	v2 =	vld.idx.msk [tilespmem:v55+s15+$0x0], $0xffff  }
0x2b8: {  	v55 =	vadd.s32 v60, v1;
	_ =	sdelay $0x3  }
0x2b9: {  	[tilespmem:$0xEE30] =	vst v2  }
0x2ba: {  	v61 =	vor.u32 $0x180D, v0;
	v2 =	vld.idx.msk [tilespmem:v55+s15+$0x0], $0xffff  }
0x2bb: {  	v55 =	vadd.s32 v61, v1;
	_ =	sdelay $0x3  }
0x2bc: {  	[tilespmem:$0xEEB0] =	vst v2  }
0x2bd: {  	v62 =	vor.u32 $0x180E, v0;
	v2 =	vld.idx.msk [tilespmem:v55+s15+$0x0], $0xffff  }
0x2be: {  	v55 =	vadd.s32 v62, v1;
	_ =	sdelay $0x3  }
0x2bf: {  	[tilespmem:$0xEF30] =	vst v2  }
0x2c0: {  	v63 =	vor.u32 $0x180F, v0;
	v2 =	vld.idx.msk [tilespmem:v55+s15+$0x0], $0xffff  }
0x2c1: {  	v1 =	vadd.s32 v63, v1;
	_ =	sdelay $0x3  }
0x2c2: {  	[tilespmem:$0xEFB0] =	vst v2  }
0x2c3: {  	v1 =	vld.idx.msk [tilespmem:v1+s15+$0x0], $0xffff;
	_ =	sdelay $0x4  }
0x2c4: {  	[tilespmem:$0xF030] =	vst v1  }
0x2c5: {  	v1 =	vld [tilespmem:s24+$0x3440];
	_ =	sdelay $0x3  }
0x2c6: {  	v2 =	vor.u32 $0x2000, v0  }
0x2c7: {  	v2 =	vadd.s32 v2, v1;
	_ =	sdelay $0x4  }
0x2c8: {  	v58 =	vor.u32 $0x2001, v0;
	v2 =	vld.idx.msk [tilespmem:v2+s15+$0x0], $0xffff  }
0x2c9: {  	v55 =	vadd.s32 v58, v1;
	_ =	sdelay $0x3  }
0x2ca: {  	[tilespmem:$0xE8C0] =	vst v2  }
0x2cb: {  	v59 =	vor.u32 $0x2002, v0;
	v2 =	vld.idx.msk [tilespmem:v55+s15+$0x0], $0xffff  }
0x2cc: {  	v55 =	vadd.s32 v59, v1;
	_ =	sdelay $0x3  }
0x2cd: {  	[tilespmem:$0xE940] =	vst v2  }
0x2ce: {  	v60 =	vor.u32 $0x2003, v0;
	v2 =	vld.idx.msk [tilespmem:v55+s15+$0x0], $0xffff  }
0x2cf: {  	v55 =	vadd.s32 v60, v1;
	_ =	sdelay $0x3  }
0x2d0: {  	[tilespmem:$0xE9C0] =	vst v2  }
0x2d1: {  	v61 =	vor.u32 $0x2004, v0;
	v2 =	vld.idx.msk [tilespmem:v55+s15+$0x0], $0xffff  }
0x2d2: {  	v55 =	vadd.s32 v61, v1;
	_ =	sdelay $0x3  }
0x2d3: {  	[tilespmem:$0xEA40] =	vst v2  }
0x2d4: {  	v62 =	vor.u32 $0x2005, v0;
	v2 =	vld.idx.msk [tilespmem:v55+s15+$0x0], $0xffff  }
0x2d5: {  	v55 =	vadd.s32 v62, v1;
	_ =	sdelay $0x3  }
0x2d6: {  	[tilespmem:$0xEAC0] =	vst v2  }
0x2d7: {  	v63 =	vor.u32 $0x2006, v0;
	v2 =	vld.idx.msk [tilespmem:v55+s15+$0x0], $0xffff  }
0x2d8: {  	v55 =	vadd.s32 v63, v1;
	_ =	sdelay $0x3  }
0x2d9: {  	[tilespmem:$0xEB40] =	vst v2  }
0x2da: {  	v58 =	vor.u32 $0x2007, v0;
	v2 =	vld.idx.msk [tilespmem:v55+s15+$0x0], $0xffff  }
0x2db: {  	v55 =	vadd.s32 v58, v1;
	_ =	sdelay $0x3  }
0x2dc: {  	[tilespmem:$0xEBC0] =	vst v2  }
0x2dd: {  	v59 =	vor.u32 $0x2008, v0;
	v2 =	vld.idx.msk [tilespmem:v55+s15+$0x0], $0xffff  }
0x2de: {  	v55 =	vadd.s32 v59, v1;
	_ =	sdelay $0x3  }
0x2df: {  	[tilespmem:$0xEC40] =	vst v2  }
0x2e0: {  	v60 =	vor.u32 $0x2009, v0;
	v2 =	vld.idx.msk [tilespmem:v55+s15+$0x0], $0xffff  }
0x2e1: {  	v55 =	vadd.s32 v60, v1;
	_ =	sdelay $0x3  }
0x2e2: {  	[tilespmem:$0xECC0] =	vst v2  }
0x2e3: {  	v61 =	vor.u32 $0x200A, v0;
	v2 =	vld.idx.msk [tilespmem:v55+s15+$0x0], $0xffff  }
0x2e4: {  	v55 =	vadd.s32 v61, v1;
	_ =	sdelay $0x3  }
0x2e5: {  	[tilespmem:$0xED40] =	vst v2  }
0x2e6: {  	v62 =	vor.u32 $0x200B, v0;
	v2 =	vld.idx.msk [tilespmem:v55+s15+$0x0], $0xffff  }
0x2e7: {  	v55 =	vadd.s32 v62, v1;
	_ =	sdelay $0x3  }
0x2e8: {  	[tilespmem:$0xEDC0] =	vst v2  }
0x2e9: {  	v63 =	vor.u32 $0x200C, v0;
	v2 =	vld.idx.msk [tilespmem:v55+s15+$0x0], $0xffff  }
0x2ea: {  	v55 =	vadd.s32 v63, v1;
	_ =	sdelay $0x3  }
0x2eb: {  	[tilespmem:$0xEE40] =	vst v2  }
0x2ec: {  	v58 =	vor.u32 $0x200D, v0;
	v2 =	vld.idx.msk [tilespmem:v55+s15+$0x0], $0xffff  }
0x2ed: {  	v55 =	vadd.s32 v58, v1;
	_ =	sdelay $0x3  }
0x2ee: {  	[tilespmem:$0xEEC0] =	vst v2  }
0x2ef: {  	v59 =	vor.u32 $0x200E, v0;
	v2 =	vld.idx.msk [tilespmem:v55+s15+$0x0], $0xffff  }
0x2f0: {  	v55 =	vadd.s32 v59, v1;
	_ =	sdelay $0x3  }
0x2f1: {  	[tilespmem:$0xEF40] =	vst v2  }
0x2f2: {  	v60 =	vor.u32 $0x200F, v0;
	v2 =	vld.idx.msk [tilespmem:v55+s15+$0x0], $0xffff  }
0x2f3: {  	v1 =	vadd.s32 v60, v1;
	_ =	sdelay $0x3  }
0x2f4: {  	[tilespmem:$0xEFC0] =	vst v2  }
0x2f5: {  	v1 =	vld.idx.msk [tilespmem:v1+s15+$0x0], $0xffff;
	_ =	sdelay $0x4  }
0x2f6: {  	[tilespmem:$0xF040] =	vst v1  }
0x2f7: {  	v1 =	vld [tilespmem:s24+$0x3450];
	_ =	sdelay $0x3  }
0x2f8: {  	v2 =	vor.u32 $0x2800, v0  }
0x2f9: {  	v2 =	vadd.s32 v2, v1;
	_ =	sdelay $0x4  }
0x2fa: {  	v61 =	vor.u32 $0x2801, v0;
	v2 =	vld.idx.msk [tilespmem:v2+s15+$0x0], $0xffff  }
0x2fb: {  	v55 =	vadd.s32 v61, v1;
	_ =	sdelay $0x3  }
0x2fc: {  	[tilespmem:$0xE8D0] =	vst v2  }
0x2fd: {  	v62 =	vor.u32 $0x2802, v0;
	v2 =	vld.idx.msk [tilespmem:v55+s15+$0x0], $0xffff  }
0x2fe: {  	v55 =	vadd.s32 v62, v1;
	_ =	sdelay $0x3  }
0x2ff: {  	[tilespmem:$0xE950] =	vst v2  }
0x300: {  	v63 =	vor.u32 $0x2803, v0;
	v2 =	vld.idx.msk [tilespmem:v55+s15+$0x0], $0xffff  }
0x301: {  	v55 =	vadd.s32 v63, v1;
	_ =	sdelay $0x3  }
0x302: {  	[tilespmem:$0xE9D0] =	vst v2  }
0x303: {  	v58 =	vor.u32 $0x2804, v0;
	v2 =	vld.idx.msk [tilespmem:v55+s15+$0x0], $0xffff  }
0x304: {  	v55 =	vadd.s32 v58, v1;
	_ =	sdelay $0x3  }
0x305: {  	[tilespmem:$0xEA50] =	vst v2  }
0x306: {  	v59 =	vor.u32 $0x2805, v0;
	v2 =	vld.idx.msk [tilespmem:v55+s15+$0x0], $0xffff  }
0x307: {  	v55 =	vadd.s32 v59, v1;
	_ =	sdelay $0x3  }
0x308: {  	[tilespmem:$0xEAD0] =	vst v2  }
0x309: {  	v60 =	vor.u32 $0x2806, v0;
	v2 =	vld.idx.msk [tilespmem:v55+s15+$0x0], $0xffff  }
0x30a: {  	v55 =	vadd.s32 v60, v1;
	_ =	sdelay $0x3  }
0x30b: {  	[tilespmem:$0xEB50] =	vst v2  }
0x30c: {  	v61 =	vor.u32 $0x2807, v0;
	v2 =	vld.idx.msk [tilespmem:v55+s15+$0x0], $0xffff  }
0x30d: {  	v55 =	vadd.s32 v61, v1;
	_ =	sdelay $0x3  }
0x30e: {  	[tilespmem:$0xEBD0] =	vst v2  }
0x30f: {  	v62 =	vor.u32 $0x2808, v0;
	v2 =	vld.idx.msk [tilespmem:v55+s15+$0x0], $0xffff  }
0x310: {  	v55 =	vadd.s32 v62, v1;
	_ =	sdelay $0x3  }
0x311: {  	[tilespmem:$0xEC50] =	vst v2  }
0x312: {  	v63 =	vor.u32 $0x2809, v0;
	v2 =	vld.idx.msk [tilespmem:v55+s15+$0x0], $0xffff  }
0x313: {  	v55 =	vadd.s32 v63, v1;
	_ =	sdelay $0x3  }
0x314: {  	[tilespmem:$0xECD0] =	vst v2  }
0x315: {  	v58 =	vor.u32 $0x280A, v0;
	v2 =	vld.idx.msk [tilespmem:v55+s15+$0x0], $0xffff  }
0x316: {  	v55 =	vadd.s32 v58, v1;
	_ =	sdelay $0x3  }
0x317: {  	[tilespmem:$0xED50] =	vst v2  }
0x318: {  	v59 =	vor.u32 $0x280B, v0;
	v2 =	vld.idx.msk [tilespmem:v55+s15+$0x0], $0xffff  }
0x319: {  	v55 =	vadd.s32 v59, v1;
	_ =	sdelay $0x3  }
0x31a: {  	[tilespmem:$0xEDD0] =	vst v2  }
0x31b: {  	v60 =	vor.u32 $0x280C, v0;
	v2 =	vld.idx.msk [tilespmem:v55+s15+$0x0], $0xffff  }
0x31c: {  	v55 =	vadd.s32 v60, v1;
	_ =	sdelay $0x3  }
0x31d: {  	[tilespmem:$0xEE50] =	vst v2  }
0x31e: {  	v61 =	vor.u32 $0x280D, v0;
	v2 =	vld.idx.msk [tilespmem:v55+s15+$0x0], $0xffff  }
0x31f: {  	v55 =	vadd.s32 v61, v1;
	_ =	sdelay $0x3  }
0x320: {  	[tilespmem:$0xEED0] =	vst v2  }
0x321: {  	v62 =	vor.u32 $0x280E, v0;
	v2 =	vld.idx.msk [tilespmem:v55+s15+$0x0], $0xffff  }
0x322: {  	v55 =	vadd.s32 v62, v1;
	_ =	sdelay $0x3  }
0x323: {  	[tilespmem:$0xEF50] =	vst v2  }
0x324: {  	v63 =	vor.u32 $0x280F, v0;
	v2 =	vld.idx.msk [tilespmem:v55+s15+$0x0], $0xffff  }
0x325: {  	v1 =	vadd.s32 v63, v1;
	_ =	sdelay $0x3  }
0x326: {  	[tilespmem:$0xEFD0] =	vst v2  }
0x327: {  	v1 =	vld.idx.msk [tilespmem:v1+s15+$0x0], $0xffff;
	_ =	sdelay $0x4  }
0x328: {  	[tilespmem:$0xF050] =	vst v1  }
0x329: {  	v1 =	vld [tilespmem:s24+$0x3460];
	_ =	sdelay $0x3  }
0x32a: {  	v2 =	vor.u32 $0x3000, v0  }
0x32b: {  	v2 =	vadd.s32 v2, v1;
	_ =	sdelay $0x4  }
0x32c: {  	v58 =	vor.u32 $0x3001, v0;
	v2 =	vld.idx.msk [tilespmem:v2+s15+$0x0], $0xffff  }
0x32d: {  	v55 =	vadd.s32 v58, v1;
	_ =	sdelay $0x3  }
0x32e: {  	[tilespmem:$0xE8E0] =	vst v2  }
0x32f: {  	v59 =	vor.u32 $0x3002, v0;
	v2 =	vld.idx.msk [tilespmem:v55+s15+$0x0], $0xffff  }
0x330: {  	v55 =	vadd.s32 v59, v1;
	_ =	sdelay $0x3  }
0x331: {  	[tilespmem:$0xE960] =	vst v2  }
0x332: {  	v60 =	vor.u32 $0x3003, v0;
	v2 =	vld.idx.msk [tilespmem:v55+s15+$0x0], $0xffff  }
0x333: {  	v55 =	vadd.s32 v60, v1;
	_ =	sdelay $0x3  }
0x334: {  	[tilespmem:$0xE9E0] =	vst v2  }
0x335: {  	v61 =	vor.u32 $0x3004, v0;
	v2 =	vld.idx.msk [tilespmem:v55+s15+$0x0], $0xffff  }
0x336: {  	v55 =	vadd.s32 v61, v1;
	_ =	sdelay $0x3  }
0x337: {  	[tilespmem:$0xEA60] =	vst v2  }
0x338: {  	v62 =	vor.u32 $0x3005, v0;
	v2 =	vld.idx.msk [tilespmem:v55+s15+$0x0], $0xffff  }
0x339: {  	v55 =	vadd.s32 v62, v1;
	_ =	sdelay $0x3  }
0x33a: {  	[tilespmem:$0xEAE0] =	vst v2  }
0x33b: {  	v63 =	vor.u32 $0x3006, v0;
	v2 =	vld.idx.msk [tilespmem:v55+s15+$0x0], $0xffff  }
0x33c: {  	v55 =	vadd.s32 v63, v1;
	_ =	sdelay $0x3  }
0x33d: {  	[tilespmem:$0xEB60] =	vst v2  }
0x33e: {  	v58 =	vor.u32 $0x3007, v0;
	v2 =	vld.idx.msk [tilespmem:v55+s15+$0x0], $0xffff  }
0x33f: {  	v55 =	vadd.s32 v58, v1;
	_ =	sdelay $0x3  }
0x340: {  	[tilespmem:$0xEBE0] =	vst v2  }
0x341: {  	v59 =	vor.u32 $0x3008, v0;
	v2 =	vld.idx.msk [tilespmem:v55+s15+$0x0], $0xffff  }
0x342: {  	v55 =	vadd.s32 v59, v1;
	_ =	sdelay $0x3  }
0x343: {  	[tilespmem:$0xEC60] =	vst v2  }
0x344: {  	v60 =	vor.u32 $0x3009, v0;
	v2 =	vld.idx.msk [tilespmem:v55+s15+$0x0], $0xffff  }
0x345: {  	v55 =	vadd.s32 v60, v1;
	_ =	sdelay $0x3  }
0x346: {  	[tilespmem:$0xECE0] =	vst v2  }
0x347: {  	v61 =	vor.u32 $0x300A, v0;
	v2 =	vld.idx.msk [tilespmem:v55+s15+$0x0], $0xffff  }
0x348: {  	v55 =	vadd.s32 v61, v1;
	_ =	sdelay $0x3  }
0x349: {  	[tilespmem:$0xED60] =	vst v2  }
0x34a: {  	v62 =	vor.u32 $0x300B, v0;
	v2 =	vld.idx.msk [tilespmem:v55+s15+$0x0], $0xffff  }
0x34b: {  	v55 =	vadd.s32 v62, v1;
	_ =	sdelay $0x3  }
0x34c: {  	[tilespmem:$0xEDE0] =	vst v2  }
0x34d: {  	v63 =	vor.u32 $0x300C, v0;
	v2 =	vld.idx.msk [tilespmem:v55+s15+$0x0], $0xffff  }
0x34e: {  	v55 =	vadd.s32 v63, v1;
	_ =	sdelay $0x3  }
0x34f: {  	[tilespmem:$0xEE60] =	vst v2  }
0x350: {  	v58 =	vor.u32 $0x300D, v0;
	v2 =	vld.idx.msk [tilespmem:v55+s15+$0x0], $0xffff  }
0x351: {  	v55 =	vadd.s32 v58, v1;
	_ =	sdelay $0x3  }
0x352: {  	[tilespmem:$0xEEE0] =	vst v2  }
0x353: {  	v59 =	vor.u32 $0x300E, v0;
	v2 =	vld.idx.msk [tilespmem:v55+s15+$0x0], $0xffff  }
0x354: {  	v55 =	vadd.s32 v59, v1;
	_ =	sdelay $0x3  }
0x355: {  	[tilespmem:$0xEF60] =	vst v2  }
0x356: {  	v60 =	vor.u32 $0x300F, v0;
	v2 =	vld.idx.msk [tilespmem:v55+s15+$0x0], $0xffff  }
0x357: {  	v1 =	vadd.s32 v60, v1;
	_ =	sdelay $0x3  }
0x358: {  	[tilespmem:$0xEFE0] =	vst v2  }
0x359: {  	v1 =	vld.idx.msk [tilespmem:v1+s15+$0x0], $0xffff;
	_ =	sdelay $0x4  }
0x35a: {  	[tilespmem:$0xF060] =	vst v1  }
0x35b: {  	v1 =	vld [tilespmem:s24+$0x3470];
	_ =	sdelay $0x3  }
0x35c: {  	v2 =	vor.u32 $0x3800, v0  }
0x35d: {  	v2 =	vadd.s32 v2, v1;
	_ =	sdelay $0x4  }
0x35e: {  	v61 =	vor.u32 $0x3801, v0;
	v2 =	vld.idx.msk [tilespmem:v2+s15+$0x0], $0xffff  }
0x35f: {  	v55 =	vadd.s32 v61, v1;
	_ =	sdelay $0x3  }
0x360: {  	[tilespmem:$0xE8F0] =	vst v2  }
0x361: {  	v62 =	vor.u32 $0x3802, v0;
	v2 =	vld.idx.msk [tilespmem:v55+s15+$0x0], $0xffff  }
0x362: {  	v55 =	vadd.s32 v62, v1;
	_ =	sdelay $0x3  }
0x363: {  	[tilespmem:$0xE970] =	vst v2  }
0x364: {  	v63 =	vor.u32 $0x3803, v0;
	v2 =	vld.idx.msk [tilespmem:v55+s15+$0x0], $0xffff  }
0x365: {  	v55 =	vadd.s32 v63, v1;
	_ =	sdelay $0x3  }
0x366: {  	[tilespmem:$0xE9F0] =	vst v2  }
0x367: {  	v58 =	vor.u32 $0x3804, v0;
	v2 =	vld.idx.msk [tilespmem:v55+s15+$0x0], $0xffff  }
0x368: {  	v55 =	vadd.s32 v58, v1;
	_ =	sdelay $0x3  }
0x369: {  	[tilespmem:$0xEA70] =	vst v2  }
0x36a: {  	v59 =	vor.u32 $0x3805, v0;
	v2 =	vld.idx.msk [tilespmem:v55+s15+$0x0], $0xffff  }
0x36b: {  	v55 =	vadd.s32 v59, v1;
	_ =	sdelay $0x3  }
0x36c: {  	[tilespmem:$0xEAF0] =	vst v2  }
0x36d: {  	v60 =	vor.u32 $0x3806, v0;
	v2 =	vld.idx.msk [tilespmem:v55+s15+$0x0], $0xffff  }
0x36e: {  	v55 =	vadd.s32 v60, v1;
	_ =	sdelay $0x3  }
0x36f: {  	[tilespmem:$0xEB70] =	vst v2  }
0x370: {  	v61 =	vor.u32 $0x3807, v0;
	v2 =	vld.idx.msk [tilespmem:v55+s15+$0x0], $0xffff  }
0x371: {  	v55 =	vadd.s32 v61, v1;
	_ =	sdelay $0x3  }
0x372: {  	[tilespmem:$0xEBF0] =	vst v2  }
0x373: {  	v62 =	vor.u32 $0x3808, v0;
	v2 =	vld.idx.msk [tilespmem:v55+s15+$0x0], $0xffff  }
0x374: {  	v55 =	vadd.s32 v62, v1;
	_ =	sdelay $0x3  }
0x375: {  	[tilespmem:$0xEC70] =	vst v2  }
0x376: {  	v63 =	vor.u32 $0x3809, v0;
	v2 =	vld.idx.msk [tilespmem:v55+s15+$0x0], $0xffff  }
0x377: {  	v55 =	vadd.s32 v63, v1;
	_ =	sdelay $0x3  }
0x378: {  	[tilespmem:$0xECF0] =	vst v2  }
0x379: {  	v58 =	vor.u32 $0x380A, v0;
	v2 =	vld.idx.msk [tilespmem:v55+s15+$0x0], $0xffff  }
0x37a: {  	v55 =	vadd.s32 v58, v1;
	_ =	sdelay $0x3  }
0x37b: {  	[tilespmem:$0xED70] =	vst v2  }
0x37c: {  	v59 =	vor.u32 $0x380B, v0;
	v2 =	vld.idx.msk [tilespmem:v55+s15+$0x0], $0xffff  }
0x37d: {  	v55 =	vadd.s32 v59, v1;
	_ =	sdelay $0x3  }
0x37e: {  	[tilespmem:$0xEDF0] =	vst v2  }
0x37f: {  	v60 =	vor.u32 $0x380C, v0;
	v2 =	vld.idx.msk [tilespmem:v55+s15+$0x0], $0xffff  }
0x380: {  	v55 =	vadd.s32 v60, v1;
	_ =	sdelay $0x3  }
0x381: {  	[tilespmem:$0xEE70] =	vst v2  }
0x382: {  	v61 =	vor.u32 $0x380D, v0;
	v2 =	vld.idx.msk [tilespmem:v55+s15+$0x0], $0xffff  }
0x383: {  	v55 =	vadd.s32 v61, v1;
	_ =	sdelay $0x3  }
0x384: {  	[tilespmem:$0xEEF0] =	vst v2  }
0x385: {  	v62 =	vor.u32 $0x380E, v0;
	v2 =	vld.idx.msk [tilespmem:v55+s15+$0x0], $0xffff  }
0x386: {  	v55 =	vadd.s32 v62, v1;
	_ =	sdelay $0x3  }
0x387: {  	[tilespmem:$0xEF70] =	vst v2  }
0x388: {  	v63 =	vor.u32 $0x380F, v0;
	v2 =	vld.idx.msk [tilespmem:v55+s15+$0x0], $0xffff  }
0x389: {  	v1 =	vadd.s32 v63, v1;
	_ =	sdelay $0x3  }
0x38a: {  	[tilespmem:$0xEFF0] =	vst v2  }
0x38b: {  	p0 =	sgt.u32 s23, $0x1;
	v1 =	vld.idx.msk [tilespmem:v1+s15+$0x0], $0xffff  }
.Ltmp8:
0x38c: {  	_ = 	snop;
	(pc) =	sbr.rel @p0 .LBB2_7-.Ltmp8, $4  }
.Ltmp9:
0x38d: {  	_ = 	snop;
	(pc) =	sbr.rel @!p0 .LBB2_8-.Ltmp9, $4  }
0x38e: {  	_ = 	snop  }
0x38f: {  	_ = 	snop  }
0x390: {  	s25 =	simm.s32 $0xE880;
	s24 =	simm.s32 $0xEC80;
	[tilespmem:$0xF070] =	vst v1  }
0x391: {  	_ = 	snop  }
.LBB2_10:
0x392: {  	_ =	sfence.sel $0x180000  }
0x393: {  	[bflag:$0x0] =	sbarrier.arrive $0xFFFF  }
0x394: {  	p0 =	sne.s32 s0, $0x0;
	_ =	strace $0x9000004A  }
0x395: {  	s0 =	sadd.s32 @!p0 $0x100000, s1;
	[bflag:$0x2] =	sbarrier.arrive $0xFFFF  }
0x396: {  	[sflag:s0] =	ssyncadd.tile.s32 @!p0 $0x1;
	_ =	shalt  }
.Lfunc_end2:
_tile_overlayer_lowered:
.L_overlay_start_2:
0x397: {  	(tag) =	ssettag $0x2  }
0x398: {  	s0 =	rddreg [dreg:$0x0];
	s2 =	stileid.u32  }
0x399: {  	s1 =	rddreg [dreg:$0x1];
	p0 =	sne.s32 s2, $0x0  }
0x39a: {  	s3 =	rddreg [dreg:$0x2];
	[bflag:$0x3] =	sbarrier.arrive $0xFFFF;
	s2 =	simm.s32 @!p0 $0x1C03  }
0x39b: {  	[timem:s3], [sflag:s2] =	dma.local @!p0 [hbm:s0], s1  }
0x39c: {  	s0 =	simm.s32 @!p0 $0x3  }
0x39d: {  	_ =	swait.ge @!p0 [sflag:s0], s1  }
0x39e: {  	s1 =	ssub.s32 @!p0 $0x0, s1;
	[sflag:s0] =	ssyncset.done @!p0 $0x0  }
0x39f: {  	[sflag:s0] =	ssyncadd.s32 @!p0 s1  }
0x3a0: {  	[bflag:$0x3] =	sbarrier.arrive $0xFFFF  }
0x3a1: {  	_ =	shalt  }

</sc_bundles>
